<compile_context>
chip_gen: v7x
topology: tpu7x:2x2x1
jax: 0.10.2.dev20260603
libtpu: 0.0.44.dev20260713+nightly
codegen_flags: <defaults>
</compile_context>

<pallas_src>
import functools

import jax
import jax.numpy as jnp
from jax import lax
from jax.experimental import pallas as pl
from jax.experimental.pallas import tpu as pltpu, tpu_sc as plsc

N = 10000
E = 160000
IN_C, HID_C, OUT_C = 256, 512, 256
NC, NS, L = 2, 16, 16
NW = NC * NS
EPW = E // NW


def _deg_body(dst_hbm, out_hbm, dst_v, hist_v, sem):
    c = lax.axis_index("c")
    s = lax.axis_index("s")
    wid = c * NS + s

    zeros = jnp.zeros((L,), jnp.int32)

    def zloop(i, _):
        hist_v[pl.ds(i * L, L)] = zeros
        return 0

    lax.fori_loop(0, N // L, zloop, 0)

    pltpu.sync_copy(dst_hbm.at[pl.ds(wid * EPW, EPW)], dst_v)

    ones = jnp.ones((L,), jnp.int32)

    def body(i, _):
        idx = dst_v[pl.ds(i * L, L)]
        plsc.addupdate_scatter(hist_v, [idx], ones)
        return 0

    lax.fori_loop(0, EPW // L, body, 0)

    pltpu.sync_copy(hist_v, out_hbm.at[wid])


_deg_kernel = functools.partial(
    pl.kernel,
    out_type=jax.ShapeDtypeStruct((NW, N), jnp.int32),
    mesh=plsc.VectorSubcoreMesh(core_axis_name="c", subcore_axis_name="s", num_cores=NC, num_subcores=NS),
    scratch_types=[
        pltpu.VMEM((EPW,), jnp.int32),
        pltpu.VMEM((N,), jnp.int32),
        pltpu.SemaphoreType.DMA,
    ],
    compiler_params=pltpu.CompilerParams(needs_layout_passes=False),
)(_deg_body)


NCH = 2 * NW
CW = 157
RWS = 160
DUMP = CW + 1
BLK = 2000
NV = BLK // L
G = 16
ACC = RWS * HID_C


def _make_agg(gat: bool):
    def body(rows_hbm, src_hbm, dst_hbm, a_s_hbm, a_d_hbm,
             out_hbm, den_hbm, sstage, dstage, psrc, pdst, pw,
             as_tab, ad_tab, rowbuf, acc, den, sem):
        c = lax.axis_index("c")
        s = lax.axis_index("s")
        w_id = c * NS + s

        if gat:
            pltpu.sync_copy(a_s_hbm, as_tab)
            pltpu.sync_copy(a_d_hbm, ad_tab)

        zv = jnp.zeros((L,), jnp.float32)
        zi16 = jnp.zeros((L,), jnp.int32)
        iota16 = lax.iota(jnp.int32, L)

        for chunk_i in range(NCH // NW):
            chunk = chunk_i * NW + w_id
            lo = chunk * CW

            def zbody(i, _):
                for u in range(8):
                    acc[pl.ds((i * 8 + u) * L, L)] = zv
                return 0
            lax.fori_loop(0, ACC // (8 * L), zbody, 0)
            if gat:
                for u in range(RWS // L):
                    den[pl.ds(u * L, L)] = zv

            def blk_body(blk, _):
                ebase = blk * BLK
                pltpu.sync_copy(src_hbm.at[pl.ds(ebase, BLK)], sstage)
                pltpu.sync_copy(dst_hbm.at[pl.ds(ebase, BLK)], dstage)

                def scan_body(v, cnt):
                    srcv = sstage[pl.ds(v * L, L)]
                    dstv = dstage[pl.ds(v * L, L)]
                    dl = dstv - lo
                    mask = (dl >= 0) & (dl < CW)
                    plsc.store_compressed(psrc.at[pl.ds(cnt, L)], srcv, mask=mask)
                    plsc.store_compressed(pdst.at[pl.ds(cnt, L)], dl, mask=mask)
                    if gat:
                        asv = plsc.load_gather(as_tab, [srcv])
                        adv = plsc.load_gather(ad_tab, [dstv])
                        z = asv + adv
                        wv = jnp.exp(jnp.where(z > 0, z, 0.2 * z))
                        plsc.store_compressed(pw.at[pl.ds(cnt, L)], wv, mask=mask)
                    return cnt + jnp.sum(mask.astype(jnp.int32))

                cnt = lax.fori_loop(0, NV, scan_body, jnp.int32(0))

                psrc[pl.ds(cnt, L)] = jnp.zeros((L,), jnp.int32)
                pdst[pl.ds(cnt, L)] = jnp.full((L,), DUMP, jnp.int32)
                if gat:
                    pw[pl.ds(cnt, L)] = zv

                nb = (cnt + (G - 1)) // G

                def flush_body(b, _):
                    off = b * G
                    pltpu.async_copy(rows_hbm.at[psrc.at[pl.ds(off, G)]],
                                     rowbuf, sem).wait()
                    dl16 = pdst[pl.ds(off, L)]
                    abase = dl16 * HID_C
                    if gat:
                        w16 = pw[pl.ds(off, L)]
                        plsc.addupdate_scatter(den, [dl16], w16)

                    def col_body(ob, _):
                        cb = ob * 8
                        for k in range(8):
                            cc = cb + k
                            val = plsc.load_gather(rowbuf, [iota16, zi16 + cc])
                            if gat:
                                val = val * w16
                            plsc.addupdate_scatter(acc, [abase + cc], val)
                        return 0
                    lax.fori_loop(0, HID_C // 8, col_body, 0)
                    return 0

                lax.fori_loop(0, nb, flush_body, 0)
                return 0

            lax.fori_loop(0, E // BLK, blk_body, 0)

            pltpu.sync_copy(acc, out_hbm.at[pl.ds(chunk * ACC, ACC)])
            if gat:
                pltpu.sync_copy(den, den_hbm.at[pl.ds(chunk * RWS, RWS)])

    scratch = [
        pltpu.VMEM((BLK,), jnp.int32),
        pltpu.VMEM((BLK,), jnp.int32),
        pltpu.VMEM((BLK + 2 * L,), jnp.int32),
        pltpu.VMEM((BLK + 2 * L,), jnp.int32),
        pltpu.VMEM((BLK + 2 * L,), jnp.float32) if gat else None,
        pltpu.VMEM((N,), jnp.float32) if gat else None,
        pltpu.VMEM((N,), jnp.float32) if gat else None,
        pltpu.VMEM((G, HID_C), jnp.float32),
        pltpu.VMEM((ACC,), jnp.float32),
        pltpu.VMEM((RWS,), jnp.float32) if gat else None,
        pltpu.SemaphoreType.DMA,
    ]

    out_type = [jax.ShapeDtypeStruct((NCH * ACC,), jnp.float32)]
    if gat:
        out_type.append(jax.ShapeDtypeStruct((NCH * RWS,), jnp.float32))

    def wrapped(rows, src, dst, a_s, a_d):
        if not gat:
            a_s = jnp.zeros((8,), jnp.float32)
            a_d = jnp.zeros((8,), jnp.float32)

        def body2(rows_hbm, src_hbm, dst_hbm, a_s_hbm, a_d_hbm, *rest):
            rest = list(rest)
            out_hbm = rest.pop(0)
            den_hbm = rest.pop(0) if gat else None
            it = iter(rest)
            full = []
            for sp in scratch[:-1]:
                full.append(None if sp is None else next(it))
            sem = next(it)
            body(rows_hbm, src_hbm, dst_hbm, a_s_hbm, a_d_hbm,
                 out_hbm, den_hbm, *full, sem)

        return pl.kernel(
            body2,
            out_type=out_type if gat else out_type[0],
            mesh=plsc.VectorSubcoreMesh(core_axis_name="c", subcore_axis_name="s", num_cores=NC, num_subcores=NS),
            scratch_types=[sp for sp in scratch if sp is not None],
            compiler_params=pltpu.CompilerParams(needs_layout_passes=False),
        )(rows, src, dst, a_s, a_d)

    return wrapped


_gcn_agg = _make_agg(gat=False)
_gat_agg = _make_agg(gat=True)


MB = 1000


def _tc1_body(parts_ref, x_ref, w_ref, y_ref, dis_ref):
    deg = jnp.sum(parts_ref[...], axis=1, keepdims=True).astype(jnp.float32) + 1.0
    dis = lax.rsqrt(deg)
    xw = jnp.dot(x_ref[...], w_ref[...], preferred_element_type=jnp.float32)
    y_ref[...] = xw * dis
    dis_ref[...] = dis


def _tc1(deg_parts, x, W_gcn):
    return pl.pallas_call(
        _tc1_body,
        grid=(N // MB,),
        in_specs=[
            pl.BlockSpec((MB, NW), lambda i: (i, 0)),
            pl.BlockSpec((MB, IN_C), lambda i: (i, 0)),
            pl.BlockSpec((IN_C, HID_C), lambda i: (0, 0)),
        ],
        out_specs=[
            pl.BlockSpec((MB, HID_C), lambda i: (i, 0)),
            pl.BlockSpec((MB, 1), lambda i: (i, 0)),
        ],
        out_shape=[
            jax.ShapeDtypeStruct((N, HID_C), jnp.float32),
            jax.ShapeDtypeStruct((N, 1), jnp.float32),
        ],
    )(deg_parts, x, W_gcn)


def _tc2_body(acc_ref, y_ref, dis_ref, bg_ref, w_ref, as_ref, ad_ref,
              g_ref, asn_ref, adn_ref):
    h = jnp.maximum(dis_ref[...] * (acc_ref[...] + y_ref[...]) + bg_ref[...], 0.0)
    g = jnp.dot(h, w_ref[...], preferred_element_type=jnp.float32)
    g_ref[...] = g
    asn_ref[...] = jnp.sum(g * as_ref[...], axis=-1, keepdims=True)
    adn_ref[...] = jnp.sum(g * ad_ref[...], axis=-1, keepdims=True)


def _tc2(acc, y, dis, b_gcn, W_gat, att_src, att_dst):
    return pl.pallas_call(
        _tc2_body,
        grid=(N // MB,),
        in_specs=[
            pl.BlockSpec((MB, HID_C), lambda i: (i, 0)),
            pl.BlockSpec((MB, HID_C), lambda i: (i, 0)),
            pl.BlockSpec((MB, 1), lambda i: (i, 0)),
            pl.BlockSpec((1, HID_C), lambda i: (0, 0)),
            pl.BlockSpec((HID_C, HID_C), lambda i: (0, 0)),
            pl.BlockSpec((1, HID_C), lambda i: (0, 0)),
            pl.BlockSpec((1, HID_C), lambda i: (0, 0)),
        ],
        out_specs=[
            pl.BlockSpec((MB, HID_C), lambda i: (i, 0)),
            pl.BlockSpec((MB, 1), lambda i: (i, 0)),
            pl.BlockSpec((MB, 1), lambda i: (i, 0)),
        ],
        out_shape=[
            jax.ShapeDtypeStruct((N, HID_C), jnp.float32),
            jax.ShapeDtypeStruct((N, 1), jnp.float32),
            jax.ShapeDtypeStruct((N, 1), jnp.float32),
        ],
    )(acc, y, dis, b_gcn[None, :], W_gat, att_src[None, :], att_dst[None, :])


def _tc3_body(vacc_ref, den_ref, g_ref, as_ref, ad_ref, bg_ref, w_ref, bf_ref,
              out_ref):
    z = as_ref[...] + ad_ref[...]
    ws = jnp.exp(jnp.where(z > 0, z, 0.2 * z))
    outp = (vacc_ref[...] + ws * g_ref[...]) / (den_ref[...] + ws) + bg_ref[...]
    outp = jnp.maximum(outp, 0.0)
    out_ref[...] = (jnp.dot(outp, w_ref[...], preferred_element_type=jnp.float32)
                    + bf_ref[...])


def _tc3(vacc, den, g, a_s, a_d, b_gat, W_fc, b_fc):
    return pl.pallas_call(
        _tc3_body,
        grid=(N // MB,),
        in_specs=[
            pl.BlockSpec((MB, HID_C), lambda i: (i, 0)),
            pl.BlockSpec((MB, 1), lambda i: (i, 0)),
            pl.BlockSpec((MB, HID_C), lambda i: (i, 0)),
            pl.BlockSpec((MB, 1), lambda i: (i, 0)),
            pl.BlockSpec((MB, 1), lambda i: (i, 0)),
            pl.BlockSpec((1, HID_C), lambda i: (0, 0)),
            pl.BlockSpec((HID_C, OUT_C), lambda i: (0, 0)),
            pl.BlockSpec((1, OUT_C), lambda i: (0, 0)),
        ],
        out_specs=pl.BlockSpec((MB, OUT_C), lambda i: (i, 0)),
        out_shape=jax.ShapeDtypeStruct((N, OUT_C), jnp.float32),
    )(vacc, den, g, a_s, a_d, b_gat[None, :], W_fc, b_fc[None, :])


def kernel(x, edge_index, W_gcn, b_gcn, W_gat, att_src, att_dst, b_gat, W_fc, b_fc):
    src = edge_index[0].astype(jnp.int32)
    dst = edge_index[1].astype(jnp.int32)

    deg_parts = _deg_kernel(dst)

    y, dis = _tc1(deg_parts.T, x, W_gcn)
    agg = _gcn_agg(y, src, dst, None, None)
    agg = agg.reshape(NCH, RWS, HID_C)[:, :CW, :].reshape(NCH * CW, HID_C)[:N]

    g, a_s2, a_d2 = _tc2(agg, y, dis, b_gcn, W_gat, att_src, att_dst)
    vacc, den = _gat_agg(g, src, dst, a_s2[:, 0], a_d2[:, 0])
    vacc = vacc.reshape(NCH, RWS, HID_C)[:, :CW, :].reshape(NCH * CW, HID_C)[:N]
    den = den.reshape(NCH, RWS)[:, :CW].reshape(NCH * CW)[:N, None]

    return _tc3(vacc, den, g, a_s2, a_d2, b_gat, W_fc, b_fc)

# --- scband reference (transcript-rebuilt; emitter-appended) ---
"""Pipeline reference for scband-hybrid-gcngat-55611236549463 (READ-ONLY COPY).

The authoritative reference and input builder live on the scoring server;
editing this copy changes nothing except your own understanding.
"""

import jax, jax.numpy as jnp
import numpy as np

N = 10000
E = 160000
IN_C = 256
HID_C = 512
OUT_C = 256


def setup_inputs(seed: int = 0) -> dict:
    key = jax.random.key(seed)
    ks = jax.random.split(key, 12)
    x = jax.random.normal(ks[0], (N, IN_C), dtype=jnp.float32)
    edge_index = jax.random.randint(ks[1], (2, E), 0, N, dtype=jnp.int64)
    W_gcn = jax.random.normal(ks[2], (IN_C, HID_C), dtype=jnp.float32) * 0.05
    b_gcn = jnp.zeros((HID_C,), dtype=jnp.float32)
    W_gat = jax.random.normal(ks[3], (HID_C, HID_C), dtype=jnp.float32) * 0.05
    att_src = jax.random.normal(ks[4], (HID_C,), dtype=jnp.float32) * 0.05
    att_dst = jax.random.normal(ks[5], (HID_C,), dtype=jnp.float32) * 0.05
    b_gat = jnp.zeros((HID_C,), dtype=jnp.float32)
    W_fc = jax.random.normal(ks[6], (HID_C, OUT_C), dtype=jnp.float32) * 0.05
    b_fc = jnp.zeros((OUT_C,), dtype=jnp.float32)
    return {"x": x, "edge_index": edge_index, "W_gcn": W_gcn, "b_gcn": b_gcn,
            "W_gat": W_gat, "att_src": att_src, "att_dst": att_dst, "b_gat": b_gat,
            "W_fc": W_fc, "b_fc": b_fc}


def reference(x, edge_index, W_gcn, b_gcn, W_gat, att_src, att_dst, b_gat, W_fc, b_fc):
    n = x.shape[0]
    loop = jnp.arange(n, dtype=edge_index.dtype)
    src = jnp.concatenate([edge_index[0], loop])
    dst = jnp.concatenate([edge_index[1], loop])

    # ---- GCNConv: x' = D^{-1/2}(A+I)D^{-1/2} X W + b ----
    xw = x @ W_gcn
    ones = jnp.ones(src.shape[0], dtype=jnp.float32)
    deg = jax.ops.segment_sum(ones, dst, num_segments=n)
    deg_inv_sqrt = jnp.where(deg > 0, jax.lax.rsqrt(jnp.maximum(deg, 1e-12)), 0.0)
    norm = deg_inv_sqrt[src] * deg_inv_sqrt[dst]
    msg = xw[src] * norm[:, None]
    h = jax.ops.segment_sum(msg, dst, num_segments=n) + b_gcn
    h = jax.nn.relu(h)

    # ---- GATConv (heads=1, self-loops, softmax over incoming edges) ----
    g = h @ W_gat
    a_src_node = (g * att_src).sum(-1)
    a_dst_node = (g * att_dst).sum(-1)
    e = jax.nn.leaky_relu(a_src_node[src] + a_dst_node[dst], negative_slope=0.2)
    seg_max = jax.ops.segment_max(e, dst, num_segments=n)
    e = e - seg_max[dst]
    ex = jnp.exp(e)
    denom = jax.ops.segment_sum(ex, dst, num_segments=n)
    alpha = ex / denom[dst]
    out = jax.ops.segment_sum(g[src] * alpha[:, None], dst, num_segments=n) + b_gat
    out = jax.nn.relu(out)

    # ---- fc ----
    return out @ W_fc + b_fc

if __name__ == "__main__":
    import jax
    _d = setup_inputs()
    print(jax.jit(kernel)(*tuple(_d.values())))

</pallas_src>

<mosaic_0001>
#map = affine_map<(d0, d1) -> (0)>
#map1 = affine_map<(d0, d1) -> (0, 0)>
module attributes {stable_mosaic.version = 14 : i64} {
  func.func @_deg_body(%arg0: i32, %arg1: i32, %arg2: memref<160000xi32, #tpu.memory_space<hbm>>, %arg3: memref<32x10000xi32, #tpu.memory_space<hbm>>, %arg4: memref<5000xi32, #tpu.memory_space<vmem>>, %arg5: memref<10000xi32, #tpu.memory_space<vmem>>, %arg6: memref<!tpu.dma_semaphore, #tpu.memory_space<semaphore_mem>>) attributes {dimension_semantics = [#tpu.dimension_semantics<core_parallel>, #tpu.dimension_semantics<subcore_parallel>], iteration_bounds = array<i64: 2, 16>, scalar_prefetch = 0 : i64, scratch_operands = 3 : i64, tpu.core_type = #tpu.core_type<sc_vector_subcore>, window_params = [{transform_indices = #map}, {transform_indices = #map1}]} {
    %mul3A = arith.constant 16 : i32
    %mul3A_0 = arith.muli %arg0, %mul3A : i32
    %add3A = arith.addi %mul3A_0, %arg1 : i32
    %broadcast_in_dim3A = arith.constant 0 : i32
    %broadcast_in_dim3A_1 = vector.broadcast %broadcast_in_dim3A : i32 to vector<16xi32>
    %scan3A = arith.constant 0 : i32
    %scan3A_2 = arith.constant 0 : i32
    %scan3A_3 = arith.constant 625 : i32
    %scan3A_4 = arith.addi %scan3A_2, %scan3A_3 : i32
    %scan3A_5 = arith.constant 1 : i32
    %scan3A_6 = scf.for %scan3A_19 = %scan3A_2 to %scan3A_4 step %scan3A_5 iter_args(%scan3A_20 = %scan3A) -> (i32)  : i32 {
      %mul3A_21 = arith.constant 16 : i32
      %mul3A_22 = arith.muli %scan3A_19, %mul3A_21 : i32
      %swap3A = arith.index_cast %mul3A_22 : i32 to index
      %swap3A_23 = tpu.vector_load %arg5[%swap3A] {strides = array<i32>} : memref<10000xi32, #tpu.memory_space<vmem>>, vector<16xi32>,
      tpu.vector_store %arg5[%swap3A], %broadcast_in_dim3A_1 {strides = array<i32>} : memref<10000xi32, #tpu.memory_space<vmem>>, vector<16xi32>,
      %scan3A_24 = arith.constant 0 : i32
      scf.yield %scan3A_24 : i32
    }
    %scan3A_7 = arith.constant 625 : i32
    %mul3A_8 = arith.constant 5000 : i32
    %mul3A_9 = arith.muli %add3A, %mul3A_8 : i32
    "tpu.region"() ({
      %run_scoped3A = tpu.sem_alloc : memref<!tpu.dma_semaphore, #tpu.memory_space<semaphore_mem>>
      %dma_start3A = tpu.memref_slice %arg2[%mul3A_9] : memref<160000xi32, #tpu.memory_space<hbm>> -> memref<5000xi32, #tpu.memory_space<hbm>>
      %dma_start3A_19 = tpu.memref_slice %arg2[%mul3A_9] : memref<160000xi32, #tpu.memory_space<hbm>> -> memref<5000xi32, #tpu.memory_space<hbm>>
      tpu.enqueue_dma source(%dma_start3A_19 : memref<5000xi32, #tpu.memory_space<hbm>>) target(%arg4 : memref<5000xi32, #tpu.memory_space<vmem>>) target_semaphore(%run_scoped3A : memref<!tpu.dma_semaphore, #tpu.memory_space<semaphore_mem>>)
      %dma_wait3A = tpu.memref_slice %arg2[%mul3A_9] : memref<160000xi32, #tpu.memory_space<hbm>> -> memref<5000xi32, #tpu.memory_space<hbm>>
      %dma_wait3A_20 = tpu.memref_slice %arg2[%mul3A_9] : memref<160000xi32, #tpu.memory_space<hbm>> -> memref<5000xi32, #tpu.memory_space<hbm>>
      tpu.wait_dma2 semaphore(%run_scoped3A : memref<!tpu.dma_semaphore, #tpu.memory_space<semaphore_mem>>) src(%dma_wait3A_20 : memref<5000xi32, #tpu.memory_space<hbm>>) dst(%arg4 : memref<5000xi32, #tpu.memory_space<vmem>>)
      tpu.yield
    }) : () -> ()
    %broadcast_in_dim3A_10 = arith.constant 1 : i32
    %broadcast_in_dim3A_11 = vector.broadcast %broadcast_in_dim3A_10 : i32 to vector<16xi32>
    %scan3A_12 = arith.constant 0 : i32
    %scan3A_13 = arith.constant 0 : i32
    %scan3A_14 = arith.constant 312 : i32
    %scan3A_15 = arith.addi %scan3A_13, %scan3A_14 : i32
    %scan3A_16 = arith.constant 1 : i32
    %scan3A_17 = scf.for %scan3A_19 = %scan3A_13 to %scan3A_15 step %scan3A_16 iter_args(%scan3A_20 = %scan3A_12) -> (i32)  : i32 {
      %mul3A_21 = arith.constant 16 : i32
      %mul3A_22 = arith.muli %scan3A_19, %mul3A_21 : i32
      %get3A = arith.index_cast %mul3A_22 : i32 to index
      %get3A_23 = tpu.vector_load %arg4[%get3A] {strides = array<i32>} : memref<5000xi32, #tpu.memory_space<vmem>>, vector<16xi32>,
      tpu.vector_store_idx %arg5[%get3A_23], %broadcast_in_dim3A_11 {add = true} : memref<10000xi32, #tpu.memory_space<vmem>>[vector<16xi32>], vector<16xi32>,
      %scan3A_24 = arith.constant 0 : i32
      scf.yield %scan3A_24 : i32
    }
    %scan3A_18 = arith.constant 312 : i32
    "tpu.region"() ({
      %run_scoped3A = tpu.sem_alloc : memref<!tpu.dma_semaphore, #tpu.memory_space<semaphore_mem>>
      %dma_start3A = arith.constant 0 : i32
      %dma_start3A_19 = tpu.memref_slice %arg3[%add3A, %dma_start3A] : memref<32x10000xi32, #tpu.memory_space<hbm>> -> memref<1x10000xi32, #tpu.memory_space<hbm>>
      %dma_start3A_20 = tpu.memref_squeeze %dma_start3A_19 : memref<1x10000xi32, #tpu.memory_space<hbm>> -> memref<10000xi32, #tpu.memory_space<hbm>>
      %dma_start3A_21 = arith.constant 0 : i32
      %dma_start3A_22 = tpu.memref_slice %arg3[%add3A, %dma_start3A_21] : memref<32x10000xi32, #tpu.memory_space<hbm>> -> memref<1x10000xi32, #tpu.memory_space<hbm>>
      %dma_start3A_23 = tpu.memref_squeeze %dma_start3A_22 : memref<1x10000xi32, #tpu.memory_space<hbm>> -> memref<10000xi32, #tpu.memory_space<hbm>>
      tpu.enqueue_dma source(%arg5 : memref<10000xi32, #tpu.memory_space<vmem>>) target(%dma_start3A_23 : memref<10000xi32, #tpu.memory_space<hbm>>) target_semaphore(%run_scoped3A : memref<!tpu.dma_semaphore, #tpu.memory_space<semaphore_mem>>)
      %dma_wait3A = arith.constant 0 : i32
      %dma_wait3A_24 = tpu.memref_slice %arg3[%add3A, %dma_wait3A] : memref<32x10000xi32, #tpu.memory_space<hbm>> -> memref<1x10000xi32, #tpu.memory_space<hbm>>
      %dma_wait3A_25 = tpu.memref_squeeze %dma_wait3A_24 : memref<1x10000xi32, #tpu.memory_space<hbm>> -> memref<10000xi32, #tpu.memory_space<hbm>>
      %dma_wait3A_26 = arith.constant 0 : i32
      %dma_wait3A_27 = tpu.memref_slice %arg3[%add3A, %dma_wait3A_26] : memref<32x10000xi32, #tpu.memory_space<hbm>> -> memref<1x10000xi32, #tpu.memory_space<hbm>>
      %dma_wait3A_28 = tpu.memref_squeeze %dma_wait3A_27 : memref<1x10000xi32, #tpu.memory_space<hbm>> -> memref<10000xi32, #tpu.memory_space<hbm>>
      tpu.wait_dma2 semaphore(%run_scoped3A : memref<!tpu.dma_semaphore, #tpu.memory_space<semaphore_mem>>) src(%arg5 : memref<10000xi32, #tpu.memory_space<vmem>>) dst(%dma_wait3A_28 : memref<10000xi32, #tpu.memory_space<hbm>>)
      tpu.yield
    }) : () -> ()
    return
  }
}

#map = affine_map<(d0, d1) -> (0, 0)>
#map1 = affine_map<(d0, d1) -> (0)>
module attributes {stable_mosaic.version = 14 : i64} {
  func.func @body2(%arg0: i32, %arg1: i32, %arg2: memref<10000x512xf32, #tpu.memory_space<hbm>>, %arg3: memref<160000xi32, #tpu.memory_space<hbm>>, %arg4: memref<160000xi32, #tpu.memory_space<hbm>>, %arg5: memref<8xf32, #tpu.memory_space<hbm>>, %arg6: memref<8xf32, #tpu.memory_space<hbm>>, %arg7: memref<5242880xf32, #tpu.memory_space<hbm>>, %arg8: memref<2000xi32, #tpu.memory_space<vmem>>, %arg9: memref<2000xi32, #tpu.memory_space<vmem>>, %arg10: memref<2032xi32, #tpu.memory_space<vmem>>, %arg11: memref<2032xi32, #tpu.memory_space<vmem>>, %arg12: memref<16x512xf32, #tpu.memory_space<vmem>>, %arg13: memref<81920xf32, #tpu.memory_space<vmem>>, %arg14: memref<!tpu.dma_semaphore, #tpu.memory_space<semaphore_mem>>) attributes {dimension_semantics = [#tpu.dimension_semantics<core_parallel>, #tpu.dimension_semantics<subcore_parallel>], iteration_bounds = array<i64: 2, 16>, scalar_prefetch = 0 : i64, scratch_operands = 7 : i64, tpu.core_type = #tpu.core_type<sc_vector_subcore>, window_params = [{transform_indices = #map}, {transform_indices = #map1}, {transform_indices = #map1}, {transform_indices = #map1}, {transform_indices = #map1}, {transform_indices = #map1}]} {
    %mul3A = arith.constant 16 : i32
    %mul3A_0 = arith.muli %arg0, %mul3A : i32
    %add3A = arith.addi %mul3A_0, %arg1 : i32
    %broadcast_in_dim3A = arith.constant 0.000000e+00 : f32
    %broadcast_in_dim3A_1 = vector.broadcast %broadcast_in_dim3A : f32 to vector<16xf32>
    %broadcast_in_dim3A_2 = arith.constant 0 : i32
    %broadcast_in_dim3A_3 = vector.broadcast %broadcast_in_dim3A_2 : i32 to vector<16xi32>
    %iota3A = tpu.iota {dimensions = array<i32: 0>} : vector<16xi32>
    %add3A_4 = arith.constant 0 : i32
    %add3A_5 = arith.addi %add3A_4, %add3A : i32
    %mul3A_6 = arith.constant 157 : i32
    %mul3A_7 = arith.muli %add3A_5, %mul3A_6 : i32
    %scan3A = arith.constant 0 : i32
    %scan3A_8 = arith.constant 0 : i32
    %scan3A_9 = arith.constant 640 : i32
    %scan3A_10 = arith.addi %scan3A_8, %scan3A_9 : i32
    %scan3A_11 = arith.constant 1 : i32
    %scan3A_12 = scf.for %scan3A_43 = %scan3A_8 to %scan3A_10 step %scan3A_11 iter_args(%scan3A_44 = %scan3A) -> (i32)  : i32 {
      %mul3A_45 = arith.constant 8 : i32
      %mul3A_46 = arith.muli %scan3A_43, %mul3A_45 : i32
      %add3A_47 = arith.constant 0 : i32
      %add3A_48 = arith.addi %mul3A_46, %add3A_47 : i32
      %mul3A_49 = arith.constant 16 : i32
      %mul3A_50 = arith.muli %add3A_48, %mul3A_49 : i32
      %swap3A = arith.index_cast %mul3A_50 : i32 to index
      %swap3A_51 = tpu.vector_load %arg13[%swap3A] {strides = array<i32>} : memref<81920xf32, #tpu.memory_space<vmem>>, vector<16xf32>,
      tpu.vector_store %arg13[%swap3A], %broadcast_in_dim3A_1 {strides = array<i32>} : memref<81920xf32, #tpu.memory_space<vmem>>, vector<16xf32>,
      %mul3A_52 = arith.constant 8 : i32
      %mul3A_53 = arith.muli %scan3A_43, %mul3A_52 : i32
      %add3A_54 = arith.constant 1 : i32
      %add3A_55 = arith.addi %mul3A_53, %add3A_54 : i32
      %mul3A_56 = arith.constant 16 : i32
      %mul3A_57 = arith.muli %add3A_55, %mul3A_56 : i32
      %swap3A_58 = arith.index_cast %mul3A_57 : i32 to index
      %swap3A_59 = tpu.vector_load %arg13[%swap3A_58] {strides = array<i32>} : memref<81920xf32, #tpu.memory_space<vmem>>, vector<16xf32>,
      tpu.vector_store %arg13[%swap3A_58], %broadcast_in_dim3A_1 {strides = array<i32>} : memref<81920xf32, #tpu.memory_space<vmem>>, vector<16xf32>,
      %mul3A_60 = arith.constant 8 : i32
      %mul3A_61 = arith.muli %scan3A_43, %mul3A_60 : i32
      %add3A_62 = arith.constant 2 : i32
      %add3A_63 = arith.addi %mul3A_61, %add3A_62 : i32
      %mul3A_64 = arith.constant 16 : i32
      %mul3A_65 = arith.muli %add3A_63, %mul3A_64 : i32
      %swap3A_66 = arith.index_cast %mul3A_65 : i32 to index
      %swap3A_67 = tpu.vector_load %arg13[%swap3A_66] {strides = array<i32>} : memref<81920xf32, #tpu.memory_space<vmem>>, vector<16xf32>,
      tpu.vector_store %arg13[%swap3A_66], %broadcast_in_dim3A_1 {strides = array<i32>} : memref<81920xf32, #tpu.memory_space<vmem>>, vector<16xf32>,
      %mul3A_68 = arith.constant 8 : i32
      %mul3A_69 = arith.muli %scan3A_43, %mul3A_68 : i32
      %add3A_70 = arith.constant 3 : i32
      %add3A_71 = arith.addi %mul3A_69, %add3A_70 : i32
      %mul3A_72 = arith.constant 16 : i32
      %mul3A_73 = arith.muli %add3A_71, %mul3A_72 : i32
      %swap3A_74 = arith.index_cast %mul3A_73 : i32 to index
      %swap3A_75 = tpu.vector_load %arg13[%swap3A_74] {strides = array<i32>} : memref<81920xf32, #tpu.memory_space<vmem>>, vector<16xf32>,
      tpu.vector_store %arg13[%swap3A_74], %broadcast_in_dim3A_1 {strides = array<i32>} : memref<81920xf32, #tpu.memory_space<vmem>>, vector<16xf32>,
      %mul3A_76 = arith.constant 8 : i32
      %mul3A_77 = arith.muli %scan3A_43, %mul3A_76 : i32
      %add3A_78 = arith.constant 4 : i32
      %add3A_79 = arith.addi %mul3A_77, %add3A_78 : i32
      %mul3A_80 = arith.constant 16 : i32
      %mul3A_81 = arith.muli %add3A_79, %mul3A_80 : i32
      %swap3A_82 = arith.index_cast %mul3A_81 : i32 to index
      %swap3A_83 = tpu.vector_load %arg13[%swap3A_82] {strides = array<i32>} : memref<81920xf32, #tpu.memory_space<vmem>>, vector<16xf32>,
      tpu.vector_store %arg13[%swap3A_82], %broadcast_in_dim3A_1 {strides = array<i32>} : memref<81920xf32, #tpu.memory_space<vmem>>, vector<16xf32>,
      %mul3A_84 = arith.constant 8 : i32
      %mul3A_85 = arith.muli %scan3A_43, %mul3A_84 : i32
      %add3A_86 = arith.constant 5 : i32
      %add3A_87 = arith.addi %mul3A_85, %add3A_86 : i32
      %mul3A_88 = arith.constant 16 : i32
      %mul3A_89 = arith.muli %add3A_87, %mul3A_88 : i32
      %swap3A_90 = arith.index_cast %mul3A_89 : i32 to index
      %swap3A_91 = tpu.vector_load %arg13[%swap3A_90] {strides = array<i32>} : memref<81920xf32, #tpu.memory_space<vmem>>, vector<16xf32>,
      tpu.vector_store %arg13[%swap3A_90], %broadcast_in_dim3A_1 {strides = array<i32>} : memref<81920xf32, #tpu.memory_space<vmem>>, vector<16xf32>,
      %mul3A_92 = arith.constant 8 : i32
      %mul3A_93 = arith.muli %scan3A_43, %mul3A_92 : i32
      %add3A_94 = arith.constant 6 : i32
      %add3A_95 = arith.addi %mul3A_93, %add3A_94 : i32
      %mul3A_96 = arith.constant 16 : i32
      %mul3A_97 = arith.muli %add3A_95, %mul3A_96 : i32
      %swap3A_98 = arith.index_cast %mul3A_97 : i32 to index
      %swap3A_99 = tpu.vector_load %arg13[%swap3A_98] {strides = array<i32>} : memref<81920xf32, #tpu.memory_space<vmem>>, vector<16xf32>,
      tpu.vector_store %arg13[%swap3A_98], %broadcast_in_dim3A_1 {strides = array<i32>} : memref<81920xf32, #tpu.memory_space<vmem>>, vector<16xf32>,
      %mul3A_100 = arith.constant 8 : i32
      %mul3A_101 = arith.muli %scan3A_43, %mul3A_100 : i32
      %add3A_102 = arith.constant 7 : i32
      %add3A_103 = arith.addi %mul3A_101, %add3A_102 : i32
      %mul3A_104 = arith.constant 16 : i32
      %mul3A_105 = arith.muli %add3A_103, %mul3A_104 : i32
      %swap3A_106 = arith.index_cast %mul3A_105 : i32 to index
      %swap3A_107 = tpu.vector_load %arg13[%swap3A_106] {strides = array<i32>} : memref<81920xf32, #tpu.memory_space<vmem>>, vector<16xf32>,
      tpu.vector_store %arg13[%swap3A_106], %broadcast_in_dim3A_1 {strides = array<i32>} : memref<81920xf32, #tpu.memory_space<vmem>>, vector<16xf32>,
      %scan3A_108 = arith.constant 0 : i32
      scf.yield %scan3A_108 : i32
    }
    %scan3A_13 = arith.constant 640 : i32
    %scan3A_14 = arith.constant 0 : i32
    %scan3A_15 = arith.constant 0 : i32
    %scan3A_16 = arith.constant 80 : i32
    %scan3A_17 = arith.addi %scan3A_15, %scan3A_16 : i32
    %scan3A_18 = arith.constant 1 : i32
    %scan3A_19 = scf.for %scan3A_43 = %scan3A_15 to %scan3A_17 step %scan3A_18 iter_args(%scan3A_44 = %scan3A_14) -> (i32)  : i32 {
      %mul3A_45 = arith.constant 2000 : i32
      %mul3A_46 = arith.muli %scan3A_43, %mul3A_45 : i32
      "tpu.region"() ({
        %run_scoped3A = tpu.sem_alloc : memref<!tpu.dma_semaphore, #tpu.memory_space<semaphore_mem>>
        %dma_start3A = tpu.memref_slice %arg3[%mul3A_46] : memref<160000xi32, #tpu.memory_space<hbm>> -> memref<2000xi32, #tpu.memory_space<hbm>>
        %dma_start3A_91 = tpu.memref_slice %arg3[%mul3A_46] : memref<160000xi32, #tpu.memory_space<hbm>> -> memref<2000xi32, #tpu.memory_space<hbm>>
        tpu.enqueue_dma source(%dma_start3A_91 : memref<2000xi32, #tpu.memory_space<hbm>>) target(%arg8 : memref<2000xi32, #tpu.memory_space<vmem>>) target_semaphore(%run_scoped3A : memref<!tpu.dma_semaphore, #tpu.memory_space<semaphore_mem>>)
        %dma_wait3A = tpu.memref_slice %arg3[%mul3A_46] : memref<160000xi32, #tpu.memory_space<hbm>> -> memref<2000xi32, #tpu.memory_space<hbm>>
        %dma_wait3A_92 = tpu.memref_slice %arg3[%mul3A_46] : memref<160000xi32, #tpu.memory_space<hbm>> -> memref<2000xi32, #tpu.memory_space<hbm>>
        tpu.wait_dma2 semaphore(%run_scoped3A : memref<!tpu.dma_semaphore, #tpu.memory_space<semaphore_mem>>) src(%dma_wait3A_92 : memref<2000xi32, #tpu.memory_space<hbm>>) dst(%arg8 : memref<2000xi32, #tpu.memory_space<vmem>>)
        tpu.yield
      }) : () -> ()
      "tpu.region"() ({
        %run_scoped3A = tpu.sem_alloc : memref<!tpu.dma_semaphore, #tpu.memory_space<semaphore_mem>>
        %dma_start3A = tpu.memref_slice %arg4[%mul3A_46] : memref<160000xi32, #tpu.memory_space<hbm>> -> memref<2000xi32, #tpu.memory_space<hbm>>
        %dma_start3A_91 = tpu.memref_slice %arg4[%mul3A_46] : memref<160000xi32, #tpu.memory_space<hbm>> -> memref<2000xi32, #tpu.memory_space<hbm>>
        tpu.enqueue_dma source(%dma_start3A_91 : memref<2000xi32, #tpu.memory_space<hbm>>) target(%arg9 : memref<2000xi32, #tpu.memory_space<vmem>>) target_semaphore(%run_scoped3A : memref<!tpu.dma_semaphore, #tpu.memory_space<semaphore_mem>>)
        %dma_wait3A = tpu.memref_slice %arg4[%mul3A_46] : memref<160000xi32, #tpu.memory_space<hbm>> -> memref<2000xi32, #tpu.memory_space<hbm>>
        %dma_wait3A_92 = tpu.memref_slice %arg4[%mul3A_46] : memref<160000xi32, #tpu.memory_space<hbm>> -> memref<2000xi32, #tpu.memory_space<hbm>>
        tpu.wait_dma2 semaphore(%run_scoped3A : memref<!tpu.dma_semaphore, #tpu.memory_space<semaphore_mem>>) src(%dma_wait3A_92 : memref<2000xi32, #tpu.memory_space<hbm>>) dst(%arg9 : memref<2000xi32, #tpu.memory_space<vmem>>)
        tpu.yield
      }) : () -> ()
      %scan3A_47 = arith.constant 0 : i32
      %scan3A_48 = arith.constant 0 : i32
      %scan3A_49 = arith.constant 125 : i32
      %scan3A_50 = arith.addi %scan3A_48, %scan3A_49 : i32
      %scan3A_51 = arith.constant 1 : i32
      %scan3A_52 = scf.for %scan3A_91 = %scan3A_48 to %scan3A_50 step %scan3A_51 iter_args(%scan3A_92 = %scan3A_47) -> (i32)  : i32 {
        %mul3A_93 = arith.constant 16 : i32
        %mul3A_94 = arith.muli %scan3A_91, %mul3A_93 : i32
        %get3A = arith.index_cast %mul3A_94 : i32 to index
        %get3A_95 = tpu.vector_load %arg8[%get3A] {strides = array<i32>} : memref<2000xi32, #tpu.memory_space<vmem>>, vector<16xi32>,
        %mul3A_96 = arith.constant 16 : i32
        %mul3A_97 = arith.muli %scan3A_91, %mul3A_96 : i32
        %get3A_98 = arith.index_cast %mul3A_97 : i32 to index
        %get3A_99 = tpu.vector_load %arg9[%get3A_98] {strides = array<i32>} : memref<2000xi32, #tpu.memory_space<vmem>>, vector<16xi32>,
        %sub3A_100 = vector.broadcast %mul3A_7 : i32 to vector<16xi32>
        %sub3A_101 = arith.subi %get3A_99, %sub3A_100 : vector<16xi32>
        %ge3A = arith.constant 0 : i32
        %ge3A_102 = vector.broadcast %ge3A : i32 to vector<16xi32>
        %ge3A_103 = arith.cmpi sge, %sub3A_101, %ge3A_102 : vector<16xi32>
        %lt3A = arith.constant 157 : i32
        %lt3A_104 = vector.broadcast %lt3A : i32 to vector<16xi32>
        %lt3A_105 = arith.cmpi slt, %sub3A_101, %lt3A_104 : vector<16xi32>
        %and3A_106 = arith.andi %ge3A_103, %lt3A_105 : vector<16xi1>
        %swap3A_107 = arith.index_cast %scan3A_92 : i32 to index
        %swap3A_108 = tpu.vector_load %arg10[%swap3A_107] masked %and3A_106 {strides = array<i32>} : memref<2032xi32, #tpu.memory_space<vmem>>, vector<16xi32>, vector<16xi1>
        tpu.vector_store %arg10[%swap3A_107], %get3A_95 masked %and3A_106 {strides = array<i32>} : memref<2032xi32, #tpu.memory_space<vmem>>, vector<16xi32>, vector<16xi1>
        %swap3A_109 = arith.index_cast %scan3A_92 : i32 to index
        %swap3A_110 = tpu.vector_load %arg11[%swap3A_109] masked %and3A_106 {strides = array<i32>} : memref<2032xi32, #tpu.memory_space<vmem>>, vector<16xi32>, vector<16xi1>
        tpu.vector_store %arg11[%swap3A_109], %sub3A_101 masked %and3A_106 {strides = array<i32>} : memref<2032xi32, #tpu.memory_space<vmem>>, vector<16xi32>, vector<16xi1>
        %convert_element_type3A = arith.extui %and3A_106 : vector<16xi1> to vector<16xi32>
        %reduce_sum3A = arith.constant true
        %reduce_sum3A_111 = vector.broadcast %reduce_sum3A : i1 to vector<16xi1>
        %reduce_sum3A_112 = tpu.scan <sum>, %convert_element_type3A masked %reduce_sum3A_111 : vector<16xi32>, vector<16xi1> -> vector<16xi32>
        %reduce_sum3A_113 = vector.extract %reduce_sum3A_112[15] : i32 from vector<16xi32>
        %add3A_114 = arith.addi %scan3A_92, %reduce_sum3A_113 : i32
        scf.yield %add3A_114 : i32
      }
      %scan3A_53 = arith.constant 125 : i32
      %broadcast_in_dim3A_54 = arith.constant 0 : i32
      %broadcast_in_dim3A_55 = vector.broadcast %broadcast_in_dim3A_54 : i32 to vector<16xi32>
      %swap3A = arith.index_cast %scan3A_52 : i32 to index
      %swap3A_56 = tpu.vector_load %arg10[%swap3A] {strides = array<i32>} : memref<2032xi32, #tpu.memory_space<vmem>>, vector<16xi32>,
      tpu.vector_store %arg10[%swap3A], %broadcast_in_dim3A_55 {strides = array<i32>} : memref<2032xi32, #tpu.memory_space<vmem>>, vector<16xi32>,
      %broadcast_in_dim3A_57 = arith.constant 158 : i32
      %broadcast_in_dim3A_58 = vector.broadcast %broadcast_in_dim3A_57 : i32 to vector<16xi32>
      %swap3A_59 = arith.index_cast %scan3A_52 : i32 to index
      %swap3A_60 = tpu.vector_load %arg11[%swap3A_59] {strides = array<i32>} : memref<2032xi32, #tpu.memory_space<vmem>>, vector<16xi32>,
      tpu.vector_store %arg11[%swap3A_59], %broadcast_in_dim3A_58 {strides = array<i32>} : memref<2032xi32, #tpu.memory_space<vmem>>, vector<16xi32>,
      %add3A_61 = arith.constant 15 : i32
      %add3A_62 = arith.addi %scan3A_52, %add3A_61 : i32
      %jit3A = arith.constant 16 : i32
      %div3A = arith.divsi %add3A_62, %jit3A : i32
      %sign3A = arith.constant 0 : i32
      %sign3A_63 = arith.cmpi sgt, %add3A_62, %sign3A : i32
      %sign3A_64 = arith.extui %sign3A_63 : i1 to i32
      %sign3A_65 = arith.constant 0 : i32
      %sign3A_66 = arith.cmpi slt, %add3A_62, %sign3A_65 : i32
      %sign3A_67 = arith.extui %sign3A_66 : i1 to i32
      %sign3A_68 = arith.subi %sign3A_64, %sign3A_67 : i32
      %sign3A_69 = arith.constant 0 : i32
      %sign3A_70 = arith.cmpi sgt, %jit3A, %sign3A_69 : i32
      %sign3A_71 = arith.extui %sign3A_70 : i1 to i32
      %sign3A_72 = arith.constant 0 : i32
      %sign3A_73 = arith.cmpi slt, %jit3A, %sign3A_72 : i32
      %sign3A_74 = arith.extui %sign3A_73 : i1 to i32
      %sign3A_75 = arith.subi %sign3A_71, %sign3A_74 : i32
      %ne3A = arith.cmpi ne, %sign3A_68, %sign3A_75 : i32
      %rem3A = arith.remsi %add3A_62, %jit3A : i32
      %ne3A_76 = arith.constant 0 : i32
      %ne3A_77 = arith.cmpi ne, %rem3A, %ne3A_76 : i32
      %and3A = arith.andi %ne3A, %ne3A_77 : i1
      %sub3A = arith.constant 1 : i32
      %sub3A_78 = arith.subi %div3A, %sub3A : i32
      %select_n3A = arith.select %and3A, %sub3A_78, %div3A : i32
      %while3A = arith.constant 0 : i32
      %while3A_79 = arith.constant 0 : i32
      %while3A_80 = arith.subi %select_n3A, %while3A : i32
      %while3A_81 = arith.addi %while3A, %while3A_80 : i32
      %while3A_82 = arith.constant 1 : i32
      %while3A_83 = arith.divsi %while3A_80, %while3A_82 : i32
      %while3A_84 = arith.muli %while3A_83, %while3A_82 : i32
      %while3A_85 = arith.addi %while3A, %while3A_84 : i32
      %while3A_86 = arith.constant 1 : i32
      %while3A_87 = scf.for %while3A_91 = %while3A to %while3A_85 step %while3A_86 iter_args(%while3A_92 = %while3A_79) -> (i32)  : i32 {
        %mul3A_93 = arith.constant 16 : i32
        %mul3A_94 = arith.muli %while3A_91, %mul3A_93 : i32
        %dma_start3A = tpu.memref_slice %arg10[%mul3A_94] : memref<2032xi32, #tpu.memory_space<vmem>> -> memref<16xi32, #tpu.memory_space<vmem>>
        %dma_start3A_95 = arith.constant 0 : i32
        %dma_start3A_96 = arith.constant 0 : i32
        %dma_start3A_97 = tpu.memref_slice %arg2[%dma_start3A_95, %dma_start3A_96] : memref<10000x512xf32, #tpu.memory_space<hbm>> -> memref<10000x512xf32, #tpu.memory_space<hbm>>
        tpu.enqueue_indirect_dma source(%dma_start3A_97 : memref<10000x512xf32, #tpu.memory_space<hbm>>) target(%arg12 : memref<16x512xf32, #tpu.memory_space<vmem>>) offsets(%dma_start3A : memref<16xi32, #tpu.memory_space<vmem>>) semaphore(%arg14 : memref<!tpu.dma_semaphore, #tpu.memory_space<semaphore_mem>>)
        %dma_wait3A = tpu.memref_slice %arg10[%mul3A_94] : memref<2032xi32, #tpu.memory_space<vmem>> -> memref<16xi32, #tpu.memory_space<vmem>>
        %dma_wait3A_98 = arith.constant 0 : i32
        %dma_wait3A_99 = arith.constant 0 : i32
        %dma_wait3A_100 = tpu.memref_slice %arg2[%dma_wait3A_98, %dma_wait3A_99] : memref<10000x512xf32, #tpu.memory_space<hbm>> -> memref<10000x512xf32, #tpu.memory_space<hbm>>
        tpu.wait_indirect_dma semaphore(%arg14 : memref<!tpu.dma_semaphore, #tpu.memory_space<semaphore_mem>>) src(%dma_wait3A_100 : memref<10000x512xf32, #tpu.memory_space<hbm>>) dst(%arg12 : memref<16x512xf32, #tpu.memory_space<vmem>>)
        %get3A = arith.index_cast %mul3A_94 : i32 to index
        %get3A_101 = tpu.vector_load %arg11[%get3A] {strides = array<i32>} : memref<2032xi32, #tpu.memory_space<vmem>>, vector<16xi32>,
        %mul3A_102 = arith.constant 512 : i32
        %mul3A_103 = vector.broadcast %mul3A_102 : i32 to vector<16xi32>
        %mul3A_104 = arith.muli %get3A_101, %mul3A_103 : vector<16xi32>
        %scan3A_105 = arith.constant 0 : i32
        %scan3A_106 = arith.constant 0 : i32
        %scan3A_107 = arith.constant 64 : i32
        %scan3A_108 = arith.addi %scan3A_106, %scan3A_107 : i32
        %scan3A_109 = arith.constant 1 : i32
        %scan3A_110 = scf.for %scan3A_113 = %scan3A_106 to %scan3A_108 step %scan3A_109 iter_args(%scan3A_114 = %scan3A_105) -> (i32)  : i32 {
          %mul3A_115 = arith.constant 8 : i32
          %mul3A_116 = arith.muli %scan3A_113, %mul3A_115 : i32
          %add3A_117 = arith.constant 0 : i32
          %add3A_118 = arith.addi %mul3A_116, %add3A_117 : i32
          %add3A_119 = vector.broadcast %add3A_118 : i32 to vector<16xi32>
          %add3A_120 = arith.addi %broadcast_in_dim3A_3, %add3A_119 : vector<16xi32>
          %gather3A = tpu.vector_load_idx %arg12[%iota3A, %add3A_120] : memref<16x512xf32, #tpu.memory_space<vmem>>[vector<16xi32>, vector<16xi32>], vector<16xf32>,
          %add3A_121 = vector.broadcast %add3A_118 : i32 to vector<16xi32>
          %add3A_122 = arith.addi %mul3A_104, %add3A_121 : vector<16xi32>
          tpu.vector_store_idx %arg13[%add3A_122], %gather3A {add = true} : memref<81920xf32, #tpu.memory_space<vmem>>[vector<16xi32>], vector<16xf32>,
          %add3A_123 = arith.constant 1 : i32
          %add3A_124 = arith.addi %mul3A_116, %add3A_123 : i32
          %add3A_125 = vector.broadcast %add3A_124 : i32 to vector<16xi32>
          %add3A_126 = arith.addi %broadcast_in_dim3A_3, %add3A_125 : vector<16xi32>
          %gather3A_127 = tpu.vector_load_idx %arg12[%iota3A, %add3A_126] : memref<16x512xf32, #tpu.memory_space<vmem>>[vector<16xi32>, vector<16xi32>], vector<16xf32>,
          %add3A_128 = vector.broadcast %add3A_124 : i32 to vector<16xi32>
          %add3A_129 = arith.addi %mul3A_104, %add3A_128 : vector<16xi32>
          tpu.vector_store_idx %arg13[%add3A_129], %gather3A_127 {add = true} : memref<81920xf32, #tpu.memory_space<vmem>>[vector<16xi32>], vector<16xf32>,
          %add3A_130 = arith.constant 2 : i32
          %add3A_131 = arith.addi %mul3A_116, %add3A_130 : i32
          %add3A_132 = vector.broadcast %add3A_131 : i32 to vector<16xi32>
          %add3A_133 = arith.addi %broadcast_in_dim3A_3, %add3A_132 : vector<16xi32>
          %gather3A_134 = tpu.vector_load_idx %arg12[%iota3A, %add3A_133] : memref<16x512xf32, #tpu.memory_space<vmem>>[vector<16xi32>, vector<16xi32>], vector<16xf32>,
          %add3A_135 = vector.broadcast %add3A_131 : i32 to vector<16xi32>
          %add3A_136 = arith.addi %mul3A_104, %add3A_135 : vector<16xi32>
          tpu.vector_store_idx %arg13[%add3A_136], %gather3A_134 {add = true} : memref<81920xf32, #tpu.memory_space<vmem>>[vector<16xi32>], vector<16xf32>,
          %add3A_137 = arith.constant 3 : i32
          %add3A_138 = arith.addi %mul3A_116, %add3A_137 : i32
          %add3A_139 = vector.broadcast %add3A_138 : i32 to vector<16xi32>
          %add3A_140 = arith.addi %broadcast_in_dim3A_3, %add3A_139 : vector<16xi32>
          %gather3A_141 = tpu.vector_load_idx %arg12[%iota3A, %add3A_140] : memref<16x512xf32, #tpu.memory_space<vmem>>[vector<16xi32>, vector<16xi32>], vector<16xf32>,
          %add3A_142 = vector.broadcast %add3A_138 : i32 to vector<16xi32>
          %add3A_143 = arith.addi %mul3A_104, %add3A_142 : vector<16xi32>
          tpu.vector_store_idx %arg13[%add3A_143], %gather3A_141 {add = true} : memref<81920xf32, #tpu.memory_space<vmem>>[vector<16xi32>], vector<16xf32>,
          %add3A_144 = arith.constant 4 : i32
          %add3A_145 = arith.addi %mul3A_116, %add3A_144 : i32
          %add3A_146 = vector.broadcast %add3A_145 : i32 to vector<16xi32>
          %add3A_147 = arith.addi %broadcast_in_dim3A_3, %add3A_146 : vector<16xi32>
          %gather3A_148 = tpu.vector_load_idx %arg12[%iota3A, %add3A_147] : memref<16x512xf32, #tpu.memory_space<vmem>>[vector<16xi32>, vector<16xi32>], vector<16xf32>,
          %add3A_149 = vector.broadcast %add3A_145 : i32 to vector<16xi32>
          %add3A_150 = arith.addi %mul3A_104, %add3A_149 : vector<16xi32>
          tpu.vector_store_idx %arg13[%add3A_150], %gather3A_148 {add = true} : memref<81920xf32, #tpu.memory_space<vmem>>[vector<16xi32>], vector<16xf32>,
          %add3A_151 = arith.constant 5 : i32
          %add3A_152 = arith.addi %mul3A_116, %add3A_151 : i32
          %add3A_153 = vector.broadcast %add3A_152 : i32 to vector<16xi32>
          %add3A_154 = arith.addi %broadcast_in_dim3A_3, %add3A_153 : vector<16xi32>
          %gather3A_155 = tpu.vector_load_idx %arg12[%iota3A, %add3A_154] : memref<16x512xf32, #tpu.memory_space<vmem>>[vector<16xi32>, vector<16xi32>], vector<16xf32>,
          %add3A_156 = vector.broadcast %add3A_152 : i32 to vector<16xi32>
          %add3A_157 = arith.addi %mul3A_104, %add3A_156 : vector<16xi32>
          tpu.vector_store_idx %arg13[%add3A_157], %gather3A_155 {add = true} : memref<81920xf32, #tpu.memory_space<vmem>>[vector<16xi32>], vector<16xf32>,
          %add3A_158 = arith.constant 6 : i32
          %add3A_159 = arith.addi %mul3A_116, %add3A_158 : i32
          %add3A_160 = vector.broadcast %add3A_159 : i32 to vector<16xi32>
          %add3A_161 = arith.addi %broadcast_in_dim3A_3, %add3A_160 : vector<16xi32>
          %gather3A_162 = tpu.vector_load_idx %arg12[%iota3A, %add3A_161] : memref<16x512xf32, #tpu.memory_space<vmem>>[vector<16xi32>, vector<16xi32>], vector<16xf32>,
          %add3A_163 = vector.broadcast %add3A_159 : i32 to vector<16xi32>
          %add3A_164 = arith.addi %mul3A_104, %add3A_163 : vector<16xi32>
          tpu.vector_store_idx %arg13[%add3A_164], %gather3A_162 {add = true} : memref<81920xf32, #tpu.memory_space<vmem>>[vector<16xi32>], vector<16xf32>,
          %add3A_165 = arith.constant 7 : i32
          %add3A_166 = arith.addi %mul3A_116, %add3A_165 : i32
          %add3A_167 = vector.broadcast %add3A_166 : i32 to vector<16xi32>
          %add3A_168 = arith.addi %broadcast_in_dim3A_3, %add3A_167 : vector<16xi32>
          %gather3A_169 = tpu.vector_load_idx %arg12[%iota3A, %add3A_168] : memref<16x512xf32, #tpu.memory_space<vmem>>[vector<16xi32>, vector<16xi32>], vector<16xf32>,
          %add3A_170 = vector.broadcast %add3A_166 : i32 to vector<16xi32>
          %add3A_171 = arith.addi %mul3A_104, %add3A_170 : vector<16xi32>
          tpu.vector_store_idx %arg13[%add3A_171], %gather3A_169 {add = true} : memref<81920xf32, #tpu.memory_space<vmem>>[vector<16xi32>], vector<16xf32>,
          %scan3A_172 = arith.constant 0 : i32
          scf.yield %scan3A_172 : i32
        }
        %scan3A_111 = arith.constant 64 : i32
        %while3A_112 = arith.constant 0 : i32
        scf.yield %while3A_112 : i32
      }
      %while3A_88 = arith.constant 1 : i32
      %while3A_89 = scf.for %while3A_91 = %while3A_85 to %while3A_81 step %while3A_88 iter_args(%while3A_92 = %while3A_87) -> (i32)  : i32 {
        %mul3A_93 = arith.constant 16 : i32
        %mul3A_94 = arith.muli %while3A_91, %mul3A_93 : i32
        %dma_start3A = tpu.memref_slice %arg10[%mul3A_94] : memref<2032xi32, #tpu.memory_space<vmem>> -> memref<16xi32, #tpu.memory_space<vmem>>
        %dma_start3A_95 = arith.constant 0 : i32
        %dma_start3A_96 = arith.constant 0 : i32
        %dma_start3A_97 = tpu.memref_slice %arg2[%dma_start3A_95, %dma_start3A_96] : memref<10000x512xf32, #tpu.memory_space<hbm>> -> memref<10000x512xf32, #tpu.memory_space<hbm>>
        tpu.enqueue_indirect_dma source(%dma_start3A_97 : memref<10000x512xf32, #tpu.memory_space<hbm>>) target(%arg12 : memref<16x512xf32, #tpu.memory_space<vmem>>) offsets(%dma_start3A : memref<16xi32, #tpu.memory_space<vmem>>) semaphore(%arg14 : memref<!tpu.dma_semaphore, #tpu.memory_space<semaphore_mem>>)
        %dma_wait3A = tpu.memref_slice %arg10[%mul3A_94] : memref<2032xi32, #tpu.memory_space<vmem>> -> memref<16xi32, #tpu.memory_space<vmem>>
        %dma_wait3A_98 = arith.constant 0 : i32
        %dma_wait3A_99 = arith.constant 0 : i32
        %dma_wait3A_100 = tpu.memref_slice %arg2[%dma_wait3A_98, %dma_wait3A_99] : memref<10000x512xf32, #tpu.memory_space<hbm>> -> memref<10000x512xf32, #tpu.memory_space<hbm>>
        tpu.wait_indirect_dma semaphore(%arg14 : memref<!tpu.dma_semaphore, #tpu.memory_space<semaphore_mem>>) src(%dma_wait3A_100 : memref<10000x512xf32, #tpu.memory_space<hbm>>) dst(%arg12 : memref<16x512xf32, #tpu.memory_space<vmem>>)
        %get3A = arith.index_cast %mul3A_94 : i32 to index
        %get3A_101 = tpu.vector_load %arg11[%get3A] {strides = array<i32>} : memref<2032xi32, #tpu.memory_space<vmem>>, vector<16xi32>,
        %mul3A_102 = arith.constant 512 : i32
        %mul3A_103 = vector.broadcast %mul3A_102 : i32 to vector<16xi32>
        %mul3A_104 = arith.muli %get3A_101, %mul3A_103 : vector<16xi32>
        %scan3A_105 = arith.constant 0 : i32
        %scan3A_106 = arith.constant 0 : i32
        %scan3A_107 = arith.constant 64 : i32
        %scan3A_108 = arith.addi %scan3A_106, %scan3A_107 : i32
        %scan3A_109 = arith.constant 1 : i32
        %scan3A_110 = scf.for %scan3A_113 = %scan3A_106 to %scan3A_108 step %scan3A_109 iter_args(%scan3A_114 = %scan3A_105) -> (i32)  : i32 {
          %mul3A_115 = arith.constant 8 : i32
          %mul3A_116 = arith.muli %scan3A_113, %mul3A_115 : i32
          %add3A_117 = arith.constant 0 : i32
          %add3A_118 = arith.addi %mul3A_116, %add3A_117 : i32
          %add3A_119 = vector.broadcast %add3A_118 : i32 to vector<16xi32>
          %add3A_120 = arith.addi %broadcast_in_dim3A_3, %add3A_119 : vector<16xi32>
          %gather3A = tpu.vector_load_idx %arg12[%iota3A, %add3A_120] : memref<16x512xf32, #tpu.memory_space<vmem>>[vector<16xi32>, vector<16xi32>], vector<16xf32>,
          %add3A_121 = vector.broadcast %add3A_118 : i32 to vector<16xi32>
          %add3A_122 = arith.addi %mul3A_104, %add3A_121 : vector<16xi32>
          tpu.vector_store_idx %arg13[%add3A_122], %gather3A {add = true} : memref<81920xf32, #tpu.memory_space<vmem>>[vector<16xi32>], vector<16xf32>,
          %add3A_123 = arith.constant 1 : i32
          %add3A_124 = arith.addi %mul3A_116, %add3A_123 : i32
          %add3A_125 = vector.broadcast %add3A_124 : i32 to vector<16xi32>
          %add3A_126 = arith.addi %broadcast_in_dim3A_3, %add3A_125 : vector<16xi32>
          %gather3A_127 = tpu.vector_load_idx %arg12[%iota3A, %add3A_126] : memref<16x512xf32, #tpu.memory_space<vmem>>[vector<16xi32>, vector<16xi32>], vector<16xf32>,
          %add3A_128 = vector.broadcast %add3A_124 : i32 to vector<16xi32>
          %add3A_129 = arith.addi %mul3A_104, %add3A_128 : vector<16xi32>
          tpu.vector_store_idx %arg13[%add3A_129], %gather3A_127 {add = true} : memref<81920xf32, #tpu.memory_space<vmem>>[vector<16xi32>], vector<16xf32>,
          %add3A_130 = arith.constant 2 : i32
          %add3A_131 = arith.addi %mul3A_116, %add3A_130 : i32
          %add3A_132 = vector.broadcast %add3A_131 : i32 to vector<16xi32>
          %add3A_133 = arith.addi %broadcast_in_dim3A_3, %add3A_132 : vector<16xi32>
          %gather3A_134 = tpu.vector_load_idx %arg12[%iota3A, %add3A_133] : memref<16x512xf32, #tpu.memory_space<vmem>>[vector<16xi32>, vector<16xi32>], vector<16xf32>,
          %add3A_135 = vector.broadcast %add3A_131 : i32 to vector<16xi32>
          %add3A_136 = arith.addi %mul3A_104, %add3A_135 : vector<16xi32>
          tpu.vector_store_idx %arg13[%add3A_136], %gather3A_134 {add = true} : memref<81920xf32, #tpu.memory_space<vmem>>[vector<16xi32>], vector<16xf32>,
          %add3A_137 = arith.constant 3 : i32
          %add3A_138 = arith.addi %mul3A_116, %add3A_137 : i32
          %add3A_139 = vector.broadcast %add3A_138 : i32 to vector<16xi32>
          %add3A_140 = arith.addi %broadcast_in_dim3A_3, %add3A_139 : vector<16xi32>
          %gather3A_141 = tpu.vector_load_idx %arg12[%iota3A, %add3A_140] : memref<16x512xf32, #tpu.memory_space<vmem>>[vector<16xi32>, vector<16xi32>], vector<16xf32>,
          %add3A_142 = vector.broadcast %add3A_138 : i32 to vector<16xi32>
          %add3A_143 = arith.addi %mul3A_104, %add3A_142 : vector<16xi32>
          tpu.vector_store_idx %arg13[%add3A_143], %gather3A_141 {add = true} : memref<81920xf32, #tpu.memory_space<vmem>>[vector<16xi32>], vector<16xf32>,
          %add3A_144 = arith.constant 4 : i32
          %add3A_145 = arith.addi %mul3A_116, %add3A_144 : i32
          %add3A_146 = vector.broadcast %add3A_145 : i32 to vector<16xi32>
          %add3A_147 = arith.addi %broadcast_in_dim3A_3, %add3A_146 : vector<16xi32>
          %gather3A_148 = tpu.vector_load_idx %arg12[%iota3A, %add3A_147] : memref<16x512xf32, #tpu.memory_space<vmem>>[vector<16xi32>, vector<16xi32>], vector<16xf32>,
          %add3A_149 = vector.broadcast %add3A_145 : i32 to vector<16xi32>
          %add3A_150 = arith.addi %mul3A_104, %add3A_149 : vector<16xi32>
          tpu.vector_store_idx %arg13[%add3A_150], %gather3A_148 {add = true} : memref<81920xf32, #tpu.memory_space<vmem>>[vector<16xi32>], vector<16xf32>,
          %add3A_151 = arith.constant 5 : i32
          %add3A_152 = arith.addi %mul3A_116, %add3A_151 : i32
          %add3A_153 = vector.broadcast %add3A_152 : i32 to vector<16xi32>
          %add3A_154 = arith.addi %broadcast_in_dim3A_3, %add3A_153 : vector<16xi32>
          %gather3A_155 = tpu.vector_load_idx %arg12[%iota3A, %add3A_154] : memref<16x512xf32, #tpu.memory_space<vmem>>[vector<16xi32>, vector<16xi32>], vector<16xf32>,
          %add3A_156 = vector.broadcast %add3A_152 : i32 to vector<16xi32>
          %add3A_157 = arith.addi %mul3A_104, %add3A_156 : vector<16xi32>
          tpu.vector_store_idx %arg13[%add3A_157], %gather3A_155 {add = true} : memref<81920xf32, #tpu.memory_space<vmem>>[vector<16xi32>], vector<16xf32>,
          %add3A_158 = arith.constant 6 : i32
          %add3A_159 = arith.addi %mul3A_116, %add3A_158 : i32
          %add3A_160 = vector.broadcast %add3A_159 : i32 to vector<16xi32>
          %add3A_161 = arith.addi %broadcast_in_dim3A_3, %add3A_160 : vector<16xi32>
          %gather3A_162 = tpu.vector_load_idx %arg12[%iota3A, %add3A_161] : memref<16x512xf32, #tpu.memory_space<vmem>>[vector<16xi32>, vector<16xi32>], vector<16xf32>,
          %add3A_163 = vector.broadcast %add3A_159 : i32 to vector<16xi32>
          %add3A_164 = arith.addi %mul3A_104, %add3A_163 : vector<16xi32>
          tpu.vector_store_idx %arg13[%add3A_164], %gather3A_162 {add = true} : memref<81920xf32, #tpu.memory_space<vmem>>[vector<16xi32>], vector<16xf32>,
          %add3A_165 = arith.constant 7 : i32
          %add3A_166 = arith.addi %mul3A_116, %add3A_165 : i32
          %add3A_167 = vector.broadcast %add3A_166 : i32 to vector<16xi32>
          %add3A_168 = arith.addi %broadcast_in_dim3A_3, %add3A_167 : vector<16xi32>
          %gather3A_169 = tpu.vector_load_idx %arg12[%iota3A, %add3A_168] : memref<16x512xf32, #tpu.memory_space<vmem>>[vector<16xi32>, vector<16xi32>], vector<16xf32>,
          %add3A_170 = vector.broadcast %add3A_166 : i32 to vector<16xi32>
          %add3A_171 = arith.addi %mul3A_104, %add3A_170 : vector<16xi32>
          tpu.vector_store_idx %arg13[%add3A_171], %gather3A_169 {add = true} : memref<81920xf32, #tpu.memory_space<vmem>>[vector<16xi32>], vector<16xf32>,
          %scan3A_172 = arith.constant 0 : i32
          scf.yield %scan3A_172 : i32
        }
        %scan3A_111 = arith.constant 64 : i32
        %while3A_112 = arith.constant 0 : i32
        scf.yield %while3A_112 : i32
      }
      %scan3A_90 = arith.constant 0 : i32
      scf.yield %scan3A_90 : i32
    }
    %scan3A_20 = arith.constant 80 : i32
    %mul3A_21 = arith.constant 81920 : i32
    %mul3A_22 = arith.muli %add3A_5, %mul3A_21 : i32
    "tpu.region"() ({
      %run_scoped3A = tpu.sem_alloc : memref<!tpu.dma_semaphore, #tpu.memory_space<semaphore_mem>>
      %dma_start3A = tpu.memref_slice %arg7[%mul3A_22] : memref<5242880xf32, #tpu.memory_space<hbm>> -> memref<81920xf32, #tpu.memory_space<hbm>>
      %dma_start3A_43 = tpu.memref_slice %arg7[%mul3A_22] : memref<5242880xf32, #tpu.memory_space<hbm>> -> memref<81920xf32, #tpu.memory_space<hbm>>
      tpu.enqueue_dma source(%arg13 : memref<81920xf32, #tpu.memory_space<vmem>>) target(%dma_start3A_43 : memref<81920xf32, #tpu.memory_space<hbm>>) target_semaphore(%run_scoped3A : memref<!tpu.dma_semaphore, #tpu.memory_space<semaphore_mem>>)
      %dma_wait3A = tpu.memref_slice %arg7[%mul3A_22] : memref<5242880xf32, #tpu.memory_space<hbm>> -> memref<81920xf32, #tpu.memory_space<hbm>>
      %dma_wait3A_44 = tpu.memref_slice %arg7[%mul3A_22] : memref<5242880xf32, #tpu.memory_space<hbm>> -> memref<81920xf32, #tpu.memory_space<hbm>>
      tpu.wait_dma2 semaphore(%run_scoped3A : memref<!tpu.dma_semaphore, #tpu.memory_space<semaphore_mem>>) src(%arg13 : memref<81920xf32, #tpu.memory_space<vmem>>) dst(%dma_wait3A_44 : memref<81920xf32, #tpu.memory_space<hbm>>)
      tpu.yield
    }) : () -> ()
    %add3A_23 = arith.constant 32 : i32
    %add3A_24 = arith.addi %add3A_23, %add3A : i32
    %mul3A_25 = arith.constant 157 : i32
    %mul3A_26 = arith.muli %add3A_24, %mul3A_25 : i32
    %scan3A_27 = arith.constant 0 : i32
    %scan3A_28 = arith.constant 0 : i32
    %scan3A_29 = arith.constant 640 : i32
    %scan3A_30 = arith.addi %scan3A_28, %scan3A_29 : i32
    %scan3A_31 = arith.constant 1 : i32
    %scan3A_32 = scf.for %scan3A_43 = %scan3A_28 to %scan3A_30 step %scan3A_31 iter_args(%scan3A_44 = %scan3A_27) -> (i32)  : i32 {
      %mul3A_45 = arith.constant 8 : i32
      %mul3A_46 = arith.muli %scan3A_43, %mul3A_45 : i32
      %add3A_47 = arith.constant 0 : i32
      %add3A_48 = arith.addi %mul3A_46, %add3A_47 : i32
      %mul3A_49 = arith.constant 16 : i32
      %mul3A_50 = arith.muli %add3A_48, %mul3A_49 : i32
      %swap3A = arith.index_cast %mul3A_50 : i32 to index
      %swap3A_51 = tpu.vector_load %arg13[%swap3A] {strides = array<i32>} : memref<81920xf32, #tpu.memory_space<vmem>>, vector<16xf32>,
      tpu.vector_store %arg13[%swap3A], %broadcast_in_dim3A_1 {strides = array<i32>} : memref<81920xf32, #tpu.memory_space<vmem>>, vector<16xf32>,
      %mul3A_52 = arith.constant 8 : i32
      %mul3A_53 = arith.muli %scan3A_43, %mul3A_52 : i32
      %add3A_54 = arith.constant 1 : i32
      %add3A_55 = arith.addi %mul3A_53, %add3A_54 : i32
      %mul3A_56 = arith.constant 16 : i32
      %mul3A_57 = arith.muli %add3A_55, %mul3A_56 : i32
      %swap3A_58 = arith.index_cast %mul3A_57 : i32 to index
      %swap3A_59 = tpu.vector_load %arg13[%swap3A_58] {strides = array<i32>} : memref<81920xf32, #tpu.memory_space<vmem>>, vector<16xf32>,
      tpu.vector_store %arg13[%swap3A_58], %broadcast_in_dim3A_1 {strides = array<i32>} : memref<81920xf32, #tpu.memory_space<vmem>>, vector<16xf32>,
      %mul3A_60 = arith.constant 8 : i32
      %mul3A_61 = arith.muli %scan3A_43, %mul3A_60 : i32
      %add3A_62 = arith.constant 2 : i32
      %add3A_63 = arith.addi %mul3A_61, %add3A_62 : i32
      %mul3A_64 = arith.constant 16 : i32
      %mul3A_65 = arith.muli %add3A_63, %mul3A_64 : i32
      %swap3A_66 = arith.index_cast %mul3A_65 : i32 to index
      %swap3A_67 = tpu.vector_load %arg13[%swap3A_66] {strides = array<i32>} : memref<81920xf32, #tpu.memory_space<vmem>>, vector<16xf32>,
      tpu.vector_store %arg13[%swap3A_66], %broadcast_in_dim3A_1 {strides = array<i32>} : memref<81920xf32, #tpu.memory_space<vmem>>, vector<16xf32>,
      %mul3A_68 = arith.constant 8 : i32
      %mul3A_69 = arith.muli %scan3A_43, %mul3A_68 : i32
      %add3A_70 = arith.constant 3 : i32
      %add3A_71 = arith.addi %mul3A_69, %add3A_70 : i32
      %mul3A_72 = arith.constant 16 : i32
      %mul3A_73 = arith.muli %add3A_71, %mul3A_72 : i32
      %swap3A_74 = arith.index_cast %mul3A_73 : i32 to index
      %swap3A_75 = tpu.vector_load %arg13[%swap3A_74] {strides = array<i32>} : memref<81920xf32, #tpu.memory_space<vmem>>, vector<16xf32>,
      tpu.vector_store %arg13[%swap3A_74], %broadcast_in_dim3A_1 {strides = array<i32>} : memref<81920xf32, #tpu.memory_space<vmem>>, vector<16xf32>,
      %mul3A_76 = arith.constant 8 : i32
      %mul3A_77 = arith.muli %scan3A_43, %mul3A_76 : i32
      %add3A_78 = arith.constant 4 : i32
      %add3A_79 = arith.addi %mul3A_77, %add3A_78 : i32
      %mul3A_80 = arith.constant 16 : i32
      %mul3A_81 = arith.muli %add3A_79, %mul3A_80 : i32
      %swap3A_82 = arith.index_cast %mul3A_81 : i32 to index
      %swap3A_83 = tpu.vector_load %arg13[%swap3A_82] {strides = array<i32>} : memref<81920xf32, #tpu.memory_space<vmem>>, vector<16xf32>,
      tpu.vector_store %arg13[%swap3A_82], %broadcast_in_dim3A_1 {strides = array<i32>} : memref<81920xf32, #tpu.memory_space<vmem>>, vector<16xf32>,
      %mul3A_84 = arith.constant 8 : i32
      %mul3A_85 = arith.muli %scan3A_43, %mul3A_84 : i32
      %add3A_86 = arith.constant 5 : i32
      %add3A_87 = arith.addi %mul3A_85, %add3A_86 : i32
      %mul3A_88 = arith.constant 16 : i32
      %mul3A_89 = arith.muli %add3A_87, %mul3A_88 : i32
      %swap3A_90 = arith.index_cast %mul3A_89 : i32 to index
      %swap3A_91 = tpu.vector_load %arg13[%swap3A_90] {strides = array<i32>} : memref<81920xf32, #tpu.memory_space<vmem>>, vector<16xf32>,
      tpu.vector_store %arg13[%swap3A_90], %broadcast_in_dim3A_1 {strides = array<i32>} : memref<81920xf32, #tpu.memory_space<vmem>>, vector<16xf32>,
      %mul3A_92 = arith.constant 8 : i32
      %mul3A_93 = arith.muli %scan3A_43, %mul3A_92 : i32
      %add3A_94 = arith.constant 6 : i32
      %add3A_95 = arith.addi %mul3A_93, %add3A_94 : i32
      %mul3A_96 = arith.constant 16 : i32
      %mul3A_97 = arith.muli %add3A_95, %mul3A_96 : i32
      %swap3A_98 = arith.index_cast %mul3A_97 : i32 to index
      %swap3A_99 = tpu.vector_load %arg13[%swap3A_98] {strides = array<i32>} : memref<81920xf32, #tpu.memory_space<vmem>>, vector<16xf32>,
      tpu.vector_store %arg13[%swap3A_98], %broadcast_in_dim3A_1 {strides = array<i32>} : memref<81920xf32, #tpu.memory_space<vmem>>, vector<16xf32>,
      %mul3A_100 = arith.constant 8 : i32
      %mul3A_101 = arith.muli %scan3A_43, %mul3A_100 : i32
      %add3A_102 = arith.constant 7 : i32
      %add3A_103 = arith.addi %mul3A_101, %add3A_102 : i32
      %mul3A_104 = arith.constant 16 : i32
      %mul3A_105 = arith.muli %add3A_103, %mul3A_104 : i32
      %swap3A_106 = arith.index_cast %mul3A_105 : i32 to index
      %swap3A_107 = tpu.vector_load %arg13[%swap3A_106] {strides = array<i32>} : memref<81920xf32, #tpu.memory_space<vmem>>, vector<16xf32>,
      tpu.vector_store %arg13[%swap3A_106], %broadcast_in_dim3A_1 {strides = array<i32>} : memref<81920xf32, #tpu.memory_space<vmem>>, vector<16xf32>,
      %scan3A_108 = arith.constant 0 : i32
      scf.yield %scan3A_108 : i32
    }
    %scan3A_33 = arith.constant 640 : i32
    %scan3A_34 = arith.constant 0 : i32
    %scan3A_35 = arith.constant 0 : i32
    %scan3A_36 = arith.constant 80 : i32
    %scan3A_37 = arith.addi %scan3A_35, %scan3A_36 : i32
    %scan3A_38 = arith.constant 1 : i32
    %scan3A_39 = scf.for %scan3A_43 = %scan3A_35 to %scan3A_37 step %scan3A_38 iter_args(%scan3A_44 = %scan3A_34) -> (i32)  : i32 {
      %mul3A_45 = arith.constant 2000 : i32
      %mul3A_46 = arith.muli %scan3A_43, %mul3A_45 : i32
      "tpu.region"() ({
        %run_scoped3A = tpu.sem_alloc : memref<!tpu.dma_semaphore, #tpu.memory_space<semaphore_mem>>
        %dma_start3A = tpu.memref_slice %arg3[%mul3A_46] : memref<160000xi32, #tpu.memory_space<hbm>> -> memref<2000xi32, #tpu.memory_space<hbm>>
        %dma_start3A_91 = tpu.memref_slice %arg3[%mul3A_46] : memref<160000xi32, #tpu.memory_space<hbm>> -> memref<2000xi32, #tpu.memory_space<hbm>>
        tpu.enqueue_dma source(%dma_start3A_91 : memref<2000xi32, #tpu.memory_space<hbm>>) target(%arg8 : memref<2000xi32, #tpu.memory_space<vmem>>) target_semaphore(%run_scoped3A : memref<!tpu.dma_semaphore, #tpu.memory_space<semaphore_mem>>)
        %dma_wait3A = tpu.memref_slice %arg3[%mul3A_46] : memref<160000xi32, #tpu.memory_space<hbm>> -> memref<2000xi32, #tpu.memory_space<hbm>>
        %dma_wait3A_92 = tpu.memref_slice %arg3[%mul3A_46] : memref<160000xi32, #tpu.memory_space<hbm>> -> memref<2000xi32, #tpu.memory_space<hbm>>
        tpu.wait_dma2 semaphore(%run_scoped3A : memref<!tpu.dma_semaphore, #tpu.memory_space<semaphore_mem>>) src(%dma_wait3A_92 : memref<2000xi32, #tpu.memory_space<hbm>>) dst(%arg8 : memref<2000xi32, #tpu.memory_space<vmem>>)
        tpu.yield
      }) : () -> ()
      "tpu.region"() ({
        %run_scoped3A = tpu.sem_alloc : memref<!tpu.dma_semaphore, #tpu.memory_space<semaphore_mem>>
        %dma_start3A = tpu.memref_slice %arg4[%mul3A_46] : memref<160000xi32, #tpu.memory_space<hbm>> -> memref<2000xi32, #tpu.memory_space<hbm>>
        %dma_start3A_91 = tpu.memref_slice %arg4[%mul3A_46] : memref<160000xi32, #tpu.memory_space<hbm>> -> memref<2000xi32, #tpu.memory_space<hbm>>
        tpu.enqueue_dma source(%dma_start3A_91 : memref<2000xi32, #tpu.memory_space<hbm>>) target(%arg9 : memref<2000xi32, #tpu.memory_space<vmem>>) target_semaphore(%run_scoped3A : memref<!tpu.dma_semaphore, #tpu.memory_space<semaphore_mem>>)
        %dma_wait3A = tpu.memref_slice %arg4[%mul3A_46] : memref<160000xi32, #tpu.memory_space<hbm>> -> memref<2000xi32, #tpu.memory_space<hbm>>
        %dma_wait3A_92 = tpu.memref_slice %arg4[%mul3A_46] : memref<160000xi32, #tpu.memory_space<hbm>> -> memref<2000xi32, #tpu.memory_space<hbm>>
        tpu.wait_dma2 semaphore(%run_scoped3A : memref<!tpu.dma_semaphore, #tpu.memory_space<semaphore_mem>>) src(%dma_wait3A_92 : memref<2000xi32, #tpu.memory_space<hbm>>) dst(%arg9 : memref<2000xi32, #tpu.memory_space<vmem>>)
        tpu.yield
      }) : () -> ()
      %scan3A_47 = arith.constant 0 : i32
      %scan3A_48 = arith.constant 0 : i32
      %scan3A_49 = arith.constant 125 : i32
      %scan3A_50 = arith.addi %scan3A_48, %scan3A_49 : i32
      %scan3A_51 = arith.constant 1 : i32
      %scan3A_52 = scf.for %scan3A_91 = %scan3A_48 to %scan3A_50 step %scan3A_51 iter_args(%scan3A_92 = %scan3A_47) -> (i32)  : i32 {
        %mul3A_93 = arith.constant 16 : i32
        %mul3A_94 = arith.muli %scan3A_91, %mul3A_93 : i32
        %get3A = arith.index_cast %mul3A_94 : i32 to index
        %get3A_95 = tpu.vector_load %arg8[%get3A] {strides = array<i32>} : memref<2000xi32, #tpu.memory_space<vmem>>, vector<16xi32>,
        %mul3A_96 = arith.constant 16 : i32
        %mul3A_97 = arith.muli %scan3A_91, %mul3A_96 : i32
        %get3A_98 = arith.index_cast %mul3A_97 : i32 to index
        %get3A_99 = tpu.vector_load %arg9[%get3A_98] {strides = array<i32>} : memref<2000xi32, #tpu.memory_space<vmem>>, vector<16xi32>,
        %sub3A_100 = vector.broadcast %mul3A_26 : i32 to vector<16xi32>
        %sub3A_101 = arith.subi %get3A_99, %sub3A_100 : vector<16xi32>
        %ge3A = arith.constant 0 : i32
        %ge3A_102 = vector.broadcast %ge3A : i32 to vector<16xi32>
        %ge3A_103 = arith.cmpi sge, %sub3A_101, %ge3A_102 : vector<16xi32>
        %lt3A = arith.constant 157 : i32
        %lt3A_104 = vector.broadcast %lt3A : i32 to vector<16xi32>
        %lt3A_105 = arith.cmpi slt, %sub3A_101, %lt3A_104 : vector<16xi32>
        %and3A_106 = arith.andi %ge3A_103, %lt3A_105 : vector<16xi1>
        %swap3A_107 = arith.index_cast %scan3A_92 : i32 to index
        %swap3A_108 = tpu.vector_load %arg10[%swap3A_107] masked %and3A_106 {strides = array<i32>} : memref<2032xi32, #tpu.memory_space<vmem>>, vector<16xi32>, vector<16xi1>
        tpu.vector_store %arg10[%swap3A_107], %get3A_95 masked %and3A_106 {strides = array<i32>} : memref<2032xi32, #tpu.memory_space<vmem>>, vector<16xi32>, vector<16xi1>
        %swap3A_109 = arith.index_cast %scan3A_92 : i32 to index
        %swap3A_110 = tpu.vector_load %arg11[%swap3A_109] masked %and3A_106 {strides = array<i32>} : memref<2032xi32, #tpu.memory_space<vmem>>, vector<16xi32>, vector<16xi1>
        tpu.vector_store %arg11[%swap3A_109], %sub3A_101 masked %and3A_106 {strides = array<i32>} : memref<2032xi32, #tpu.memory_space<vmem>>, vector<16xi32>, vector<16xi1>
        %convert_element_type3A = arith.extui %and3A_106 : vector<16xi1> to vector<16xi32>
        %reduce_sum3A = arith.constant true
        %reduce_sum3A_111 = vector.broadcast %reduce_sum3A : i1 to vector<16xi1>
        %reduce_sum3A_112 = tpu.scan <sum>, %convert_element_type3A masked %reduce_sum3A_111 : vector<16xi32>, vector<16xi1> -> vector<16xi32>
        %reduce_sum3A_113 = vector.extract %reduce_sum3A_112[15] : i32 from vector<16xi32>
        %add3A_114 = arith.addi %scan3A_92, %reduce_sum3A_113 : i32
        scf.yield %add3A_114 : i32
      }
      %scan3A_53 = arith.constant 125 : i32
      %broadcast_in_dim3A_54 = arith.constant 0 : i32
      %broadcast_in_dim3A_55 = vector.broadcast %broadcast_in_dim3A_54 : i32 to vector<16xi32>
      %swap3A = arith.index_cast %scan3A_52 : i32 to index
      %swap3A_56 = tpu.vector_load %arg10[%swap3A] {strides = array<i32>} : memref<2032xi32, #tpu.memory_space<vmem>>, vector<16xi32>,
      tpu.vector_store %arg10[%swap3A], %broadcast_in_dim3A_55 {strides = array<i32>} : memref<2032xi32, #tpu.memory_space<vmem>>, vector<16xi32>,
      %broadcast_in_dim3A_57 = arith.constant 158 : i32
      %broadcast_in_dim3A_58 = vector.broadcast %broadcast_in_dim3A_57 : i32 to vector<16xi32>
      %swap3A_59 = arith.index_cast %scan3A_52 : i32 to index
      %swap3A_60 = tpu.vector_load %arg11[%swap3A_59] {strides = array<i32>} : memref<2032xi32, #tpu.memory_space<vmem>>, vector<16xi32>,
      tpu.vector_store %arg11[%swap3A_59], %broadcast_in_dim3A_58 {strides = array<i32>} : memref<2032xi32, #tpu.memory_space<vmem>>, vector<16xi32>,
      %add3A_61 = arith.constant 15 : i32
      %add3A_62 = arith.addi %scan3A_52, %add3A_61 : i32
      %jit3A = arith.constant 16 : i32
      %div3A = arith.divsi %add3A_62, %jit3A : i32
      %sign3A = arith.constant 0 : i32
      %sign3A_63 = arith.cmpi sgt, %add3A_62, %sign3A : i32
      %sign3A_64 = arith.extui %sign3A_63 : i1 to i32
      %sign3A_65 = arith.constant 0 : i32
      %sign3A_66 = arith.cmpi slt, %add3A_62, %sign3A_65 : i32
      %sign3A_67 = arith.extui %sign3A_66 : i1 to i32
      %sign3A_68 = arith.subi %sign3A_64, %sign3A_67 : i32
      %sign3A_69 = arith.constant 0 : i32
      %sign3A_70 = arith.cmpi sgt, %jit3A, %sign3A_69 : i32
      %sign3A_71 = arith.extui %sign3A_70 : i1 to i32
      %sign3A_72 = arith.constant 0 : i32
      %sign3A_73 = arith.cmpi slt, %jit3A, %sign3A_72 : i32
      %sign3A_74 = arith.extui %sign3A_73 : i1 to i32
      %sign3A_75 = arith.subi %sign3A_71, %sign3A_74 : i32
      %ne3A = arith.cmpi ne, %sign3A_68, %sign3A_75 : i32
      %rem3A = arith.remsi %add3A_62, %jit3A : i32
      %ne3A_76 = arith.constant 0 : i32
      %ne3A_77 = arith.cmpi ne, %rem3A, %ne3A_76 : i32
      %and3A = arith.andi %ne3A, %ne3A_77 : i1
      %sub3A = arith.constant 1 : i32
      %sub3A_78 = arith.subi %div3A, %sub3A : i32
      %select_n3A = arith.select %and3A, %sub3A_78, %div3A : i32
      %while3A = arith.constant 0 : i32
      %while3A_79 = arith.constant 0 : i32
      %while3A_80 = arith.subi %select_n3A, %while3A : i32
      %while3A_81 = arith.addi %while3A, %while3A_80 : i32
      %while3A_82 = arith.constant 1 : i32
      %while3A_83 = arith.divsi %while3A_80, %while3A_82 : i32
      %while3A_84 = arith.muli %while3A_83, %while3A_82 : i32
      %while3A_85 = arith.addi %while3A, %while3A_84 : i32
      %while3A_86 = arith.constant 1 : i32
      %while3A_87 = scf.for %while3A_91 = %while3A to %while3A_85 step %while3A_86 iter_args(%while3A_92 = %while3A_79) -> (i32)  : i32 {
        %mul3A_93 = arith.constant 16 : i32
        %mul3A_94 = arith.muli %while3A_91, %mul3A_93 : i32
        %dma_start3A = tpu.memref_slice %arg10[%mul3A_94] : memref<2032xi32, #tpu.memory_space<vmem>> -> memref<16xi32, #tpu.memory_space<vmem>>
        %dma_start3A_95 = arith.constant 0 : i32
        %dma_start3A_96 = arith.constant 0 : i32
        %dma_start3A_97 = tpu.memref_slice %arg2[%dma_start3A_95, %dma_start3A_96] : memref<10000x512xf32, #tpu.memory_space<hbm>> -> memref<10000x512xf32, #tpu.memory_space<hbm>>
        tpu.enqueue_indirect_dma source(%dma_start3A_97 : memref<10000x512xf32, #tpu.memory_space<hbm>>) target(%arg12 : memref<16x512xf32, #tpu.memory_space<vmem>>) offsets(%dma_start3A : memref<16xi32, #tpu.memory_space<vmem>>) semaphore(%arg14 : memref<!tpu.dma_semaphore, #tpu.memory_space<semaphore_mem>>)
        %dma_wait3A = tpu.memref_slice %arg10[%mul3A_94] : memref<2032xi32, #tpu.memory_space<vmem>> -> memref<16xi32, #tpu.memory_space<vmem>>
        %dma_wait3A_98 = arith.constant 0 : i32
        %dma_wait3A_99 = arith.constant 0 : i32
        %dma_wait3A_100 = tpu.memref_slice %arg2[%dma_wait3A_98, %dma_wait3A_99] : memref<10000x512xf32, #tpu.memory_space<hbm>> -> memref<10000x512xf32, #tpu.memory_space<hbm>>
        tpu.wait_indirect_dma semaphore(%arg14 : memref<!tpu.dma_semaphore, #tpu.memory_space<semaphore_mem>>) src(%dma_wait3A_100 : memref<10000x512xf32, #tpu.memory_space<hbm>>) dst(%arg12 : memref<16x512xf32, #tpu.memory_space<vmem>>)
        %get3A = arith.index_cast %mul3A_94 : i32 to index
        %get3A_101 = tpu.vector_load %arg11[%get3A] {strides = array<i32>} : memref<2032xi32, #tpu.memory_space<vmem>>, vector<16xi32>,
        %mul3A_102 = arith.constant 512 : i32
        %mul3A_103 = vector.broadcast %mul3A_102 : i32 to vector<16xi32>
        %mul3A_104 = arith.muli %get3A_101, %mul3A_103 : vector<16xi32>
        %scan3A_105 = arith.constant 0 : i32
        %scan3A_106 = arith.constant 0 : i32
        %scan3A_107 = arith.constant 64 : i32
        %scan3A_108 = arith.addi %scan3A_106, %scan3A_107 : i32
        %scan3A_109 = arith.constant 1 : i32
        %scan3A_110 = scf.for %scan3A_113 = %scan3A_106 to %scan3A_108 step %scan3A_109 iter_args(%scan3A_114 = %scan3A_105) -> (i32)  : i32 {
          %mul3A_115 = arith.constant 8 : i32
          %mul3A_116 = arith.muli %scan3A_113, %mul3A_115 : i32
          %add3A_117 = arith.constant 0 : i32
          %add3A_118 = arith.addi %mul3A_116, %add3A_117 : i32
          %add3A_119 = vector.broadcast %add3A_118 : i32 to vector<16xi32>
          %add3A_120 = arith.addi %broadcast_in_dim3A_3, %add3A_119 : vector<16xi32>
          %gather3A = tpu.vector_load_idx %arg12[%iota3A, %add3A_120] : memref<16x512xf32, #tpu.memory_space<vmem>>[vector<16xi32>, vector<16xi32>], vector<16xf32>,
          %add3A_121 = vector.broadcast %add3A_118 : i32 to vector<16xi32>
          %add3A_122 = arith.addi %mul3A_104, %add3A_121 : vector<16xi32>
          tpu.vector_store_idx %arg13[%add3A_122], %gather3A {add = true} : memref<81920xf32, #tpu.memory_space<vmem>>[vector<16xi32>], vector<16xf32>,
          %add3A_123 = arith.constant 1 : i32
          %add3A_124 = arith.addi %mul3A_116, %add3A_123 : i32
          %add3A_125 = vector.broadcast %add3A_124 : i32 to vector<16xi32>
          %add3A_126 = arith.addi %broadcast_in_dim3A_3, %add3A_125 : vector<16xi32>
          %gather3A_127 = tpu.vector_load_idx %arg12[%iota3A, %add3A_126] : memref<16x512xf32, #tpu.memory_space<vmem>>[vector<16xi32>, vector<16xi32>], vector<16xf32>,
          %add3A_128 = vector.broadcast %add3A_124 : i32 to vector<16xi32>
          %add3A_129 = arith.addi %mul3A_104, %add3A_128 : vector<16xi32>
          tpu.vector_store_idx %arg13[%add3A_129], %gather3A_127 {add = true} : memref<81920xf32, #tpu.memory_space<vmem>>[vector<16xi32>], vector<16xf32>,
          %add3A_130 = arith.constant 2 : i32
          %add3A_131 = arith.addi %mul3A_116, %add3A_130 : i32
          %add3A_132 = vector.broadcast %add3A_131 : i32 to vector<16xi32>
          %add3A_133 = arith.addi %broadcast_in_dim3A_3, %add3A_132 : vector<16xi32>
          %gather3A_134 = tpu.vector_load_idx %arg12[%iota3A, %add3A_133] : memref<16x512xf32, #tpu.memory_space<vmem>>[vector<16xi32>, vector<16xi32>], vector<16xf32>,
          %add3A_135 = vector.broadcast %add3A_131 : i32 to vector<16xi32>
          %add3A_136 = arith.addi %mul3A_104, %add3A_135 : vector<16xi32>
          tpu.vector_store_idx %arg13[%add3A_136], %gather3A_134 {add = true} : memref<81920xf32, #tpu.memory_space<vmem>>[vector<16xi32>], vector<16xf32>,
          %add3A_137 = arith.constant 3 : i32
          %add3A_138 = arith.addi %mul3A_116, %add3A_137 : i32
          %add3A_139 = vector.broadcast %add3A_138 : i32 to vector<16xi32>
          %add3A_140 = arith.addi %broadcast_in_dim3A_3, %add3A_139 : vector<16xi32>
          %gather3A_141 = tpu.vector_load_idx %arg12[%iota3A, %add3A_140] : memref<16x512xf32, #tpu.memory_space<vmem>>[vector<16xi32>, vector<16xi32>], vector<16xf32>,
          %add3A_142 = vector.broadcast %add3A_138 : i32 to vector<16xi32>
          %add3A_143 = arith.addi %mul3A_104, %add3A_142 : vector<16xi32>
          tpu.vector_store_idx %arg13[%add3A_143], %gather3A_141 {add = true} : memref<81920xf32, #tpu.memory_space<vmem>>[vector<16xi32>], vector<16xf32>,
          %add3A_144 = arith.constant 4 : i32
          %add3A_145 = arith.addi %mul3A_116, %add3A_144 : i32
          %add3A_146 = vector.broadcast %add3A_145 : i32 to vector<16xi32>
          %add3A_147 = arith.addi %broadcast_in_dim3A_3, %add3A_146 : vector<16xi32>
          %gather3A_148 = tpu.vector_load_idx %arg12[%iota3A, %add3A_147] : memref<16x512xf32, #tpu.memory_space<vmem>>[vector<16xi32>, vector<16xi32>], vector<16xf32>,
          %add3A_149 = vector.broadcast %add3A_145 : i32 to vector<16xi32>
          %add3A_150 = arith.addi %mul3A_104, %add3A_149 : vector<16xi32>
          tpu.vector_store_idx %arg13[%add3A_150], %gather3A_148 {add = true} : memref<81920xf32, #tpu.memory_space<vmem>>[vector<16xi32>], vector<16xf32>,
          %add3A_151 = arith.constant 5 : i32
          %add3A_152 = arith.addi %mul3A_116, %add3A_151 : i32
          %add3A_153 = vector.broadcast %add3A_152 : i32 to vector<16xi32>
          %add3A_154 = arith.addi %broadcast_in_dim3A_3, %add3A_153 : vector<16xi32>
          %gather3A_155 = tpu.vector_load_idx %arg12[%iota3A, %add3A_154] : memref<16x512xf32, #tpu.memory_space<vmem>>[vector<16xi32>, vector<16xi32>], vector<16xf32>,
          %add3A_156 = vector.broadcast %add3A_152 : i32 to vector<16xi32>
          %add3A_157 = arith.addi %mul3A_104, %add3A_156 : vector<16xi32>
          tpu.vector_store_idx %arg13[%add3A_157], %gather3A_155 {add = true} : memref<81920xf32, #tpu.memory_space<vmem>>[vector<16xi32>], vector<16xf32>,
          %add3A_158 = arith.constant 6 : i32
          %add3A_159 = arith.addi %mul3A_116, %add3A_158 : i32
          %add3A_160 = vector.broadcast %add3A_159 : i32 to vector<16xi32>
          %add3A_161 = arith.addi %broadcast_in_dim3A_3, %add3A_160 : vector<16xi32>
          %gather3A_162 = tpu.vector_load_idx %arg12[%iota3A, %add3A_161] : memref<16x512xf32, #tpu.memory_space<vmem>>[vector<16xi32>, vector<16xi32>], vector<16xf32>,
          %add3A_163 = vector.broadcast %add3A_159 : i32 to vector<16xi32>
          %add3A_164 = arith.addi %mul3A_104, %add3A_163 : vector<16xi32>
          tpu.vector_store_idx %arg13[%add3A_164], %gather3A_162 {add = true} : memref<81920xf32, #tpu.memory_space<vmem>>[vector<16xi32>], vector<16xf32>,
          %add3A_165 = arith.constant 7 : i32
          %add3A_166 = arith.addi %mul3A_116, %add3A_165 : i32
          %add3A_167 = vector.broadcast %add3A_166 : i32 to vector<16xi32>
          %add3A_168 = arith.addi %broadcast_in_dim3A_3, %add3A_167 : vector<16xi32>
          %gather3A_169 = tpu.vector_load_idx %arg12[%iota3A, %add3A_168] : memref<16x512xf32, #tpu.memory_space<vmem>>[vector<16xi32>, vector<16xi32>], vector<16xf32>,
          %add3A_170 = vector.broadcast %add3A_166 : i32 to vector<16xi32>
          %add3A_171 = arith.addi %mul3A_104, %add3A_170 : vector<16xi32>
          tpu.vector_store_idx %arg13[%add3A_171], %gather3A_169 {add = true} : memref<81920xf32, #tpu.memory_space<vmem>>[vector<16xi32>], vector<16xf32>,
          %scan3A_172 = arith.constant 0 : i32
          scf.yield %scan3A_172 : i32
        }
        %scan3A_111 = arith.constant 64 : i32
        %while3A_112 = arith.constant 0 : i32
        scf.yield %while3A_112 : i32
      }
      %while3A_88 = arith.constant 1 : i32
      %while3A_89 = scf.for %while3A_91 = %while3A_85 to %while3A_81 step %while3A_88 iter_args(%while3A_92 = %while3A_87) -> (i32)  : i32 {
        %mul3A_93 = arith.constant 16 : i32
        %mul3A_94 = arith.muli %while3A_91, %mul3A_93 : i32
        %dma_start3A = tpu.memref_slice %arg10[%mul3A_94] : memref<2032xi32, #tpu.memory_space<vmem>> -> memref<16xi32, #tpu.memory_space<vmem>>
        %dma_start3A_95 = arith.constant 0 : i32
        %dma_start3A_96 = arith.constant 0 : i32
        %dma_start3A_97 = tpu.memref_slice %arg2[%dma_start3A_95, %dma_start3A_96] : memref<10000x512xf32, #tpu.memory_space<hbm>> -> memref<10000x512xf32, #tpu.memory_space<hbm>>
        tpu.enqueue_indirect_dma source(%dma_start3A_97 : memref<10000x512xf32, #tpu.memory_space<hbm>>) target(%arg12 : memref<16x512xf32, #tpu.memory_space<vmem>>) offsets(%dma_start3A : memref<16xi32, #tpu.memory_space<vmem>>) semaphore(%arg14 : memref<!tpu.dma_semaphore, #tpu.memory_space<semaphore_mem>>)
        %dma_wait3A = tpu.memref_slice %arg10[%mul3A_94] : memref<2032xi32, #tpu.memory_space<vmem>> -> memref<16xi32, #tpu.memory_space<vmem>>
        %dma_wait3A_98 = arith.constant 0 : i32
        %dma_wait3A_99 = arith.constant 0 : i32
        %dma_wait3A_100 = tpu.memref_slice %arg2[%dma_wait3A_98, %dma_wait3A_99] : memref<10000x512xf32, #tpu.memory_space<hbm>> -> memref<10000x512xf32, #tpu.memory_space<hbm>>
        tpu.wait_indirect_dma semaphore(%arg14 : memref<!tpu.dma_semaphore, #tpu.memory_space<semaphore_mem>>) src(%dma_wait3A_100 : memref<10000x512xf32, #tpu.memory_space<hbm>>) dst(%arg12 : memref<16x512xf32, #tpu.memory_space<vmem>>)
        %get3A = arith.index_cast %mul3A_94 : i32 to index
        %get3A_101 = tpu.vector_load %arg11[%get3A] {strides = array<i32>} : memref<2032xi32, #tpu.memory_space<vmem>>, vector<16xi32>,
        %mul3A_102 = arith.constant 512 : i32
        %mul3A_103 = vector.broadcast %mul3A_102 : i32 to vector<16xi32>
        %mul3A_104 = arith.muli %get3A_101, %mul3A_103 : vector<16xi32>
        %scan3A_105 = arith.constant 0 : i32
        %scan3A_106 = arith.constant 0 : i32
        %scan3A_107 = arith.constant 64 : i32
        %scan3A_108 = arith.addi %scan3A_106, %scan3A_107 : i32
        %scan3A_109 = arith.constant 1 : i32
        %scan3A_110 = scf.for %scan3A_113 = %scan3A_106 to %scan3A_108 step %scan3A_109 iter_args(%scan3A_114 = %scan3A_105) -> (i32)  : i32 {
          %mul3A_115 = arith.constant 8 : i32
          %mul3A_116 = arith.muli %scan3A_113, %mul3A_115 : i32
          %add3A_117 = arith.constant 0 : i32
          %add3A_118 = arith.addi %mul3A_116, %add3A_117 : i32
          %add3A_119 = vector.broadcast %add3A_118 : i32 to vector<16xi32>
          %add3A_120 = arith.addi %broadcast_in_dim3A_3, %add3A_119 : vector<16xi32>
          %gather3A = tpu.vector_load_idx %arg12[%iota3A, %add3A_120] : memref<16x512xf32, #tpu.memory_space<vmem>>[vector<16xi32>, vector<16xi32>], vector<16xf32>,
          %add3A_121 = vector.broadcast %add3A_118 : i32 to vector<16xi32>
          %add3A_122 = arith.addi %mul3A_104, %add3A_121 : vector<16xi32>
          tpu.vector_store_idx %arg13[%add3A_122], %gather3A {add = true} : memref<81920xf32, #tpu.memory_space<vmem>>[vector<16xi32>], vector<16xf32>,
          %add3A_123 = arith.constant 1 : i32
          %add3A_124 = arith.addi %mul3A_116, %add3A_123 : i32
          %add3A_125 = vector.broadcast %add3A_124 : i32 to vector<16xi32>
          %add3A_126 = arith.addi %broadcast_in_dim3A_3, %add3A_125 : vector<16xi32>
          %gather3A_127 = tpu.vector_load_idx %arg12[%iota3A, %add3A_126] : memref<16x512xf32, #tpu.memory_space<vmem>>[vector<16xi32>, vector<16xi32>], vector<16xf32>,
          %add3A_128 = vector.broadcast %add3A_124 : i32 to vector<16xi32>
          %add3A_129 = arith.addi %mul3A_104, %add3A_128 : vector<16xi32>
          tpu.vector_store_idx %arg13[%add3A_129], %gather3A_127 {add = true} : memref<81920xf32, #tpu.memory_space<vmem>>[vector<16xi32>], vector<16xf32>,
          %add3A_130 = arith.constant 2 : i32
          %add3A_131 = arith.addi %mul3A_116, %add3A_130 : i32
          %add3A_132 = vector.broadcast %add3A_131 : i32 to vector<16xi32>
          %add3A_133 = arith.addi %broadcast_in_dim3A_3, %add3A_132 : vector<16xi32>
          %gather3A_134 = tpu.vector_load_idx %arg12[%iota3A, %add3A_133] : memref<16x512xf32, #tpu.memory_space<vmem>>[vector<16xi32>, vector<16xi32>], vector<16xf32>,
          %add3A_135 = vector.broadcast %add3A_131 : i32 to vector<16xi32>
          %add3A_136 = arith.addi %mul3A_104, %add3A_135 : vector<16xi32>
          tpu.vector_store_idx %arg13[%add3A_136], %gather3A_134 {add = true} : memref<81920xf32, #tpu.memory_space<vmem>>[vector<16xi32>], vector<16xf32>,
          %add3A_137 = arith.constant 3 : i32
          %add3A_138 = arith.addi %mul3A_116, %add3A_137 : i32
          %add3A_139 = vector.broadcast %add3A_138 : i32 to vector<16xi32>
          %add3A_140 = arith.addi %broadcast_in_dim3A_3, %add3A_139 : vector<16xi32>
          %gather3A_141 = tpu.vector_load_idx %arg12[%iota3A, %add3A_140] : memref<16x512xf32, #tpu.memory_space<vmem>>[vector<16xi32>, vector<16xi32>], vector<16xf32>,
          %add3A_142 = vector.broadcast %add3A_138 : i32 to vector<16xi32>
          %add3A_143 = arith.addi %mul3A_104, %add3A_142 : vector<16xi32>
          tpu.vector_store_idx %arg13[%add3A_143], %gather3A_141 {add = true} : memref<81920xf32, #tpu.memory_space<vmem>>[vector<16xi32>], vector<16xf32>,
          %add3A_144 = arith.constant 4 : i32
          %add3A_145 = arith.addi %mul3A_116, %add3A_144 : i32
          %add3A_146 = vector.broadcast %add3A_145 : i32 to vector<16xi32>
          %add3A_147 = arith.addi %broadcast_in_dim3A_3, %add3A_146 : vector<16xi32>
          %gather3A_148 = tpu.vector_load_idx %arg12[%iota3A, %add3A_147] : memref<16x512xf32, #tpu.memory_space<vmem>>[vector<16xi32>, vector<16xi32>], vector<16xf32>,
          %add3A_149 = vector.broadcast %add3A_145 : i32 to vector<16xi32>
          %add3A_150 = arith.addi %mul3A_104, %add3A_149 : vector<16xi32>
          tpu.vector_store_idx %arg13[%add3A_150], %gather3A_148 {add = true} : memref<81920xf32, #tpu.memory_space<vmem>>[vector<16xi32>], vector<16xf32>,
          %add3A_151 = arith.constant 5 : i32
          %add3A_152 = arith.addi %mul3A_116, %add3A_151 : i32
          %add3A_153 = vector.broadcast %add3A_152 : i32 to vector<16xi32>
          %add3A_154 = arith.addi %broadcast_in_dim3A_3, %add3A_153 : vector<16xi32>
          %gather3A_155 = tpu.vector_load_idx %arg12[%iota3A, %add3A_154] : memref<16x512xf32, #tpu.memory_space<vmem>>[vector<16xi32>, vector<16xi32>], vector<16xf32>,
          %add3A_156 = vector.broadcast %add3A_152 : i32 to vector<16xi32>
          %add3A_157 = arith.addi %mul3A_104, %add3A_156 : vector<16xi32>
          tpu.vector_store_idx %arg13[%add3A_157], %gather3A_155 {add = true} : memref<81920xf32, #tpu.memory_space<vmem>>[vector<16xi32>], vector<16xf32>,
          %add3A_158 = arith.constant 6 : i32
          %add3A_159 = arith.addi %mul3A_116, %add3A_158 : i32
          %add3A_160 = vector.broadcast %add3A_159 : i32 to vector<16xi32>
          %add3A_161 = arith.addi %broadcast_in_dim3A_3, %add3A_160 : vector<16xi32>
          %gather3A_162 = tpu.vector_load_idx %arg12[%iota3A, %add3A_161] : memref<16x512xf32, #tpu.memory_space<vmem>>[vector<16xi32>, vector<16xi32>], vector<16xf32>,
          %add3A_163 = vector.broadcast %add3A_159 : i32 to vector<16xi32>
          %add3A_164 = arith.addi %mul3A_104, %add3A_163 : vector<16xi32>
          tpu.vector_store_idx %arg13[%add3A_164], %gather3A_162 {add = true} : memref<81920xf32, #tpu.memory_space<vmem>>[vector<16xi32>], vector<16xf32>,
          %add3A_165 = arith.constant 7 : i32
          %add3A_166 = arith.addi %mul3A_116, %add3A_165 : i32
          %add3A_167 = vector.broadcast %add3A_166 : i32 to vector<16xi32>
          %add3A_168 = arith.addi %broadcast_in_dim3A_3, %add3A_167 : vector<16xi32>
          %gather3A_169 = tpu.vector_load_idx %arg12[%iota3A, %add3A_168] : memref<16x512xf32, #tpu.memory_space<vmem>>[vector<16xi32>, vector<16xi32>], vector<16xf32>,
          %add3A_170 = vector.broadcast %add3A_166 : i32 to vector<16xi32>
          %add3A_171 = arith.addi %mul3A_104, %add3A_170 : vector<16xi32>
          tpu.vector_store_idx %arg13[%add3A_171], %gather3A_169 {add = true} : memref<81920xf32, #tpu.memory_space<vmem>>[vector<16xi32>], vector<16xf32>,
          %scan3A_172 = arith.constant 0 : i32
          scf.yield %scan3A_172 : i32
        }
        %scan3A_111 = arith.constant 64 : i32
        %while3A_112 = arith.constant 0 : i32
        scf.yield %while3A_112 : i32
      }
      %scan3A_90 = arith.constant 0 : i32
      scf.yield %scan3A_90 : i32
    }
    %scan3A_40 = arith.constant 80 : i32
    %mul3A_41 = arith.constant 81920 : i32
    %mul3A_42 = arith.muli %add3A_24, %mul3A_41 : i32
    "tpu.region"() ({
      %run_scoped3A = tpu.sem_alloc : memref<!tpu.dma_semaphore, #tpu.memory_space<semaphore_mem>>
      %dma_start3A = tpu.memref_slice %arg7[%mul3A_42] : memref<5242880xf32, #tpu.memory_space<hbm>> -> memref<81920xf32, #tpu.memory_space<hbm>>
      %dma_start3A_43 = tpu.memref_slice %arg7[%mul3A_42] : memref<5242880xf32, #tpu.memory_space<hbm>> -> memref<81920xf32, #tpu.memory_space<hbm>>
      tpu.enqueue_dma source(%arg13 : memref<81920xf32, #tpu.memory_space<vmem>>) target(%dma_start3A_43 : memref<81920xf32, #tpu.memory_space<hbm>>) target_semaphore(%run_scoped3A : memref<!tpu.dma_semaphore, #tpu.memory_space<semaphore_mem>>)
      %dma_wait3A = tpu.memref_slice %arg7[%mul3A_42] : memref<5242880xf32, #tpu.memory_space<hbm>> -> memref<81920xf32, #tpu.memory_space<hbm>>
      %dma_wait3A_44 = tpu.memref_slice %arg7[%mul3A_42] : memref<5242880xf32, #tpu.memory_space<hbm>> -> memref<81920xf32, #tpu.memory_space<hbm>>
      tpu.wait_dma2 semaphore(%run_scoped3A : memref<!tpu.dma_semaphore, #tpu.memory_space<semaphore_mem>>) src(%arg13 : memref<81920xf32, #tpu.memory_space<vmem>>) dst(%dma_wait3A_44 : memref<81920xf32, #tpu.memory_space<hbm>>)
      tpu.yield
    }) : () -> ()
    return
  }
}

#map = affine_map<(d0, d1) -> (0, 0)>
#map1 = affine_map<(d0, d1) -> (0)>
module attributes {stable_mosaic.version = 14 : i64} {
  func.func @body2(%arg0: i32, %arg1: i32, %arg2: memref<10000x512xf32, #tpu.memory_space<hbm>>, %arg3: memref<160000xi32, #tpu.memory_space<hbm>>, %arg4: memref<160000xi32, #tpu.memory_space<hbm>>, %arg5: memref<10000xf32, #tpu.memory_space<hbm>>, %arg6: memref<10000xf32, #tpu.memory_space<hbm>>, %arg7: memref<5242880xf32, #tpu.memory_space<hbm>>, %arg8: memref<10240xf32, #tpu.memory_space<hbm>>, %arg9: memref<2000xi32, #tpu.memory_space<vmem>>, %arg10: memref<2000xi32, #tpu.memory_space<vmem>>, %arg11: memref<2032xi32, #tpu.memory_space<vmem>>, %arg12: memref<2032xi32, #tpu.memory_space<vmem>>, %arg13: memref<2032xf32, #tpu.memory_space<vmem>>, %arg14: memref<10000xf32, #tpu.memory_space<vmem>>, %arg15: memref<10000xf32, #tpu.memory_space<vmem>>, %arg16: memref<16x512xf32, #tpu.memory_space<vmem>>, %arg17: memref<81920xf32, #tpu.memory_space<vmem>>, %arg18: memref<160xf32, #tpu.memory_space<vmem>>, %arg19: memref<!tpu.dma_semaphore, #tpu.memory_space<semaphore_mem>>) attributes {dimension_semantics = [#tpu.dimension_semantics<core_parallel>, #tpu.dimension_semantics<subcore_parallel>], iteration_bounds = array<i64: 2, 16>, scalar_prefetch = 0 : i64, scratch_operands = 11 : i64, tpu.core_type = #tpu.core_type<sc_vector_subcore>, window_params = [{transform_indices = #map}, {transform_indices = #map1}, {transform_indices = #map1}, {transform_indices = #map1}, {transform_indices = #map1}, {transform_indices = #map1}, {transform_indices = #map1}]} {
    %mul3A = arith.constant 16 : i32
    %mul3A_0 = arith.muli %arg0, %mul3A : i32
    %add3A = arith.addi %mul3A_0, %arg1 : i32
    "tpu.region"() ({
      %run_scoped3A = tpu.sem_alloc : memref<!tpu.dma_semaphore, #tpu.memory_space<semaphore_mem>>
      tpu.enqueue_dma source(%arg5 : memref<10000xf32, #tpu.memory_space<hbm>>) target(%arg14 : memref<10000xf32, #tpu.memory_space<vmem>>) target_semaphore(%run_scoped3A : memref<!tpu.dma_semaphore, #tpu.memory_space<semaphore_mem>>)
      tpu.wait_dma2 semaphore(%run_scoped3A : memref<!tpu.dma_semaphore, #tpu.memory_space<semaphore_mem>>) src(%arg5 : memref<10000xf32, #tpu.memory_space<hbm>>) dst(%arg14 : memref<10000xf32, #tpu.memory_space<vmem>>)
      tpu.yield
    }) : () -> ()
    "tpu.region"() ({
      %run_scoped3A = tpu.sem_alloc : memref<!tpu.dma_semaphore, #tpu.memory_space<semaphore_mem>>
      tpu.enqueue_dma source(%arg6 : memref<10000xf32, #tpu.memory_space<hbm>>) target(%arg15 : memref<10000xf32, #tpu.memory_space<vmem>>) target_semaphore(%run_scoped3A : memref<!tpu.dma_semaphore, #tpu.memory_space<semaphore_mem>>)
      tpu.wait_dma2 semaphore(%run_scoped3A : memref<!tpu.dma_semaphore, #tpu.memory_space<semaphore_mem>>) src(%arg6 : memref<10000xf32, #tpu.memory_space<hbm>>) dst(%arg15 : memref<10000xf32, #tpu.memory_space<vmem>>)
      tpu.yield
    }) : () -> ()
    %broadcast_in_dim3A = arith.constant 0.000000e+00 : f32
    %broadcast_in_dim3A_1 = vector.broadcast %broadcast_in_dim3A : f32 to vector<16xf32>
    %broadcast_in_dim3A_2 = arith.constant 0 : i32
    %broadcast_in_dim3A_3 = vector.broadcast %broadcast_in_dim3A_2 : i32 to vector<16xi32>
    %iota3A = tpu.iota {dimensions = array<i32: 0>} : vector<16xi32>
    %add3A_4 = arith.constant 0 : i32
    %add3A_5 = arith.addi %add3A_4, %add3A : i32
    %mul3A_6 = arith.constant 157 : i32
    %mul3A_7 = arith.muli %add3A_5, %mul3A_6 : i32
    %scan3A = arith.constant 0 : i32
    %scan3A_8 = arith.constant 0 : i32
    %scan3A_9 = arith.constant 640 : i32
    %scan3A_10 = arith.addi %scan3A_8, %scan3A_9 : i32
    %scan3A_11 = arith.constant 1 : i32
    %scan3A_12 = scf.for %scan3A_86 = %scan3A_8 to %scan3A_10 step %scan3A_11 iter_args(%scan3A_87 = %scan3A) -> (i32)  : i32 {
      %mul3A_88 = arith.constant 8 : i32
      %mul3A_89 = arith.muli %scan3A_86, %mul3A_88 : i32
      %add3A_90 = arith.constant 0 : i32
      %add3A_91 = arith.addi %mul3A_89, %add3A_90 : i32
      %mul3A_92 = arith.constant 16 : i32
      %mul3A_93 = arith.muli %add3A_91, %mul3A_92 : i32
      %swap3A_94 = arith.index_cast %mul3A_93 : i32 to index
      %swap3A_95 = tpu.vector_load %arg17[%swap3A_94] {strides = array<i32>} : memref<81920xf32, #tpu.memory_space<vmem>>, vector<16xf32>,
      tpu.vector_store %arg17[%swap3A_94], %broadcast_in_dim3A_1 {strides = array<i32>} : memref<81920xf32, #tpu.memory_space<vmem>>, vector<16xf32>,
      %mul3A_96 = arith.constant 8 : i32
      %mul3A_97 = arith.muli %scan3A_86, %mul3A_96 : i32
      %add3A_98 = arith.constant 1 : i32
      %add3A_99 = arith.addi %mul3A_97, %add3A_98 : i32
      %mul3A_100 = arith.constant 16 : i32
      %mul3A_101 = arith.muli %add3A_99, %mul3A_100 : i32
      %swap3A_102 = arith.index_cast %mul3A_101 : i32 to index
      %swap3A_103 = tpu.vector_load %arg17[%swap3A_102] {strides = array<i32>} : memref<81920xf32, #tpu.memory_space<vmem>>, vector<16xf32>,
      tpu.vector_store %arg17[%swap3A_102], %broadcast_in_dim3A_1 {strides = array<i32>} : memref<81920xf32, #tpu.memory_space<vmem>>, vector<16xf32>,
      %mul3A_104 = arith.constant 8 : i32
      %mul3A_105 = arith.muli %scan3A_86, %mul3A_104 : i32
      %add3A_106 = arith.constant 2 : i32
      %add3A_107 = arith.addi %mul3A_105, %add3A_106 : i32
      %mul3A_108 = arith.constant 16 : i32
      %mul3A_109 = arith.muli %add3A_107, %mul3A_108 : i32
      %swap3A_110 = arith.index_cast %mul3A_109 : i32 to index
      %swap3A_111 = tpu.vector_load %arg17[%swap3A_110] {strides = array<i32>} : memref<81920xf32, #tpu.memory_space<vmem>>, vector<16xf32>,
      tpu.vector_store %arg17[%swap3A_110], %broadcast_in_dim3A_1 {strides = array<i32>} : memref<81920xf32, #tpu.memory_space<vmem>>, vector<16xf32>,
      %mul3A_112 = arith.constant 8 : i32
      %mul3A_113 = arith.muli %scan3A_86, %mul3A_112 : i32
      %add3A_114 = arith.constant 3 : i32
      %add3A_115 = arith.addi %mul3A_113, %add3A_114 : i32
      %mul3A_116 = arith.constant 16 : i32
      %mul3A_117 = arith.muli %add3A_115, %mul3A_116 : i32
      %swap3A_118 = arith.index_cast %mul3A_117 : i32 to index
      %swap3A_119 = tpu.vector_load %arg17[%swap3A_118] {strides = array<i32>} : memref<81920xf32, #tpu.memory_space<vmem>>, vector<16xf32>,
      tpu.vector_store %arg17[%swap3A_118], %broadcast_in_dim3A_1 {strides = array<i32>} : memref<81920xf32, #tpu.memory_space<vmem>>, vector<16xf32>,
      %mul3A_120 = arith.constant 8 : i32
      %mul3A_121 = arith.muli %scan3A_86, %mul3A_120 : i32
      %add3A_122 = arith.constant 4 : i32
      %add3A_123 = arith.addi %mul3A_121, %add3A_122 : i32
      %mul3A_124 = arith.constant 16 : i32
      %mul3A_125 = arith.muli %add3A_123, %mul3A_124 : i32
      %swap3A_126 = arith.index_cast %mul3A_125 : i32 to index
      %swap3A_127 = tpu.vector_load %arg17[%swap3A_126] {strides = array<i32>} : memref<81920xf32, #tpu.memory_space<vmem>>, vector<16xf32>,
      tpu.vector_store %arg17[%swap3A_126], %broadcast_in_dim3A_1 {strides = array<i32>} : memref<81920xf32, #tpu.memory_space<vmem>>, vector<16xf32>,
      %mul3A_128 = arith.constant 8 : i32
      %mul3A_129 = arith.muli %scan3A_86, %mul3A_128 : i32
      %add3A_130 = arith.constant 5 : i32
      %add3A_131 = arith.addi %mul3A_129, %add3A_130 : i32
      %mul3A_132 = arith.constant 16 : i32
      %mul3A_133 = arith.muli %add3A_131, %mul3A_132 : i32
      %swap3A_134 = arith.index_cast %mul3A_133 : i32 to index
      %swap3A_135 = tpu.vector_load %arg17[%swap3A_134] {strides = array<i32>} : memref<81920xf32, #tpu.memory_space<vmem>>, vector<16xf32>,
      tpu.vector_store %arg17[%swap3A_134], %broadcast_in_dim3A_1 {strides = array<i32>} : memref<81920xf32, #tpu.memory_space<vmem>>, vector<16xf32>,
      %mul3A_136 = arith.constant 8 : i32
      %mul3A_137 = arith.muli %scan3A_86, %mul3A_136 : i32
      %add3A_138 = arith.constant 6 : i32
      %add3A_139 = arith.addi %mul3A_137, %add3A_138 : i32
      %mul3A_140 = arith.constant 16 : i32
      %mul3A_141 = arith.muli %add3A_139, %mul3A_140 : i32
      %swap3A_142 = arith.index_cast %mul3A_141 : i32 to index
      %swap3A_143 = tpu.vector_load %arg17[%swap3A_142] {strides = array<i32>} : memref<81920xf32, #tpu.memory_space<vmem>>, vector<16xf32>,
      tpu.vector_store %arg17[%swap3A_142], %broadcast_in_dim3A_1 {strides = array<i32>} : memref<81920xf32, #tpu.memory_space<vmem>>, vector<16xf32>,
      %mul3A_144 = arith.constant 8 : i32
      %mul3A_145 = arith.muli %scan3A_86, %mul3A_144 : i32
      %add3A_146 = arith.constant 7 : i32
      %add3A_147 = arith.addi %mul3A_145, %add3A_146 : i32
      %mul3A_148 = arith.constant 16 : i32
      %mul3A_149 = arith.muli %add3A_147, %mul3A_148 : i32
      %swap3A_150 = arith.index_cast %mul3A_149 : i32 to index
      %swap3A_151 = tpu.vector_load %arg17[%swap3A_150] {strides = array<i32>} : memref<81920xf32, #tpu.memory_space<vmem>>, vector<16xf32>,
      tpu.vector_store %arg17[%swap3A_150], %broadcast_in_dim3A_1 {strides = array<i32>} : memref<81920xf32, #tpu.memory_space<vmem>>, vector<16xf32>,
      %scan3A_152 = arith.constant 0 : i32
      scf.yield %scan3A_152 : i32
    }
    %scan3A_13 = arith.constant 640 : i32
    %swap3A = arith.constant 0 : index
    %swap3A_14 = tpu.vector_load %arg18[%swap3A] {strides = array<i32>} : memref<160xf32, #tpu.memory_space<vmem>>, vector<16xf32>,
    tpu.vector_store %arg18[%swap3A], %broadcast_in_dim3A_1 {strides = array<i32>} : memref<160xf32, #tpu.memory_space<vmem>>, vector<16xf32>,
    %swap3A_15 = arith.constant 16 : index
    %swap3A_16 = tpu.vector_load %arg18[%swap3A_15] {strides = array<i32>} : memref<160xf32, #tpu.memory_space<vmem>>, vector<16xf32>,
    tpu.vector_store %arg18[%swap3A_15], %broadcast_in_dim3A_1 {strides = array<i32>} : memref<160xf32, #tpu.memory_space<vmem>>, vector<16xf32>,
    %swap3A_17 = arith.constant 32 : index
    %swap3A_18 = tpu.vector_load %arg18[%swap3A_17] {strides = array<i32>} : memref<160xf32, #tpu.memory_space<vmem>>, vector<16xf32>,
    tpu.vector_store %arg18[%swap3A_17], %broadcast_in_dim3A_1 {strides = array<i32>} : memref<160xf32, #tpu.memory_space<vmem>>, vector<16xf32>,
    %swap3A_19 = arith.constant 48 : index
    %swap3A_20 = tpu.vector_load %arg18[%swap3A_19] {strides = array<i32>} : memref<160xf32, #tpu.memory_space<vmem>>, vector<16xf32>,
    tpu.vector_store %arg18[%swap3A_19], %broadcast_in_dim3A_1 {strides = array<i32>} : memref<160xf32, #tpu.memory_space<vmem>>, vector<16xf32>,
    %swap3A_21 = arith.constant 64 : index
    %swap3A_22 = tpu.vector_load %arg18[%swap3A_21] {strides = array<i32>} : memref<160xf32, #tpu.memory_space<vmem>>, vector<16xf32>,
    tpu.vector_store %arg18[%swap3A_21], %broadcast_in_dim3A_1 {strides = array<i32>} : memref<160xf32, #tpu.memory_space<vmem>>, vector<16xf32>,
    %swap3A_23 = arith.constant 80 : index
    %swap3A_24 = tpu.vector_load %arg18[%swap3A_23] {strides = array<i32>} : memref<160xf32, #tpu.memory_space<vmem>>, vector<16xf32>,
    tpu.vector_store %arg18[%swap3A_23], %broadcast_in_dim3A_1 {strides = array<i32>} : memref<160xf32, #tpu.memory_space<vmem>>, vector<16xf32>,
    %swap3A_25 = arith.constant 96 : index
    %swap3A_26 = tpu.vector_load %arg18[%swap3A_25] {strides = array<i32>} : memref<160xf32, #tpu.memory_space<vmem>>, vector<16xf32>,
    tpu.vector_store %arg18[%swap3A_25], %broadcast_in_dim3A_1 {strides = array<i32>} : memref<160xf32, #tpu.memory_space<vmem>>, vector<16xf32>,
    %swap3A_27 = arith.constant 112 : index
    %swap3A_28 = tpu.vector_load %arg18[%swap3A_27] {strides = array<i32>} : memref<160xf32, #tpu.memory_space<vmem>>, vector<16xf32>,
    tpu.vector_store %arg18[%swap3A_27], %broadcast_in_dim3A_1 {strides = array<i32>} : memref<160xf32, #tpu.memory_space<vmem>>, vector<16xf32>,
    %swap3A_29 = arith.constant 128 : index
    %swap3A_30 = tpu.vector_load %arg18[%swap3A_29] {strides = array<i32>} : memref<160xf32, #tpu.memory_space<vmem>>, vector<16xf32>,
    tpu.vector_store %arg18[%swap3A_29], %broadcast_in_dim3A_1 {strides = array<i32>} : memref<160xf32, #tpu.memory_space<vmem>>, vector<16xf32>,
    %swap3A_31 = arith.constant 144 : index
    %swap3A_32 = tpu.vector_load %arg18[%swap3A_31] {strides = array<i32>} : memref<160xf32, #tpu.memory_space<vmem>>, vector<16xf32>,
    tpu.vector_store %arg18[%swap3A_31], %broadcast_in_dim3A_1 {strides = array<i32>} : memref<160xf32, #tpu.memory_space<vmem>>, vector<16xf32>,
    %scan3A_33 = arith.constant 0 : i32
    %scan3A_34 = arith.constant 0 : i32
    %scan3A_35 = arith.constant 80 : i32
    %scan3A_36 = arith.addi %scan3A_34, %scan3A_35 : i32
    %scan3A_37 = arith.constant 1 : i32
    %scan3A_38 = scf.for %scan3A_86 = %scan3A_34 to %scan3A_36 step %scan3A_37 iter_args(%scan3A_87 = %scan3A_33) -> (i32)  : i32 {
      %mul3A_88 = arith.constant 2000 : i32
      %mul3A_89 = arith.muli %scan3A_86, %mul3A_88 : i32
      "tpu.region"() ({
        %run_scoped3A = tpu.sem_alloc : memref<!tpu.dma_semaphore, #tpu.memory_space<semaphore_mem>>
        %dma_start3A = tpu.memref_slice %arg3[%mul3A_89] : memref<160000xi32, #tpu.memory_space<hbm>> -> memref<2000xi32, #tpu.memory_space<hbm>>
        %dma_start3A_137 = tpu.memref_slice %arg3[%mul3A_89] : memref<160000xi32, #tpu.memory_space<hbm>> -> memref<2000xi32, #tpu.memory_space<hbm>>
        tpu.enqueue_dma source(%dma_start3A_137 : memref<2000xi32, #tpu.memory_space<hbm>>) target(%arg9 : memref<2000xi32, #tpu.memory_space<vmem>>) target_semaphore(%run_scoped3A : memref<!tpu.dma_semaphore, #tpu.memory_space<semaphore_mem>>)
        %dma_wait3A = tpu.memref_slice %arg3[%mul3A_89] : memref<160000xi32, #tpu.memory_space<hbm>> -> memref<2000xi32, #tpu.memory_space<hbm>>
        %dma_wait3A_138 = tpu.memref_slice %arg3[%mul3A_89] : memref<160000xi32, #tpu.memory_space<hbm>> -> memref<2000xi32, #tpu.memory_space<hbm>>
        tpu.wait_dma2 semaphore(%run_scoped3A : memref<!tpu.dma_semaphore, #tpu.memory_space<semaphore_mem>>) src(%dma_wait3A_138 : memref<2000xi32, #tpu.memory_space<hbm>>) dst(%arg9 : memref<2000xi32, #tpu.memory_space<vmem>>)
        tpu.yield
      }) : () -> ()
      "tpu.region"() ({
        %run_scoped3A = tpu.sem_alloc : memref<!tpu.dma_semaphore, #tpu.memory_space<semaphore_mem>>
        %dma_start3A = tpu.memref_slice %arg4[%mul3A_89] : memref<160000xi32, #tpu.memory_space<hbm>> -> memref<2000xi32, #tpu.memory_space<hbm>>
        %dma_start3A_137 = tpu.memref_slice %arg4[%mul3A_89] : memref<160000xi32, #tpu.memory_space<hbm>> -> memref<2000xi32, #tpu.memory_space<hbm>>
        tpu.enqueue_dma source(%dma_start3A_137 : memref<2000xi32, #tpu.memory_space<hbm>>) target(%arg10 : memref<2000xi32, #tpu.memory_space<vmem>>) target_semaphore(%run_scoped3A : memref<!tpu.dma_semaphore, #tpu.memory_space<semaphore_mem>>)
        %dma_wait3A = tpu.memref_slice %arg4[%mul3A_89] : memref<160000xi32, #tpu.memory_space<hbm>> -> memref<2000xi32, #tpu.memory_space<hbm>>
        %dma_wait3A_138 = tpu.memref_slice %arg4[%mul3A_89] : memref<160000xi32, #tpu.memory_space<hbm>> -> memref<2000xi32, #tpu.memory_space<hbm>>
        tpu.wait_dma2 semaphore(%run_scoped3A : memref<!tpu.dma_semaphore, #tpu.memory_space<semaphore_mem>>) src(%dma_wait3A_138 : memref<2000xi32, #tpu.memory_space<hbm>>) dst(%arg10 : memref<2000xi32, #tpu.memory_space<vmem>>)
        tpu.yield
      }) : () -> ()
      %scan3A_90 = arith.constant 0 : i32
      %scan3A_91 = arith.constant 0 : i32
      %scan3A_92 = arith.constant 125 : i32
      %scan3A_93 = arith.addi %scan3A_91, %scan3A_92 : i32
      %scan3A_94 = arith.constant 1 : i32
      %scan3A_95 = scf.for %scan3A_137 = %scan3A_91 to %scan3A_93 step %scan3A_94 iter_args(%scan3A_138 = %scan3A_90) -> (i32)  : i32 {
        %mul3A_139 = arith.constant 16 : i32
        %mul3A_140 = arith.muli %scan3A_137, %mul3A_139 : i32
        %get3A = arith.index_cast %mul3A_140 : i32 to index
        %get3A_141 = tpu.vector_load %arg9[%get3A] {strides = array<i32>} : memref<2000xi32, #tpu.memory_space<vmem>>, vector<16xi32>,
        %mul3A_142 = arith.constant 16 : i32
        %mul3A_143 = arith.muli %scan3A_137, %mul3A_142 : i32
        %get3A_144 = arith.index_cast %mul3A_143 : i32 to index
        %get3A_145 = tpu.vector_load %arg10[%get3A_144] {strides = array<i32>} : memref<2000xi32, #tpu.memory_space<vmem>>, vector<16xi32>,
        %sub3A_146 = vector.broadcast %mul3A_7 : i32 to vector<16xi32>
        %sub3A_147 = arith.subi %get3A_145, %sub3A_146 : vector<16xi32>
        %ge3A = arith.constant 0 : i32
        %ge3A_148 = vector.broadcast %ge3A : i32 to vector<16xi32>
        %ge3A_149 = arith.cmpi sge, %sub3A_147, %ge3A_148 : vector<16xi32>
        %lt3A = arith.constant 157 : i32
        %lt3A_150 = vector.broadcast %lt3A : i32 to vector<16xi32>
        %lt3A_151 = arith.cmpi slt, %sub3A_147, %lt3A_150 : vector<16xi32>
        %and3A_152 = arith.andi %ge3A_149, %lt3A_151 : vector<16xi1>
        %swap3A_153 = arith.index_cast %scan3A_138 : i32 to index
        %swap3A_154 = tpu.vector_load %arg11[%swap3A_153] masked %and3A_152 {strides = array<i32>} : memref<2032xi32, #tpu.memory_space<vmem>>, vector<16xi32>, vector<16xi1>
        tpu.vector_store %arg11[%swap3A_153], %get3A_141 masked %and3A_152 {strides = array<i32>} : memref<2032xi32, #tpu.memory_space<vmem>>, vector<16xi32>, vector<16xi1>
        %swap3A_155 = arith.index_cast %scan3A_138 : i32 to index
        %swap3A_156 = tpu.vector_load %arg12[%swap3A_155] masked %and3A_152 {strides = array<i32>} : memref<2032xi32, #tpu.memory_space<vmem>>, vector<16xi32>, vector<16xi1>
        tpu.vector_store %arg12[%swap3A_155], %sub3A_147 masked %and3A_152 {strides = array<i32>} : memref<2032xi32, #tpu.memory_space<vmem>>, vector<16xi32>, vector<16xi1>
        %gather3A = tpu.vector_load_idx %arg14[%get3A_141] : memref<10000xf32, #tpu.memory_space<vmem>>[vector<16xi32>], vector<16xf32>,
        %gather3A_157 = tpu.vector_load_idx %arg15[%get3A_145] : memref<10000xf32, #tpu.memory_space<vmem>>[vector<16xi32>], vector<16xf32>,
        %add3A_158 = arith.addf %gather3A, %gather3A_157 : vector<16xf32>
        %gt3A = arith.constant 0.000000e+00 : f32
        %gt3A_159 = vector.broadcast %gt3A : f32 to vector<16xf32>
        %gt3A_160 = arith.cmpf ogt, %add3A_158, %gt3A_159 : vector<16xf32>
        %mul3A_161 = arith.constant 2.000000e-01 : f32
        %mul3A_162 = vector.broadcast %mul3A_161 : f32 to vector<16xf32>
        %mul3A_163 = arith.mulf %mul3A_162, %add3A_158 : vector<16xf32>
        %select_n3A_164 = arith.select %gt3A_160, %add3A_158, %mul3A_163 : vector<16xi1>, vector<16xf32>
        %exp3A = math.exp %select_n3A_164 : vector<16xf32>
        %swap3A_165 = arith.index_cast %scan3A_138 : i32 to index
        %swap3A_166 = tpu.vector_load %arg13[%swap3A_165] masked %and3A_152 {strides = array<i32>} : memref<2032xf32, #tpu.memory_space<vmem>>, vector<16xf32>, vector<16xi1>
        tpu.vector_store %arg13[%swap3A_165], %exp3A masked %and3A_152 {strides = array<i32>} : memref<2032xf32, #tpu.memory_space<vmem>>, vector<16xf32>, vector<16xi1>
        %convert_element_type3A = arith.extui %and3A_152 : vector<16xi1> to vector<16xi32>
        %reduce_sum3A = arith.constant true
        %reduce_sum3A_167 = vector.broadcast %reduce_sum3A : i1 to vector<16xi1>
        %reduce_sum3A_168 = tpu.scan <sum>, %convert_element_type3A masked %reduce_sum3A_167 : vector<16xi32>, vector<16xi1> -> vector<16xi32>
        %reduce_sum3A_169 = vector.extract %reduce_sum3A_168[15] : i32 from vector<16xi32>
        %add3A_170 = arith.addi %scan3A_138, %reduce_sum3A_169 : i32
        scf.yield %add3A_170 : i32
      }
      %scan3A_96 = arith.constant 125 : i32
      %broadcast_in_dim3A_97 = arith.constant 0 : i32
      %broadcast_in_dim3A_98 = vector.broadcast %broadcast_in_dim3A_97 : i32 to vector<16xi32>
      %swap3A_99 = arith.index_cast %scan3A_95 : i32 to index
      %swap3A_100 = tpu.vector_load %arg11[%swap3A_99] {strides = array<i32>} : memref<2032xi32, #tpu.memory_space<vmem>>, vector<16xi32>,
      tpu.vector_store %arg11[%swap3A_99], %broadcast_in_dim3A_98 {strides = array<i32>} : memref<2032xi32, #tpu.memory_space<vmem>>, vector<16xi32>,
      %broadcast_in_dim3A_101 = arith.constant 158 : i32
      %broadcast_in_dim3A_102 = vector.broadcast %broadcast_in_dim3A_101 : i32 to vector<16xi32>
      %swap3A_103 = arith.index_cast %scan3A_95 : i32 to index
      %swap3A_104 = tpu.vector_load %arg12[%swap3A_103] {strides = array<i32>} : memref<2032xi32, #tpu.memory_space<vmem>>, vector<16xi32>,
      tpu.vector_store %arg12[%swap3A_103], %broadcast_in_dim3A_102 {strides = array<i32>} : memref<2032xi32, #tpu.memory_space<vmem>>, vector<16xi32>,
      %swap3A_105 = arith.index_cast %scan3A_95 : i32 to index
      %swap3A_106 = tpu.vector_load %arg13[%swap3A_105] {strides = array<i32>} : memref<2032xf32, #tpu.memory_space<vmem>>, vector<16xf32>,
      tpu.vector_store %arg13[%swap3A_105], %broadcast_in_dim3A_1 {strides = array<i32>} : memref<2032xf32, #tpu.memory_space<vmem>>, vector<16xf32>,
      %add3A_107 = arith.constant 15 : i32
      %add3A_108 = arith.addi %scan3A_95, %add3A_107 : i32
      %jit3A = arith.constant 16 : i32
      %div3A = arith.divsi %add3A_108, %jit3A : i32
      %sign3A = arith.constant 0 : i32
      %sign3A_109 = arith.cmpi sgt, %add3A_108, %sign3A : i32
      %sign3A_110 = arith.extui %sign3A_109 : i1 to i32
      %sign3A_111 = arith.constant 0 : i32
      %sign3A_112 = arith.cmpi slt, %add3A_108, %sign3A_111 : i32
      %sign3A_113 = arith.extui %sign3A_112 : i1 to i32
      %sign3A_114 = arith.subi %sign3A_110, %sign3A_113 : i32
      %sign3A_115 = arith.constant 0 : i32
      %sign3A_116 = arith.cmpi sgt, %jit3A, %sign3A_115 : i32
      %sign3A_117 = arith.extui %sign3A_116 : i1 to i32
      %sign3A_118 = arith.constant 0 : i32
      %sign3A_119 = arith.cmpi slt, %jit3A, %sign3A_118 : i32
      %sign3A_120 = arith.extui %sign3A_119 : i1 to i32
      %sign3A_121 = arith.subi %sign3A_117, %sign3A_120 : i32
      %ne3A = arith.cmpi ne, %sign3A_114, %sign3A_121 : i32
      %rem3A = arith.remsi %add3A_108, %jit3A : i32
      %ne3A_122 = arith.constant 0 : i32
      %ne3A_123 = arith.cmpi ne, %rem3A, %ne3A_122 : i32
      %and3A = arith.andi %ne3A, %ne3A_123 : i1
      %sub3A = arith.constant 1 : i32
      %sub3A_124 = arith.subi %div3A, %sub3A : i32
      %select_n3A = arith.select %and3A, %sub3A_124, %div3A : i32
      %while3A = arith.constant 0 : i32
      %while3A_125 = arith.constant 0 : i32
      %while3A_126 = arith.subi %select_n3A, %while3A : i32
      %while3A_127 = arith.addi %while3A, %while3A_126 : i32
      %while3A_128 = arith.constant 1 : i32
      %while3A_129 = arith.divsi %while3A_126, %while3A_128 : i32
      %while3A_130 = arith.muli %while3A_129, %while3A_128 : i32
      %while3A_131 = arith.addi %while3A, %while3A_130 : i32
      %while3A_132 = arith.constant 1 : i32
      %while3A_133 = scf.for %while3A_137 = %while3A to %while3A_131 step %while3A_132 iter_args(%while3A_138 = %while3A_125) -> (i32)  : i32 {
        %mul3A_139 = arith.constant 16 : i32
        %mul3A_140 = arith.muli %while3A_137, %mul3A_139 : i32
        %dma_start3A = tpu.memref_slice %arg11[%mul3A_140] : memref<2032xi32, #tpu.memory_space<vmem>> -> memref<16xi32, #tpu.memory_space<vmem>>
        %dma_start3A_141 = arith.constant 0 : i32
        %dma_start3A_142 = arith.constant 0 : i32
        %dma_start3A_143 = tpu.memref_slice %arg2[%dma_start3A_141, %dma_start3A_142] : memref<10000x512xf32, #tpu.memory_space<hbm>> -> memref<10000x512xf32, #tpu.memory_space<hbm>>
        tpu.enqueue_indirect_dma source(%dma_start3A_143 : memref<10000x512xf32, #tpu.memory_space<hbm>>) target(%arg16 : memref<16x512xf32, #tpu.memory_space<vmem>>) offsets(%dma_start3A : memref<16xi32, #tpu.memory_space<vmem>>) semaphore(%arg19 : memref<!tpu.dma_semaphore, #tpu.memory_space<semaphore_mem>>)
        %dma_wait3A = tpu.memref_slice %arg11[%mul3A_140] : memref<2032xi32, #tpu.memory_space<vmem>> -> memref<16xi32, #tpu.memory_space<vmem>>
        %dma_wait3A_144 = arith.constant 0 : i32
        %dma_wait3A_145 = arith.constant 0 : i32
        %dma_wait3A_146 = tpu.memref_slice %arg2[%dma_wait3A_144, %dma_wait3A_145] : memref<10000x512xf32, #tpu.memory_space<hbm>> -> memref<10000x512xf32, #tpu.memory_space<hbm>>
        tpu.wait_indirect_dma semaphore(%arg19 : memref<!tpu.dma_semaphore, #tpu.memory_space<semaphore_mem>>) src(%dma_wait3A_146 : memref<10000x512xf32, #tpu.memory_space<hbm>>) dst(%arg16 : memref<16x512xf32, #tpu.memory_space<vmem>>)
        %get3A = arith.index_cast %mul3A_140 : i32 to index
        %get3A_147 = tpu.vector_load %arg12[%get3A] {strides = array<i32>} : memref<2032xi32, #tpu.memory_space<vmem>>, vector<16xi32>,
        %mul3A_148 = arith.constant 512 : i32
        %mul3A_149 = vector.broadcast %mul3A_148 : i32 to vector<16xi32>
        %mul3A_150 = arith.muli %get3A_147, %mul3A_149 : vector<16xi32>
        %get3A_151 = arith.index_cast %mul3A_140 : i32 to index
        %get3A_152 = tpu.vector_load %arg13[%get3A_151] {strides = array<i32>} : memref<2032xf32, #tpu.memory_space<vmem>>, vector<16xf32>,
        tpu.vector_store_idx %arg18[%get3A_147], %get3A_152 {add = true} : memref<160xf32, #tpu.memory_space<vmem>>[vector<16xi32>], vector<16xf32>,
        %scan3A_153 = arith.constant 0 : i32
        %scan3A_154 = arith.constant 0 : i32
        %scan3A_155 = arith.constant 64 : i32
        %scan3A_156 = arith.addi %scan3A_154, %scan3A_155 : i32
        %scan3A_157 = arith.constant 1 : i32
        %scan3A_158 = scf.for %scan3A_161 = %scan3A_154 to %scan3A_156 step %scan3A_157 iter_args(%scan3A_162 = %scan3A_153) -> (i32)  : i32 {
          %mul3A_163 = arith.constant 8 : i32
          %mul3A_164 = arith.muli %scan3A_161, %mul3A_163 : i32
          %add3A_165 = arith.constant 0 : i32
          %add3A_166 = arith.addi %mul3A_164, %add3A_165 : i32
          %add3A_167 = vector.broadcast %add3A_166 : i32 to vector<16xi32>
          %add3A_168 = arith.addi %broadcast_in_dim3A_3, %add3A_167 : vector<16xi32>
          %gather3A = tpu.vector_load_idx %arg16[%iota3A, %add3A_168] : memref<16x512xf32, #tpu.memory_space<vmem>>[vector<16xi32>, vector<16xi32>], vector<16xf32>,
          %mul3A_169 = arith.mulf %gather3A, %get3A_152 : vector<16xf32>
          %add3A_170 = vector.broadcast %add3A_166 : i32 to vector<16xi32>
          %add3A_171 = arith.addi %mul3A_150, %add3A_170 : vector<16xi32>
          tpu.vector_store_idx %arg17[%add3A_171], %mul3A_169 {add = true} : memref<81920xf32, #tpu.memory_space<vmem>>[vector<16xi32>], vector<16xf32>,
          %add3A_172 = arith.constant 1 : i32
          %add3A_173 = arith.addi %mul3A_164, %add3A_172 : i32
          %add3A_174 = vector.broadcast %add3A_173 : i32 to vector<16xi32>
          %add3A_175 = arith.addi %broadcast_in_dim3A_3, %add3A_174 : vector<16xi32>
          %gather3A_176 = tpu.vector_load_idx %arg16[%iota3A, %add3A_175] : memref<16x512xf32, #tpu.memory_space<vmem>>[vector<16xi32>, vector<16xi32>], vector<16xf32>,
          %mul3A_177 = arith.mulf %gather3A_176, %get3A_152 : vector<16xf32>
          %add3A_178 = vector.broadcast %add3A_173 : i32 to vector<16xi32>
          %add3A_179 = arith.addi %mul3A_150, %add3A_178 : vector<16xi32>
          tpu.vector_store_idx %arg17[%add3A_179], %mul3A_177 {add = true} : memref<81920xf32, #tpu.memory_space<vmem>>[vector<16xi32>], vector<16xf32>,
          %add3A_180 = arith.constant 2 : i32
          %add3A_181 = arith.addi %mul3A_164, %add3A_180 : i32
          %add3A_182 = vector.broadcast %add3A_181 : i32 to vector<16xi32>
          %add3A_183 = arith.addi %broadcast_in_dim3A_3, %add3A_182 : vector<16xi32>
          %gather3A_184 = tpu.vector_load_idx %arg16[%iota3A, %add3A_183] : memref<16x512xf32, #tpu.memory_space<vmem>>[vector<16xi32>, vector<16xi32>], vector<16xf32>,
          %mul3A_185 = arith.mulf %gather3A_184, %get3A_152 : vector<16xf32>
          %add3A_186 = vector.broadcast %add3A_181 : i32 to vector<16xi32>
          %add3A_187 = arith.addi %mul3A_150, %add3A_186 : vector<16xi32>
          tpu.vector_store_idx %arg17[%add3A_187], %mul3A_185 {add = true} : memref<81920xf32, #tpu.memory_space<vmem>>[vector<16xi32>], vector<16xf32>,
          %add3A_188 = arith.constant 3 : i32
          %add3A_189 = arith.addi %mul3A_164, %add3A_188 : i32
          %add3A_190 = vector.broadcast %add3A_189 : i32 to vector<16xi32>
          %add3A_191 = arith.addi %broadcast_in_dim3A_3, %add3A_190 : vector<16xi32>
          %gather3A_192 = tpu.vector_load_idx %arg16[%iota3A, %add3A_191] : memref<16x512xf32, #tpu.memory_space<vmem>>[vector<16xi32>, vector<16xi32>], vector<16xf32>,
          %mul3A_193 = arith.mulf %gather3A_192, %get3A_152 : vector<16xf32>
          %add3A_194 = vector.broadcast %add3A_189 : i32 to vector<16xi32>
          %add3A_195 = arith.addi %mul3A_150, %add3A_194 : vector<16xi32>
          tpu.vector_store_idx %arg17[%add3A_195], %mul3A_193 {add = true} : memref<81920xf32, #tpu.memory_space<vmem>>[vector<16xi32>], vector<16xf32>,
          %add3A_196 = arith.constant 4 : i32
          %add3A_197 = arith.addi %mul3A_164, %add3A_196 : i32
          %add3A_198 = vector.broadcast %add3A_197 : i32 to vector<16xi32>
          %add3A_199 = arith.addi %broadcast_in_dim3A_3, %add3A_198 : vector<16xi32>
          %gather3A_200 = tpu.vector_load_idx %arg16[%iota3A, %add3A_199] : memref<16x512xf32, #tpu.memory_space<vmem>>[vector<16xi32>, vector<16xi32>], vector<16xf32>,
          %mul3A_201 = arith.mulf %gather3A_200, %get3A_152 : vector<16xf32>
          %add3A_202 = vector.broadcast %add3A_197 : i32 to vector<16xi32>
          %add3A_203 = arith.addi %mul3A_150, %add3A_202 : vector<16xi32>
          tpu.vector_store_idx %arg17[%add3A_203], %mul3A_201 {add = true} : memref<81920xf32, #tpu.memory_space<vmem>>[vector<16xi32>], vector<16xf32>,
          %add3A_204 = arith.constant 5 : i32
          %add3A_205 = arith.addi %mul3A_164, %add3A_204 : i32
          %add3A_206 = vector.broadcast %add3A_205 : i32 to vector<16xi32>
          %add3A_207 = arith.addi %broadcast_in_dim3A_3, %add3A_206 : vector<16xi32>
          %gather3A_208 = tpu.vector_load_idx %arg16[%iota3A, %add3A_207] : memref<16x512xf32, #tpu.memory_space<vmem>>[vector<16xi32>, vector<16xi32>], vector<16xf32>,
          %mul3A_209 = arith.mulf %gather3A_208, %get3A_152 : vector<16xf32>
          %add3A_210 = vector.broadcast %add3A_205 : i32 to vector<16xi32>
          %add3A_211 = arith.addi %mul3A_150, %add3A_210 : vector<16xi32>
          tpu.vector_store_idx %arg17[%add3A_211], %mul3A_209 {add = true} : memref<81920xf32, #tpu.memory_space<vmem>>[vector<16xi32>], vector<16xf32>,
          %add3A_212 = arith.constant 6 : i32
          %add3A_213 = arith.addi %mul3A_164, %add3A_212 : i32
          %add3A_214 = vector.broadcast %add3A_213 : i32 to vector<16xi32>
          %add3A_215 = arith.addi %broadcast_in_dim3A_3, %add3A_214 : vector<16xi32>
          %gather3A_216 = tpu.vector_load_idx %arg16[%iota3A, %add3A_215] : memref<16x512xf32, #tpu.memory_space<vmem>>[vector<16xi32>, vector<16xi32>], vector<16xf32>,
          %mul3A_217 = arith.mulf %gather3A_216, %get3A_152 : vector<16xf32>
          %add3A_218 = vector.broadcast %add3A_213 : i32 to vector<16xi32>
          %add3A_219 = arith.addi %mul3A_150, %add3A_218 : vector<16xi32>
          tpu.vector_store_idx %arg17[%add3A_219], %mul3A_217 {add = true} : memref<81920xf32, #tpu.memory_space<vmem>>[vector<16xi32>], vector<16xf32>,
          %add3A_220 = arith.constant 7 : i32
          %add3A_221 = arith.addi %mul3A_164, %add3A_220 : i32
          %add3A_222 = vector.broadcast %add3A_221 : i32 to vector<16xi32>
          %add3A_223 = arith.addi %broadcast_in_dim3A_3, %add3A_222 : vector<16xi32>
          %gather3A_224 = tpu.vector_load_idx %arg16[%iota3A, %add3A_223] : memref<16x512xf32, #tpu.memory_space<vmem>>[vector<16xi32>, vector<16xi32>], vector<16xf32>,
          %mul3A_225 = arith.mulf %gather3A_224, %get3A_152 : vector<16xf32>
          %add3A_226 = vector.broadcast %add3A_221 : i32 to vector<16xi32>
          %add3A_227 = arith.addi %mul3A_150, %add3A_226 : vector<16xi32>
          tpu.vector_store_idx %arg17[%add3A_227], %mul3A_225 {add = true} : memref<81920xf32, #tpu.memory_space<vmem>>[vector<16xi32>], vector<16xf32>,
          %scan3A_228 = arith.constant 0 : i32
          scf.yield %scan3A_228 : i32
        }
        %scan3A_159 = arith.constant 64 : i32
        %while3A_160 = arith.constant 0 : i32
        scf.yield %while3A_160 : i32
      }
      %while3A_134 = arith.constant 1 : i32
      %while3A_135 = scf.for %while3A_137 = %while3A_131 to %while3A_127 step %while3A_134 iter_args(%while3A_138 = %while3A_133) -> (i32)  : i32 {
        %mul3A_139 = arith.constant 16 : i32
        %mul3A_140 = arith.muli %while3A_137, %mul3A_139 : i32
        %dma_start3A = tpu.memref_slice %arg11[%mul3A_140] : memref<2032xi32, #tpu.memory_space<vmem>> -> memref<16xi32, #tpu.memory_space<vmem>>
        %dma_start3A_141 = arith.constant 0 : i32
        %dma_start3A_142 = arith.constant 0 : i32
        %dma_start3A_143 = tpu.memref_slice %arg2[%dma_start3A_141, %dma_start3A_142] : memref<10000x512xf32, #tpu.memory_space<hbm>> -> memref<10000x512xf32, #tpu.memory_space<hbm>>
        tpu.enqueue_indirect_dma source(%dma_start3A_143 : memref<10000x512xf32, #tpu.memory_space<hbm>>) target(%arg16 : memref<16x512xf32, #tpu.memory_space<vmem>>) offsets(%dma_start3A : memref<16xi32, #tpu.memory_space<vmem>>) semaphore(%arg19 : memref<!tpu.dma_semaphore, #tpu.memory_space<semaphore_mem>>)
        %dma_wait3A = tpu.memref_slice %arg11[%mul3A_140] : memref<2032xi32, #tpu.memory_space<vmem>> -> memref<16xi32, #tpu.memory_space<vmem>>
        %dma_wait3A_144 = arith.constant 0 : i32
        %dma_wait3A_145 = arith.constant 0 : i32
        %dma_wait3A_146 = tpu.memref_slice %arg2[%dma_wait3A_144, %dma_wait3A_145] : memref<10000x512xf32, #tpu.memory_space<hbm>> -> memref<10000x512xf32, #tpu.memory_space<hbm>>
        tpu.wait_indirect_dma semaphore(%arg19 : memref<!tpu.dma_semaphore, #tpu.memory_space<semaphore_mem>>) src(%dma_wait3A_146 : memref<10000x512xf32, #tpu.memory_space<hbm>>) dst(%arg16 : memref<16x512xf32, #tpu.memory_space<vmem>>)
        %get3A = arith.index_cast %mul3A_140 : i32 to index
        %get3A_147 = tpu.vector_load %arg12[%get3A] {strides = array<i32>} : memref<2032xi32, #tpu.memory_space<vmem>>, vector<16xi32>,
        %mul3A_148 = arith.constant 512 : i32
        %mul3A_149 = vector.broadcast %mul3A_148 : i32 to vector<16xi32>
        %mul3A_150 = arith.muli %get3A_147, %mul3A_149 : vector<16xi32>
        %get3A_151 = arith.index_cast %mul3A_140 : i32 to index
        %get3A_152 = tpu.vector_load %arg13[%get3A_151] {strides = array<i32>} : memref<2032xf32, #tpu.memory_space<vmem>>, vector<16xf32>,
        tpu.vector_store_idx %arg18[%get3A_147], %get3A_152 {add = true} : memref<160xf32, #tpu.memory_space<vmem>>[vector<16xi32>], vector<16xf32>,
        %scan3A_153 = arith.constant 0 : i32
        %scan3A_154 = arith.constant 0 : i32
        %scan3A_155 = arith.constant 64 : i32
        %scan3A_156 = arith.addi %scan3A_154, %scan3A_155 : i32
        %scan3A_157 = arith.constant 1 : i32
        %scan3A_158 = scf.for %scan3A_161 = %scan3A_154 to %scan3A_156 step %scan3A_157 iter_args(%scan3A_162 = %scan3A_153) -> (i32)  : i32 {
          %mul3A_163 = arith.constant 8 : i32
          %mul3A_164 = arith.muli %scan3A_161, %mul3A_163 : i32
          %add3A_165 = arith.constant 0 : i32
          %add3A_166 = arith.addi %mul3A_164, %add3A_165 : i32
          %add3A_167 = vector.broadcast %add3A_166 : i32 to vector<16xi32>
          %add3A_168 = arith.addi %broadcast_in_dim3A_3, %add3A_167 : vector<16xi32>
          %gather3A = tpu.vector_load_idx %arg16[%iota3A, %add3A_168] : memref<16x512xf32, #tpu.memory_space<vmem>>[vector<16xi32>, vector<16xi32>], vector<16xf32>,
          %mul3A_169 = arith.mulf %gather3A, %get3A_152 : vector<16xf32>
          %add3A_170 = vector.broadcast %add3A_166 : i32 to vector<16xi32>
          %add3A_171 = arith.addi %mul3A_150, %add3A_170 : vector<16xi32>
          tpu.vector_store_idx %arg17[%add3A_171], %mul3A_169 {add = true} : memref<81920xf32, #tpu.memory_space<vmem>>[vector<16xi32>], vector<16xf32>,
          %add3A_172 = arith.constant 1 : i32
          %add3A_173 = arith.addi %mul3A_164, %add3A_172 : i32
          %add3A_174 = vector.broadcast %add3A_173 : i32 to vector<16xi32>
          %add3A_175 = arith.addi %broadcast_in_dim3A_3, %add3A_174 : vector<16xi32>
          %gather3A_176 = tpu.vector_load_idx %arg16[%iota3A, %add3A_175] : memref<16x512xf32, #tpu.memory_space<vmem>>[vector<16xi32>, vector<16xi32>], vector<16xf32>,
          %mul3A_177 = arith.mulf %gather3A_176, %get3A_152 : vector<16xf32>
          %add3A_178 = vector.broadcast %add3A_173 : i32 to vector<16xi32>
          %add3A_179 = arith.addi %mul3A_150, %add3A_178 : vector<16xi32>
          tpu.vector_store_idx %arg17[%add3A_179], %mul3A_177 {add = true} : memref<81920xf32, #tpu.memory_space<vmem>>[vector<16xi32>], vector<16xf32>,
          %add3A_180 = arith.constant 2 : i32
          %add3A_181 = arith.addi %mul3A_164, %add3A_180 : i32
          %add3A_182 = vector.broadcast %add3A_181 : i32 to vector<16xi32>
          %add3A_183 = arith.addi %broadcast_in_dim3A_3, %add3A_182 : vector<16xi32>
          %gather3A_184 = tpu.vector_load_idx %arg16[%iota3A, %add3A_183] : memref<16x512xf32, #tpu.memory_space<vmem>>[vector<16xi32>, vector<16xi32>], vector<16xf32>,
          %mul3A_185 = arith.mulf %gather3A_184, %get3A_152 : vector<16xf32>
          %add3A_186 = vector.broadcast %add3A_181 : i32 to vector<16xi32>
          %add3A_187 = arith.addi %mul3A_150, %add3A_186 : vector<16xi32>
          tpu.vector_store_idx %arg17[%add3A_187], %mul3A_185 {add = true} : memref<81920xf32, #tpu.memory_space<vmem>>[vector<16xi32>], vector<16xf32>,
          %add3A_188 = arith.constant 3 : i32
          %add3A_189 = arith.addi %mul3A_164, %add3A_188 : i32
          %add3A_190 = vector.broadcast %add3A_189 : i32 to vector<16xi32>
          %add3A_191 = arith.addi %broadcast_in_dim3A_3, %add3A_190 : vector<16xi32>
          %gather3A_192 = tpu.vector_load_idx %arg16[%iota3A, %add3A_191] : memref<16x512xf32, #tpu.memory_space<vmem>>[vector<16xi32>, vector<16xi32>], vector<16xf32>,
          %mul3A_193 = arith.mulf %gather3A_192, %get3A_152 : vector<16xf32>
          %add3A_194 = vector.broadcast %add3A_189 : i32 to vector<16xi32>
          %add3A_195 = arith.addi %mul3A_150, %add3A_194 : vector<16xi32>
          tpu.vector_store_idx %arg17[%add3A_195], %mul3A_193 {add = true} : memref<81920xf32, #tpu.memory_space<vmem>>[vector<16xi32>], vector<16xf32>,
          %add3A_196 = arith.constant 4 : i32
          %add3A_197 = arith.addi %mul3A_164, %add3A_196 : i32
          %add3A_198 = vector.broadcast %add3A_197 : i32 to vector<16xi32>
          %add3A_199 = arith.addi %broadcast_in_dim3A_3, %add3A_198 : vector<16xi32>
          %gather3A_200 = tpu.vector_load_idx %arg16[%iota3A, %add3A_199] : memref<16x512xf32, #tpu.memory_space<vmem>>[vector<16xi32>, vector<16xi32>], vector<16xf32>,
          %mul3A_201 = arith.mulf %gather3A_200, %get3A_152 : vector<16xf32>
          %add3A_202 = vector.broadcast %add3A_197 : i32 to vector<16xi32>
          %add3A_203 = arith.addi %mul3A_150, %add3A_202 : vector<16xi32>
          tpu.vector_store_idx %arg17[%add3A_203], %mul3A_201 {add = true} : memref<81920xf32, #tpu.memory_space<vmem>>[vector<16xi32>], vector<16xf32>,
          %add3A_204 = arith.constant 5 : i32
          %add3A_205 = arith.addi %mul3A_164, %add3A_204 : i32
          %add3A_206 = vector.broadcast %add3A_205 : i32 to vector<16xi32>
          %add3A_207 = arith.addi %broadcast_in_dim3A_3, %add3A_206 : vector<16xi32>
          %gather3A_208 = tpu.vector_load_idx %arg16[%iota3A, %add3A_207] : memref<16x512xf32, #tpu.memory_space<vmem>>[vector<16xi32>, vector<16xi32>], vector<16xf32>,
          %mul3A_209 = arith.mulf %gather3A_208, %get3A_152 : vector<16xf32>
          %add3A_210 = vector.broadcast %add3A_205 : i32 to vector<16xi32>
          %add3A_211 = arith.addi %mul3A_150, %add3A_210 : vector<16xi32>
          tpu.vector_store_idx %arg17[%add3A_211], %mul3A_209 {add = true} : memref<81920xf32, #tpu.memory_space<vmem>>[vector<16xi32>], vector<16xf32>,
          %add3A_212 = arith.constant 6 : i32
          %add3A_213 = arith.addi %mul3A_164, %add3A_212 : i32
          %add3A_214 = vector.broadcast %add3A_213 : i32 to vector<16xi32>
          %add3A_215 = arith.addi %broadcast_in_dim3A_3, %add3A_214 : vector<16xi32>
          %gather3A_216 = tpu.vector_load_idx %arg16[%iota3A, %add3A_215] : memref<16x512xf32, #tpu.memory_space<vmem>>[vector<16xi32>, vector<16xi32>], vector<16xf32>,
          %mul3A_217 = arith.mulf %gather3A_216, %get3A_152 : vector<16xf32>
          %add3A_218 = vector.broadcast %add3A_213 : i32 to vector<16xi32>
          %add3A_219 = arith.addi %mul3A_150, %add3A_218 : vector<16xi32>
          tpu.vector_store_idx %arg17[%add3A_219], %mul3A_217 {add = true} : memref<81920xf32, #tpu.memory_space<vmem>>[vector<16xi32>], vector<16xf32>,
          %add3A_220 = arith.constant 7 : i32
          %add3A_221 = arith.addi %mul3A_164, %add3A_220 : i32
          %add3A_222 = vector.broadcast %add3A_221 : i32 to vector<16xi32>
          %add3A_223 = arith.addi %broadcast_in_dim3A_3, %add3A_222 : vector<16xi32>
          %gather3A_224 = tpu.vector_load_idx %arg16[%iota3A, %add3A_223] : memref<16x512xf32, #tpu.memory_space<vmem>>[vector<16xi32>, vector<16xi32>], vector<16xf32>,
          %mul3A_225 = arith.mulf %gather3A_224, %get3A_152 : vector<16xf32>
          %add3A_226 = vector.broadcast %add3A_221 : i32 to vector<16xi32>
          %add3A_227 = arith.addi %mul3A_150, %add3A_226 : vector<16xi32>
          tpu.vector_store_idx %arg17[%add3A_227], %mul3A_225 {add = true} : memref<81920xf32, #tpu.memory_space<vmem>>[vector<16xi32>], vector<16xf32>,
          %scan3A_228 = arith.constant 0 : i32
          scf.yield %scan3A_228 : i32
        }
        %scan3A_159 = arith.constant 64 : i32
        %while3A_160 = arith.constant 0 : i32
        scf.yield %while3A_160 : i32
      }
      %scan3A_136 = arith.constant 0 : i32
      scf.yield %scan3A_136 : i32
    }
    %scan3A_39 = arith.constant 80 : i32
    %mul3A_40 = arith.constant 81920 : i32
    %mul3A_41 = arith.muli %add3A_5, %mul3A_40 : i32
    "tpu.region"() ({
      %run_scoped3A = tpu.sem_alloc : memref<!tpu.dma_semaphore, #tpu.memory_space<semaphore_mem>>
      %dma_start3A = tpu.memref_slice %arg7[%mul3A_41] : memref<5242880xf32, #tpu.memory_space<hbm>> -> memref<81920xf32, #tpu.memory_space<hbm>>
      %dma_start3A_86 = tpu.memref_slice %arg7[%mul3A_41] : memref<5242880xf32, #tpu.memory_space<hbm>> -> memref<81920xf32, #tpu.memory_space<hbm>>
      tpu.enqueue_dma source(%arg17 : memref<81920xf32, #tpu.memory_space<vmem>>) target(%dma_start3A_86 : memref<81920xf32, #tpu.memory_space<hbm>>) target_semaphore(%run_scoped3A : memref<!tpu.dma_semaphore, #tpu.memory_space<semaphore_mem>>)
      %dma_wait3A = tpu.memref_slice %arg7[%mul3A_41] : memref<5242880xf32, #tpu.memory_space<hbm>> -> memref<81920xf32, #tpu.memory_space<hbm>>
      %dma_wait3A_87 = tpu.memref_slice %arg7[%mul3A_41] : memref<5242880xf32, #tpu.memory_space<hbm>> -> memref<81920xf32, #tpu.memory_space<hbm>>
      tpu.wait_dma2 semaphore(%run_scoped3A : memref<!tpu.dma_semaphore, #tpu.memory_space<semaphore_mem>>) src(%arg17 : memref<81920xf32, #tpu.memory_space<vmem>>) dst(%dma_wait3A_87 : memref<81920xf32, #tpu.memory_space<hbm>>)
      tpu.yield
    }) : () -> ()
    %mul3A_42 = arith.constant 160 : i32
    %mul3A_43 = arith.muli %add3A_5, %mul3A_42 : i32
    "tpu.region"() ({
      %run_scoped3A = tpu.sem_alloc : memref<!tpu.dma_semaphore, #tpu.memory_space<semaphore_mem>>
      %dma_start3A = tpu.memref_slice %arg8[%mul3A_43] : memref<10240xf32, #tpu.memory_space<hbm>> -> memref<160xf32, #tpu.memory_space<hbm>>
      %dma_start3A_86 = tpu.memref_slice %arg8[%mul3A_43] : memref<10240xf32, #tpu.memory_space<hbm>> -> memref<160xf32, #tpu.memory_space<hbm>>
      tpu.enqueue_dma source(%arg18 : memref<160xf32, #tpu.memory_space<vmem>>) target(%dma_start3A_86 : memref<160xf32, #tpu.memory_space<hbm>>) target_semaphore(%run_scoped3A : memref<!tpu.dma_semaphore, #tpu.memory_space<semaphore_mem>>)
      %dma_wait3A = tpu.memref_slice %arg8[%mul3A_43] : memref<10240xf32, #tpu.memory_space<hbm>> -> memref<160xf32, #tpu.memory_space<hbm>>
      %dma_wait3A_87 = tpu.memref_slice %arg8[%mul3A_43] : memref<10240xf32, #tpu.memory_space<hbm>> -> memref<160xf32, #tpu.memory_space<hbm>>
      tpu.wait_dma2 semaphore(%run_scoped3A : memref<!tpu.dma_semaphore, #tpu.memory_space<semaphore_mem>>) src(%arg18 : memref<160xf32, #tpu.memory_space<vmem>>) dst(%dma_wait3A_87 : memref<160xf32, #tpu.memory_space<hbm>>)
      tpu.yield
    }) : () -> ()
    %add3A_44 = arith.constant 32 : i32
    %add3A_45 = arith.addi %add3A_44, %add3A : i32
    %mul3A_46 = arith.constant 157 : i32
    %mul3A_47 = arith.muli %add3A_45, %mul3A_46 : i32
    %scan3A_48 = arith.constant 0 : i32
    %scan3A_49 = arith.constant 0 : i32
    %scan3A_50 = arith.constant 640 : i32
    %scan3A_51 = arith.addi %scan3A_49, %scan3A_50 : i32
    %scan3A_52 = arith.constant 1 : i32
    %scan3A_53 = scf.for %scan3A_86 = %scan3A_49 to %scan3A_51 step %scan3A_52 iter_args(%scan3A_87 = %scan3A_48) -> (i32)  : i32 {
      %mul3A_88 = arith.constant 8 : i32
      %mul3A_89 = arith.muli %scan3A_86, %mul3A_88 : i32
      %add3A_90 = arith.constant 0 : i32
      %add3A_91 = arith.addi %mul3A_89, %add3A_90 : i32
      %mul3A_92 = arith.constant 16 : i32
      %mul3A_93 = arith.muli %add3A_91, %mul3A_92 : i32
      %swap3A_94 = arith.index_cast %mul3A_93 : i32 to index
      %swap3A_95 = tpu.vector_load %arg17[%swap3A_94] {strides = array<i32>} : memref<81920xf32, #tpu.memory_space<vmem>>, vector<16xf32>,
      tpu.vector_store %arg17[%swap3A_94], %broadcast_in_dim3A_1 {strides = array<i32>} : memref<81920xf32, #tpu.memory_space<vmem>>, vector<16xf32>,
      %mul3A_96 = arith.constant 8 : i32
      %mul3A_97 = arith.muli %scan3A_86, %mul3A_96 : i32
      %add3A_98 = arith.constant 1 : i32
      %add3A_99 = arith.addi %mul3A_97, %add3A_98 : i32
      %mul3A_100 = arith.constant 16 : i32
      %mul3A_101 = arith.muli %add3A_99, %mul3A_100 : i32
      %swap3A_102 = arith.index_cast %mul3A_101 : i32 to index
      %swap3A_103 = tpu.vector_load %arg17[%swap3A_102] {strides = array<i32>} : memref<81920xf32, #tpu.memory_space<vmem>>, vector<16xf32>,
      tpu.vector_store %arg17[%swap3A_102], %broadcast_in_dim3A_1 {strides = array<i32>} : memref<81920xf32, #tpu.memory_space<vmem>>, vector<16xf32>,
      %mul3A_104 = arith.constant 8 : i32
      %mul3A_105 = arith.muli %scan3A_86, %mul3A_104 : i32
      %add3A_106 = arith.constant 2 : i32
      %add3A_107 = arith.addi %mul3A_105, %add3A_106 : i32
      %mul3A_108 = arith.constant 16 : i32
      %mul3A_109 = arith.muli %add3A_107, %mul3A_108 : i32
      %swap3A_110 = arith.index_cast %mul3A_109 : i32 to index
      %swap3A_111 = tpu.vector_load %arg17[%swap3A_110] {strides = array<i32>} : memref<81920xf32, #tpu.memory_space<vmem>>, vector<16xf32>,
      tpu.vector_store %arg17[%swap3A_110], %broadcast_in_dim3A_1 {strides = array<i32>} : memref<81920xf32, #tpu.memory_space<vmem>>, vector<16xf32>,
      %mul3A_112 = arith.constant 8 : i32
      %mul3A_113 = arith.muli %scan3A_86, %mul3A_112 : i32
      %add3A_114 = arith.constant 3 : i32
      %add3A_115 = arith.addi %mul3A_113, %add3A_114 : i32
      %mul3A_116 = arith.constant 16 : i32
      %mul3A_117 = arith.muli %add3A_115, %mul3A_116 : i32
      %swap3A_118 = arith.index_cast %mul3A_117 : i32 to index
      %swap3A_119 = tpu.vector_load %arg17[%swap3A_118] {strides = array<i32>} : memref<81920xf32, #tpu.memory_space<vmem>>, vector<16xf32>,
      tpu.vector_store %arg17[%swap3A_118], %broadcast_in_dim3A_1 {strides = array<i32>} : memref<81920xf32, #tpu.memory_space<vmem>>, vector<16xf32>,
      %mul3A_120 = arith.constant 8 : i32
      %mul3A_121 = arith.muli %scan3A_86, %mul3A_120 : i32
      %add3A_122 = arith.constant 4 : i32
      %add3A_123 = arith.addi %mul3A_121, %add3A_122 : i32
      %mul3A_124 = arith.constant 16 : i32
      %mul3A_125 = arith.muli %add3A_123, %mul3A_124 : i32
      %swap3A_126 = arith.index_cast %mul3A_125 : i32 to index
      %swap3A_127 = tpu.vector_load %arg17[%swap3A_126] {strides = array<i32>} : memref<81920xf32, #tpu.memory_space<vmem>>, vector<16xf32>,
      tpu.vector_store %arg17[%swap3A_126], %broadcast_in_dim3A_1 {strides = array<i32>} : memref<81920xf32, #tpu.memory_space<vmem>>, vector<16xf32>,
      %mul3A_128 = arith.constant 8 : i32
      %mul3A_129 = arith.muli %scan3A_86, %mul3A_128 : i32
      %add3A_130 = arith.constant 5 : i32
      %add3A_131 = arith.addi %mul3A_129, %add3A_130 : i32
      %mul3A_132 = arith.constant 16 : i32
      %mul3A_133 = arith.muli %add3A_131, %mul3A_132 : i32
      %swap3A_134 = arith.index_cast %mul3A_133 : i32 to index
      %swap3A_135 = tpu.vector_load %arg17[%swap3A_134] {strides = array<i32>} : memref<81920xf32, #tpu.memory_space<vmem>>, vector<16xf32>,
      tpu.vector_store %arg17[%swap3A_134], %broadcast_in_dim3A_1 {strides = array<i32>} : memref<81920xf32, #tpu.memory_space<vmem>>, vector<16xf32>,
      %mul3A_136 = arith.constant 8 : i32
      %mul3A_137 = arith.muli %scan3A_86, %mul3A_136 : i32
      %add3A_138 = arith.constant 6 : i32
      %add3A_139 = arith.addi %mul3A_137, %add3A_138 : i32
      %mul3A_140 = arith.constant 16 : i32
      %mul3A_141 = arith.muli %add3A_139, %mul3A_140 : i32
      %swap3A_142 = arith.index_cast %mul3A_141 : i32 to index
      %swap3A_143 = tpu.vector_load %arg17[%swap3A_142] {strides = array<i32>} : memref<81920xf32, #tpu.memory_space<vmem>>, vector<16xf32>,
      tpu.vector_store %arg17[%swap3A_142], %broadcast_in_dim3A_1 {strides = array<i32>} : memref<81920xf32, #tpu.memory_space<vmem>>, vector<16xf32>,
      %mul3A_144 = arith.constant 8 : i32
      %mul3A_145 = arith.muli %scan3A_86, %mul3A_144 : i32
      %add3A_146 = arith.constant 7 : i32
      %add3A_147 = arith.addi %mul3A_145, %add3A_146 : i32
      %mul3A_148 = arith.constant 16 : i32
      %mul3A_149 = arith.muli %add3A_147, %mul3A_148 : i32
      %swap3A_150 = arith.index_cast %mul3A_149 : i32 to index
      %swap3A_151 = tpu.vector_load %arg17[%swap3A_150] {strides = array<i32>} : memref<81920xf32, #tpu.memory_space<vmem>>, vector<16xf32>,
      tpu.vector_store %arg17[%swap3A_150], %broadcast_in_dim3A_1 {strides = array<i32>} : memref<81920xf32, #tpu.memory_space<vmem>>, vector<16xf32>,
      %scan3A_152 = arith.constant 0 : i32
      scf.yield %scan3A_152 : i32
    }
    %scan3A_54 = arith.constant 640 : i32
    %swap3A_55 = arith.constant 0 : index
    %swap3A_56 = tpu.vector_load %arg18[%swap3A_55] {strides = array<i32>} : memref<160xf32, #tpu.memory_space<vmem>>, vector<16xf32>,
    tpu.vector_store %arg18[%swap3A_55], %broadcast_in_dim3A_1 {strides = array<i32>} : memref<160xf32, #tpu.memory_space<vmem>>, vector<16xf32>,
    %swap3A_57 = arith.constant 16 : index
    %swap3A_58 = tpu.vector_load %arg18[%swap3A_57] {strides = array<i32>} : memref<160xf32, #tpu.memory_space<vmem>>, vector<16xf32>,
    tpu.vector_store %arg18[%swap3A_57], %broadcast_in_dim3A_1 {strides = array<i32>} : memref<160xf32, #tpu.memory_space<vmem>>, vector<16xf32>,
    %swap3A_59 = arith.constant 32 : index
    %swap3A_60 = tpu.vector_load %arg18[%swap3A_59] {strides = array<i32>} : memref<160xf32, #tpu.memory_space<vmem>>, vector<16xf32>,
    tpu.vector_store %arg18[%swap3A_59], %broadcast_in_dim3A_1 {strides = array<i32>} : memref<160xf32, #tpu.memory_space<vmem>>, vector<16xf32>,
    %swap3A_61 = arith.constant 48 : index
    %swap3A_62 = tpu.vector_load %arg18[%swap3A_61] {strides = array<i32>} : memref<160xf32, #tpu.memory_space<vmem>>, vector<16xf32>,
    tpu.vector_store %arg18[%swap3A_61], %broadcast_in_dim3A_1 {strides = array<i32>} : memref<160xf32, #tpu.memory_space<vmem>>, vector<16xf32>,
    %swap3A_63 = arith.constant 64 : index
    %swap3A_64 = tpu.vector_load %arg18[%swap3A_63] {strides = array<i32>} : memref<160xf32, #tpu.memory_space<vmem>>, vector<16xf32>,
    tpu.vector_store %arg18[%swap3A_63], %broadcast_in_dim3A_1 {strides = array<i32>} : memref<160xf32, #tpu.memory_space<vmem>>, vector<16xf32>,
    %swap3A_65 = arith.constant 80 : index
    %swap3A_66 = tpu.vector_load %arg18[%swap3A_65] {strides = array<i32>} : memref<160xf32, #tpu.memory_space<vmem>>, vector<16xf32>,
    tpu.vector_store %arg18[%swap3A_65], %broadcast_in_dim3A_1 {strides = array<i32>} : memref<160xf32, #tpu.memory_space<vmem>>, vector<16xf32>,
    %swap3A_67 = arith.constant 96 : index
    %swap3A_68 = tpu.vector_load %arg18[%swap3A_67] {strides = array<i32>} : memref<160xf32, #tpu.memory_space<vmem>>, vector<16xf32>,
    tpu.vector_store %arg18[%swap3A_67], %broadcast_in_dim3A_1 {strides = array<i32>} : memref<160xf32, #tpu.memory_space<vmem>>, vector<16xf32>,
    %swap3A_69 = arith.constant 112 : index
    %swap3A_70 = tpu.vector_load %arg18[%swap3A_69] {strides = array<i32>} : memref<160xf32, #tpu.memory_space<vmem>>, vector<16xf32>,
    tpu.vector_store %arg18[%swap3A_69], %broadcast_in_dim3A_1 {strides = array<i32>} : memref<160xf32, #tpu.memory_space<vmem>>, vector<16xf32>,
    %swap3A_71 = arith.constant 128 : index
    %swap3A_72 = tpu.vector_load %arg18[%swap3A_71] {strides = array<i32>} : memref<160xf32, #tpu.memory_space<vmem>>, vector<16xf32>,
    tpu.vector_store %arg18[%swap3A_71], %broadcast_in_dim3A_1 {strides = array<i32>} : memref<160xf32, #tpu.memory_space<vmem>>, vector<16xf32>,
    %swap3A_73 = arith.constant 144 : index
    %swap3A_74 = tpu.vector_load %arg18[%swap3A_73] {strides = array<i32>} : memref<160xf32, #tpu.memory_space<vmem>>, vector<16xf32>,
    tpu.vector_store %arg18[%swap3A_73], %broadcast_in_dim3A_1 {strides = array<i32>} : memref<160xf32, #tpu.memory_space<vmem>>, vector<16xf32>,
    %scan3A_75 = arith.constant 0 : i32
    %scan3A_76 = arith.constant 0 : i32
    %scan3A_77 = arith.constant 80 : i32
    %scan3A_78 = arith.addi %scan3A_76, %scan3A_77 : i32
    %scan3A_79 = arith.constant 1 : i32
    %scan3A_80 = scf.for %scan3A_86 = %scan3A_76 to %scan3A_78 step %scan3A_79 iter_args(%scan3A_87 = %scan3A_75) -> (i32)  : i32 {
      %mul3A_88 = arith.constant 2000 : i32
      %mul3A_89 = arith.muli %scan3A_86, %mul3A_88 : i32
      "tpu.region"() ({
        %run_scoped3A = tpu.sem_alloc : memref<!tpu.dma_semaphore, #tpu.memory_space<semaphore_mem>>
        %dma_start3A = tpu.memref_slice %arg3[%mul3A_89] : memref<160000xi32, #tpu.memory_space<hbm>> -> memref<2000xi32, #tpu.memory_space<hbm>>
        %dma_start3A_137 = tpu.memref_slice %arg3[%mul3A_89] : memref<160000xi32, #tpu.memory_space<hbm>> -> memref<2000xi32, #tpu.memory_space<hbm>>
        tpu.enqueue_dma source(%dma_start3A_137 : memref<2000xi32, #tpu.memory_space<hbm>>) target(%arg9 : memref<2000xi32, #tpu.memory_space<vmem>>) target_semaphore(%run_scoped3A : memref<!tpu.dma_semaphore, #tpu.memory_space<semaphore_mem>>)
        %dma_wait3A = tpu.memref_slice %arg3[%mul3A_89] : memref<160000xi32, #tpu.memory_space<hbm>> -> memref<2000xi32, #tpu.memory_space<hbm>>
        %dma_wait3A_138 = tpu.memref_slice %arg3[%mul3A_89] : memref<160000xi32, #tpu.memory_space<hbm>> -> memref<2000xi32, #tpu.memory_space<hbm>>
        tpu.wait_dma2 semaphore(%run_scoped3A : memref<!tpu.dma_semaphore, #tpu.memory_space<semaphore_mem>>) src(%dma_wait3A_138 : memref<2000xi32, #tpu.memory_space<hbm>>) dst(%arg9 : memref<2000xi32, #tpu.memory_space<vmem>>)
        tpu.yield
      }) : () -> ()
      "tpu.region"() ({
        %run_scoped3A = tpu.sem_alloc : memref<!tpu.dma_semaphore, #tpu.memory_space<semaphore_mem>>
        %dma_start3A = tpu.memref_slice %arg4[%mul3A_89] : memref<160000xi32, #tpu.memory_space<hbm>> -> memref<2000xi32, #tpu.memory_space<hbm>>
        %dma_start3A_137 = tpu.memref_slice %arg4[%mul3A_89] : memref<160000xi32, #tpu.memory_space<hbm>> -> memref<2000xi32, #tpu.memory_space<hbm>>
        tpu.enqueue_dma source(%dma_start3A_137 : memref<2000xi32, #tpu.memory_space<hbm>>) target(%arg10 : memref<2000xi32, #tpu.memory_space<vmem>>) target_semaphore(%run_scoped3A : memref<!tpu.dma_semaphore, #tpu.memory_space<semaphore_mem>>)
        %dma_wait3A = tpu.memref_slice %arg4[%mul3A_89] : memref<160000xi32, #tpu.memory_space<hbm>> -> memref<2000xi32, #tpu.memory_space<hbm>>
        %dma_wait3A_138 = tpu.memref_slice %arg4[%mul3A_89] : memref<160000xi32, #tpu.memory_space<hbm>> -> memref<2000xi32, #tpu.memory_space<hbm>>
        tpu.wait_dma2 semaphore(%run_scoped3A : memref<!tpu.dma_semaphore, #tpu.memory_space<semaphore_mem>>) src(%dma_wait3A_138 : memref<2000xi32, #tpu.memory_space<hbm>>) dst(%arg10 : memref<2000xi32, #tpu.memory_space<vmem>>)
        tpu.yield
      }) : () -> ()
      %scan3A_90 = arith.constant 0 : i32
      %scan3A_91 = arith.constant 0 : i32
      %scan3A_92 = arith.constant 125 : i32
      %scan3A_93 = arith.addi %scan3A_91, %scan3A_92 : i32
      %scan3A_94 = arith.constant 1 : i32
      %scan3A_95 = scf.for %scan3A_137 = %scan3A_91 to %scan3A_93 step %scan3A_94 iter_args(%scan3A_138 = %scan3A_90) -> (i32)  : i32 {
        %mul3A_139 = arith.constant 16 : i32
        %mul3A_140 = arith.muli %scan3A_137, %mul3A_139 : i32
        %get3A = arith.index_cast %mul3A_140 : i32 to index
        %get3A_141 = tpu.vector_load %arg9[%get3A] {strides = array<i32>} : memref<2000xi32, #tpu.memory_space<vmem>>, vector<16xi32>,
        %mul3A_142 = arith.constant 16 : i32
        %mul3A_143 = arith.muli %scan3A_137, %mul3A_142 : i32
        %get3A_144 = arith.index_cast %mul3A_143 : i32 to index
        %get3A_145 = tpu.vector_load %arg10[%get3A_144] {strides = array<i32>} : memref<2000xi32, #tpu.memory_space<vmem>>, vector<16xi32>,
        %sub3A_146 = vector.broadcast %mul3A_47 : i32 to vector<16xi32>
        %sub3A_147 = arith.subi %get3A_145, %sub3A_146 : vector<16xi32>
        %ge3A = arith.constant 0 : i32
        %ge3A_148 = vector.broadcast %ge3A : i32 to vector<16xi32>
        %ge3A_149 = arith.cmpi sge, %sub3A_147, %ge3A_148 : vector<16xi32>
        %lt3A = arith.constant 157 : i32
        %lt3A_150 = vector.broadcast %lt3A : i32 to vector<16xi32>
        %lt3A_151 = arith.cmpi slt, %sub3A_147, %lt3A_150 : vector<16xi32>
        %and3A_152 = arith.andi %ge3A_149, %lt3A_151 : vector<16xi1>
        %swap3A_153 = arith.index_cast %scan3A_138 : i32 to index
        %swap3A_154 = tpu.vector_load %arg11[%swap3A_153] masked %and3A_152 {strides = array<i32>} : memref<2032xi32, #tpu.memory_space<vmem>>, vector<16xi32>, vector<16xi1>
        tpu.vector_store %arg11[%swap3A_153], %get3A_141 masked %and3A_152 {strides = array<i32>} : memref<2032xi32, #tpu.memory_space<vmem>>, vector<16xi32>, vector<16xi1>
        %swap3A_155 = arith.index_cast %scan3A_138 : i32 to index
        %swap3A_156 = tpu.vector_load %arg12[%swap3A_155] masked %and3A_152 {strides = array<i32>} : memref<2032xi32, #tpu.memory_space<vmem>>, vector<16xi32>, vector<16xi1>
        tpu.vector_store %arg12[%swap3A_155], %sub3A_147 masked %and3A_152 {strides = array<i32>} : memref<2032xi32, #tpu.memory_space<vmem>>, vector<16xi32>, vector<16xi1>
        %gather3A = tpu.vector_load_idx %arg14[%get3A_141] : memref<10000xf32, #tpu.memory_space<vmem>>[vector<16xi32>], vector<16xf32>,
        %gather3A_157 = tpu.vector_load_idx %arg15[%get3A_145] : memref<10000xf32, #tpu.memory_space<vmem>>[vector<16xi32>], vector<16xf32>,
        %add3A_158 = arith.addf %gather3A, %gather3A_157 : vector<16xf32>
        %gt3A = arith.constant 0.000000e+00 : f32
        %gt3A_159 = vector.broadcast %gt3A : f32 to vector<16xf32>
        %gt3A_160 = arith.cmpf ogt, %add3A_158, %gt3A_159 : vector<16xf32>
        %mul3A_161 = arith.constant 2.000000e-01 : f32
        %mul3A_162 = vector.broadcast %mul3A_161 : f32 to vector<16xf32>
        %mul3A_163 = arith.mulf %mul3A_162, %add3A_158 : vector<16xf32>
        %select_n3A_164 = arith.select %gt3A_160, %add3A_158, %mul3A_163 : vector<16xi1>, vector<16xf32>
        %exp3A = math.exp %select_n3A_164 : vector<16xf32>
        %swap3A_165 = arith.index_cast %scan3A_138 : i32 to index
        %swap3A_166 = tpu.vector_load %arg13[%swap3A_165] masked %and3A_152 {strides = array<i32>} : memref<2032xf32, #tpu.memory_space<vmem>>, vector<16xf32>, vector<16xi1>
        tpu.vector_store %arg13[%swap3A_165], %exp3A masked %and3A_152 {strides = array<i32>} : memref<2032xf32, #tpu.memory_space<vmem>>, vector<16xf32>, vector<16xi1>
        %convert_element_type3A = arith.extui %and3A_152 : vector<16xi1> to vector<16xi32>
        %reduce_sum3A = arith.constant true
        %reduce_sum3A_167 = vector.broadcast %reduce_sum3A : i1 to vector<16xi1>
        %reduce_sum3A_168 = tpu.scan <sum>, %convert_element_type3A masked %reduce_sum3A_167 : vector<16xi32>, vector<16xi1> -> vector<16xi32>
        %reduce_sum3A_169 = vector.extract %reduce_sum3A_168[15] : i32 from vector<16xi32>
        %add3A_170 = arith.addi %scan3A_138, %reduce_sum3A_169 : i32
        scf.yield %add3A_170 : i32
      }
      %scan3A_96 = arith.constant 125 : i32
      %broadcast_in_dim3A_97 = arith.constant 0 : i32
      %broadcast_in_dim3A_98 = vector.broadcast %broadcast_in_dim3A_97 : i32 to vector<16xi32>
      %swap3A_99 = arith.index_cast %scan3A_95 : i32 to index
      %swap3A_100 = tpu.vector_load %arg11[%swap3A_99] {strides = array<i32>} : memref<2032xi32, #tpu.memory_space<vmem>>, vector<16xi32>,
      tpu.vector_store %arg11[%swap3A_99], %broadcast_in_dim3A_98 {strides = array<i32>} : memref<2032xi32, #tpu.memory_space<vmem>>, vector<16xi32>,
      %broadcast_in_dim3A_101 = arith.constant 158 : i32
      %broadcast_in_dim3A_102 = vector.broadcast %broadcast_in_dim3A_101 : i32 to vector<16xi32>
      %swap3A_103 = arith.index_cast %scan3A_95 : i32 to index
      %swap3A_104 = tpu.vector_load %arg12[%swap3A_103] {strides = array<i32>} : memref<2032xi32, #tpu.memory_space<vmem>>, vector<16xi32>,
      tpu.vector_store %arg12[%swap3A_103], %broadcast_in_dim3A_102 {strides = array<i32>} : memref<2032xi32, #tpu.memory_space<vmem>>, vector<16xi32>,
      %swap3A_105 = arith.index_cast %scan3A_95 : i32 to index
      %swap3A_106 = tpu.vector_load %arg13[%swap3A_105] {strides = array<i32>} : memref<2032xf32, #tpu.memory_space<vmem>>, vector<16xf32>,
      tpu.vector_store %arg13[%swap3A_105], %broadcast_in_dim3A_1 {strides = array<i32>} : memref<2032xf32, #tpu.memory_space<vmem>>, vector<16xf32>,
      %add3A_107 = arith.constant 15 : i32
      %add3A_108 = arith.addi %scan3A_95, %add3A_107 : i32
      %jit3A = arith.constant 16 : i32
      %div3A = arith.divsi %add3A_108, %jit3A : i32
      %sign3A = arith.constant 0 : i32
      %sign3A_109 = arith.cmpi sgt, %add3A_108, %sign3A : i32
      %sign3A_110 = arith.extui %sign3A_109 : i1 to i32
      %sign3A_111 = arith.constant 0 : i32
      %sign3A_112 = arith.cmpi slt, %add3A_108, %sign3A_111 : i32
      %sign3A_113 = arith.extui %sign3A_112 : i1 to i32
      %sign3A_114 = arith.subi %sign3A_110, %sign3A_113 : i32
      %sign3A_115 = arith.constant 0 : i32
      %sign3A_116 = arith.cmpi sgt, %jit3A, %sign3A_115 : i32
      %sign3A_117 = arith.extui %sign3A_116 : i1 to i32
      %sign3A_118 = arith.constant 0 : i32
      %sign3A_119 = arith.cmpi slt, %jit3A, %sign3A_118 : i32
      %sign3A_120 = arith.extui %sign3A_119 : i1 to i32
      %sign3A_121 = arith.subi %sign3A_117, %sign3A_120 : i32
      %ne3A = arith.cmpi ne, %sign3A_114, %sign3A_121 : i32
      %rem3A = arith.remsi %add3A_108, %jit3A : i32
      %ne3A_122 = arith.constant 0 : i32
      %ne3A_123 = arith.cmpi ne, %rem3A, %ne3A_122 : i32
      %and3A = arith.andi %ne3A, %ne3A_123 : i1
      %sub3A = arith.constant 1 : i32
      %sub3A_124 = arith.subi %div3A, %sub3A : i32
      %select_n3A = arith.select %and3A, %sub3A_124, %div3A : i32
      %while3A = arith.constant 0 : i32
      %while3A_125 = arith.constant 0 : i32
      %while3A_126 = arith.subi %select_n3A, %while3A : i32
      %while3A_127 = arith.addi %while3A, %while3A_126 : i32
      %while3A_128 = arith.constant 1 : i32
      %while3A_129 = arith.divsi %while3A_126, %while3A_128 : i32
      %while3A_130 = arith.muli %while3A_129, %while3A_128 : i32
      %while3A_131 = arith.addi %while3A, %while3A_130 : i32
      %while3A_132 = arith.constant 1 : i32
      %while3A_133 = scf.for %while3A_137 = %while3A to %while3A_131 step %while3A_132 iter_args(%while3A_138 = %while3A_125) -> (i32)  : i32 {
        %mul3A_139 = arith.constant 16 : i32
        %mul3A_140 = arith.muli %while3A_137, %mul3A_139 : i32
        %dma_start3A = tpu.memref_slice %arg11[%mul3A_140] : memref<2032xi32, #tpu.memory_space<vmem>> -> memref<16xi32, #tpu.memory_space<vmem>>
        %dma_start3A_141 = arith.constant 0 : i32
        %dma_start3A_142 = arith.constant 0 : i32
        %dma_start3A_143 = tpu.memref_slice %arg2[%dma_start3A_141, %dma_start3A_142] : memref<10000x512xf32, #tpu.memory_space<hbm>> -> memref<10000x512xf32, #tpu.memory_space<hbm>>
        tpu.enqueue_indirect_dma source(%dma_start3A_143 : memref<10000x512xf32, #tpu.memory_space<hbm>>) target(%arg16 : memref<16x512xf32, #tpu.memory_space<vmem>>) offsets(%dma_start3A : memref<16xi32, #tpu.memory_space<vmem>>) semaphore(%arg19 : memref<!tpu.dma_semaphore, #tpu.memory_space<semaphore_mem>>)
        %dma_wait3A = tpu.memref_slice %arg11[%mul3A_140] : memref<2032xi32, #tpu.memory_space<vmem>> -> memref<16xi32, #tpu.memory_space<vmem>>
        %dma_wait3A_144 = arith.constant 0 : i32
        %dma_wait3A_145 = arith.constant 0 : i32
        %dma_wait3A_146 = tpu.memref_slice %arg2[%dma_wait3A_144, %dma_wait3A_145] : memref<10000x512xf32, #tpu.memory_space<hbm>> -> memref<10000x512xf32, #tpu.memory_space<hbm>>
        tpu.wait_indirect_dma semaphore(%arg19 : memref<!tpu.dma_semaphore, #tpu.memory_space<semaphore_mem>>) src(%dma_wait3A_146 : memref<10000x512xf32, #tpu.memory_space<hbm>>) dst(%arg16 : memref<16x512xf32, #tpu.memory_space<vmem>>)
        %get3A = arith.index_cast %mul3A_140 : i32 to index
        %get3A_147 = tpu.vector_load %arg12[%get3A] {strides = array<i32>} : memref<2032xi32, #tpu.memory_space<vmem>>, vector<16xi32>,
        %mul3A_148 = arith.constant 512 : i32
        %mul3A_149 = vector.broadcast %mul3A_148 : i32 to vector<16xi32>
        %mul3A_150 = arith.muli %get3A_147, %mul3A_149 : vector<16xi32>
        %get3A_151 = arith.index_cast %mul3A_140 : i32 to index
        %get3A_152 = tpu.vector_load %arg13[%get3A_151] {strides = array<i32>} : memref<2032xf32, #tpu.memory_space<vmem>>, vector<16xf32>,
        tpu.vector_store_idx %arg18[%get3A_147], %get3A_152 {add = true} : memref<160xf32, #tpu.memory_space<vmem>>[vector<16xi32>], vector<16xf32>,
        %scan3A_153 = arith.constant 0 : i32
        %scan3A_154 = arith.constant 0 : i32
        %scan3A_155 = arith.constant 64 : i32
        %scan3A_156 = arith.addi %scan3A_154, %scan3A_155 : i32
        %scan3A_157 = arith.constant 1 : i32
        %scan3A_158 = scf.for %scan3A_161 = %scan3A_154 to %scan3A_156 step %scan3A_157 iter_args(%scan3A_162 = %scan3A_153) -> (i32)  : i32 {
          %mul3A_163 = arith.constant 8 : i32
          %mul3A_164 = arith.muli %scan3A_161, %mul3A_163 : i32
          %add3A_165 = arith.constant 0 : i32
          %add3A_166 = arith.addi %mul3A_164, %add3A_165 : i32
          %add3A_167 = vector.broadcast %add3A_166 : i32 to vector<16xi32>
          %add3A_168 = arith.addi %broadcast_in_dim3A_3, %add3A_167 : vector<16xi32>
          %gather3A = tpu.vector_load_idx %arg16[%iota3A, %add3A_168] : memref<16x512xf32, #tpu.memory_space<vmem>>[vector<16xi32>, vector<16xi32>], vector<16xf32>,
          %mul3A_169 = arith.mulf %gather3A, %get3A_152 : vector<16xf32>
          %add3A_170 = vector.broadcast %add3A_166 : i32 to vector<16xi32>
          %add3A_171 = arith.addi %mul3A_150, %add3A_170 : vector<16xi32>
          tpu.vector_store_idx %arg17[%add3A_171], %mul3A_169 {add = true} : memref<81920xf32, #tpu.memory_space<vmem>>[vector<16xi32>], vector<16xf32>,
          %add3A_172 = arith.constant 1 : i32
          %add3A_173 = arith.addi %mul3A_164, %add3A_172 : i32
          %add3A_174 = vector.broadcast %add3A_173 : i32 to vector<16xi32>
          %add3A_175 = arith.addi %broadcast_in_dim3A_3, %add3A_174 : vector<16xi32>
          %gather3A_176 = tpu.vector_load_idx %arg16[%iota3A, %add3A_175] : memref<16x512xf32, #tpu.memory_space<vmem>>[vector<16xi32>, vector<16xi32>], vector<16xf32>,
          %mul3A_177 = arith.mulf %gather3A_176, %get3A_152 : vector<16xf32>
          %add3A_178 = vector.broadcast %add3A_173 : i32 to vector<16xi32>
          %add3A_179 = arith.addi %mul3A_150, %add3A_178 : vector<16xi32>
          tpu.vector_store_idx %arg17[%add3A_179], %mul3A_177 {add = true} : memref<81920xf32, #tpu.memory_space<vmem>>[vector<16xi32>], vector<16xf32>,
          %add3A_180 = arith.constant 2 : i32
          %add3A_181 = arith.addi %mul3A_164, %add3A_180 : i32
          %add3A_182 = vector.broadcast %add3A_181 : i32 to vector<16xi32>
          %add3A_183 = arith.addi %broadcast_in_dim3A_3, %add3A_182 : vector<16xi32>
          %gather3A_184 = tpu.vector_load_idx %arg16[%iota3A, %add3A_183] : memref<16x512xf32, #tpu.memory_space<vmem>>[vector<16xi32>, vector<16xi32>], vector<16xf32>,
          %mul3A_185 = arith.mulf %gather3A_184, %get3A_152 : vector<16xf32>
          %add3A_186 = vector.broadcast %add3A_181 : i32 to vector<16xi32>
          %add3A_187 = arith.addi %mul3A_150, %add3A_186 : vector<16xi32>
          tpu.vector_store_idx %arg17[%add3A_187], %mul3A_185 {add = true} : memref<81920xf32, #tpu.memory_space<vmem>>[vector<16xi32>], vector<16xf32>,
          %add3A_188 = arith.constant 3 : i32
          %add3A_189 = arith.addi %mul3A_164, %add3A_188 : i32
          %add3A_190 = vector.broadcast %add3A_189 : i32 to vector<16xi32>
          %add3A_191 = arith.addi %broadcast_in_dim3A_3, %add3A_190 : vector<16xi32>
          %gather3A_192 = tpu.vector_load_idx %arg16[%iota3A, %add3A_191] : memref<16x512xf32, #tpu.memory_space<vmem>>[vector<16xi32>, vector<16xi32>], vector<16xf32>,
          %mul3A_193 = arith.mulf %gather3A_192, %get3A_152 : vector<16xf32>
          %add3A_194 = vector.broadcast %add3A_189 : i32 to vector<16xi32>
          %add3A_195 = arith.addi %mul3A_150, %add3A_194 : vector<16xi32>
          tpu.vector_store_idx %arg17[%add3A_195], %mul3A_193 {add = true} : memref<81920xf32, #tpu.memory_space<vmem>>[vector<16xi32>], vector<16xf32>,
          %add3A_196 = arith.constant 4 : i32
          %add3A_197 = arith.addi %mul3A_164, %add3A_196 : i32
          %add3A_198 = vector.broadcast %add3A_197 : i32 to vector<16xi32>
          %add3A_199 = arith.addi %broadcast_in_dim3A_3, %add3A_198 : vector<16xi32>
          %gather3A_200 = tpu.vector_load_idx %arg16[%iota3A, %add3A_199] : memref<16x512xf32, #tpu.memory_space<vmem>>[vector<16xi32>, vector<16xi32>], vector<16xf32>,
          %mul3A_201 = arith.mulf %gather3A_200, %get3A_152 : vector<16xf32>
          %add3A_202 = vector.broadcast %add3A_197 : i32 to vector<16xi32>
          %add3A_203 = arith.addi %mul3A_150, %add3A_202 : vector<16xi32>
          tpu.vector_store_idx %arg17[%add3A_203], %mul3A_201 {add = true} : memref<81920xf32, #tpu.memory_space<vmem>>[vector<16xi32>], vector<16xf32>,
          %add3A_204 = arith.constant 5 : i32
          %add3A_205 = arith.addi %mul3A_164, %add3A_204 : i32
          %add3A_206 = vector.broadcast %add3A_205 : i32 to vector<16xi32>
          %add3A_207 = arith.addi %broadcast_in_dim3A_3, %add3A_206 : vector<16xi32>
          %gather3A_208 = tpu.vector_load_idx %arg16[%iota3A, %add3A_207] : memref<16x512xf32, #tpu.memory_space<vmem>>[vector<16xi32>, vector<16xi32>], vector<16xf32>,
          %mul3A_209 = arith.mulf %gather3A_208, %get3A_152 : vector<16xf32>
          %add3A_210 = vector.broadcast %add3A_205 : i32 to vector<16xi32>
          %add3A_211 = arith.addi %mul3A_150, %add3A_210 : vector<16xi32>
          tpu.vector_store_idx %arg17[%add3A_211], %mul3A_209 {add = true} : memref<81920xf32, #tpu.memory_space<vmem>>[vector<16xi32>], vector<16xf32>,
          %add3A_212 = arith.constant 6 : i32
          %add3A_213 = arith.addi %mul3A_164, %add3A_212 : i32
          %add3A_214 = vector.broadcast %add3A_213 : i32 to vector<16xi32>
          %add3A_215 = arith.addi %broadcast_in_dim3A_3, %add3A_214 : vector<16xi32>
          %gather3A_216 = tpu.vector_load_idx %arg16[%iota3A, %add3A_215] : memref<16x512xf32, #tpu.memory_space<vmem>>[vector<16xi32>, vector<16xi32>], vector<16xf32>,
          %mul3A_217 = arith.mulf %gather3A_216, %get3A_152 : vector<16xf32>
          %add3A_218 = vector.broadcast %add3A_213 : i32 to vector<16xi32>
          %add3A_219 = arith.addi %mul3A_150, %add3A_218 : vector<16xi32>
          tpu.vector_store_idx %arg17[%add3A_219], %mul3A_217 {add = true} : memref<81920xf32, #tpu.memory_space<vmem>>[vector<16xi32>], vector<16xf32>,
          %add3A_220 = arith.constant 7 : i32
          %add3A_221 = arith.addi %mul3A_164, %add3A_220 : i32
          %add3A_222 = vector.broadcast %add3A_221 : i32 to vector<16xi32>
          %add3A_223 = arith.addi %broadcast_in_dim3A_3, %add3A_222 : vector<16xi32>
          %gather3A_224 = tpu.vector_load_idx %arg16[%iota3A, %add3A_223] : memref<16x512xf32, #tpu.memory_space<vmem>>[vector<16xi32>, vector<16xi32>], vector<16xf32>,
          %mul3A_225 = arith.mulf %gather3A_224, %get3A_152 : vector<16xf32>
          %add3A_226 = vector.broadcast %add3A_221 : i32 to vector<16xi32>
          %add3A_227 = arith.addi %mul3A_150, %add3A_226 : vector<16xi32>
          tpu.vector_store_idx %arg17[%add3A_227], %mul3A_225 {add = true} : memref<81920xf32, #tpu.memory_space<vmem>>[vector<16xi32>], vector<16xf32>,
          %scan3A_228 = arith.constant 0 : i32
          scf.yield %scan3A_228 : i32
        }
        %scan3A_159 = arith.constant 64 : i32
        %while3A_160 = arith.constant 0 : i32
        scf.yield %while3A_160 : i32
      }
      %while3A_134 = arith.constant 1 : i32
      %while3A_135 = scf.for %while3A_137 = %while3A_131 to %while3A_127 step %while3A_134 iter_args(%while3A_138 = %while3A_133) -> (i32)  : i32 {
        %mul3A_139 = arith.constant 16 : i32
        %mul3A_140 = arith.muli %while3A_137, %mul3A_139 : i32
        %dma_start3A = tpu.memref_slice %arg11[%mul3A_140] : memref<2032xi32, #tpu.memory_space<vmem>> -> memref<16xi32, #tpu.memory_space<vmem>>
        %dma_start3A_141 = arith.constant 0 : i32
        %dma_start3A_142 = arith.constant 0 : i32
        %dma_start3A_143 = tpu.memref_slice %arg2[%dma_start3A_141, %dma_start3A_142] : memref<10000x512xf32, #tpu.memory_space<hbm>> -> memref<10000x512xf32, #tpu.memory_space<hbm>>
        tpu.enqueue_indirect_dma source(%dma_start3A_143 : memref<10000x512xf32, #tpu.memory_space<hbm>>) target(%arg16 : memref<16x512xf32, #tpu.memory_space<vmem>>) offsets(%dma_start3A : memref<16xi32, #tpu.memory_space<vmem>>) semaphore(%arg19 : memref<!tpu.dma_semaphore, #tpu.memory_space<semaphore_mem>>)
        %dma_wait3A = tpu.memref_slice %arg11[%mul3A_140] : memref<2032xi32, #tpu.memory_space<vmem>> -> memref<16xi32, #tpu.memory_space<vmem>>
        %dma_wait3A_144 = arith.constant 0 : i32
        %dma_wait3A_145 = arith.constant 0 : i32
        %dma_wait3A_146 = tpu.memref_slice %arg2[%dma_wait3A_144, %dma_wait3A_145] : memref<10000x512xf32, #tpu.memory_space<hbm>> -> memref<10000x512xf32, #tpu.memory_space<hbm>>
        tpu.wait_indirect_dma semaphore(%arg19 : memref<!tpu.dma_semaphore, #tpu.memory_space<semaphore_mem>>) src(%dma_wait3A_146 : memref<10000x512xf32, #tpu.memory_space<hbm>>) dst(%arg16 : memref<16x512xf32, #tpu.memory_space<vmem>>)
        %get3A = arith.index_cast %mul3A_140 : i32 to index
        %get3A_147 = tpu.vector_load %arg12[%get3A] {strides = array<i32>} : memref<2032xi32, #tpu.memory_space<vmem>>, vector<16xi32>,
        %mul3A_148 = arith.constant 512 : i32
        %mul3A_149 = vector.broadcast %mul3A_148 : i32 to vector<16xi32>
        %mul3A_150 = arith.muli %get3A_147, %mul3A_149 : vector<16xi32>
        %get3A_151 = arith.index_cast %mul3A_140 : i32 to index
        %get3A_152 = tpu.vector_load %arg13[%get3A_151] {strides = array<i32>} : memref<2032xf32, #tpu.memory_space<vmem>>, vector<16xf32>,
        tpu.vector_store_idx %arg18[%get3A_147], %get3A_152 {add = true} : memref<160xf32, #tpu.memory_space<vmem>>[vector<16xi32>], vector<16xf32>,
        %scan3A_153 = arith.constant 0 : i32
        %scan3A_154 = arith.constant 0 : i32
        %scan3A_155 = arith.constant 64 : i32
        %scan3A_156 = arith.addi %scan3A_154, %scan3A_155 : i32
        %scan3A_157 = arith.constant 1 : i32
        %scan3A_158 = scf.for %scan3A_161 = %scan3A_154 to %scan3A_156 step %scan3A_157 iter_args(%scan3A_162 = %scan3A_153) -> (i32)  : i32 {
          %mul3A_163 = arith.constant 8 : i32
          %mul3A_164 = arith.muli %scan3A_161, %mul3A_163 : i32
          %add3A_165 = arith.constant 0 : i32
          %add3A_166 = arith.addi %mul3A_164, %add3A_165 : i32
          %add3A_167 = vector.broadcast %add3A_166 : i32 to vector<16xi32>
          %add3A_168 = arith.addi %broadcast_in_dim3A_3, %add3A_167 : vector<16xi32>
          %gather3A = tpu.vector_load_idx %arg16[%iota3A, %add3A_168] : memref<16x512xf32, #tpu.memory_space<vmem>>[vector<16xi32>, vector<16xi32>], vector<16xf32>,
          %mul3A_169 = arith.mulf %gather3A, %get3A_152 : vector<16xf32>
          %add3A_170 = vector.broadcast %add3A_166 : i32 to vector<16xi32>
          %add3A_171 = arith.addi %mul3A_150, %add3A_170 : vector<16xi32>
          tpu.vector_store_idx %arg17[%add3A_171], %mul3A_169 {add = true} : memref<81920xf32, #tpu.memory_space<vmem>>[vector<16xi32>], vector<16xf32>,
          %add3A_172 = arith.constant 1 : i32
          %add3A_173 = arith.addi %mul3A_164, %add3A_172 : i32
          %add3A_174 = vector.broadcast %add3A_173 : i32 to vector<16xi32>
          %add3A_175 = arith.addi %broadcast_in_dim3A_3, %add3A_174 : vector<16xi32>
          %gather3A_176 = tpu.vector_load_idx %arg16[%iota3A, %add3A_175] : memref<16x512xf32, #tpu.memory_space<vmem>>[vector<16xi32>, vector<16xi32>], vector<16xf32>,
          %mul3A_177 = arith.mulf %gather3A_176, %get3A_152 : vector<16xf32>
          %add3A_178 = vector.broadcast %add3A_173 : i32 to vector<16xi32>
          %add3A_179 = arith.addi %mul3A_150, %add3A_178 : vector<16xi32>
          tpu.vector_store_idx %arg17[%add3A_179], %mul3A_177 {add = true} : memref<81920xf32, #tpu.memory_space<vmem>>[vector<16xi32>], vector<16xf32>,
          %add3A_180 = arith.constant 2 : i32
          %add3A_181 = arith.addi %mul3A_164, %add3A_180 : i32
          %add3A_182 = vector.broadcast %add3A_181 : i32 to vector<16xi32>
          %add3A_183 = arith.addi %broadcast_in_dim3A_3, %add3A_182 : vector<16xi32>
          %gather3A_184 = tpu.vector_load_idx %arg16[%iota3A, %add3A_183] : memref<16x512xf32, #tpu.memory_space<vmem>>[vector<16xi32>, vector<16xi32>], vector<16xf32>,
          %mul3A_185 = arith.mulf %gather3A_184, %get3A_152 : vector<16xf32>
          %add3A_186 = vector.broadcast %add3A_181 : i32 to vector<16xi32>
          %add3A_187 = arith.addi %mul3A_150, %add3A_186 : vector<16xi32>
          tpu.vector_store_idx %arg17[%add3A_187], %mul3A_185 {add = true} : memref<81920xf32, #tpu.memory_space<vmem>>[vector<16xi32>], vector<16xf32>,
          %add3A_188 = arith.constant 3 : i32
          %add3A_189 = arith.addi %mul3A_164, %add3A_188 : i32
          %add3A_190 = vector.broadcast %add3A_189 : i32 to vector<16xi32>
          %add3A_191 = arith.addi %broadcast_in_dim3A_3, %add3A_190 : vector<16xi32>
          %gather3A_192 = tpu.vector_load_idx %arg16[%iota3A, %add3A_191] : memref<16x512xf32, #tpu.memory_space<vmem>>[vector<16xi32>, vector<16xi32>], vector<16xf32>,
          %mul3A_193 = arith.mulf %gather3A_192, %get3A_152 : vector<16xf32>
          %add3A_194 = vector.broadcast %add3A_189 : i32 to vector<16xi32>
          %add3A_195 = arith.addi %mul3A_150, %add3A_194 : vector<16xi32>
          tpu.vector_store_idx %arg17[%add3A_195], %mul3A_193 {add = true} : memref<81920xf32, #tpu.memory_space<vmem>>[vector<16xi32>], vector<16xf32>,
          %add3A_196 = arith.constant 4 : i32
          %add3A_197 = arith.addi %mul3A_164, %add3A_196 : i32
          %add3A_198 = vector.broadcast %add3A_197 : i32 to vector<16xi32>
          %add3A_199 = arith.addi %broadcast_in_dim3A_3, %add3A_198 : vector<16xi32>
          %gather3A_200 = tpu.vector_load_idx %arg16[%iota3A, %add3A_199] : memref<16x512xf32, #tpu.memory_space<vmem>>[vector<16xi32>, vector<16xi32>], vector<16xf32>,
          %mul3A_201 = arith.mulf %gather3A_200, %get3A_152 : vector<16xf32>
          %add3A_202 = vector.broadcast %add3A_197 : i32 to vector<16xi32>
          %add3A_203 = arith.addi %mul3A_150, %add3A_202 : vector<16xi32>
          tpu.vector_store_idx %arg17[%add3A_203], %mul3A_201 {add = true} : memref<81920xf32, #tpu.memory_space<vmem>>[vector<16xi32>], vector<16xf32>,
          %add3A_204 = arith.constant 5 : i32
          %add3A_205 = arith.addi %mul3A_164, %add3A_204 : i32
          %add3A_206 = vector.broadcast %add3A_205 : i32 to vector<16xi32>
          %add3A_207 = arith.addi %broadcast_in_dim3A_3, %add3A_206 : vector<16xi32>
          %gather3A_208 = tpu.vector_load_idx %arg16[%iota3A, %add3A_207] : memref<16x512xf32, #tpu.memory_space<vmem>>[vector<16xi32>, vector<16xi32>], vector<16xf32>,
          %mul3A_209 = arith.mulf %gather3A_208, %get3A_152 : vector<16xf32>
          %add3A_210 = vector.broadcast %add3A_205 : i32 to vector<16xi32>
          %add3A_211 = arith.addi %mul3A_150, %add3A_210 : vector<16xi32>
          tpu.vector_store_idx %arg17[%add3A_211], %mul3A_209 {add = true} : memref<81920xf32, #tpu.memory_space<vmem>>[vector<16xi32>], vector<16xf32>,
          %add3A_212 = arith.constant 6 : i32
          %add3A_213 = arith.addi %mul3A_164, %add3A_212 : i32
          %add3A_214 = vector.broadcast %add3A_213 : i32 to vector<16xi32>
          %add3A_215 = arith.addi %broadcast_in_dim3A_3, %add3A_214 : vector<16xi32>
          %gather3A_216 = tpu.vector_load_idx %arg16[%iota3A, %add3A_215] : memref<16x512xf32, #tpu.memory_space<vmem>>[vector<16xi32>, vector<16xi32>], vector<16xf32>,
          %mul3A_217 = arith.mulf %gather3A_216, %get3A_152 : vector<16xf32>
          %add3A_218 = vector.broadcast %add3A_213 : i32 to vector<16xi32>
          %add3A_219 = arith.addi %mul3A_150, %add3A_218 : vector<16xi32>
          tpu.vector_store_idx %arg17[%add3A_219], %mul3A_217 {add = true} : memref<81920xf32, #tpu.memory_space<vmem>>[vector<16xi32>], vector<16xf32>,
          %add3A_220 = arith.constant 7 : i32
          %add3A_221 = arith.addi %mul3A_164, %add3A_220 : i32
          %add3A_222 = vector.broadcast %add3A_221 : i32 to vector<16xi32>
          %add3A_223 = arith.addi %broadcast_in_dim3A_3, %add3A_222 : vector<16xi32>
          %gather3A_224 = tpu.vector_load_idx %arg16[%iota3A, %add3A_223] : memref<16x512xf32, #tpu.memory_space<vmem>>[vector<16xi32>, vector<16xi32>], vector<16xf32>,
          %mul3A_225 = arith.mulf %gather3A_224, %get3A_152 : vector<16xf32>
          %add3A_226 = vector.broadcast %add3A_221 : i32 to vector<16xi32>
          %add3A_227 = arith.addi %mul3A_150, %add3A_226 : vector<16xi32>
          tpu.vector_store_idx %arg17[%add3A_227], %mul3A_225 {add = true} : memref<81920xf32, #tpu.memory_space<vmem>>[vector<16xi32>], vector<16xf32>,
          %scan3A_228 = arith.constant 0 : i32
          scf.yield %scan3A_228 : i32
        }
        %scan3A_159 = arith.constant 64 : i32
        %while3A_160 = arith.constant 0 : i32
        scf.yield %while3A_160 : i32
      }
      %scan3A_136 = arith.constant 0 : i32
      scf.yield %scan3A_136 : i32
    }
    %scan3A_81 = arith.constant 80 : i32
    %mul3A_82 = arith.constant 81920 : i32
    %mul3A_83 = arith.muli %add3A_45, %mul3A_82 : i32
    "tpu.region"() ({
      %run_scoped3A = tpu.sem_alloc : memref<!tpu.dma_semaphore, #tpu.memory_space<semaphore_mem>>
      %dma_start3A = tpu.memref_slice %arg7[%mul3A_83] : memref<5242880xf32, #tpu.memory_space<hbm>> -> memref<81920xf32, #tpu.memory_space<hbm>>
      %dma_start3A_86 = tpu.memref_slice %arg7[%mul3A_83] : memref<5242880xf32, #tpu.memory_space<hbm>> -> memref<81920xf32, #tpu.memory_space<hbm>>
      tpu.enqueue_dma source(%arg17 : memref<81920xf32, #tpu.memory_space<vmem>>) target(%dma_start3A_86 : memref<81920xf32, #tpu.memory_space<hbm>>) target_semaphore(%run_scoped3A : memref<!tpu.dma_semaphore, #tpu.memory_space<semaphore_mem>>)
      %dma_wait3A = tpu.memref_slice %arg7[%mul3A_83] : memref<5242880xf32, #tpu.memory_space<hbm>> -> memref<81920xf32, #tpu.memory_space<hbm>>
      %dma_wait3A_87 = tpu.memref_slice %arg7[%mul3A_83] : memref<5242880xf32, #tpu.memory_space<hbm>> -> memref<81920xf32, #tpu.memory_space<hbm>>
      tpu.wait_dma2 semaphore(%run_scoped3A : memref<!tpu.dma_semaphore, #tpu.memory_space<semaphore_mem>>) src(%arg17 : memref<81920xf32, #tpu.memory_space<vmem>>) dst(%dma_wait3A_87 : memref<81920xf32, #tpu.memory_space<hbm>>)
      tpu.yield
    }) : () -> ()
    %mul3A_84 = arith.constant 160 : i32
    %mul3A_85 = arith.muli %add3A_45, %mul3A_84 : i32
    "tpu.region"() ({
      %run_scoped3A = tpu.sem_alloc : memref<!tpu.dma_semaphore, #tpu.memory_space<semaphore_mem>>
      %dma_start3A = tpu.memref_slice %arg8[%mul3A_85] : memref<10240xf32, #tpu.memory_space<hbm>> -> memref<160xf32, #tpu.memory_space<hbm>>
      %dma_start3A_86 = tpu.memref_slice %arg8[%mul3A_85] : memref<10240xf32, #tpu.memory_space<hbm>> -> memref<160xf32, #tpu.memory_space<hbm>>
      tpu.enqueue_dma source(%arg18 : memref<160xf32, #tpu.memory_space<vmem>>) target(%dma_start3A_86 : memref<160xf32, #tpu.memory_space<hbm>>) target_semaphore(%run_scoped3A : memref<!tpu.dma_semaphore, #tpu.memory_space<semaphore_mem>>)
      %dma_wait3A = tpu.memref_slice %arg8[%mul3A_85] : memref<10240xf32, #tpu.memory_space<hbm>> -> memref<160xf32, #tpu.memory_space<hbm>>
      %dma_wait3A_87 = tpu.memref_slice %arg8[%mul3A_85] : memref<10240xf32, #tpu.memory_space<hbm>> -> memref<160xf32, #tpu.memory_space<hbm>>
      tpu.wait_dma2 semaphore(%run_scoped3A : memref<!tpu.dma_semaphore, #tpu.memory_space<semaphore_mem>>) src(%arg18 : memref<160xf32, #tpu.memory_space<vmem>>) dst(%dma_wait3A_87 : memref<160xf32, #tpu.memory_space<hbm>>)
      tpu.yield
    }) : () -> ()
    return
  }
}

module attributes {stable_mosaic.version = 14 : i64} {
  func.func @_tc1_body(%arg0: i32, %arg1: memref<1000x32xi32, #tpu.memory_space<vmem>>, %arg2: memref<1000x256xf32, #tpu.memory_space<vmem>>, %arg3: memref<256x512xf32, #tpu.memory_space<vmem>>, %arg4: memref<1000x512xf32, #tpu.memory_space<vmem>>, %arg5: memref<1000x1xf32, #tpu.memory_space<vmem>>) attributes {dimension_semantics = [#tpu.dimension_semantics<arbitrary>], iteration_bounds = array<i64: 10>, scalar_prefetch = 0 : i64, scratch_operands = 0 : i64, tpu.core_type = #tpu.core_type<tc>, window_params = [{transform_indices = @transform_0, window_bounds = array<i64: 1000, 32>}, {transform_indices = @transform_1, window_bounds = array<i64: 1000, 256>}, {pipeline_mode = #tpu.pipeline_mode<synchronous>, transform_indices = @transform_2, window_bounds = array<i64: 256, 512>}, {transform_indices = @transform_3, window_bounds = array<i64: 1000, 512>}, {transform_indices = @transform_4, window_bounds = array<i64: 1000, 1>}]} {
    %get3A = arith.constant 0 : index
    %get3A_0 = arith.constant 0 : index
    %get3A_1 = vector.load %arg1[%get3A, %get3A_0] : memref<1000x32xi32, #tpu.memory_space<vmem>>, vector<1000x32xi32>
    %reduce_sum3A = arith.constant dense<0> : vector<1000xi32>
    %reduce_sum3A_2 = vector.multi_reduction <add>, %get3A_1, %reduce_sum3A [1] : vector<1000x32xi32> to vector<1000xi32>
    %broadcast_in_dim3A = vector.shape_cast %reduce_sum3A_2 : vector<1000xi32> to vector<1000x1xi32>
    %convert_element_type3A = arith.sitofp %broadcast_in_dim3A : vector<1000x1xi32> to vector<1000x1xf32>
    %add3A = arith.constant 1.000000e+00 : f32
    %add3A_3 = vector.broadcast %add3A : f32 to vector<1000x1xf32>
    %add3A_4 = arith.addf %convert_element_type3A, %add3A_3 : vector<1000x1xf32>
    %rsqrt3A = math.rsqrt %add3A_4 : vector<1000x1xf32>
    %get3A_5 = arith.constant 0 : index
    %get3A_6 = arith.constant 0 : index
    %get3A_7 = vector.load %arg2[%get3A_5, %get3A_6] : memref<1000x256xf32, #tpu.memory_space<vmem>>, vector<1000x256xf32>
    %get3A_8 = arith.constant 0 : index
    %get3A_9 = arith.constant 0 : index
    %get3A_10 = vector.load %arg3[%get3A_8, %get3A_9] : memref<256x512xf32, #tpu.memory_space<vmem>>, vector<256x512xf32>
    %dot_general3A = arith.constant dense<0.000000e+00> : vector<1000x512xf32>
    %dot_general3A_11 = tpu.matmul %get3A_7, %get3A_10, %dot_general3A {dimension_numbers = #tpu.dot_dimension_numbers<[1], [0], [0], [1], [0, 0, 1, 1], [], []>, transpose_lhs_hint = false} : vector<1000x256xf32>, vector<256x512xf32>, vector<1000x512xf32> -> vector<1000x512xf32>
    %mul3A = vector.broadcast %rsqrt3A : vector<1000x1xf32> to vector<1000x512xf32>
    %mul3A_12 = arith.mulf %dot_general3A_11, %mul3A : vector<1000x512xf32>
    %swap3A = arith.constant 0 : index
    %swap3A_13 = arith.constant 0 : index
    %swap3A_14 = vector.load %arg4[%swap3A, %swap3A_13] : memref<1000x512xf32, #tpu.memory_space<vmem>>, vector<1000x512xf32>
    tpu.vector_store %arg4[%swap3A, %swap3A_13], %mul3A_12 {strides = array<i32>} : memref<1000x512xf32, #tpu.memory_space<vmem>>, vector<1000x512xf32>,
    %swap3A_15 = arith.constant 0 : index
    %swap3A_16 = arith.constant 0 : index
    %swap3A_17 = vector.load %arg5[%swap3A_15, %swap3A_16] : memref<1000x1xf32, #tpu.memory_space<vmem>>, vector<1000x1xf32>
    tpu.vector_store %arg5[%swap3A_15, %swap3A_16], %rsqrt3A {strides = array<i32>} : memref<1000x1xf32, #tpu.memory_space<vmem>>, vector<1000x1xf32>,
    return
  }
  func.func @transform_0(%arg0: i32) -> (i32, i32) {
    %c0_i32 = arith.constant 0 : i32
    %c0_i32_0 = arith.constant 0 : i32
    return %arg0, %c0_i32 : i32, i32
  }
  func.func @transform_1(%arg0: i32) -> (i32, i32) {
    %c0_i32 = arith.constant 0 : i32
    %c0_i32_0 = arith.constant 0 : i32
    return %arg0, %c0_i32 : i32, i32
  }
  func.func @transform_2(%arg0: i32) -> (i32, i32) {
    %c0_i32 = arith.constant 0 : i32
    %c0_i32_0 = arith.constant 0 : i32
    %c0_i32_1 = arith.constant 0 : i32
    return %c0_i32, %c0_i32_0 : i32, i32
  }
  func.func @transform_3(%arg0: i32) -> (i32, i32) {
    %c0_i32 = arith.constant 0 : i32
    %c0_i32_0 = arith.constant 0 : i32
    return %arg0, %c0_i32 : i32, i32
  }
  func.func @transform_4(%arg0: i32) -> (i32, i32) {
    %c0_i32 = arith.constant 0 : i32
    %c0_i32_0 = arith.constant 0 : i32
    return %arg0, %c0_i32 : i32, i32
  }
}

module attributes {stable_mosaic.version = 14 : i64} {
  func.func @_tc2_body(%arg0: i32, %arg1: memref<1000x512xf32, #tpu.memory_space<vmem>>, %arg2: memref<1000x512xf32, #tpu.memory_space<vmem>>, %arg3: memref<1000x1xf32, #tpu.memory_space<vmem>>, %arg4: memref<1x512xf32, #tpu.memory_space<vmem>>, %arg5: memref<512x512xf32, #tpu.memory_space<vmem>>, %arg6: memref<1x512xf32, #tpu.memory_space<vmem>>, %arg7: memref<1x512xf32, #tpu.memory_space<vmem>>, %arg8: memref<1000x512xf32, #tpu.memory_space<vmem>>, %arg9: memref<1000x1xf32, #tpu.memory_space<vmem>>, %arg10: memref<1000x1xf32, #tpu.memory_space<vmem>>) attributes {dimension_semantics = [#tpu.dimension_semantics<arbitrary>], iteration_bounds = array<i64: 10>, scalar_prefetch = 0 : i64, scratch_operands = 0 : i64, tpu.core_type = #tpu.core_type<tc>, window_params = [{transform_indices = @transform_0, window_bounds = array<i64: 1000, 512>}, {transform_indices = @transform_1, window_bounds = array<i64: 1000, 512>}, {transform_indices = @transform_2, window_bounds = array<i64: 1000, 1>}, {pipeline_mode = #tpu.pipeline_mode<synchronous>, transform_indices = @transform_3, window_bounds = array<i64: 1, 512>}, {pipeline_mode = #tpu.pipeline_mode<synchronous>, transform_indices = @transform_4, window_bounds = array<i64: 512, 512>}, {pipeline_mode = #tpu.pipeline_mode<synchronous>, transform_indices = @transform_5, window_bounds = array<i64: 1, 512>}, {pipeline_mode = #tpu.pipeline_mode<synchronous>, transform_indices = @transform_6, window_bounds = array<i64: 1, 512>}, {transform_indices = @transform_7, window_bounds = array<i64: 1000, 512>}, {transform_indices = @transform_8, window_bounds = array<i64: 1000, 1>}, {transform_indices = @transform_9, window_bounds = array<i64: 1000, 1>}]} {
    %get3A = arith.constant 0 : index
    %get3A_0 = arith.constant 0 : index
    %get3A_1 = vector.load %arg3[%get3A, %get3A_0] : memref<1000x1xf32, #tpu.memory_space<vmem>>, vector<1000x1xf32>
    %get3A_2 = arith.constant 0 : index
    %get3A_3 = arith.constant 0 : index
    %get3A_4 = vector.load %arg1[%get3A_2, %get3A_3] : memref<1000x512xf32, #tpu.memory_space<vmem>>, vector<1000x512xf32>
    %get3A_5 = arith.constant 0 : index
    %get3A_6 = arith.constant 0 : index
    %get3A_7 = vector.load %arg2[%get3A_5, %get3A_6] : memref<1000x512xf32, #tpu.memory_space<vmem>>, vector<1000x512xf32>
    %add3A = arith.addf %get3A_4, %get3A_7 : vector<1000x512xf32>
    %mul3A = vector.broadcast %get3A_1 : vector<1000x1xf32> to vector<1000x512xf32>
    %mul3A_8 = arith.mulf %mul3A, %add3A : vector<1000x512xf32>
    %get3A_9 = arith.constant 0 : index
    %get3A_10 = arith.constant 0 : index
    %get3A_11 = vector.load %arg4[%get3A_9, %get3A_10] : memref<1x512xf32, #tpu.memory_space<vmem>>, vector<1x512xf32>
    %add3A_12 = vector.broadcast %get3A_11 : vector<1x512xf32> to vector<1000x512xf32>
    %add3A_13 = arith.addf %mul3A_8, %add3A_12 : vector<1000x512xf32>
    %max3A = arith.constant 0.000000e+00 : f32
    %max3A_14 = vector.broadcast %max3A : f32 to vector<1000x512xf32>
    %max3A_15 = arith.maximumf %add3A_13, %max3A_14 : vector<1000x512xf32>
    %get3A_16 = arith.constant 0 : index
    %get3A_17 = arith.constant 0 : index
    %get3A_18 = vector.load %arg5[%get3A_16, %get3A_17] : memref<512x512xf32, #tpu.memory_space<vmem>>, vector<512x512xf32>
    %dot_general3A = arith.constant dense<0.000000e+00> : vector<1000x512xf32>
    %dot_general3A_19 = tpu.matmul %max3A_15, %get3A_18, %dot_general3A {dimension_numbers = #tpu.dot_dimension_numbers<[1], [0], [0], [1], [0, 0, 1, 1], [], []>, transpose_lhs_hint = false} : vector<1000x512xf32>, vector<512x512xf32>, vector<1000x512xf32> -> vector<1000x512xf32>
    %swap3A = arith.constant 0 : index
    %swap3A_20 = arith.constant 0 : index
    %swap3A_21 = vector.load %arg8[%swap3A, %swap3A_20] : memref<1000x512xf32, #tpu.memory_space<vmem>>, vector<1000x512xf32>
    tpu.vector_store %arg8[%swap3A, %swap3A_20], %dot_general3A_19 {strides = array<i32>} : memref<1000x512xf32, #tpu.memory_space<vmem>>, vector<1000x512xf32>,
    %get3A_22 = arith.constant 0 : index
    %get3A_23 = arith.constant 0 : index
    %get3A_24 = vector.load %arg6[%get3A_22, %get3A_23] : memref<1x512xf32, #tpu.memory_space<vmem>>, vector<1x512xf32>
    %mul3A_25 = vector.broadcast %get3A_24 : vector<1x512xf32> to vector<1000x512xf32>
    %mul3A_26 = arith.mulf %dot_general3A_19, %mul3A_25 : vector<1000x512xf32>
    %reduce_sum3A = arith.constant dense<0.000000e+00> : vector<1000xf32>
    %reduce_sum3A_27 = vector.multi_reduction <add>, %mul3A_26, %reduce_sum3A [1] : vector<1000x512xf32> to vector<1000xf32>
    %broadcast_in_dim3A = vector.shape_cast %reduce_sum3A_27 : vector<1000xf32> to vector<1000x1xf32>
    %swap3A_28 = arith.constant 0 : index
    %swap3A_29 = arith.constant 0 : index
    %swap3A_30 = vector.load %arg9[%swap3A_28, %swap3A_29] : memref<1000x1xf32, #tpu.memory_space<vmem>>, vector<1000x1xf32>
    tpu.vector_store %arg9[%swap3A_28, %swap3A_29], %broadcast_in_dim3A {strides = array<i32>} : memref<1000x1xf32, #tpu.memory_space<vmem>>, vector<1000x1xf32>,
    %get3A_31 = arith.constant 0 : index
    %get3A_32 = arith.constant 0 : index
    %get3A_33 = vector.load %arg7[%get3A_31, %get3A_32] : memref<1x512xf32, #tpu.memory_space<vmem>>, vector<1x512xf32>
    %mul3A_34 = vector.broadcast %get3A_33 : vector<1x512xf32> to vector<1000x512xf32>
    %mul3A_35 = arith.mulf %dot_general3A_19, %mul3A_34 : vector<1000x512xf32>
    %reduce_sum3A_36 = arith.constant dense<0.000000e+00> : vector<1000xf32>
    %reduce_sum3A_37 = vector.multi_reduction <add>, %mul3A_35, %reduce_sum3A_36 [1] : vector<1000x512xf32> to vector<1000xf32>
    %broadcast_in_dim3A_38 = vector.shape_cast %reduce_sum3A_37 : vector<1000xf32> to vector<1000x1xf32>
    %swap3A_39 = arith.constant 0 : index
    %swap3A_40 = arith.constant 0 : index
    %swap3A_41 = vector.load %arg10[%swap3A_39, %swap3A_40] : memref<1000x1xf32, #tpu.memory_space<vmem>>, vector<1000x1xf32>
    tpu.vector_store %arg10[%swap3A_39, %swap3A_40], %broadcast_in_dim3A_38 {strides = array<i32>} : memref<1000x1xf32, #tpu.memory_space<vmem>>, vector<1000x1xf32>,
    return
  }
  func.func @transform_0(%arg0: i32) -> (i32, i32) {
    %c0_i32 = arith.constant 0 : i32
    %c0_i32_0 = arith.constant 0 : i32
    return %arg0, %c0_i32 : i32, i32
  }
  func.func @transform_1(%arg0: i32) -> (i32, i32) {
    %c0_i32 = arith.constant 0 : i32
    %c0_i32_0 = arith.constant 0 : i32
    return %arg0, %c0_i32 : i32, i32
  }
  func.func @transform_2(%arg0: i32) -> (i32, i32) {
    %c0_i32 = arith.constant 0 : i32
    %c0_i32_0 = arith.constant 0 : i32
    return %arg0, %c0_i32 : i32, i32
  }
  func.func @transform_3(%arg0: i32) -> (i32, i32) {
    %c0_i32 = arith.constant 0 : i32
    %c0_i32_0 = arith.constant 0 : i32
    %c0_i32_1 = arith.constant 0 : i32
    return %c0_i32, %c0_i32_0 : i32, i32
  }
  func.func @transform_4(%arg0: i32) -> (i32, i32) {
    %c0_i32 = arith.constant 0 : i32
    %c0_i32_0 = arith.constant 0 : i32
    %c0_i32_1 = arith.constant 0 : i32
    return %c0_i32, %c0_i32_0 : i32, i32
  }
  func.func @transform_5(%arg0: i32) -> (i32, i32) {
    %c0_i32 = arith.constant 0 : i32
    %c0_i32_0 = arith.constant 0 : i32
    %c0_i32_1 = arith.constant 0 : i32
    return %c0_i32, %c0_i32_0 : i32, i32
  }
  func.func @transform_6(%arg0: i32) -> (i32, i32) {
    %c0_i32 = arith.constant 0 : i32
    %c0_i32_0 = arith.constant 0 : i32
    %c0_i32_1 = arith.constant 0 : i32
    return %c0_i32, %c0_i32_0 : i32, i32
  }
  func.func @transform_7(%arg0: i32) -> (i32, i32) {
    %c0_i32 = arith.constant 0 : i32
    %c0_i32_0 = arith.constant 0 : i32
    return %arg0, %c0_i32 : i32, i32
  }
  func.func @transform_8(%arg0: i32) -> (i32, i32) {
    %c0_i32 = arith.constant 0 : i32
    %c0_i32_0 = arith.constant 0 : i32
    return %arg0, %c0_i32 : i32, i32
  }
  func.func @transform_9(%arg0: i32) -> (i32, i32) {
    %c0_i32 = arith.constant 0 : i32
    %c0_i32_0 = arith.constant 0 : i32
    return %arg0, %c0_i32 : i32, i32
  }
}

module attributes {stable_mosaic.version = 14 : i64} {
  func.func @_tc3_body(%arg0: i32, %arg1: memref<1000x512xf32, #tpu.memory_space<vmem>>, %arg2: memref<1000x1xf32, #tpu.memory_space<vmem>>, %arg3: memref<1000x512xf32, #tpu.memory_space<vmem>>, %arg4: memref<1000x1xf32, #tpu.memory_space<vmem>>, %arg5: memref<1000x1xf32, #tpu.memory_space<vmem>>, %arg6: memref<1x512xf32, #tpu.memory_space<vmem>>, %arg7: memref<512x256xf32, #tpu.memory_space<vmem>>, %arg8: memref<1x256xf32, #tpu.memory_space<vmem>>, %arg9: memref<1000x256xf32, #tpu.memory_space<vmem>>) attributes {dimension_semantics = [#tpu.dimension_semantics<arbitrary>], iteration_bounds = array<i64: 10>, scalar_prefetch = 0 : i64, scratch_operands = 0 : i64, tpu.core_type = #tpu.core_type<tc>, window_params = [{transform_indices = @transform_0, window_bounds = array<i64: 1000, 512>}, {transform_indices = @transform_1, window_bounds = array<i64: 1000, 1>}, {transform_indices = @transform_2, window_bounds = array<i64: 1000, 512>}, {transform_indices = @transform_3, window_bounds = array<i64: 1000, 1>}, {transform_indices = @transform_4, window_bounds = array<i64: 1000, 1>}, {pipeline_mode = #tpu.pipeline_mode<synchronous>, transform_indices = @transform_5, window_bounds = array<i64: 1, 512>}, {pipeline_mode = #tpu.pipeline_mode<synchronous>, transform_indices = @transform_6, window_bounds = array<i64: 512, 256>}, {pipeline_mode = #tpu.pipeline_mode<synchronous>, transform_indices = @transform_7, window_bounds = array<i64: 1, 256>}, {transform_indices = @transform_8, window_bounds = array<i64: 1000, 256>}]} {
    %get3A = arith.constant 0 : index
    %get3A_0 = arith.constant 0 : index
    %get3A_1 = vector.load %arg4[%get3A, %get3A_0] : memref<1000x1xf32, #tpu.memory_space<vmem>>, vector<1000x1xf32>
    %get3A_2 = arith.constant 0 : index
    %get3A_3 = arith.constant 0 : index
    %get3A_4 = vector.load %arg5[%get3A_2, %get3A_3] : memref<1000x1xf32, #tpu.memory_space<vmem>>, vector<1000x1xf32>
    %add3A = arith.addf %get3A_1, %get3A_4 : vector<1000x1xf32>
    %gt3A = arith.constant 0.000000e+00 : f32
    %gt3A_5 = vector.broadcast %gt3A : f32 to vector<1000x1xf32>
    %gt3A_6 = arith.cmpf ogt, %add3A, %gt3A_5 : vector<1000x1xf32>
    %mul3A = arith.constant 2.000000e-01 : f32
    %mul3A_7 = vector.broadcast %mul3A : f32 to vector<1000x1xf32>
    %mul3A_8 = arith.mulf %mul3A_7, %add3A : vector<1000x1xf32>
    %select_n3A = arith.select %gt3A_6, %add3A, %mul3A_8 : vector<1000x1xi1>, vector<1000x1xf32>
    %exp3A = math.exp %select_n3A : vector<1000x1xf32>
    %get3A_9 = arith.constant 0 : index
    %get3A_10 = arith.constant 0 : index
    %get3A_11 = vector.load %arg1[%get3A_9, %get3A_10] : memref<1000x512xf32, #tpu.memory_space<vmem>>, vector<1000x512xf32>
    %get3A_12 = arith.constant 0 : index
    %get3A_13 = arith.constant 0 : index
    %get3A_14 = vector.load %arg3[%get3A_12, %get3A_13] : memref<1000x512xf32, #tpu.memory_space<vmem>>, vector<1000x512xf32>
    %mul3A_15 = vector.broadcast %exp3A : vector<1000x1xf32> to vector<1000x512xf32>
    %mul3A_16 = arith.mulf %mul3A_15, %get3A_14 : vector<1000x512xf32>
    %add3A_17 = arith.addf %get3A_11, %mul3A_16 : vector<1000x512xf32>
    %get3A_18 = arith.constant 0 : index
    %get3A_19 = arith.constant 0 : index
    %get3A_20 = vector.load %arg2[%get3A_18, %get3A_19] : memref<1000x1xf32, #tpu.memory_space<vmem>>, vector<1000x1xf32>
    %add3A_21 = arith.addf %get3A_20, %exp3A : vector<1000x1xf32>
    %div3A = vector.broadcast %add3A_21 : vector<1000x1xf32> to vector<1000x512xf32>
    %div3A_22 = arith.divf %add3A_17, %div3A : vector<1000x512xf32>
    %get3A_23 = arith.constant 0 : index
    %get3A_24 = arith.constant 0 : index
    %get3A_25 = vector.load %arg6[%get3A_23, %get3A_24] : memref<1x512xf32, #tpu.memory_space<vmem>>, vector<1x512xf32>
    %add3A_26 = vector.broadcast %get3A_25 : vector<1x512xf32> to vector<1000x512xf32>
    %add3A_27 = arith.addf %div3A_22, %add3A_26 : vector<1000x512xf32>
    %max3A = arith.constant 0.000000e+00 : f32
    %max3A_28 = vector.broadcast %max3A : f32 to vector<1000x512xf32>
    %max3A_29 = arith.maximumf %add3A_27, %max3A_28 : vector<1000x512xf32>
    %get3A_30 = arith.constant 0 : index
    %get3A_31 = arith.constant 0 : index
    %get3A_32 = vector.load %arg7[%get3A_30, %get3A_31] : memref<512x256xf32, #tpu.memory_space<vmem>>, vector<512x256xf32>
    %dot_general3A = arith.constant dense<0.000000e+00> : vector<1000x256xf32>
    %dot_general3A_33 = tpu.matmul %max3A_29, %get3A_32, %dot_general3A {dimension_numbers = #tpu.dot_dimension_numbers<[1], [0], [0], [1], [0, 0, 1, 1], [], []>, transpose_lhs_hint = false} : vector<1000x512xf32>, vector<512x256xf32>, vector<1000x256xf32> -> vector<1000x256xf32>
    %get3A_34 = arith.constant 0 : index
    %get3A_35 = arith.constant 0 : index
    %get3A_36 = vector.load %arg8[%get3A_34, %get3A_35] : memref<1x256xf32, #tpu.memory_space<vmem>>, vector<1x256xf32>
    %add3A_37 = vector.broadcast %get3A_36 : vector<1x256xf32> to vector<1000x256xf32>
    %add3A_38 = arith.addf %dot_general3A_33, %add3A_37 : vector<1000x256xf32>
    %swap3A = arith.constant 0 : index
    %swap3A_39 = arith.constant 0 : index
    %swap3A_40 = vector.load %arg9[%swap3A, %swap3A_39] : memref<1000x256xf32, #tpu.memory_space<vmem>>, vector<1000x256xf32>
    tpu.vector_store %arg9[%swap3A, %swap3A_39], %add3A_38 {strides = array<i32>} : memref<1000x256xf32, #tpu.memory_space<vmem>>, vector<1000x256xf32>,
    return
  }
  func.func @transform_0(%arg0: i32) -> (i32, i32) {
    %c0_i32 = arith.constant 0 : i32
    %c0_i32_0 = arith.constant 0 : i32
    return %arg0, %c0_i32 : i32, i32
  }
  func.func @transform_1(%arg0: i32) -> (i32, i32) {
    %c0_i32 = arith.constant 0 : i32
    %c0_i32_0 = arith.constant 0 : i32
    return %arg0, %c0_i32 : i32, i32
  }
  func.func @transform_2(%arg0: i32) -> (i32, i32) {
    %c0_i32 = arith.constant 0 : i32
    %c0_i32_0 = arith.constant 0 : i32
    return %arg0, %c0_i32 : i32, i32
  }
  func.func @transform_3(%arg0: i32) -> (i32, i32) {
    %c0_i32 = arith.constant 0 : i32
    %c0_i32_0 = arith.constant 0 : i32
    return %arg0, %c0_i32 : i32, i32
  }
  func.func @transform_4(%arg0: i32) -> (i32, i32) {
    %c0_i32 = arith.constant 0 : i32
    %c0_i32_0 = arith.constant 0 : i32
    return %arg0, %c0_i32 : i32, i32
  }
  func.func @transform_5(%arg0: i32) -> (i32, i32) {
    %c0_i32 = arith.constant 0 : i32
    %c0_i32_0 = arith.constant 0 : i32
    %c0_i32_1 = arith.constant 0 : i32
    return %c0_i32, %c0_i32_0 : i32, i32
  }
  func.func @transform_6(%arg0: i32) -> (i32, i32) {
    %c0_i32 = arith.constant 0 : i32
    %c0_i32_0 = arith.constant 0 : i32
    %c0_i32_1 = arith.constant 0 : i32
    return %c0_i32, %c0_i32_0 : i32, i32
  }
  func.func @transform_7(%arg0: i32) -> (i32, i32) {
    %c0_i32 = arith.constant 0 : i32
    %c0_i32_0 = arith.constant 0 : i32
    %c0_i32_1 = arith.constant 0 : i32
    return %c0_i32, %c0_i32_0 : i32, i32
  }
  func.func @transform_8(%arg0: i32) -> (i32, i32) {
    %c0_i32 = arith.constant 0 : i32
    %c0_i32_0 = arith.constant 0 : i32
    return %arg0, %c0_i32 : i32, i32
  }
}

</mosaic_0001>

<sc_bundles>
// kernel: kernel.11.cloned.1.call-start
scs
__scs_entry_jumppad:
0x0: {  	(pc) =	sbr.rel $0x88, $3  }
0x1: {  	(tag) =	ssettag $0x0;
	lr =	simm.s32 $0x1  }
0x2: {  	[smem:$0x3F97] =	sst lr;
	_ =	strace $0xD0000000  }
0x3: {  	_ = 	snop  }
0x4: {  	_ = 	snop  }
0x5: {  	_ = 	snop  }
0x6: {  	_ = 	snop  }
0x7: {  	_ = 	snop  }
__scs_overlays_trampoline_lowered:
0x8: {  	[smem:$0x3FA6] =	sst s0  }
0x9: {  	[smem:$0x3FA7] =	sst s1  }
0xa: {  	[smem:$0x3FA8] =	sst s2  }
0xb: {  	[smem:$0x3FA9] =	sst s3  }
0xc: {  	[smem:$0x3FAA] =	sst s4  }
0xd: {  	[smem:$0x3FAB] =	sst s5  }
0xe: {  	[smem:$0x3FAC] =	sst s6  }
0xf: {  	[smem:$0x3FAD] =	sst s7  }
0x10: {  	[smem:$0x3FAE] =	sst s8  }
0x11: {  	[smem:$0x3FAF] =	sst s9;
	s0 =	simm.s32 @!p0 $0x0  }
0x12: {  	s1 =	sld [smem:$0x3F95];
	s0 =	simm.s32 @p0 $0x1  }
0x13: {  	[smem:$0x3FB0] =	sst s0;
	s0 =	simm.s32 @!p1 $0x0  }
0x14: {  	s2 =	sld [smem:$0x3F94];
	s0 =	simm.s32 @p1 $0x1  }
0x15: {  	[smem:$0x3FB1] =	sst s0;
	s0 =	simm.s32 @!p2 $0x0  }
0x16: {  	s3 =	sld [smem:$0x3FDB];
	s0 =	simm.s32 @p2 $0x1  }
0x17: {  	s4 =	simm.s32 $0x1BF5;
	[smem:$0x3FB3] =	sst s0  }
0x18: {  	s0 =	sld [smem:$0x3F96];
	_ =	swait.ge [sflag:s4], $0x0  }
0x19: {  	s7 =	sld [smem:$0x3F97]  }
0x1a: {  	s8 =	sadd.s32 $0xFFFFE003, lr  }
0x1b: {  	s9 =	sadd.s32 $0xFFFFFEF7, lr;
	s5 =	simm.s32 $0xFFFFFFFF;
	p2 =	slt.u32 s8, $0xFFFFF086  }
0x1c: {  	p1 =	slt.u32 s9, $0xF7A;
	s5 =	simm.s32 @!p2 $0x0  }
0x1d: {  	s5 =	simm.s32 @p1 $0x1;
	p0 =	seq.s32 s7, s2  }
0x1e: {  	s7 =	smul.u32 @!p0 $0xF7A, s2;
	p2 =	seq.s32 @!p0 s5, $0x0  }
0x1f: {  	s9 =	smul.u32 $0xF7A, s1;
	s8 =	simm.s32 @!p0 $0x1BF5;
	p2 =	por !p2, p0  }
0x20: {  	[sflag:s8] =	ssyncset.s32 @!p0 $0xFFFFF086;
	s6 =	sadd.s32 @!p0 s3, s7;
	s7 =	simm.s32 @!p0 $0x108  }
0x21: {  	s3 =	sadd.s32 s3, s9;
	s6 =	sadd.s32 @!p0 $0x88, s6;
	s7 =	simm.s32 @p2 $0x1082  }
0x22: {  	[simem:s7], [sflag:s8] =	dma.local @!p0 [hbm:s6], $0xF7A  }
0x23: {  	s9 =	sor.u32 $0xD0000000, s2;
	s6 =	simm.s32 $0x108;
	_ =	swait.ge @!p0 [sflag:s8], $0x0  }
0x24: {  	s3 =	sadd.s32 $0x88, s3;
	s6 =	simm.s32 @!p1 $0x1082;
	[sflag:s4] =	ssyncset.s32 $0xFFFFF086  }
0x25: {  	[simem:s6], [sflag:s4] =	dma.local [hbm:s3], $0xF7A  }
0x26: {  	[smem:$0x3F97] =	sst s1;
	(tag) =	ssettag s2;
	_ =	strace s9  }
0x27: {  	s1 =	sld [smem:$0x3FA7]  }
0x28: {  	s2 =	sld [smem:$0x3FA8]  }
0x29: {  	s4 =	sld [smem:$0x3FAA]  }
0x2a: {  	p0 =	seq.s32 s5, $0x0;
	s5 =	sld [smem:$0x3FAB]  }
0x2b: {  	s6 =	sld [smem:$0x3FAC]  }
0x2c: {  	s7 =	sld [smem:$0x3FAD]  }
0x2d: {  	s3 =	simm.s32 $0x108;
	s8 =	sld [smem:$0x3FAE]  }
0x2e: {  	s3 =	simm.s32 @!p0 $0x1082;
	s9 =	sld [smem:$0x3FAF]  }
0x2f: {  	lr =	sadd.s32 s0, s3;
	s0 =	sld [smem:$0x3FA6]  }
0x30: {  	s3 =	sld [smem:$0x3FA9]  }
0x31: {  	[smem:$0x3FB2] =	sst s10  }
0x32: {  	s10 =	sld [smem:$0x3FB0];
	_ =	sdelay $0x3  }
0x33: {  	p0 =	seq.s32 s10, $0x1;
	s10 =	sld [smem:$0x3FB2];
	_ =	sdelay $0x3  }
0x34: {  	[smem:$0x3FB2] =	sst s10  }
0x35: {  	s10 =	sld [smem:$0x3FB1];
	_ =	sdelay $0x3  }
0x36: {  	p1 =	seq.s32 s10, $0x1;
	s10 =	sld [smem:$0x3FB2];
	_ =	sdelay $0x3  }
0x37: {  	[smem:$0x3FB2] =	sst s10  }
0x38: {  	s10 =	sld [smem:$0x3FB3]  }
0x39: {  	_ = 	snop;
	(pc) =	sbr.ind lr, $3  }
0x3a: {  	_ = 	snop  }
0x3b: {  	_ = 	snop  }
0x3c: {  	p2 =	seq.s32 s10, $0x1;
	s10 =	sld [smem:$0x3FB2]  }
0x3d: {  	_ =	shalt  }
0x3e: {  	_ =	shalt  }
0x3f: {  	_ =	shalt  }
0x40: {  	_ =	shalt  }
0x41: {  	_ =	shalt  }
0x42: {  	_ =	shalt  }
0x43: {  	_ =	shalt  }
0x44: {  	_ =	shalt  }
0x45: {  	_ =	shalt  }
0x46: {  	_ =	shalt  }
0x47: {  	_ =	shalt  }
0x48: {  	_ =	shalt  }
0x49: {  	_ =	shalt  }
0x4a: {  	_ =	shalt  }
0x4b: {  	_ =	shalt  }
0x4c: {  	_ =	shalt  }
0x4d: {  	_ =	shalt  }
0x4e: {  	_ =	shalt  }
0x4f: {  	_ =	shalt  }
0x50: {  	_ =	shalt  }
0x51: {  	_ =	shalt  }
0x52: {  	_ =	shalt  }
0x53: {  	_ =	shalt  }
0x54: {  	_ =	shalt  }
0x55: {  	_ =	shalt  }
0x56: {  	_ =	shalt  }
0x57: {  	_ =	shalt  }
0x58: {  	_ =	shalt  }
0x59: {  	_ =	shalt  }
0x5a: {  	_ =	shalt  }
0x5b: {  	_ =	shalt  }
0x5c: {  	_ =	shalt  }
0x5d: {  	_ =	shalt  }
0x5e: {  	_ =	shalt  }
0x5f: {  	_ =	shalt  }
0x60: {  	_ =	shalt  }
0x61: {  	_ =	shalt  }
0x62: {  	_ =	shalt  }
0x63: {  	_ =	shalt  }
0x64: {  	_ =	shalt  }
0x65: {  	_ =	shalt  }
0x66: {  	_ =	shalt  }
0x67: {  	_ =	shalt  }
0x68: {  	_ =	shalt  }
0x69: {  	_ =	shalt  }
0x6a: {  	_ =	shalt  }
0x6b: {  	_ =	shalt  }
0x6c: {  	_ =	shalt  }
0x6d: {  	_ =	shalt  }
0x6e: {  	_ =	shalt  }
0x6f: {  	_ =	shalt  }
0x70: {  	_ =	shalt  }
0x71: {  	_ =	shalt  }
0x72: {  	_ =	shalt  }
0x73: {  	_ =	shalt  }
0x74: {  	_ =	shalt  }
0x75: {  	_ =	shalt  }
0x76: {  	_ =	shalt  }
0x77: {  	_ =	shalt  }
0x78: {  	_ =	shalt  }
0x79: {  	_ =	shalt  }
0x7a: {  	_ =	shalt  }
0x7b: {  	_ =	shalt  }
0x7c: {  	_ =	shalt  }
0x7d: {  	_ =	shalt  }
0x7e: {  	_ =	shalt  }
0x7f: {  	_ =	shalt  }
0x80: {  	_ =	shalt  }
0x81: {  	_ =	shalt  }
0x82: {  	_ =	shalt  }
0x83: {  	_ =	shalt  }
0x84: {  	_ =	shalt  }
0x85: {  	_ =	shalt  }
0x86: {  	_ =	shalt  }
0x87: {  	_ =	shalt  }
.Lfunc_end0:
.L_simem_size_0:
called_computation.1_lowered:
.L_overlay_start_0:
0x88: {  	s2 =	sld [smem:$0x3FD9]  }
0x89: {  	s3 =	sld [smem:$0x3FFE];
	_ =	sdelay $0x1  }
0x8a: {  	s1 =	srdreg.scid  }
0x8b: {  	s0 =	sand.u32 $0x1, s1  }
0x8c: {  	s16 =	sshll.u32 s0, $0xA;
	s2 =	sadd.s32 s3, s2  }
0x8d: {  	s2 =	sadd.s32 s2, s16  }
0x8e: {  	[smem:$0x3FBE] =	sst s2  }
0x8f: {  	_ = 	snop  }
0x90: {  	(tm) =	ssettm $0x1  }
0x91: {  	s17 =	sld [smem:$0x3FFB];
	_ =	sdelay $0x3  }
0x92: {  	_ =	strace s17  }
0x93: {  	s2 =	sld [smem:$0x3FFC];
	_ =	sdelay $0x3  }
0x94: {  	_ =	strace s2  }
0x95: {  	s2 =	sld [smem:$0x3FFD];
	_ =	sdelay $0x3  }
0x96: {  	_ =	strace s2  }
0x97: {  	_ =	strace $0x8FFFFFFF  }
0x98: {  	s18 =	sld [smem:$0x3FDB];
	_ =	sdelay $0x1  }
0x99: {  	s19 =	simm.s32 $_scs_section_size  }
0x9a: {  	s4 =	simm.s32 $_size__tile_overlayer_lowered;
	s5 =	simm.s32 $_tile_overlayer_lowered  }
0x9b: {  	s22 =	simm.s32 $0x1BFF;
	s21 =	sshll.u32 s5, $0x1;
	s2 =	sadd.s32 s19, s18  }
0x9c: {  	s6 =	simm.s32 $0x0;
	s20 =	sshll.u32 s4, $0x1;
	s4 =	sadd.s32 s21, s2  }
0x9d: {  	[timem:s6], [sflag:s22] =	dma.local [hbm:s4], s20  }
0x9e: {  	_ =	swait.ge [sflag:s22], s20  }
0x9f: {  	s3 =	ssub.s32 $0x0, s20;
	[sflag:s22] =	ssyncset.done $0x0  }
0xa0: {  	[sflag:s22] =	ssyncadd.s32 s3;
	_ =	sdelay $0x1  }
0xa1: {  	s23 =	simm.s32 $0x1B8B  }
0xa2: {  	_ =	swait.ge [sflag:s23], $0x1  }
0xa3: {  	[sflag:s23] =	ssyncset.done $0x0  }
0xa4: {  	s25 =	simm.s32 $0x1B8E;
	s24 =	sld [smem:$0x3FFE];
	[sflag:s23] =	ssyncadd.s32 $0xFFFFFFFF  }
0xa5: {  	s26 =	simm.s32 $execute0_lowered;
	[smem:$0x3FD2] =	sst s25  }
0xa6: {  	s4 =	sshll.u32 s26, $0x1;
	_ =	strace $0x80000049;
	[dreg:$0x1] =	wrdreg $0xFFFFFFFF  }
0xa7: {  	s28 =	simm.s32 $_size_execute0_lowered;
	s2 =	sadd.s32 s2, s4;
	[dreg:$0x0] =	wrdreg $0x0  }
0xa8: {  	s4 =	sshll.u32 s28, $0x1;
	[dreg:$0x2] =	wrdreg s2  }
0xa9: {  	[dreg:$0x3] =	wrdreg s4  }
0xaa: {  	[dreg:$0x4] =	wrdreg $0xC0  }
0xab: {  	_ =	task [dreg:s6], $0x5FFFF  }
0xac: {  	[dreg:$0x1] =	wrdreg $0xFFFFFFFF  }
0xad: {  	[dreg:$0x0] =	wrdreg $0x60  }
0xae: {  	[dreg:$0x2] =	wrdreg s24  }
0xaf: {  	[dreg:$0x3] =	wrdreg $0x9  }
0xb0: {  	_ =	task.clear_ibuf [dreg:s6], $0x4FFFF;
	_ =	strace $0x90000049  }
0xb1: {  	s29 =	simm.s32 $0x9;
	_ =	strace $0x8000004B  }
0xb2: {  	_ =	swait.ge [sflag:s29], $0x1  }
0xb3: {  	[sflag:s29] =	ssyncadd.s32 $0xFFFFFFFF  }
0xb4: {  	_ =	strace $0x9000004B  }
0xb5: {  	_ =	sfence  }
0xb6: {  	s30 =	sld [smem:$0x0];
	_ =	sdelay $0x2  }
0xb7: {  	s31 =	sshll.u32 s1, $0xD;
	s1 =	sshrl.u32 s1, $0x2  }
0xb8: {  	s3 =	sand.u32 $0x4000, s31;
	s1 =	sadd.s32 s1, s30  }
0xb9: {  	s0 =	sor.u32 s3, s0;
	s1 =	sshll.u32 s1, $0x11  }
0xba: {  	s0 =	sor.u32 s1, s0  }
0xbb: {  	s0 =	sadd.s32 $0x8F2B, s0  }
0xbc: {  	[sflag:s0] =	ssyncadd.remote.s32 $0x1  }
0xbd: {  	_ =	sfence.sel $0xFFFF  }
0xbe: {  	[dreg:$0x0] =	wrdreg $0xFFFFFFFF;
	(pc) =	sbr.abs _section_cstart, $3  }
0xbf: {  	[dreg:$0x1] =	wrdreg $0xFFFFFFFF  }
0xc0: {  	_ =	task.clear_ibuf [dreg:s6], $0x2FFFF;
	_ =	strace $0x9FFFFFFF  }
0xc1: {  	(tm) =	ssettm $0x7FFFFFFF  }
tec
execute0_lowered:
.L_overlay_start_1:
0x0: {  	(tag) =	ssettag $0x1  }
0x1: {  	v0 =	vimm.s32 $0x1380;
	vm0 =	vcmask $0x300  }
0x2: {  	v0 =	vsel vm0, $0x0, v0;
	vm0 =	vcmask $0x704  }
0x3: {  	v0 =	vsel vm0, $0x80, v0;
	vm0 =	vcmask $0xB08  }
0x4: {  	s0 =	srdreg.scid;
	v0 =	vsel vm0, $0x100, v0;
	vm0 =	vcmask $0xF0C  }
0x5: {  	s8 =	rddreg [dreg:$0x0];
	s5 =	sand.u32 $0x1, s0;
	v0 =	vsel vm0, $0x180, v0;
	vm0 =	vcmask $0x1310  }
0x6: {  	s2 =	simm.s32 $0x0;
	s0 =	stileid.u32;
	s1 =	sshll.u32 s5, $0x4;
	v1 =	vsel vm0, $0x200, v0;
	vm0 =	vcmask $0x1714  }
0x7: {  	v7 =	vlaneseq.u32;
	s13 =	simm.s32 $0x2000;
	s14 =	simm.s32 $0x2800;
	s6 =	sor.u32 s0, s1;
	v2 =	vsel vm0, $0x280, v1;
	vm0 =	vcmask $0x1B18  }
0x8: {  	s15 =	simm.s32 $0x3000;
	vm1 =	vcmask $0x3B38;
	s3 =	smul.u32 $0xFFFFFF63, s6;
	s7 =	sor.u32 $0x20, s6;
	v3 =	vsel vm0, $0x300, v2;
	vm0 =	vcmask $0x1F1C  }
0x9: {  	s16 =	simm.s32 $0x3800;
	s17 =	simm.s32 $0x4000;
	v8 =	vshrl.u32 v7, $0x3;
	s4 =	smul.u32 $0xFFFFFF63, s7;
	v4 =	vsel vm0, $0x380, v3;
	vm0 =	vcmask $0x2320  }
0xa: {  	s18 =	simm.s32 $0x0;
	[smem:$0x7FF] =	sst s2;
	s12 =	sadd.s32 $0xA7800, s8;
	v0 =	vmov s3;
	v5 =	vsel vm0, $0x1000, v4;
	vm0 =	vcmask $0x2724  }
0xb: {  	s9 =	ssub.s32 $0x2, s5;
	s5 =	sadd.s32 $0x6400, s8;
	s1 =	rddreg [dreg:$0x1];
	v1 =	vmov s4;
	v5 =	vsel vm0, $0x1080, v5;
	vm0 =	vcmask $0x2B28  }
.Ltmp0:
0xc: {  	_ =	strace $0x8000004A;
	s31 =	sshrl.u32 s9, $0x1;
	v2 =	vimm.f32 $0.0e+00;
	v6 =	vsel vm0, $0x1100, v5;
	vm0 =	vcmask $0x2F2C;
	(pc) =	sbr.rel .LBB2_1-.Ltmp0, $4  }
0xd: {  	s10 =	smul.u32 $0x2800, s6;
	s9 =	ssub.s32 s9, s31;
	s6 =	sadd.s32 $0xB500, s8;
	v3 =	vimm.s32 $0x0;
	v6 =	vsel vm0, $0x1180, v6;
	vm0 =	vcmask $0x3330  }
0xe: {  	s11 =	smul.u32 $0x2800, s7;
	s9 =	smax.u32 s9, $0x1;
	s3 =	sadd.s32 $0xB400, s8;
	v4 =	vimm.s32 $0x9E;
	v9 =	vsel vm0, $0x1200, v6;
	vm0 =	vcmask $0x3734  }
0xf: {  	s7 =	sadd.s32 s12, s10;
	s10 =	simm.s32 $0x2;
	s4 =	sadd.s32 $0x1400, s8;
	v5 =	vand.u32 $0x7, v7;
	v6 =	vmul.u32 $0x8, v8;
	v8 =	vsel vm0, $0x1280, v9  }
0x10: {  	s8 =	sadd.s32 s12, s11;
	s11 =	simm.s32 $0x800;
	s12 =	simm.s32 $0x1;
	v7 =	vor.u32 $0x8, v7;
	vm0 =	vmmov $0xffff;
	v8 =	vsel vm1, $0x1300, v8  }
.LBB2_21:
0x11: {  	s18 =	sadd.s32 $0x1, s18  }
0x12: {  	p0 =	sne.s32 s18, s9  }
.Ltmp1:
0x13: {  	_ = 	snop;
	(pc) =	sbr.rel @!p0 .LBB2_22-.Ltmp1, $4  }
0x14: {  	[hbm4b:s8+s2] =	stream.linear.scatter [tilespmem:s17], [sflag:$0x2], $0x14000, $0x38;
	[tilespmem:$0x18000] =	vst v63  }
0x15: {  	_ =	swait.ge [sflag:s10], $0x14000  }
0x16: {  	[sflag:s10] =	ssyncset.done $0x0  }
0x17: {  	[sflag:s10] =	ssyncadd.s32 $0xFFFEC000  }
.LBB2_1:
0x18: {  	s20 =	simm.s32 $0x0;
	s19 =	simm.s32 $0x200  }
.LBB2_2:
0x19: {  	p0 =	sne.s32 s19, $0x4FE00;
	[tilespmem:s20+$0x4070] =	vst v2  }
0x1a: {  	[tilespmem:s20+$0x4000] =	vst v2  }
0x1b: {  	[tilespmem:s20+$0x4010] =	vst v2  }
.Ltmp2:
0x1c: {  	[tilespmem:s20+$0x4020] =	vst v2;
	(pc) =	sbr.rel @p0 .LBB2_2-.Ltmp2, $4  }
0x1d: {  	[tilespmem:s20+$0x4030] =	vst v2  }
0x1e: {  	[tilespmem:s20+$0x4040] =	vst v2  }
0x1f: {  	[tilespmem:s20+$0x4050] =	vst v2  }
0x20: {  	[tilespmem:s20+$0x4060] =	vst v2;
	s20 =	sshra.s32 s19, $0x2;
	s19 =	sadd.s32 $0x200, s19  }
0x21: {  	[tilespmem:s20+$0x4070] =	vst v2  }
0x22: {  	[tilespmem:s20+$0x4000] =	vst v2  }
0x23: {  	[tilespmem:s20+$0x4010] =	vst v2  }
.Ltmp3:
0x24: {  	[tilespmem:s20+$0x4020] =	vst v2;
	(pc) =	sbr.rel .LBB2_4-.Ltmp3, $4  }
0x25: {  	[tilespmem:s20+$0x4030] =	vst v2  }
0x26: {  	[tilespmem:s20+$0x4040] =	vst v2  }
0x27: {  	[tilespmem:s20+$0x4050] =	vst v2  }
0x28: {  	s19 =	simm.s32 $0x0;
	[tilespmem:s20+$0x4060] =	vst v2;
	s20 =	simm.s32 $0x0  }
.LBB2_10:
0x29: {  	s20 =	sadd.s32 $0x1, s20  }
0x2a: {  	p0 =	sne.s32 s20, $0x50  }
.Ltmp4:
0x2b: {  	_ = 	snop;
	(pc) =	sbr.rel @!p0 .LBB2_11-.Ltmp4, $1  }
0x2c: {  	_ =	sdelay $0x3  }
.LBB2_4:
0x2d: {  	s21 =	smul.u32 $0xFA, s20;
	_ =	sdelay $0x1  }
0x2e: {  	s22 =	sadd.s32 s4, s21  }
0x2f: {  	[tilespmem:s19], [sflag:$0x2] =	stream.linear.gather [hbm4b:s22+s19], $0x7D0, $0x38;
	[tilespmem:$0x18000] =	vst v63  }
0x30: {  	_ =	swait.ge [sflag:s10], $0x7D0  }
0x31: {  	[sflag:s10] =	ssyncset.done $0x0  }
0x32: {  	s21 =	sadd.s32 s5, s21;
	[sflag:s10] =	ssyncadd.s32 $0xFFFFF830  }
0x33: {  	[tilespmem:s11], [sflag:$0x2] =	stream.linear.gather [hbm4b:s21+s19], $0x7D0, $0x38;
	[tilespmem:$0x18000] =	vst v63  }
0x34: {  	_ =	swait.ge [sflag:s10], $0x7D0  }
0x35: {  	[sflag:s10] =	ssyncset.done $0x0  }
0x36: {  	s31 =	simm.s32 $0x0;
	[sflag:s10] =	ssyncadd.s32 $0xFFFFF830  }
0x37: {  	v9 =	vld [tilespmem:s31+$0x800];
	_ =	sdelay $0x4  }
0x38: {  	v9 =	vadd.s32 v0, v9  }
0x39: {  	vm1 =	vlt.u32 v9, $0x9D  }
0x3a: {  	v10 =	vsel vm1, $0x1, v3  }
0x3b: {  	(xrf0) =	vadd.scan.msk.s32 $0xffff, v10;
	_ =	sdelay $0x1  }
0x3c: {  	v10 =	vld [tilespmem:s31+$0x0];
	_ =	sdelay $0x3  }
0x3d: {  	v11, _, _ =	vpop (xrf0)  }
0x3e: {  	[tilespmem:s19+$0x1000] =	vst.msk vm1, v10;
	(v2sf) =	vpush v11, $0xF  }
0x3f: {  	s23 =	simm.s32 $0x80;
	s22 =	simm.s32 $0x10;
	s21 =	simm.s32 $0x0;
	[tilespmem:s19+$0x1800] =	vst.msk vm1, v9  }
.LBB2_5:
0x40: {  	p0 =	sne.s32 s23, $0x1F00;
	v9 =	vld [tilespmem:s22+$0x800];
	_ =	sdelay $0x4  }
0x41: {  	v9 =	vadd.s32 v0, v9  }
0x42: {  	vm1 =	vlt.u32 v9, $0x9D  }
0x43: {  	v10 =	vsel vm1, $0x1, v3  }
0x44: {  	(xrf0) =	vadd.scan.msk.s32 $0xffff, v10;
	_ =	sdelay $0x1  }
0x45: {  	v10 =	vld [tilespmem:s22+$0x0];
	_ =	sdelay $0x1  }
.Ltmp5:
0x46: {  	(pc) =	sbr.rel @p0 .LBB2_5-.Ltmp5, $4  }
0x47: {  	s22 =	spop (v2sf)  }
0x48: {  	v11, _, _ =	vpop (xrf0);
	s21 =	sadd.s32 s21, s22  }
0x49: {  	[tilespmem:s21+$0x1000] =	vst.msk vm1, v10;
	(v2sf) =	vpush v11, $0xF  }
0x4a: {  	s22 =	sshra.s32 s23, $0x2;
	s23 =	sadd.s32 $0x40, s23;
	[tilespmem:s21+$0x1800] =	vst.msk vm1, v9  }
0x4b: {  	v9 =	vld [tilespmem:s22+$0x800];
	_ =	sdelay $0x4  }
0x4c: {  	v9 =	vadd.s32 v0, v9  }
0x4d: {  	vm1 =	vlt.u32 v9, $0x9D  }
0x4e: {  	v10 =	vsel vm1, $0x1, v3  }
0x4f: {  	(xrf0) =	vadd.scan.msk.s32 $0xffff, v10;
	_ =	sdelay $0x5  }
0x50: {  	v10, _, _ =	vpop (xrf0)  }
0x51: {  	(v2sf) =	vpush v10, $0xF;
	_ =	sdelay $0xd  }
0x52: {  	s23 =	spop (v2sf)  }
0x53: {  	s21 =	sadd.s32 s21, s23;
	s29 =	spop (v2sf)  }
0x54: {  	s23 =	sadd.s32 s21, s29  }
0x55: {  	v10 =	vld [tilespmem:s22+$0x0];
	s30 =	sadd.s32 $0xF, s23  }
0x56: {  	s24 =	sand.u32 $0xF, s30  }
0x57: {  	s31 =	sshra.s32 s30, $0x1F;
	p1 =	slt.s32 s30, $0x1;
	p0 =	sne.s32 s24, $0x0  }
0x58: {  	s24 =	sshrl.u32 s31, $0x1C;
	p0 =	por !p1, !p0  }
0x59: {  	s22 =	sadd.s32 s24, s30;
	s24 =	simm.s32 $0x1;
	p0 =	por !p0, !p0  }
0x5a: {  	[tilespmem:s21+$0x1000] =	vst.msk vm1, v10;
	s22 =	sshra.s32 s22, $0x4;
	s24 =	simm.s32 @!p0 $0x0  }
0x5b: {  	[tilespmem:s21+$0x1800] =	vst.msk vm1, v9;
	s21 =	ssub.s32 s22, s24  }
0x5c: {  	p0 =	slt.s32 s21, $0x1  }
.Ltmp6:
0x5d: {  	_ = 	snop;
	(pc) =	sbr.rel @p0 .LBB2_10-.Ltmp6, $3  }
0x5e: {  	_ =	sdelay $0x1  }
0x5f: {  	[tilespmem:s23+$0x1000] =	vst v3  }
0x60: {  	[tilespmem:s23+$0x1800] =	vst v4;
	s22 =	simm.s32 $0x0  }
.LBB2_7:
0x61: {  	s23 =	sshll.u32 s22, $0x4  }
0x62: {  	v9 =	vld [tilespmem:s23+$0x1000];
	_ =	sdelay $0x4  }
0x63: {  	v10 =	vshll.u32 v9, $0x2  }
0x64: {  	v9 =	vand.u32 $0x7, v9;
	v10 =	vand.u32 $0xFFFFFFE0, v10  }
0x65: {  	v9 =	vor.u32 v9, v10  }
0x66: {  	v10 =	vperm.xlane v9, v5;
	_ =	sdelay $0x1  }
0x67: {  	v10 =	vadd.s32 v6, v10;
	_ =	sdelay $0x1  }
0x68: {  	v9 =	vperm.xlane v9, v7;
	_ =	sdelay $0x1  }
0x69: {  	v9 =	vadd.s32 v6, v9  }
0x6a: {  	[tilespmem:s13], [sflag:$0x1] =	stream.indirect_vreg.gather [hbm4b:s3+s2], $0x80, v10, vm0, $0xb8;
	[tilespmem:$0x18000] =	vst v63  }
0x6b: {  	_ = 	snop  }
0x6c: {  	[tilespmem:s14], [sflag:$0x1] =	stream.indirect_vreg.gather [hbm4b:s6+s2], $0x80, v10, vm0, $0xb8;
	[tilespmem:$0x18000] =	vst v63  }
0x6d: {  	_ = 	snop  }
0x6e: {  	[tilespmem:s15], [sflag:$0x1] =	stream.indirect_vreg.gather [hbm4b:s3+s2], $0x80, v9, vm0, $0xb8;
	[tilespmem:$0x18000] =	vst v63  }
0x6f: {  	s24 =	simm.s32 $0x0  }
0x70: {  	[tilespmem:s16], [sflag:$0x1] =	stream.indirect_vreg.gather [hbm4b:s6+s2], $0x80, v9, vm0, $0xb8;
	[tilespmem:$0x18000] =	vst v63  }
0x71: {  	v9 =	vmov s24;
	_ =	swait.ge [sflag:s12], $0x2000  }
0x72: {  	v10 =	vshll.u32 v9, $0x3;
	[sflag:s12] =	ssyncset.done $0x0  }
0x73: {  	v9 =	vand.u32 $0x78, v9;
	v10 =	vand.u32 $0xC00, v10;
	[sflag:s12] =	ssyncadd.s32 $0xFFFFE000  }
0x74: {  	v9 =	vor.u32 v10, v9;
	v11 =	vld [tilespmem:s23+$0x1800]  }
0x75: {  	v10 =	vor.u32 v8, v9  }
0x76: {  	s26 =	simm.s32 $0x1  }
0x77: {  	v12 =	vmov s26  }
0x78: {  	v13 =	vshll.u32 v12, $0x3  }
0x79: {  	v9 =	vshll.u32 v11, $0x9;
	v11 =	vand.u32 $0x79, v12;
	v12 =	vand.u32 $0xC00, v13  }
0x7a: {  	v10 =	vld.idx.msk [tilespmem:v10+s13+$0x0], $0xffff;
	v13 =	vor.u32 s24, v9;
	v11 =	vor.u32 v12, v11  }
0x7b: {  	v11 =	vor.u32 v8, v11  }
0x7c: {  	s28 =	simm.s32 $0x2  }
0x7d: {  	v12 =	vmov s28  }
0x7e: {  	v14 =	vshll.u32 v12, $0x3  }
0x7f: {  	[tilespmem:v13+s17+$0x0] =	vst.idx.add.f32.msk $0xffff, v10;
	v10 =	vand.u32 $0x7A, v12;
	v12 =	vand.u32 $0xC00, v14  }
0x80: {  	v13 =	vor.u32 s26, v9;
	v11 =	vld.idx.msk [tilespmem:v11+s13+$0x0], $0xffff;
	v10 =	vor.u32 v12, v10  }
0x81: {  	v10 =	vor.u32 v8, v10  }
0x82: {  	s29 =	simm.s32 $0x3  }
0x83: {  	v12 =	vmov s29  }
0x84: {  	v14 =	vshll.u32 v12, $0x3  }
0x85: {  	[tilespmem:v13+s17+$0x0] =	vst.idx.add.f32.msk $0xffff, v11;
	v11 =	vand.u32 $0x7B, v12;
	v12 =	vand.u32 $0xC00, v14  }
0x86: {  	v13 =	vor.u32 s28, v9;
	v10 =	vld.idx.msk [tilespmem:v10+s13+$0x0], $0xffff;
	v11 =	vor.u32 v12, v11  }
0x87: {  	v11 =	vor.u32 v8, v11  }
0x88: {  	s30 =	simm.s32 $0x4  }
0x89: {  	v12 =	vmov s30  }
0x8a: {  	v14 =	vshll.u32 v12, $0x3  }
0x8b: {  	[tilespmem:v13+s17+$0x0] =	vst.idx.add.f32.msk $0xffff, v10;
	v10 =	vand.u32 $0x7C, v12;
	v12 =	vand.u32 $0xC00, v14  }
0x8c: {  	v13 =	vor.u32 s29, v9;
	v11 =	vld.idx.msk [tilespmem:v11+s13+$0x0], $0xffff;
	v10 =	vor.u32 v12, v10  }
0x8d: {  	v10 =	vor.u32 v8, v10  }
0x8e: {  	s31 =	simm.s32 $0x5  }
0x8f: {  	v12 =	vmov s31  }
0x90: {  	v14 =	vshll.u32 v12, $0x3  }
0x91: {  	[tilespmem:v13+s17+$0x0] =	vst.idx.add.f32.msk $0xffff, v11;
	v11 =	vand.u32 $0x7D, v12;
	v12 =	vand.u32 $0xC00, v14  }
0x92: {  	v13 =	vor.u32 s30, v9;
	v10 =	vld.idx.msk [tilespmem:v10+s13+$0x0], $0xffff;
	v11 =	vor.u32 v12, v11  }
0x93: {  	v11 =	vor.u32 v8, v11  }
0x94: {  	s25 =	simm.s32 $0x6  }
0x95: {  	v12 =	vmov s25  }
0x96: {  	v14 =	vshll.u32 v12, $0x3  }
0x97: {  	[tilespmem:v13+s17+$0x0] =	vst.idx.add.f32.msk $0xffff, v10;
	v10 =	vand.u32 $0x7E, v12;
	v12 =	vand.u32 $0xC00, v14  }
0x98: {  	v13 =	vor.u32 s31, v9;
	v11 =	vld.idx.msk [tilespmem:v11+s13+$0x0], $0xffff;
	v10 =	vor.u32 v12, v10  }
0x99: {  	v10 =	vor.u32 v8, v10  }
0x9a: {  	s24 =	simm.s32 $0x7  }
0x9b: {  	v12 =	vmov s24  }
0x9c: {  	v14 =	vshll.u32 v12, $0x3  }
0x9d: {  	v12 =	vand.u32 $0x7F, v12;
	v14 =	vand.u32 $0xC00, v14;
	[tilespmem:v13+s17+$0x0] =	vst.idx.add.f32.msk $0xffff, v11  }
0x9e: {  	v11 =	vor.u32 v14, v12;
	v12 =	vor.u32 s25, v9;
	v10 =	vld.idx.msk [tilespmem:v10+s13+$0x0], $0xffff  }
0x9f: {  	v11 =	vor.u32 v8, v11;
	_ =	sdelay $0x1  }
0xa0: {  	s23 =	simm.s32 $0xF;
	s26 =	simm.s32 $0x8;
	s25 =	simm.s32 $0x17  }
.LBB2_8:
0xa1: {  	p0 =	sne.s32 s25, $0x1FF;
	v13 =	vmov s26  }
0xa2: {  	v14 =	vshll.u32 v13, $0x3;
	[tilespmem:v12+s17+$0x0] =	vst.idx.add.f32.msk $0xffff, v10  }
0xa3: {  	v10 =	vand.u32 $0x78, v13;
	v12 =	vand.u32 $0xC00, v14;
	v11 =	vld.idx.msk [tilespmem:v11+s13+$0x0], $0xffff  }
0xa4: {  	v10 =	vor.u32 v12, v10;
	v12 =	vor.u32 s24, v9;
	s24 =	smov.u32 s23;
	s23 =	smov.u32 s25  }
0xa5: {  	v10 =	vor.u32 v8, v10;
	_ =	sdelay $0x1  }
0xa6: {  	s28 =	sadd.s32 $0xFFFFFFFA, s24  }
0xa7: {  	v13 =	vmov s28  }
0xa8: {  	v14 =	vshll.u32 v13, $0x3;
	[tilespmem:v12+s17+$0x0] =	vst.idx.add.f32.msk $0xffff, v11  }
0xa9: {  	v11 =	vand.u32 $0x79, v13;
	v12 =	vand.u32 $0xC00, v14;
	v10 =	vld.idx.msk [tilespmem:v10+s13+$0x0], $0xffff  }
0xaa: {  	v13 =	vor.u32 s26, v9;
	v11 =	vor.u32 v12, v11  }
0xab: {  	v11 =	vor.u32 v8, v11;
	_ =	sdelay $0x1  }
0xac: {  	s26 =	sadd.s32 $0xFFFFFFFB, s24  }
0xad: {  	v12 =	vmov s26  }
0xae: {  	[tilespmem:v13+s17+$0x0] =	vst.idx.add.f32.msk $0xffff, v10;
	v10 =	vshll.u32 v12, $0x3  }
0xaf: {  	v12 =	vand.u32 $0x7A, v12;
	v11 =	vld.idx.msk [tilespmem:v11+s13+$0x0], $0xffff;
	v10 =	vand.u32 $0xC00, v10  }
0xb0: {  	v13 =	vor.u32 s28, v9;
	v10 =	vor.u32 v10, v12  }
0xb1: {  	v10 =	vor.u32 v8, v10;
	_ =	sdelay $0x1  }
0xb2: {  	s28 =	sadd.s32 $0xFFFFFFFC, s24  }
0xb3: {  	v12 =	vmov s28  }
0xb4: {  	[tilespmem:v13+s17+$0x0] =	vst.idx.add.f32.msk $0xffff, v11;
	v11 =	vshll.u32 v12, $0x3  }
0xb5: {  	v12 =	vand.u32 $0x7B, v12;
	v10 =	vld.idx.msk [tilespmem:v10+s13+$0x0], $0xffff;
	v11 =	vand.u32 $0xC00, v11  }
0xb6: {  	v13 =	vor.u32 s26, v9;
	v11 =	vor.u32 v11, v12  }
0xb7: {  	v11 =	vor.u32 v8, v11;
	_ =	sdelay $0x1  }
0xb8: {  	s26 =	sadd.s32 $0xFFFFFFFD, s24  }
0xb9: {  	v12 =	vmov s26  }
0xba: {  	[tilespmem:v13+s17+$0x0] =	vst.idx.add.f32.msk $0xffff, v10;
	v10 =	vshll.u32 v12, $0x3  }
0xbb: {  	v12 =	vand.u32 $0x7C, v12;
	v11 =	vld.idx.msk [tilespmem:v11+s13+$0x0], $0xffff;
	v10 =	vand.u32 $0xC00, v10  }
0xbc: {  	v13 =	vor.u32 s28, v9;
	v10 =	vor.u32 v10, v12  }
0xbd: {  	v10 =	vor.u32 v8, v10;
	_ =	sdelay $0x1  }
0xbe: {  	s28 =	sadd.s32 $0xFFFFFFFE, s24  }
0xbf: {  	v12 =	vmov s28  }
0xc0: {  	[tilespmem:v13+s17+$0x0] =	vst.idx.add.f32.msk $0xffff, v11;
	v11 =	vshll.u32 v12, $0x3  }
0xc1: {  	v12 =	vand.u32 $0x7D, v12;
	v10 =	vld.idx.msk [tilespmem:v10+s13+$0x0], $0xffff;
	v11 =	vand.u32 $0xC00, v11  }
0xc2: {  	v13 =	vor.u32 s26, v9;
	v11 =	vor.u32 v11, v12  }
0xc3: {  	v11 =	vor.u32 v8, v11;
	_ =	sdelay $0x1  }
0xc4: {  	s26 =	sadd.s32 $0xFFFFFFFF, s24  }
0xc5: {  	v12 =	vmov s26  }
0xc6: {  	[tilespmem:v13+s17+$0x0] =	vst.idx.add.f32.msk $0xffff, v10;
	v10 =	vshll.u32 v12, $0x3  }
0xc7: {  	v12 =	vand.u32 $0x7E, v12;
	v11 =	vld.idx.msk [tilespmem:v11+s13+$0x0], $0xffff;
	v10 =	vand.u32 $0xC00, v10  }
0xc8: {  	v13 =	vor.u32 s28, v9;
	v10 =	vor.u32 v10, v12  }
0xc9: {  	v10 =	vor.u32 v8, v10;
	_ =	sdelay $0x2  }
0xca: {  	v12 =	vmov s24  }
0xcb: {  	[tilespmem:v13+s17+$0x0] =	vst.idx.add.f32.msk $0xffff, v11;
	v11 =	vshll.u32 v12, $0x3  }
.Ltmp7:
0xcc: {  	v13 =	vand.u32 $0x7F, v12;
	v10 =	vld.idx.msk [tilespmem:v10+s13+$0x0], $0xffff;
	v11 =	vand.u32 $0xC00, v11;
	(pc) =	sbr.rel @p0 .LBB2_8-.Ltmp7, $3  }
0xcd: {  	v12 =	vor.u32 s26, v9;
	v11 =	vor.u32 v11, v13  }
0xce: {  	v11 =	vor.u32 v8, v11;
	_ =	sdelay $0x1  }
0xcf: {  	s25 =	sadd.s32 $0x8, s25;
	s26 =	sadd.s32 $0xFFFFFFF9, s23  }
0xd0: {  	_ =	sdelay $0x1  }
0xd1: {  	v13 =	vmov s26  }
0xd2: {  	v14 =	vshll.u32 v13, $0x3  }
0xd3: {  	[tilespmem:v12+s17+$0x0] =	vst.idx.add.f32.msk $0xffff, v10;
	v10 =	vand.u32 $0x78, v13;
	v34 =	vand.u32 $0xC00, v14  }
0xd4: {  	v35 =	vor.u32 s24, v9;
	v11 =	vld.idx.msk [tilespmem:v11+s13+$0x0], $0xffff;
	v10 =	vor.u32 v34, v10  }
0xd5: {  	v10 =	vor.u32 v8, v10  }
0xd6: {  	s31 =	sadd.s32 $0xFFFFFFFA, s23  }
0xd7: {  	v36 =	vmov s31  }
0xd8: {  	v37 =	vshll.u32 v36, $0x3  }
0xd9: {  	v38 =	vand.u32 $0xC00, v37;
	[tilespmem:v35+s17+$0x0] =	vst.idx.add.f32.msk $0xffff, v11;
	v11 =	vand.u32 $0x79, v36  }
0xda: {  	v39 =	vor.u32 s26, v9;
	v11 =	vor.u32 v38, v11;
	v10 =	vld.idx.msk [tilespmem:v10+s13+$0x0], $0xffff  }
0xdb: {  	v11 =	vor.u32 v8, v11  }
0xdc: {  	s25 =	sadd.s32 $0xFFFFFFFB, s23  }
0xdd: {  	v40 =	vmov s25  }
0xde: {  	v41 =	vshll.u32 v40, $0x3  }
0xdf: {  	v42 =	vand.u32 $0xC00, v41;
	[tilespmem:v39+s17+$0x0] =	vst.idx.add.f32.msk $0xffff, v10;
	v10 =	vand.u32 $0x7A, v40  }
0xe0: {  	v43 =	vor.u32 s31, v9;
	v11 =	vld.idx.msk [tilespmem:v11+s13+$0x0], $0xffff;
	v10 =	vor.u32 v42, v10  }
0xe1: {  	v10 =	vor.u32 v8, v10  }
0xe2: {  	s28 =	sadd.s32 $0xFFFFFFFC, s23  }
0xe3: {  	v44 =	vmov s28  }
0xe4: {  	v45 =	vshll.u32 v44, $0x3  }
0xe5: {  	v46 =	vand.u32 $0xC00, v45;
	[tilespmem:v43+s17+$0x0] =	vst.idx.add.f32.msk $0xffff, v11;
	v11 =	vand.u32 $0x7B, v44  }
0xe6: {  	v47 =	vor.u32 s25, v9;
	v10 =	vld.idx.msk [tilespmem:v10+s13+$0x0], $0xffff;
	v11 =	vor.u32 v46, v11  }
0xe7: {  	v11 =	vor.u32 v8, v11  }
0xe8: {  	s29 =	sadd.s32 $0xFFFFFFFD, s23  }
0xe9: {  	v48 =	vmov s29  }
0xea: {  	v49 =	vshll.u32 v48, $0x3  }
0xeb: {  	v50 =	vand.u32 $0xC00, v49;
	[tilespmem:v47+s17+$0x0] =	vst.idx.add.f32.msk $0xffff, v10;
	v10 =	vand.u32 $0x7C, v48  }
0xec: {  	v51 =	vor.u32 s28, v9;
	v11 =	vld.idx.msk [tilespmem:v11+s13+$0x0], $0xffff;
	v10 =	vor.u32 v50, v10  }
0xed: {  	v10 =	vor.u32 v8, v10  }
0xee: {  	s30 =	sadd.s32 $0xFFFFFFFE, s23  }
0xef: {  	v52 =	vmov s30  }
0xf0: {  	v53 =	vshll.u32 v52, $0x3  }
0xf1: {  	v54 =	vand.u32 $0xC00, v53;
	[tilespmem:v51+s17+$0x0] =	vst.idx.add.f32.msk $0xffff, v11;
	v11 =	vand.u32 $0x7D, v52  }
0xf2: {  	v55 =	vor.u32 s29, v9;
	v10 =	vld.idx.msk [tilespmem:v10+s13+$0x0], $0xffff;
	v11 =	vor.u32 v54, v11  }
0xf3: {  	v11 =	vor.u32 v8, v11  }
0xf4: {  	s31 =	sadd.s32 $0xFFFFFFFF, s23  }
0xf5: {  	v56 =	vmov s31  }
0xf6: {  	v57 =	vshll.u32 v56, $0x3  }
0xf7: {  	v58 =	vand.u32 $0xC00, v57;
	[tilespmem:v55+s17+$0x0] =	vst.idx.add.f32.msk $0xffff, v10;
	v10 =	vand.u32 $0x7E, v56  }
0xf8: {  	v59 =	vor.u32 s30, v9;
	v11 =	vld.idx.msk [tilespmem:v11+s13+$0x0], $0xffff;
	v10 =	vor.u32 v58, v10  }
0xf9: {  	v10 =	vor.u32 v8, v10;
	_ =	sdelay $0x1  }
0xfa: {  	v60 =	vmov s23  }
0xfb: {  	v61 =	vshll.u32 v60, $0x3  }
0xfc: {  	v62 =	vand.u32 $0xC00, v61;
	[tilespmem:v59+s17+$0x0] =	vst.idx.add.f32.msk $0xffff, v11;
	v11 =	vand.u32 $0x7F, v60  }
0xfd: {  	v63 =	vor.u32 s31, v9;
	v10 =	vld.idx.msk [tilespmem:v10+s13+$0x0], $0xffff;
	v11 =	vor.u32 v62, v11  }
0xfe: {  	v11 =	vor.u32 v8, v11;
	_ =	sdelay $0x3  }
0xff: {  	s22 =	sadd.s32 $0x1, s22;
	[tilespmem:v63+s17+$0x0] =	vst.idx.add.f32.msk $0xffff, v10  }
0x100: {  	p0 =	sne.s32 s22, s21;
	v9 =	vor.u32 s23, v9;
	v10 =	vld.idx.msk [tilespmem:v11+s13+$0x0], $0xffff  }
.Ltmp8:
0x101: {  	_ = 	snop;
	(pc) =	sbr.rel @p0 .LBB2_7-.Ltmp8, $4  }
.Ltmp9:
0x102: {  	_ = 	snop;
	(pc) =	sbr.rel @!p0 .LBB2_10-.Ltmp9, $4  }
0x103: {  	_ = 	snop  }
0x104: {  	_ = 	snop  }
0x105: {  	[tilespmem:v9+s17+$0x0] =	vst.idx.add.f32.msk $0xffff, v10  }
0x106: {  	_ = 	snop  }
.LBB2_11:
0x107: {  	s19 =	simm.s32 $0x0  }
0x108: {  	[hbm4b:s7+s19] =	stream.linear.scatter [tilespmem:s17], [sflag:$0x2], $0x14000, $0x38;
	[tilespmem:$0x18000] =	vst v63  }
0x109: {  	_ =	swait.ge [sflag:s10], $0x14000  }
0x10a: {  	[sflag:s10] =	ssyncset.done $0x0  }
0x10b: {  	s20 =	simm.s32 $0x0;
	s21 =	simm.s32 $0x200;
	[sflag:s10] =	ssyncadd.s32 $0xFFFEC000  }
.LBB2_12:
0x10c: {  	p0 =	sne.s32 s21, $0x4FE00;
	[tilespmem:s20+$0x4070] =	vst v2  }
0x10d: {  	[tilespmem:s20+$0x4000] =	vst v2  }
0x10e: {  	[tilespmem:s20+$0x4010] =	vst v2  }
.Ltmp10:
0x10f: {  	[tilespmem:s20+$0x4020] =	vst v2;
	(pc) =	sbr.rel @p0 .LBB2_12-.Ltmp10, $4  }
0x110: {  	[tilespmem:s20+$0x4030] =	vst v2  }
0x111: {  	[tilespmem:s20+$0x4040] =	vst v2  }
0x112: {  	[tilespmem:s20+$0x4050] =	vst v2  }
0x113: {  	[tilespmem:s20+$0x4060] =	vst v2;
	s20 =	sshra.s32 s21, $0x2;
	s21 =	sadd.s32 $0x200, s21  }
0x114: {  	[tilespmem:s20+$0x4070] =	vst v2  }
0x115: {  	[tilespmem:s20+$0x4000] =	vst v2  }
0x116: {  	[tilespmem:s20+$0x4010] =	vst v2  }
.Ltmp11:
0x117: {  	[tilespmem:s20+$0x4020] =	vst v2;
	(pc) =	sbr.rel .LBB2_14-.Ltmp11, $4  }
0x118: {  	[tilespmem:s20+$0x4030] =	vst v2  }
0x119: {  	[tilespmem:s20+$0x4040] =	vst v2  }
0x11a: {  	[tilespmem:s20+$0x4050] =	vst v2  }
0x11b: {  	[tilespmem:s20+$0x4060] =	vst v2  }
.LBB2_20:
0x11c: {  	s19 =	sadd.s32 $0x1, s19  }
0x11d: {  	p0 =	sne.s32 s19, $0x50  }
.Ltmp12:
0x11e: {  	_ = 	snop;
	(pc) =	sbr.rel @!p0 .LBB2_21-.Ltmp12, $1  }
0x11f: {  	_ =	sdelay $0x3  }
.LBB2_14:
0x120: {  	s21 =	smul.u32 $0xFA, s19;
	_ =	sdelay $0x1  }
0x121: {  	s20 =	simm.s32 $0x0;
	s22 =	sadd.s32 s4, s21  }
0x122: {  	[tilespmem:s20], [sflag:$0x2] =	stream.linear.gather [hbm4b:s22+s20], $0x7D0, $0x38;
	[tilespmem:$0x18000] =	vst v63  }
0x123: {  	_ =	swait.ge [sflag:s10], $0x7D0  }
0x124: {  	[sflag:s10] =	ssyncset.done $0x0  }
0x125: {  	s21 =	sadd.s32 s5, s21;
	[sflag:s10] =	ssyncadd.s32 $0xFFFFF830  }
0x126: {  	[tilespmem:s11], [sflag:$0x2] =	stream.linear.gather [hbm4b:s21+s20], $0x7D0, $0x38;
	[tilespmem:$0x18000] =	vst v63  }
0x127: {  	_ =	swait.ge [sflag:s10], $0x7D0  }
0x128: {  	[sflag:s10] =	ssyncset.done $0x0  }
0x129: {  	s31 =	simm.s32 $0x0;
	[sflag:s10] =	ssyncadd.s32 $0xFFFFF830  }
0x12a: {  	v9 =	vld [tilespmem:s31+$0x800];
	_ =	sdelay $0x4  }
0x12b: {  	v9 =	vadd.s32 v1, v9  }
0x12c: {  	vm1 =	vlt.u32 v9, $0x9D  }
0x12d: {  	v10 =	vsel vm1, $0x1, v3  }
0x12e: {  	(xrf0) =	vadd.scan.msk.s32 $0xffff, v10;
	_ =	sdelay $0x1  }
0x12f: {  	v10 =	vld [tilespmem:s31+$0x0];
	_ =	sdelay $0x3  }
0x130: {  	v11, _, _ =	vpop (xrf0)  }
0x131: {  	[tilespmem:s20+$0x1000] =	vst.msk vm1, v10;
	(v2sf) =	vpush v11, $0xF  }
0x132: {  	s22 =	simm.s32 $0x80;
	s21 =	simm.s32 $0x10;
	[tilespmem:s20+$0x1800] =	vst.msk vm1, v9  }
.LBB2_15:
0x133: {  	p0 =	sne.s32 s22, $0x1F00;
	v9 =	vld [tilespmem:s21+$0x800];
	_ =	sdelay $0x4  }
0x134: {  	v9 =	vadd.s32 v1, v9  }
0x135: {  	vm1 =	vlt.u32 v9, $0x9D  }
0x136: {  	v10 =	vsel vm1, $0x1, v3  }
0x137: {  	(xrf0) =	vadd.scan.msk.s32 $0xffff, v10;
	_ =	sdelay $0x1  }
0x138: {  	v10 =	vld [tilespmem:s21+$0x0];
	_ =	sdelay $0x1  }
.Ltmp13:
0x139: {  	(pc) =	sbr.rel @p0 .LBB2_15-.Ltmp13, $4  }
0x13a: {  	s21 =	spop (v2sf)  }
0x13b: {  	v11, _, _ =	vpop (xrf0);
	s20 =	sadd.s32 s20, s21  }
0x13c: {  	[tilespmem:s20+$0x1000] =	vst.msk vm1, v10;
	(v2sf) =	vpush v11, $0xF  }
0x13d: {  	s21 =	sshra.s32 s22, $0x2;
	s22 =	sadd.s32 $0x40, s22;
	[tilespmem:s20+$0x1800] =	vst.msk vm1, v9  }
0x13e: {  	v9 =	vld [tilespmem:s21+$0x800];
	_ =	sdelay $0x4  }
0x13f: {  	v9 =	vadd.s32 v1, v9  }
0x140: {  	vm1 =	vlt.u32 v9, $0x9D  }
0x141: {  	v10 =	vsel vm1, $0x1, v3  }
0x142: {  	(xrf0) =	vadd.scan.msk.s32 $0xffff, v10;
	_ =	sdelay $0x5  }
0x143: {  	v10, _, _ =	vpop (xrf0)  }
0x144: {  	(v2sf) =	vpush v10, $0xF;
	_ =	sdelay $0xd  }
0x145: {  	s22 =	spop (v2sf)  }
0x146: {  	s20 =	sadd.s32 s20, s22;
	s29 =	spop (v2sf)  }
0x147: {  	s22 =	sadd.s32 s20, s29  }
0x148: {  	v10 =	vld [tilespmem:s21+$0x0];
	s30 =	sadd.s32 $0xF, s22  }
0x149: {  	s23 =	sand.u32 $0xF, s30  }
0x14a: {  	s31 =	sshra.s32 s30, $0x1F;
	p1 =	slt.s32 s30, $0x1;
	p0 =	sne.s32 s23, $0x0  }
0x14b: {  	s23 =	sshrl.u32 s31, $0x1C;
	p0 =	por !p1, !p0  }
0x14c: {  	s21 =	sadd.s32 s23, s30;
	s23 =	simm.s32 $0x1;
	p0 =	por !p0, !p0  }
0x14d: {  	[tilespmem:s20+$0x1000] =	vst.msk vm1, v10;
	s21 =	sshra.s32 s21, $0x4;
	s23 =	simm.s32 @!p0 $0x0  }
0x14e: {  	[tilespmem:s20+$0x1800] =	vst.msk vm1, v9;
	s20 =	ssub.s32 s21, s23  }
0x14f: {  	p0 =	slt.s32 s20, $0x1  }
.Ltmp14:
0x150: {  	_ = 	snop;
	(pc) =	sbr.rel @p0 .LBB2_20-.Ltmp14, $3  }
0x151: {  	_ =	sdelay $0x1  }
0x152: {  	[tilespmem:s22+$0x1000] =	vst v3  }
0x153: {  	[tilespmem:s22+$0x1800] =	vst v4;
	s21 =	simm.s32 $0x0  }
.LBB2_17:
0x154: {  	s22 =	sshll.u32 s21, $0x4  }
0x155: {  	v9 =	vld [tilespmem:s22+$0x1000];
	_ =	sdelay $0x4  }
0x156: {  	v10 =	vshll.u32 v9, $0x2  }
0x157: {  	v9 =	vand.u32 $0x7, v9;
	v10 =	vand.u32 $0xFFFFFFE0, v10  }
0x158: {  	v9 =	vor.u32 v9, v10  }
0x159: {  	v10 =	vperm.xlane v9, v5;
	_ =	sdelay $0x1  }
0x15a: {  	v10 =	vadd.s32 v6, v10;
	_ =	sdelay $0x1  }
0x15b: {  	v9 =	vperm.xlane v9, v7;
	_ =	sdelay $0x1  }
0x15c: {  	v9 =	vadd.s32 v6, v9  }
0x15d: {  	[tilespmem:s13], [sflag:$0x1] =	stream.indirect_vreg.gather [hbm4b:s3+s2], $0x80, v10, vm0, $0xb8;
	[tilespmem:$0x18000] =	vst v63  }
0x15e: {  	_ = 	snop  }
0x15f: {  	[tilespmem:s14], [sflag:$0x1] =	stream.indirect_vreg.gather [hbm4b:s6+s2], $0x80, v10, vm0, $0xb8;
	[tilespmem:$0x18000] =	vst v63  }
0x160: {  	_ = 	snop  }
0x161: {  	[tilespmem:s15], [sflag:$0x1] =	stream.indirect_vreg.gather [hbm4b:s3+s2], $0x80, v9, vm0, $0xb8;
	[tilespmem:$0x18000] =	vst v63  }
0x162: {  	s23 =	simm.s32 $0x0  }
0x163: {  	[tilespmem:s16], [sflag:$0x1] =	stream.indirect_vreg.gather [hbm4b:s6+s2], $0x80, v9, vm0, $0xb8;
	[tilespmem:$0x18000] =	vst v63  }
0x164: {  	v9 =	vmov s23;
	_ =	swait.ge [sflag:s12], $0x2000  }
0x165: {  	v10 =	vshll.u32 v9, $0x3;
	[sflag:s12] =	ssyncset.done $0x0  }
0x166: {  	v9 =	vand.u32 $0x78, v9;
	v10 =	vand.u32 $0xC00, v10;
	[sflag:s12] =	ssyncadd.s32 $0xFFFFE000  }
0x167: {  	v9 =	vor.u32 v10, v9;
	v11 =	vld [tilespmem:s22+$0x1800]  }
0x168: {  	v10 =	vor.u32 v8, v9  }
0x169: {  	s26 =	simm.s32 $0x1  }
0x16a: {  	v12 =	vmov s26  }
0x16b: {  	v13 =	vshll.u32 v12, $0x3  }
0x16c: {  	v9 =	vshll.u32 v11, $0x9;
	v11 =	vand.u32 $0x79, v12;
	v12 =	vand.u32 $0xC00, v13  }
0x16d: {  	v10 =	vld.idx.msk [tilespmem:v10+s13+$0x0], $0xffff;
	v13 =	vor.u32 s23, v9;
	v11 =	vor.u32 v12, v11  }
0x16e: {  	v11 =	vor.u32 v8, v11  }
0x16f: {  	s28 =	simm.s32 $0x2  }
0x170: {  	v12 =	vmov s28  }
0x171: {  	v14 =	vshll.u32 v12, $0x3  }
0x172: {  	[tilespmem:v13+s17+$0x0] =	vst.idx.add.f32.msk $0xffff, v10;
	v10 =	vand.u32 $0x7A, v12;
	v12 =	vand.u32 $0xC00, v14  }
0x173: {  	v13 =	vor.u32 s26, v9;
	v11 =	vld.idx.msk [tilespmem:v11+s13+$0x0], $0xffff;
	v10 =	vor.u32 v12, v10  }
0x174: {  	v10 =	vor.u32 v8, v10  }
0x175: {  	s29 =	simm.s32 $0x3  }
0x176: {  	v12 =	vmov s29  }
0x177: {  	v14 =	vshll.u32 v12, $0x3  }
0x178: {  	[tilespmem:v13+s17+$0x0] =	vst.idx.add.f32.msk $0xffff, v11;
	v11 =	vand.u32 $0x7B, v12;
	v12 =	vand.u32 $0xC00, v14  }
0x179: {  	v13 =	vor.u32 s28, v9;
	v10 =	vld.idx.msk [tilespmem:v10+s13+$0x0], $0xffff;
	v11 =	vor.u32 v12, v11  }
0x17a: {  	v11 =	vor.u32 v8, v11  }
0x17b: {  	s30 =	simm.s32 $0x4  }
0x17c: {  	v12 =	vmov s30  }
0x17d: {  	v14 =	vshll.u32 v12, $0x3  }
0x17e: {  	[tilespmem:v13+s17+$0x0] =	vst.idx.add.f32.msk $0xffff, v10;
	v10 =	vand.u32 $0x7C, v12;
	v12 =	vand.u32 $0xC00, v14  }
0x17f: {  	v13 =	vor.u32 s29, v9;
	v11 =	vld.idx.msk [tilespmem:v11+s13+$0x0], $0xffff;
	v10 =	vor.u32 v12, v10  }
0x180: {  	v10 =	vor.u32 v8, v10  }
0x181: {  	s31 =	simm.s32 $0x5  }
0x182: {  	v12 =	vmov s31  }
0x183: {  	v14 =	vshll.u32 v12, $0x3  }
0x184: {  	[tilespmem:v13+s17+$0x0] =	vst.idx.add.f32.msk $0xffff, v11;
	v11 =	vand.u32 $0x7D, v12;
	v12 =	vand.u32 $0xC00, v14  }
0x185: {  	v13 =	vor.u32 s30, v9;
	v10 =	vld.idx.msk [tilespmem:v10+s13+$0x0], $0xffff;
	v11 =	vor.u32 v12, v11  }
0x186: {  	v11 =	vor.u32 v8, v11  }
0x187: {  	s24 =	simm.s32 $0x6  }
0x188: {  	v12 =	vmov s24  }
0x189: {  	v14 =	vshll.u32 v12, $0x3  }
0x18a: {  	[tilespmem:v13+s17+$0x0] =	vst.idx.add.f32.msk $0xffff, v10;
	v10 =	vand.u32 $0x7E, v12;
	v12 =	vand.u32 $0xC00, v14  }
0x18b: {  	v13 =	vor.u32 s31, v9;
	v11 =	vld.idx.msk [tilespmem:v11+s13+$0x0], $0xffff;
	v10 =	vor.u32 v12, v10  }
0x18c: {  	v10 =	vor.u32 v8, v10  }
0x18d: {  	s23 =	simm.s32 $0x7  }
0x18e: {  	v12 =	vmov s23  }
0x18f: {  	v14 =	vshll.u32 v12, $0x3  }
0x190: {  	v12 =	vand.u32 $0x7F, v12;
	v14 =	vand.u32 $0xC00, v14;
	[tilespmem:v13+s17+$0x0] =	vst.idx.add.f32.msk $0xffff, v11  }
0x191: {  	v11 =	vor.u32 v14, v12;
	v12 =	vor.u32 s24, v9;
	v10 =	vld.idx.msk [tilespmem:v10+s13+$0x0], $0xffff  }
0x192: {  	v11 =	vor.u32 v8, v11;
	_ =	sdelay $0x1  }
0x193: {  	s25 =	simm.s32 $0x8;
	s22 =	simm.s32 $0xF;
	s24 =	simm.s32 $0x17  }
.LBB2_18:
0x194: {  	p0 =	sne.s32 s24, $0x1FF;
	v13 =	vmov s25  }
0x195: {  	v14 =	vshll.u32 v13, $0x3;
	[tilespmem:v12+s17+$0x0] =	vst.idx.add.f32.msk $0xffff, v10  }
0x196: {  	v10 =	vand.u32 $0x78, v13;
	v12 =	vand.u32 $0xC00, v14;
	v11 =	vld.idx.msk [tilespmem:v11+s13+$0x0], $0xffff  }
0x197: {  	v10 =	vor.u32 v12, v10;
	v12 =	vor.u32 s23, v9;
	s23 =	smov.u32 s22;
	s22 =	smov.u32 s24  }
0x198: {  	v10 =	vor.u32 v8, v10;
	_ =	sdelay $0x1  }
0x199: {  	s26 =	sadd.s32 $0xFFFFFFFA, s23  }
0x19a: {  	v13 =	vmov s26  }
0x19b: {  	v14 =	vshll.u32 v13, $0x3;
	[tilespmem:v12+s17+$0x0] =	vst.idx.add.f32.msk $0xffff, v11  }
0x19c: {  	v11 =	vand.u32 $0x79, v13;
	v12 =	vand.u32 $0xC00, v14;
	v10 =	vld.idx.msk [tilespmem:v10+s13+$0x0], $0xffff  }
0x19d: {  	v13 =	vor.u32 s25, v9;
	v11 =	vor.u32 v12, v11  }
0x19e: {  	v11 =	vor.u32 v8, v11;
	_ =	sdelay $0x1  }
0x19f: {  	s25 =	sadd.s32 $0xFFFFFFFB, s23  }
0x1a0: {  	v12 =	vmov s25  }
0x1a1: {  	[tilespmem:v13+s17+$0x0] =	vst.idx.add.f32.msk $0xffff, v10;
	v10 =	vshll.u32 v12, $0x3  }
0x1a2: {  	v12 =	vand.u32 $0x7A, v12;
	v11 =	vld.idx.msk [tilespmem:v11+s13+$0x0], $0xffff;
	v10 =	vand.u32 $0xC00, v10  }
0x1a3: {  	v13 =	vor.u32 s26, v9;
	v10 =	vor.u32 v10, v12  }
0x1a4: {  	v10 =	vor.u32 v8, v10;
	_ =	sdelay $0x1  }
0x1a5: {  	s26 =	sadd.s32 $0xFFFFFFFC, s23  }
0x1a6: {  	v12 =	vmov s26  }
0x1a7: {  	[tilespmem:v13+s17+$0x0] =	vst.idx.add.f32.msk $0xffff, v11;
	v11 =	vshll.u32 v12, $0x3  }
0x1a8: {  	v12 =	vand.u32 $0x7B, v12;
	v10 =	vld.idx.msk [tilespmem:v10+s13+$0x0], $0xffff;
	v11 =	vand.u32 $0xC00, v11  }
0x1a9: {  	v13 =	vor.u32 s25, v9;
	v11 =	vor.u32 v11, v12  }
0x1aa: {  	v11 =	vor.u32 v8, v11;
	_ =	sdelay $0x1  }
0x1ab: {  	s25 =	sadd.s32 $0xFFFFFFFD, s23  }
0x1ac: {  	v12 =	vmov s25  }
0x1ad: {  	[tilespmem:v13+s17+$0x0] =	vst.idx.add.f32.msk $0xffff, v10;
	v10 =	vshll.u32 v12, $0x3  }
0x1ae: {  	v12 =	vand.u32 $0x7C, v12;
	v11 =	vld.idx.msk [tilespmem:v11+s13+$0x0], $0xffff;
	v10 =	vand.u32 $0xC00, v10  }
0x1af: {  	v13 =	vor.u32 s26, v9;
	v10 =	vor.u32 v10, v12  }
0x1b0: {  	v10 =	vor.u32 v8, v10;
	_ =	sdelay $0x1  }
0x1b1: {  	s26 =	sadd.s32 $0xFFFFFFFE, s23  }
0x1b2: {  	v12 =	vmov s26  }
0x1b3: {  	[tilespmem:v13+s17+$0x0] =	vst.idx.add.f32.msk $0xffff, v11;
	v11 =	vshll.u32 v12, $0x3  }
0x1b4: {  	v12 =	vand.u32 $0x7D, v12;
	v10 =	vld.idx.msk [tilespmem:v10+s13+$0x0], $0xffff;
	v11 =	vand.u32 $0xC00, v11  }
0x1b5: {  	v13 =	vor.u32 s25, v9;
	v11 =	vor.u32 v11, v12  }
0x1b6: {  	v11 =	vor.u32 v8, v11;
	_ =	sdelay $0x1  }
0x1b7: {  	s25 =	sadd.s32 $0xFFFFFFFF, s23  }
0x1b8: {  	v12 =	vmov s25  }
0x1b9: {  	[tilespmem:v13+s17+$0x0] =	vst.idx.add.f32.msk $0xffff, v10;
	v10 =	vshll.u32 v12, $0x3  }
0x1ba: {  	v12 =	vand.u32 $0x7E, v12;
	v11 =	vld.idx.msk [tilespmem:v11+s13+$0x0], $0xffff;
	v10 =	vand.u32 $0xC00, v10  }
0x1bb: {  	v13 =	vor.u32 s26, v9;
	v10 =	vor.u32 v10, v12  }
0x1bc: {  	v10 =	vor.u32 v8, v10;
	_ =	sdelay $0x2  }
0x1bd: {  	v12 =	vmov s23  }
0x1be: {  	[tilespmem:v13+s17+$0x0] =	vst.idx.add.f32.msk $0xffff, v11;
	v11 =	vshll.u32 v12, $0x3  }
.Ltmp15:
0x1bf: {  	v13 =	vand.u32 $0x7F, v12;
	v10 =	vld.idx.msk [tilespmem:v10+s13+$0x0], $0xffff;
	v11 =	vand.u32 $0xC00, v11;
	(pc) =	sbr.rel @p0 .LBB2_18-.Ltmp15, $3  }
0x1c0: {  	v12 =	vor.u32 s25, v9;
	v11 =	vor.u32 v11, v13  }
0x1c1: {  	v11 =	vor.u32 v8, v11;
	_ =	sdelay $0x1  }
0x1c2: {  	s24 =	sadd.s32 $0x8, s24;
	s25 =	sadd.s32 $0xFFFFFFF9, s22  }
0x1c3: {  	_ =	sdelay $0x1  }
0x1c4: {  	v13 =	vmov s25  }
0x1c5: {  	v14 =	vshll.u32 v13, $0x3  }
0x1c6: {  	[tilespmem:v12+s17+$0x0] =	vst.idx.add.f32.msk $0xffff, v10;
	v10 =	vand.u32 $0x78, v13;
	v34 =	vand.u32 $0xC00, v14  }
0x1c7: {  	v35 =	vor.u32 s23, v9;
	v11 =	vld.idx.msk [tilespmem:v11+s13+$0x0], $0xffff;
	v10 =	vor.u32 v34, v10  }
0x1c8: {  	v10 =	vor.u32 v8, v10  }
0x1c9: {  	s26 =	sadd.s32 $0xFFFFFFFA, s22  }
0x1ca: {  	v36 =	vmov s26  }
0x1cb: {  	v37 =	vshll.u32 v36, $0x3  }
0x1cc: {  	v38 =	vand.u32 $0xC00, v37;
	[tilespmem:v35+s17+$0x0] =	vst.idx.add.f32.msk $0xffff, v11;
	v11 =	vand.u32 $0x79, v36  }
0x1cd: {  	v39 =	vor.u32 s25, v9;
	v11 =	vor.u32 v38, v11;
	v10 =	vld.idx.msk [tilespmem:v10+s13+$0x0], $0xffff  }
0x1ce: {  	v11 =	vor.u32 v8, v11  }
0x1cf: {  	s24 =	sadd.s32 $0xFFFFFFFB, s22  }
0x1d0: {  	v40 =	vmov s24  }
0x1d1: {  	v41 =	vshll.u32 v40, $0x3  }
0x1d2: {  	v42 =	vand.u32 $0xC00, v41;
	[tilespmem:v39+s17+$0x0] =	vst.idx.add.f32.msk $0xffff, v10;
	v10 =	vand.u32 $0x7A, v40  }
0x1d3: {  	v43 =	vor.u32 s26, v9;
	v11 =	vld.idx.msk [tilespmem:v11+s13+$0x0], $0xffff;
	v10 =	vor.u32 v42, v10  }
0x1d4: {  	v10 =	vor.u32 v8, v10  }
0x1d5: {  	s28 =	sadd.s32 $0xFFFFFFFC, s22  }
0x1d6: {  	v44 =	vmov s28  }
0x1d7: {  	v45 =	vshll.u32 v44, $0x3  }
0x1d8: {  	v46 =	vand.u32 $0xC00, v45;
	[tilespmem:v43+s17+$0x0] =	vst.idx.add.f32.msk $0xffff, v11;
	v11 =	vand.u32 $0x7B, v44  }
0x1d9: {  	v47 =	vor.u32 s24, v9;
	v10 =	vld.idx.msk [tilespmem:v10+s13+$0x0], $0xffff;
	v11 =	vor.u32 v46, v11  }
0x1da: {  	v11 =	vor.u32 v8, v11  }
0x1db: {  	s29 =	sadd.s32 $0xFFFFFFFD, s22  }
0x1dc: {  	v48 =	vmov s29  }
0x1dd: {  	v49 =	vshll.u32 v48, $0x3  }
0x1de: {  	v50 =	vand.u32 $0xC00, v49;
	[tilespmem:v47+s17+$0x0] =	vst.idx.add.f32.msk $0xffff, v10;
	v10 =	vand.u32 $0x7C, v48  }
0x1df: {  	v51 =	vor.u32 s28, v9;
	v11 =	vld.idx.msk [tilespmem:v11+s13+$0x0], $0xffff;
	v10 =	vor.u32 v50, v10  }
0x1e0: {  	v10 =	vor.u32 v8, v10  }
0x1e1: {  	s30 =	sadd.s32 $0xFFFFFFFE, s22  }
0x1e2: {  	v52 =	vmov s30  }
0x1e3: {  	v53 =	vshll.u32 v52, $0x3  }
0x1e4: {  	v54 =	vand.u32 $0xC00, v53;
	[tilespmem:v51+s17+$0x0] =	vst.idx.add.f32.msk $0xffff, v11;
	v11 =	vand.u32 $0x7D, v52  }
0x1e5: {  	v55 =	vor.u32 s29, v9;
	v10 =	vld.idx.msk [tilespmem:v10+s13+$0x0], $0xffff;
	v11 =	vor.u32 v54, v11  }
0x1e6: {  	v11 =	vor.u32 v8, v11  }
0x1e7: {  	s31 =	sadd.s32 $0xFFFFFFFF, s22  }
0x1e8: {  	v56 =	vmov s31  }
0x1e9: {  	v57 =	vshll.u32 v56, $0x3  }
0x1ea: {  	v58 =	vand.u32 $0xC00, v57;
	[tilespmem:v55+s17+$0x0] =	vst.idx.add.f32.msk $0xffff, v10;
	v10 =	vand.u32 $0x7E, v56  }
0x1eb: {  	v59 =	vor.u32 s30, v9;
	v11 =	vld.idx.msk [tilespmem:v11+s13+$0x0], $0xffff;
	v10 =	vor.u32 v58, v10  }
0x1ec: {  	v10 =	vor.u32 v8, v10;
	_ =	sdelay $0x1  }
0x1ed: {  	v60 =	vmov s22  }
0x1ee: {  	v61 =	vshll.u32 v60, $0x3  }
0x1ef: {  	v62 =	vand.u32 $0xC00, v61;
	[tilespmem:v59+s17+$0x0] =	vst.idx.add.f32.msk $0xffff, v11;
	v11 =	vand.u32 $0x7F, v60  }
0x1f0: {  	v63 =	vor.u32 s31, v9;
	v10 =	vld.idx.msk [tilespmem:v10+s13+$0x0], $0xffff;
	v11 =	vor.u32 v62, v11  }
0x1f1: {  	v11 =	vor.u32 v8, v11;
	_ =	sdelay $0x3  }
0x1f2: {  	s21 =	sadd.s32 $0x1, s21;
	[tilespmem:v63+s17+$0x0] =	vst.idx.add.f32.msk $0xffff, v10  }
0x1f3: {  	v9 =	vor.u32 s22, v9;
	p0 =	sne.s32 s21, s20;
	v10 =	vld.idx.msk [tilespmem:v11+s13+$0x0], $0xffff  }
.Ltmp16:
0x1f4: {  	_ = 	snop;
	(pc) =	sbr.rel @p0 .LBB2_17-.Ltmp16, $4  }
.Ltmp17:
0x1f5: {  	_ = 	snop;
	(pc) =	sbr.rel @!p0 .LBB2_20-.Ltmp17, $4  }
0x1f6: {  	_ = 	snop  }
0x1f7: {  	_ = 	snop  }
0x1f8: {  	[tilespmem:v9+s17+$0x0] =	vst.idx.add.f32.msk $0xffff, v10  }
0x1f9: {  	_ = 	snop  }
.LBB2_22:
0x1fa: {  	_ =	sfence.sel $0x180000  }
0x1fb: {  	[bflag:$0x0] =	sbarrier.arrive $0xFFFF  }
0x1fc: {  	p0 =	sne.s32 s0, $0x0;
	_ =	strace $0x9000004A  }
0x1fd: {  	s0 =	sadd.s32 @!p0 $0x100000, s1;
	[bflag:$0x2] =	sbarrier.arrive $0xFFFF  }
0x1fe: {  	[sflag:s0] =	ssyncadd.tile.s32 @!p0 $0x1;
	_ =	shalt  }
.Lfunc_end2:
_tile_overlayer_lowered:
.L_overlay_start_2:
0x1ff: {  	(tag) =	ssettag $0x2  }
0x200: {  	s0 =	rddreg [dreg:$0x0];
	s2 =	stileid.u32  }
0x201: {  	s1 =	rddreg [dreg:$0x1];
	p0 =	sne.s32 s2, $0x0  }
0x202: {  	s3 =	rddreg [dreg:$0x2];
	[bflag:$0x3] =	sbarrier.arrive $0xFFFF;
	s2 =	simm.s32 @!p0 $0x1C02  }
0x203: {  	[timem:s3], [sflag:s2] =	dma.local @!p0 [hbm:s0], s1  }
0x204: {  	s0 =	simm.s32 @!p0 $0x2  }
0x205: {  	_ =	swait.ge @!p0 [sflag:s0], s1  }
0x206: {  	s1 =	ssub.s32 @!p0 $0x0, s1;
	[sflag:s0] =	ssyncset.done @!p0 $0x0  }
0x207: {  	[sflag:s0] =	ssyncadd.s32 @!p0 s1  }
0x208: {  	[bflag:$0x3] =	sbarrier.arrive $0xFFFF  }
0x209: {  	_ =	shalt  }

// kernel: kernel.14.cloned.1.call-start
scs
__scs_entry_jumppad:
0x0: {  	(pc) =	sbr.rel $0x88, $3  }
0x1: {  	(tag) =	ssettag $0x0;
	lr =	simm.s32 $0x1  }
0x2: {  	[smem:$0x3F97] =	sst lr;
	_ =	strace $0xD0000000  }
0x3: {  	_ = 	snop  }
0x4: {  	_ = 	snop  }
0x5: {  	_ = 	snop  }
0x6: {  	_ = 	snop  }
0x7: {  	_ = 	snop  }
__scs_overlays_trampoline_lowered:
0x8: {  	[smem:$0x3FA6] =	sst s0  }
0x9: {  	[smem:$0x3FA7] =	sst s1  }
0xa: {  	[smem:$0x3FA8] =	sst s2  }
0xb: {  	[smem:$0x3FA9] =	sst s3  }
0xc: {  	[smem:$0x3FAA] =	sst s4  }
0xd: {  	[smem:$0x3FAB] =	sst s5  }
0xe: {  	[smem:$0x3FAC] =	sst s6  }
0xf: {  	[smem:$0x3FAD] =	sst s7  }
0x10: {  	[smem:$0x3FAE] =	sst s8  }
0x11: {  	[smem:$0x3FAF] =	sst s9;
	s0 =	simm.s32 @!p0 $0x0  }
0x12: {  	s1 =	sld [smem:$0x3F95];
	s0 =	simm.s32 @p0 $0x1  }
0x13: {  	[smem:$0x3FB0] =	sst s0;
	s0 =	simm.s32 @!p1 $0x0  }
0x14: {  	s2 =	sld [smem:$0x3F94];
	s0 =	simm.s32 @p1 $0x1  }
0x15: {  	[smem:$0x3FB1] =	sst s0;
	s0 =	simm.s32 @!p2 $0x0  }
0x16: {  	s3 =	sld [smem:$0x3FDB];
	s0 =	simm.s32 @p2 $0x1  }
0x17: {  	s4 =	simm.s32 $0x1BF5;
	[smem:$0x3FB3] =	sst s0  }
0x18: {  	s0 =	sld [smem:$0x3F96];
	_ =	swait.ge [sflag:s4], $0x0  }
0x19: {  	s7 =	sld [smem:$0x3F97]  }
0x1a: {  	s8 =	sadd.s32 $0xFFFFE003, lr  }
0x1b: {  	s9 =	sadd.s32 $0xFFFFFEF7, lr;
	s5 =	simm.s32 $0xFFFFFFFF;
	p2 =	slt.u32 s8, $0xFFFFF086  }
0x1c: {  	p1 =	slt.u32 s9, $0xF7A;
	s5 =	simm.s32 @!p2 $0x0  }
0x1d: {  	s5 =	simm.s32 @p1 $0x1;
	p0 =	seq.s32 s7, s2  }
0x1e: {  	s7 =	smul.u32 @!p0 $0xF7A, s2;
	p2 =	seq.s32 @!p0 s5, $0x0  }
0x1f: {  	s9 =	smul.u32 $0xF7A, s1;
	s8 =	simm.s32 @!p0 $0x1BF5;
	p2 =	por !p2, p0  }
0x20: {  	[sflag:s8] =	ssyncset.s32 @!p0 $0xFFFFF086;
	s6 =	sadd.s32 @!p0 s3, s7;
	s7 =	simm.s32 @!p0 $0x108  }
0x21: {  	s3 =	sadd.s32 s3, s9;
	s6 =	sadd.s32 @!p0 $0x88, s6;
	s7 =	simm.s32 @p2 $0x1082  }
0x22: {  	[simem:s7], [sflag:s8] =	dma.local @!p0 [hbm:s6], $0xF7A  }
0x23: {  	s9 =	sor.u32 $0xD0000000, s2;
	s6 =	simm.s32 $0x108;
	_ =	swait.ge @!p0 [sflag:s8], $0x0  }
0x24: {  	s3 =	sadd.s32 $0x88, s3;
	s6 =	simm.s32 @!p1 $0x1082;
	[sflag:s4] =	ssyncset.s32 $0xFFFFF086  }
0x25: {  	[simem:s6], [sflag:s4] =	dma.local [hbm:s3], $0xF7A  }
0x26: {  	[smem:$0x3F97] =	sst s1;
	(tag) =	ssettag s2;
	_ =	strace s9  }
0x27: {  	s1 =	sld [smem:$0x3FA7]  }
0x28: {  	s2 =	sld [smem:$0x3FA8]  }
0x29: {  	s4 =	sld [smem:$0x3FAA]  }
0x2a: {  	p0 =	seq.s32 s5, $0x0;
	s5 =	sld [smem:$0x3FAB]  }
0x2b: {  	s6 =	sld [smem:$0x3FAC]  }
0x2c: {  	s7 =	sld [smem:$0x3FAD]  }
0x2d: {  	s3 =	simm.s32 $0x108;
	s8 =	sld [smem:$0x3FAE]  }
0x2e: {  	s3 =	simm.s32 @!p0 $0x1082;
	s9 =	sld [smem:$0x3FAF]  }
0x2f: {  	lr =	sadd.s32 s0, s3;
	s0 =	sld [smem:$0x3FA6]  }
0x30: {  	s3 =	sld [smem:$0x3FA9]  }
0x31: {  	[smem:$0x3FB2] =	sst s10  }
0x32: {  	s10 =	sld [smem:$0x3FB0];
	_ =	sdelay $0x3  }
0x33: {  	p0 =	seq.s32 s10, $0x1;
	s10 =	sld [smem:$0x3FB2];
	_ =	sdelay $0x3  }
0x34: {  	[smem:$0x3FB2] =	sst s10  }
0x35: {  	s10 =	sld [smem:$0x3FB1];
	_ =	sdelay $0x3  }
0x36: {  	p1 =	seq.s32 s10, $0x1;
	s10 =	sld [smem:$0x3FB2];
	_ =	sdelay $0x3  }
0x37: {  	[smem:$0x3FB2] =	sst s10  }
0x38: {  	s10 =	sld [smem:$0x3FB3]  }
0x39: {  	_ = 	snop;
	(pc) =	sbr.ind lr, $3  }
0x3a: {  	_ = 	snop  }
0x3b: {  	_ = 	snop  }
0x3c: {  	p2 =	seq.s32 s10, $0x1;
	s10 =	sld [smem:$0x3FB2]  }
0x3d: {  	_ =	shalt  }
0x3e: {  	_ =	shalt  }
0x3f: {  	_ =	shalt  }
0x40: {  	_ =	shalt  }
0x41: {  	_ =	shalt  }
0x42: {  	_ =	shalt  }
0x43: {  	_ =	shalt  }
0x44: {  	_ =	shalt  }
0x45: {  	_ =	shalt  }
0x46: {  	_ =	shalt  }
0x47: {  	_ =	shalt  }
0x48: {  	_ =	shalt  }
0x49: {  	_ =	shalt  }
0x4a: {  	_ =	shalt  }
0x4b: {  	_ =	shalt  }
0x4c: {  	_ =	shalt  }
0x4d: {  	_ =	shalt  }
0x4e: {  	_ =	shalt  }
0x4f: {  	_ =	shalt  }
0x50: {  	_ =	shalt  }
0x51: {  	_ =	shalt  }
0x52: {  	_ =	shalt  }
0x53: {  	_ =	shalt  }
0x54: {  	_ =	shalt  }
0x55: {  	_ =	shalt  }
0x56: {  	_ =	shalt  }
0x57: {  	_ =	shalt  }
0x58: {  	_ =	shalt  }
0x59: {  	_ =	shalt  }
0x5a: {  	_ =	shalt  }
0x5b: {  	_ =	shalt  }
0x5c: {  	_ =	shalt  }
0x5d: {  	_ =	shalt  }
0x5e: {  	_ =	shalt  }
0x5f: {  	_ =	shalt  }
0x60: {  	_ =	shalt  }
0x61: {  	_ =	shalt  }
0x62: {  	_ =	shalt  }
0x63: {  	_ =	shalt  }
0x64: {  	_ =	shalt  }
0x65: {  	_ =	shalt  }
0x66: {  	_ =	shalt  }
0x67: {  	_ =	shalt  }
0x68: {  	_ =	shalt  }
0x69: {  	_ =	shalt  }
0x6a: {  	_ =	shalt  }
0x6b: {  	_ =	shalt  }
0x6c: {  	_ =	shalt  }
0x6d: {  	_ =	shalt  }
0x6e: {  	_ =	shalt  }
0x6f: {  	_ =	shalt  }
0x70: {  	_ =	shalt  }
0x71: {  	_ =	shalt  }
0x72: {  	_ =	shalt  }
0x73: {  	_ =	shalt  }
0x74: {  	_ =	shalt  }
0x75: {  	_ =	shalt  }
0x76: {  	_ =	shalt  }
0x77: {  	_ =	shalt  }
0x78: {  	_ =	shalt  }
0x79: {  	_ =	shalt  }
0x7a: {  	_ =	shalt  }
0x7b: {  	_ =	shalt  }
0x7c: {  	_ =	shalt  }
0x7d: {  	_ =	shalt  }
0x7e: {  	_ =	shalt  }
0x7f: {  	_ =	shalt  }
0x80: {  	_ =	shalt  }
0x81: {  	_ =	shalt  }
0x82: {  	_ =	shalt  }
0x83: {  	_ =	shalt  }
0x84: {  	_ =	shalt  }
0x85: {  	_ =	shalt  }
0x86: {  	_ =	shalt  }
0x87: {  	_ =	shalt  }
.Lfunc_end0:
.L_simem_size_0:
called_computation.2_lowered:
.L_overlay_start_0:
0x88: {  	s2 =	sld [smem:$0x3FD9]  }
0x89: {  	s3 =	sld [smem:$0x3FFE];
	_ =	sdelay $0x1  }
0x8a: {  	s1 =	srdreg.scid  }
0x8b: {  	s0 =	sand.u32 $0x1, s1  }
0x8c: {  	s17 =	sshll.u32 s0, $0xA;
	s2 =	sadd.s32 s3, s2  }
0x8d: {  	s2 =	sadd.s32 s2, s17  }
0x8e: {  	[smem:$0x3FBE] =	sst s2  }
0x8f: {  	_ = 	snop  }
0x90: {  	s2 =	sld [smem:$0x3FD0];
	(tm) =	ssettm $0x1  }
0x91: {  	s18 =	sld [smem:$0x3FFB];
	_ =	sdelay $0x3  }
0x92: {  	_ =	strace s18  }
0x93: {  	s3 =	sld [smem:$0x3FFC];
	_ =	sdelay $0x3  }
0x94: {  	_ =	strace s3  }
0x95: {  	s3 =	sld [smem:$0x3FFD];
	_ =	sdelay $0x3  }
0x96: {  	_ =	strace s3  }
0x97: {  	_ =	strace $0x8FFFFFFF  }
0x98: {  	s19 =	sld [smem:$0x3FDB];
	_ =	sdelay $0x1  }
0x99: {  	s4 =	simm.s32 $_scs_section_size  }
0x9a: {  	s5 =	simm.s32 $_size__tile_overlayer_lowered;
	s6 =	simm.s32 $_tile_overlayer_lowered  }
0x9b: {  	s22 =	simm.s32 $0x1BFF;
	s21 =	sshll.u32 s6, $0x1;
	s3 =	sadd.s32 s4, s19  }
0x9c: {  	s7 =	simm.s32 $0x0;
	s20 =	sshll.u32 s5, $0x1;
	s5 =	sadd.s32 s21, s3  }
0x9d: {  	[timem:s7], [sflag:s22] =	dma.local [hbm:s5], s20  }
0x9e: {  	_ =	swait.ge [sflag:s22], s20  }
0x9f: {  	s4 =	ssub.s32 $0x0, s20;
	[sflag:s22] =	ssyncset.done $0x0  }
0xa0: {  	[sflag:s22] =	ssyncadd.s32 s4;
	_ =	sdelay $0x1  }
0xa1: {  	s23 =	simm.s32 $0x1B8B  }
0xa2: {  	_ =	swait.ge [sflag:s23], $0x1  }
0xa3: {  	[sflag:s23] =	ssyncset.done $0x0  }
0xa4: {  	s25 =	simm.s32 $0x1B8E;
	s24 =	sld [smem:$0x3FFE];
	[sflag:s23] =	ssyncadd.s32 $0xFFFFFFFF  }
0xa5: {  	s26 =	simm.s32 $execute0_lowered;
	[smem:$0x3FD2] =	sst s25  }
0xa6: {  	s5 =	sshll.u32 s26, $0x1;
	_ =	strace $0x8000004C;
	[dreg:$0x1] =	wrdreg $0xFFFFFFFF  }
0xa7: {  	s28 =	simm.s32 $_size_execute0_lowered;
	s3 =	sadd.s32 s3, s5;
	[dreg:$0x0] =	wrdreg $0x0  }
0xa8: {  	s5 =	sshll.u32 s28, $0x1;
	[dreg:$0x2] =	wrdreg s3  }
0xa9: {  	[dreg:$0x3] =	wrdreg s5  }
0xaa: {  	[dreg:$0x4] =	wrdreg $0xC0  }
0xab: {  	_ =	task [dreg:s7], $0x5FFFF  }
0xac: {  	[dreg:$0x1] =	wrdreg $0xFFFFFFFF  }
0xad: {  	[dreg:$0x0] =	wrdreg $0x60  }
0xae: {  	[dreg:$0x2] =	wrdreg s24  }
0xaf: {  	[dreg:$0x3] =	wrdreg s2  }
0xb0: {  	[dreg:$0x4] =	wrdreg $0x9  }
0xb1: {  	_ =	task.clear_ibuf [dreg:s7], $0x5FFFF;
	_ =	strace $0x9000004C  }
0xb2: {  	s29 =	simm.s32 $0x9;
	_ =	strace $0x8000004E  }
0xb3: {  	_ =	swait.ge [sflag:s29], $0x1  }
0xb4: {  	[sflag:s29] =	ssyncadd.s32 $0xFFFFFFFF  }
0xb5: {  	_ =	strace $0x9000004E  }
0xb6: {  	_ =	sfence  }
0xb7: {  	s30 =	sld [smem:$0x0];
	_ =	sdelay $0x2  }
0xb8: {  	s31 =	sshll.u32 s1, $0xD;
	s1 =	sshrl.u32 s1, $0x2  }
0xb9: {  	s3 =	sand.u32 $0x4000, s31;
	s1 =	sadd.s32 s1, s30  }
0xba: {  	s0 =	sor.u32 s3, s0;
	s1 =	sshll.u32 s1, $0x11  }
0xbb: {  	s0 =	sor.u32 s1, s0  }
0xbc: {  	s0 =	sadd.s32 $0x8F2B, s0  }
0xbd: {  	[sflag:s0] =	ssyncadd.remote.s32 $0x1  }
0xbe: {  	_ =	sfence.sel $0xFFFF  }
0xbf: {  	[dreg:$0x0] =	wrdreg $0xFFFFFFFF;
	(pc) =	sbr.abs _section_cstart, $3  }
0xc0: {  	[dreg:$0x1] =	wrdreg $0xFFFFFFFF  }
0xc1: {  	_ =	task.clear_ibuf [dreg:s7], $0x2FFFF;
	_ =	strace $0x9FFFFFFF  }
0xc2: {  	(tm) =	ssettm $0x7FFFFFFF  }
0xc3: {  	_ =	shalt  }
tec
execute0_lowered:
.L_overlay_start_1:
0x0: {  	(tag) =	ssettag $0x1  }
0x1: {  	s0 =	srdreg.scid;
	v0 =	vimm.s32 $0x1380;
	vm0 =	vcmask $0x300  }
0x2: {  	s1 =	rddreg [dreg:$0x0];
	s4 =	stileid.u32;
	v0 =	vsel vm0, $0x0, v0;
	vm0 =	vcmask $0x704  }
0x3: {  	s3 =	simm.s32 $0x0;
	s15 =	simm.s32 $0x2;
	s16 =	simm.s32 $0x4F80;
	v0 =	vsel vm0, $0x80, v0;
	vm0 =	vcmask $0xB08  }
0x4: {  	s17 =	simm.s32 $0x800;
	s18 =	simm.s32 $0x1;
	s19 =	simm.s32 $0x7700;
	v0 =	vsel vm0, $0x100, v0;
	vm0 =	vcmask $0xF0C  }
0x5: {  	s20 =	simm.s32 $0x7F00;
	s21 =	simm.s32 $0x8700;
	s0 =	sand.u32 $0x1, s0;
	v0 =	vsel vm0, $0x180, v0;
	vm0 =	vcmask $0x1310  }
0x6: {  	s22 =	simm.s32 $0x8F00;
	s23 =	simm.s32 $0x1D700;
	s2 =	sshll.u32 s0, $0x4;
	v1 =	vsel vm0, $0x200, v0;
	vm0 =	vcmask $0x1714  }
0x7: {  	v7 =	vlaneseq.u32;
	s24 =	simm.s32 $0x9700;
	s25 =	simm.s32 $0x0;
	s2 =	sor.u32 s4, s2;
	v2 =	vsel vm0, $0x280, v1;
	vm0 =	vcmask $0x1B18  }
0x8: {  	vm1 =	vcmask $0x3B38;
	[smem:$0x7FF] =	sst s3;
	s7 =	smul.u32 $0xFFFFFF63, s2;
	s8 =	sor.u32 $0x20, s2;
	v3 =	vsel vm0, $0x300, v2;
	vm0 =	vcmask $0x1F1C  }
0x9: {  	s5 =	sadd.s32 $0x1400, s1;
	s6 =	sadd.s32 $0x6400, s1;
	v8 =	vshrl.u32 v7, $0x3;
	s9 =	smul.u32 $0xFFFFFF63, s8;
	v4 =	vsel vm0, $0x380, v3;
	vm0 =	vcmask $0x2320  }
0xa: {  	s30 =	sadd.s32 $0xB400, s1;
	s11 =	sadd.s32 $0x143C00, s1;
	s10 =	smul.u32 $0x2800, s2;
	v0 =	vmov s7;
	v5 =	vsel vm0, $0x1000, v4;
	vm0 =	vcmask $0x2724  }
0xb: {  	s13 =	sadd.s32 $0xBA00, s1;
	_ =	strace $0x8000004D;
	s2 =	smul.u32 $0x14, s2;
	v1 =	vmov s9;
	v5 =	vsel vm0, $0x1080, v5;
	vm0 =	vcmask $0x2B28  }
.Ltmp0:
0xc: {  	[dreg:$0x3] =	wrdreg s30;
	s0 =	ssub.s32 $0x2, s0;
	v2 =	vimm.f32 $0.0e+00;
	v6 =	vsel vm0, $0x1100, v5;
	vm0 =	vcmask $0x2F2C;
	(pc) =	sbr.rel .LBB2_1-.Ltmp0, $4  }
0xd: {  	s4 =	sadd.s32 $0xA7800, s1;
	s31 =	sshrl.u32 s0, $0x1;
	s12 =	smul.u32 $0x2800, s8;
	v3 =	vimm.s32 $0x0;
	v6 =	vsel vm0, $0x1180, v6;
	vm0 =	vcmask $0x3330  }
0xe: {  	s0 =	ssub.s32 s0, s31;
	s14 =	smul.u32 $0x14, s8;
	s8 =	sadd.s32 $0xA7900, s1;
	v4 =	vimm.s32 $0x9E;
	v9 =	vsel vm0, $0x1200, v6;
	vm0 =	vcmask $0x3734  }
0xf: {  	s9 =	sadd.s32 s11, s10;
	s10 =	sadd.s32 s13, s2;
	s11 =	sadd.s32 s11, s12;
	v5 =	vand.u32 $0x7, v7;
	v6 =	vmul.u32 $0x8, v8;
	v8 =	vsel vm0, $0x1280, v9  }
0x10: {  	s12 =	sadd.s32 s13, s14;
	s13 =	smax.u32 s0, $0x1;
	s14 =	simm.s32 $0x2800;
	v7 =	vor.u32 $0x8, v7;
	vm0 =	vmmov $0xffff;
	v8 =	vsel vm1, $0x1300, v8  }
.LBB2_21:
0x11: {  	[hbm4b:s11+s3] =	stream.linear.scatter [tilespmem:s24], [sflag:$0x2], $0x14000, $0x38;
	[tilespmem:$0x1D800] =	vst v63  }
0x12: {  	s25 =	sadd.s32 $0x1, s25;
	_ =	swait.ge [sflag:s15], $0x14000  }
0x13: {  	p0 =	sne.s32 s25, s13;
	[sflag:s15] =	ssyncset.done $0x0  }
.Ltmp1:
0x14: {  	[sflag:s15] =	ssyncadd.s32 $0xFFFEC000;
	(pc) =	sbr.rel @!p0 .LBB2_22-.Ltmp1, $4  }
0x15: {  	[hbm4b:s12+s3] =	stream.linear.scatter [tilespmem:s23], [sflag:$0x2], $0xA0, $0x38;
	[tilespmem:$0x1D800] =	vst v63  }
0x16: {  	_ =	swait.ge [sflag:s15], $0xA0  }
0x17: {  	[sflag:s15] =	ssyncset.done $0x0  }
0x18: {  	[sflag:s15] =	ssyncadd.s32 $0xFFFFFF60  }
.LBB2_1:
0x19: {  	s0 =	rddreg [dreg:$0x1]  }
0x1a: {  	[tilespmem:s14], [sflag:$0x2] =	stream.linear.gather [hbm4b:s0+s3], $0x2780, $0x38;
	[tilespmem:$0x1D800] =	vst v63  }
0x1b: {  	_ =	swait.ge [sflag:s15], $0x2780  }
0x1c: {  	[sflag:s15] =	ssyncset.done $0x0  }
0x1d: {  	s31 =	rddreg [dreg:$0x3];
	[sflag:s15] =	ssyncadd.s32 $0xFFFFD880  }
0x1e: {  	[tilespmem:s16], [sflag:$0x2] =	stream.linear.gather [hbm4b:s31+s3], $0x2780, $0x38;
	[tilespmem:$0x1D800] =	vst v63  }
0x1f: {  	_ =	swait.ge [sflag:s15], $0x2780  }
0x20: {  	[sflag:s15] =	ssyncset.done $0x0  }
0x21: {  	s1 =	simm.s32 $0x200;
	s0 =	simm.s32 $0x0;
	[sflag:s15] =	ssyncadd.s32 $0xFFFFD880  }
.LBB2_2:
0x22: {  	p0 =	sne.s32 s1, $0x4FE00;
	[tilespmem:s0+$0x9770] =	vst v2  }
0x23: {  	[tilespmem:s0+$0x9700] =	vst v2  }
0x24: {  	[tilespmem:s0+$0x9710] =	vst v2  }
.Ltmp2:
0x25: {  	[tilespmem:s0+$0x9720] =	vst v2;
	(pc) =	sbr.rel @p0 .LBB2_2-.Ltmp2, $4  }
0x26: {  	[tilespmem:s0+$0x9730] =	vst v2  }
0x27: {  	[tilespmem:s0+$0x9740] =	vst v2  }
0x28: {  	[tilespmem:s0+$0x9750] =	vst v2  }
0x29: {  	[tilespmem:s0+$0x9760] =	vst v2;
	s0 =	sshra.s32 s1, $0x2;
	s1 =	sadd.s32 $0x200, s1  }
0x2a: {  	[tilespmem:s0+$0x9770] =	vst v2  }
0x2b: {  	[tilespmem:s0+$0x9700] =	vst v2  }
0x2c: {  	[tilespmem:s0+$0x9710] =	vst v2  }
0x2d: {  	[tilespmem:s0+$0x9720] =	vst v2  }
0x2e: {  	[tilespmem:s0+$0x9730] =	vst v2  }
0x2f: {  	[tilespmem:s0+$0x9740] =	vst v2  }
0x30: {  	[tilespmem:s0+$0x9750] =	vst v2  }
0x31: {  	[tilespmem:s0+$0x9760] =	vst v2  }
0x32: {  	[tilespmem:$0x1D700] =	vst v2  }
0x33: {  	[tilespmem:$0x1D710] =	vst v2  }
0x34: {  	[tilespmem:$0x1D720] =	vst v2  }
0x35: {  	[tilespmem:$0x1D730] =	vst v2  }
0x36: {  	[tilespmem:$0x1D740] =	vst v2  }
.Ltmp3:
0x37: {  	[tilespmem:$0x1D750] =	vst v2;
	(pc) =	sbr.rel .LBB2_4-.Ltmp3, $4  }
0x38: {  	[tilespmem:$0x1D760] =	vst v2  }
0x39: {  	[tilespmem:$0x1D770] =	vst v2  }
0x3a: {  	[tilespmem:$0x1D780] =	vst v2  }
0x3b: {  	s26 =	simm.s32 $0x0;
	s28 =	simm.s32 $0x0;
	[tilespmem:$0x1D790] =	vst v2  }
.LBB2_10:
0x3c: {  	s28 =	sadd.s32 $0x1, s28  }
0x3d: {  	p0 =	sne.s32 s28, $0x50  }
.Ltmp4:
0x3e: {  	_ = 	snop;
	(pc) =	sbr.rel @!p0 .LBB2_11-.Ltmp4, $1  }
0x3f: {  	_ =	sdelay $0x3  }
.LBB2_4:
0x40: {  	s0 =	smul.u32 $0xFA, s28;
	_ =	sdelay $0x1  }
0x41: {  	s1 =	sadd.s32 s5, s0  }
0x42: {  	[tilespmem:s26], [sflag:$0x2] =	stream.linear.gather [hbm4b:s1+s26], $0x7D0, $0x38;
	[tilespmem:$0x1D800] =	vst v63  }
0x43: {  	_ =	swait.ge [sflag:s15], $0x7D0  }
0x44: {  	[sflag:s15] =	ssyncset.done $0x0  }
0x45: {  	s0 =	sadd.s32 s6, s0;
	[sflag:s15] =	ssyncadd.s32 $0xFFFFF830  }
0x46: {  	[tilespmem:s17], [sflag:$0x2] =	stream.linear.gather [hbm4b:s0+s26], $0x7D0, $0x38;
	[tilespmem:$0x1D800] =	vst v63  }
0x47: {  	_ =	swait.ge [sflag:s15], $0x7D0  }
0x48: {  	[sflag:s15] =	ssyncset.done $0x0  }
0x49: {  	s30 =	simm.s32 $0x0;
	[sflag:s15] =	ssyncadd.s32 $0xFFFFF830  }
0x4a: {  	v9 =	vld [tilespmem:s30+$0x800];
	_ =	sdelay $0x4  }
0x4b: {  	v10 =	vadd.s32 v0, v9  }
0x4c: {  	vm1 =	vlt.u32 v10, $0x9D  }
0x4d: {  	v11 =	vsel vm1, $0x1, v3  }
0x4e: {  	(xrf0) =	vadd.scan.msk.s32 $0xffff, v11;
	v11 =	vld [tilespmem:s30+$0x0];
	_ =	sdelay $0x4  }
0x4f: {  	[tilespmem:s26+$0x1000] =	vst.msk vm1, v11  }
0x50: {  	[tilespmem:s26+$0x1800] =	vst.msk vm1, v10  }
0x51: {  	v9 =	vld.idx.msk [tilespmem:v9+s16+$0x0], $0xffff  }
0x52: {  	v10 =	vld.idx.msk [tilespmem:v11+s14+$0x0], $0xffff;
	_ =	sdelay $0x2  }
0x53: {  	v12, _, _ =	vpop (xrf0)  }
0x54: {  	(v2sf) =	vpush v12, $0xF  }
0x55: {  	v9 =	vadd.f32 v9, v10;
	_ =	sdelay $0x1  }
0x56: {  	v10 =	vmul.f32 $2.000000030e-01, v9  }
0x57: {  	vm2 =	vgt.f32 v9, $0.0e+00  }
0x58: {  	v9 =	vsel vm2, v9, v10  }
0x59: {  	v9 =	vmul.f32 $1.442695020e+00, v9;
	_ =	sdelay $0x1  }
0x5a: {  	(erf) = vpow2.f32 v9;
	_ =	sdelay $0x6  }
0x5b: {  	s31 =	spop (v2sf)  }
0x5c: {  	s29 =	simm.s32 $0x40;
	s1 =	simm.s32 $0x0;
	s0 =	sadd.s32 $0x0, s31  }
.LBB2_5:
0x5d: {  	p0 =	sne.s32 s29, $0x1F00;
	v9 =	vpop (erf);
	s2 =	smov.u32 s29;
	s29 =	sadd.s32 $0x40, s29  }
0x5e: {  	s2 =	sshra.s32 s2, $0x2;
	[tilespmem:s1+$0x2000] =	vst.msk vm1, v9;
	s1 =	smov.u32 s0  }
0x5f: {  	v9 =	vld [tilespmem:s2+$0x800]  }
0x60: {  	v10 =	vld [tilespmem:s2+$0x0];
	_ =	sdelay $0x3  }
0x61: {  	v11 =	vadd.s32 v0, v9  }
0x62: {  	vm1 =	vlt.u32 v11, $0x9D  }
0x63: {  	[tilespmem:s0+$0x1000] =	vst.msk vm1, v10;
	v12 =	vsel vm1, $0x1, v3  }
0x64: {  	[tilespmem:s0+$0x1800] =	vst.msk vm1, v11;
	(xrf0) =	vadd.scan.msk.s32 $0xffff, v12  }
0x65: {  	v10 =	vld.idx.msk [tilespmem:v10+s14+$0x0], $0xffff  }
0x66: {  	v9 =	vld.idx.msk [tilespmem:v9+s16+$0x0], $0xffff;
	_ =	sdelay $0x3  }
0x67: {  	v11, _, _ =	vpop (xrf0)  }
0x68: {  	(v2sf) =	vpush v11, $0xF  }
0x69: {  	v9 =	vadd.f32 v9, v10;
	_ =	sdelay $0x1  }
0x6a: {  	vm2 =	vgt.f32 v9, $0.0e+00;
	v10 =	vmul.f32 $2.000000030e-01, v9;
	_ =	sdelay $0x1  }
0x6b: {  	v9 =	vsel vm2, v9, v10  }
0x6c: {  	v9 =	vmul.f32 $1.442695020e+00, v9;
	_ =	sdelay $0x1  }
0x6d: {  	(erf) = vpow2.f32 v9;
	_ =	sdelay $0x3  }
.Ltmp5:
0x6e: {  	(pc) =	sbr.rel @p0 .LBB2_5-.Ltmp5, $3  }
0x6f: {  	_ =	sdelay $0x1  }
0x70: {  	s2 =	spop (v2sf)  }
0x71: {  	s0 =	sadd.s32 s0, s2  }
0x72: {  	s2 =	sadd.s32 $0xF, s0  }
0x73: {  	s29 =	sand.u32 $0xF, s2  }
0x74: {  	p1 =	slt.s32 s2, $0x1;
	p0 =	sne.s32 s29, $0x0;
	s29 =	sshra.s32 s2, $0x1F  }
0x75: {  	s29 =	sshrl.u32 s29, $0x1C;
	p0 =	por !p1, !p0  }
0x76: {  	s2 =	sadd.s32 s29, s2;
	p0 =	por !p0, !p0;
	s29 =	simm.s32 $0x1  }
0x77: {  	s31 =	sshra.s32 s2, $0x4;
	s29 =	simm.s32 @!p0 $0x0  }
0x78: {  	s29 =	ssub.s32 s31, s29  }
0x79: {  	p0 =	slt.s32 s29, $0x1  }
.Ltmp6:
0x7a: {  	v9 =	vpop (erf);
	(pc) =	sbr.rel @p0 .LBB2_10-.Ltmp6, $4  }
0x7b: {  	[tilespmem:s1+$0x2000] =	vst.msk vm1, v9  }
0x7c: {  	[tilespmem:s0+$0x1000] =	vst v3  }
0x7d: {  	[tilespmem:s0+$0x1800] =	vst v4  }
0x7e: {  	s30 =	simm.s32 $0x0;
	[tilespmem:s0+$0x2000] =	vst v2  }
.LBB2_7:
0x7f: {  	s0 =	sshll.u32 s30, $0x4  }
0x80: {  	v9 =	vld [tilespmem:s0+$0x1000];
	_ =	sdelay $0x4  }
0x81: {  	v10 =	vshll.u32 v9, $0x2  }
0x82: {  	v9 =	vand.u32 $0x7, v9;
	v10 =	vand.u32 $0xFFFFFFE0, v10  }
0x83: {  	v9 =	vor.u32 v9, v10  }
0x84: {  	v10 =	vperm.xlane v9, v5;
	_ =	sdelay $0x1  }
0x85: {  	v10 =	vadd.s32 v6, v10;
	_ =	sdelay $0x1  }
0x86: {  	v9 =	vperm.xlane v9, v7;
	_ =	sdelay $0x1  }
0x87: {  	v9 =	vadd.s32 v6, v9  }
0x88: {  	[tilespmem:s19], [sflag:$0x1] =	stream.indirect_vreg.gather [hbm4b:s4+s3], $0x80, v10, vm0, $0xb8;
	[tilespmem:$0x1D800] =	vst v63  }
0x89: {  	_ = 	snop  }
0x8a: {  	[tilespmem:s20], [sflag:$0x1] =	stream.indirect_vreg.gather [hbm4b:s8+s3], $0x80, v10, vm0, $0xb8;
	[tilespmem:$0x1D800] =	vst v63  }
0x8b: {  	_ = 	snop  }
0x8c: {  	[tilespmem:s21], [sflag:$0x1] =	stream.indirect_vreg.gather [hbm4b:s4+s3], $0x80, v9, vm0, $0xb8;
	[tilespmem:$0x1D800] =	vst v63  }
0x8d: {  	_ = 	snop  }
0x8e: {  	[tilespmem:s22], [sflag:$0x1] =	stream.indirect_vreg.gather [hbm4b:s8+s3], $0x80, v9, vm0, $0xb8;
	[tilespmem:$0x1D800] =	vst v63  }
0x8f: {  	_ =	swait.ge [sflag:s18], $0x2000  }
0x90: {  	[sflag:s18] =	ssyncset.done $0x0  }
0x91: {  	s1 =	simm.s32 $0x0;
	[sflag:s18] =	ssyncadd.s32 $0xFFFFE000  }
0x92: {  	v9 =	vmov s1;
	v10 =	vld [tilespmem:s0+$0x1800]  }
0x93: {  	v11 =	vshll.u32 v9, $0x3  }
0x94: {  	v12 =	vand.u32 $0x78, v9;
	v11 =	vand.u32 $0xC00, v11  }
0x95: {  	v11 =	vor.u32 v11, v12;
	v9 =	vld [tilespmem:s0+$0x2000]  }
0x96: {  	v11 =	vor.u32 v8, v11;
	_ =	sdelay $0x2  }
0x97: {  	s7 =	simm.s32 $0x1  }
0x98: {  	v12 =	vmov s7;
	[tilespmem:v10+s23+$0x0] =	vst.idx.add.f32.msk $0xffff, v9  }
0x99: {  	v13 =	vshll.u32 v12, $0x3;
	v11 =	vld.idx.msk [tilespmem:v11+s19+$0x0], $0xffff  }
0x9a: {  	v12 =	vand.u32 $0x79, v12;
	v13 =	vand.u32 $0xC00, v13;
	v10 =	vshll.u32 v10, $0x9  }
0x9b: {  	v12 =	vor.u32 v13, v12;
	v14 =	vor.u32 s1, v10  }
0x9c: {  	v12 =	vor.u32 v8, v12;
	_ =	sdelay $0x1  }
0x9d: {  	v11 =	vmul.f32 v11, v9  }
0x9e: {  	s2 =	simm.s32 $0x2  }
0x9f: {  	[tilespmem:v14+s24+$0x0] =	vst.idx.add.f32.msk $0xffff, v11;
	v11 =	vmov s2  }
0xa0: {  	v12 =	vld.idx.msk [tilespmem:v12+s19+$0x0], $0xffff;
	v13 =	vshll.u32 v11, $0x3  }
0xa1: {  	v11 =	vand.u32 $0x7A, v11;
	v13 =	vand.u32 $0xC00, v13  }
0xa2: {  	v14 =	vor.u32 s7, v10;
	v11 =	vor.u32 v13, v11  }
0xa3: {  	v11 =	vor.u32 v8, v11;
	_ =	sdelay $0x1  }
0xa4: {  	v12 =	vmul.f32 v12, v9  }
0xa5: {  	s7 =	simm.s32 $0x3  }
0xa6: {  	[tilespmem:v14+s24+$0x0] =	vst.idx.add.f32.msk $0xffff, v12;
	v12 =	vmov s7  }
0xa7: {  	v11 =	vld.idx.msk [tilespmem:v11+s19+$0x0], $0xffff;
	v13 =	vshll.u32 v12, $0x3  }
0xa8: {  	v12 =	vand.u32 $0x7B, v12;
	v13 =	vand.u32 $0xC00, v13  }
0xa9: {  	v14 =	vor.u32 s2, v10;
	v12 =	vor.u32 v13, v12  }
0xaa: {  	v12 =	vor.u32 v8, v12;
	_ =	sdelay $0x1  }
0xab: {  	v11 =	vmul.f32 v11, v9  }
0xac: {  	s2 =	simm.s32 $0x4  }
0xad: {  	[tilespmem:v14+s24+$0x0] =	vst.idx.add.f32.msk $0xffff, v11;
	v11 =	vmov s2  }
0xae: {  	v12 =	vld.idx.msk [tilespmem:v12+s19+$0x0], $0xffff;
	v13 =	vshll.u32 v11, $0x3  }
0xaf: {  	v11 =	vand.u32 $0x7C, v11;
	v13 =	vand.u32 $0xC00, v13  }
0xb0: {  	v14 =	vor.u32 s7, v10;
	v11 =	vor.u32 v13, v11  }
0xb1: {  	v11 =	vor.u32 v8, v11;
	_ =	sdelay $0x1  }
0xb2: {  	v12 =	vmul.f32 v12, v9  }
0xb3: {  	s7 =	simm.s32 $0x5  }
0xb4: {  	[tilespmem:v14+s24+$0x0] =	vst.idx.add.f32.msk $0xffff, v12;
	v12 =	vmov s7  }
0xb5: {  	v11 =	vld.idx.msk [tilespmem:v11+s19+$0x0], $0xffff;
	v13 =	vshll.u32 v12, $0x3  }
0xb6: {  	v12 =	vand.u32 $0x7D, v12;
	v13 =	vand.u32 $0xC00, v13  }
0xb7: {  	v14 =	vor.u32 s2, v10;
	v12 =	vor.u32 v13, v12  }
0xb8: {  	v12 =	vor.u32 v8, v12;
	_ =	sdelay $0x1  }
0xb9: {  	v11 =	vmul.f32 v11, v9  }
0xba: {  	s2 =	simm.s32 $0x6  }
0xbb: {  	[tilespmem:v14+s24+$0x0] =	vst.idx.add.f32.msk $0xffff, v11;
	v11 =	vmov s2  }
0xbc: {  	v12 =	vld.idx.msk [tilespmem:v12+s19+$0x0], $0xffff;
	v13 =	vshll.u32 v11, $0x3  }
0xbd: {  	v11 =	vand.u32 $0x7E, v11;
	v13 =	vand.u32 $0xC00, v13  }
0xbe: {  	v14 =	vor.u32 s7, v10;
	v11 =	vor.u32 v13, v11  }
0xbf: {  	v11 =	vor.u32 v8, v11;
	_ =	sdelay $0x1  }
0xc0: {  	v12 =	vmul.f32 v12, v9  }
0xc1: {  	s7 =	simm.s32 $0x7  }
0xc2: {  	[tilespmem:v14+s24+$0x0] =	vst.idx.add.f32.msk $0xffff, v12;
	v12 =	vmov s7  }
0xc3: {  	v11 =	vld.idx.msk [tilespmem:v11+s19+$0x0], $0xffff;
	v13 =	vshll.u32 v12, $0x3  }
0xc4: {  	v12 =	vand.u32 $0x7F, v12;
	v13 =	vand.u32 $0xC00, v13  }
0xc5: {  	v14 =	vor.u32 s2, v10;
	v12 =	vor.u32 v13, v12  }
0xc6: {  	v12 =	vor.u32 v8, v12;
	_ =	sdelay $0x1  }
0xc7: {  	v11 =	vmul.f32 v11, v9  }
0xc8: {  	s2 =	simm.s32 $0x8  }
0xc9: {  	[tilespmem:v14+s24+$0x0] =	vst.idx.add.f32.msk $0xffff, v11;
	v11 =	vmov s2  }
0xca: {  	v13 =	vld.idx.msk [tilespmem:v12+s19+$0x0], $0xffff;
	v12 =	vshll.u32 v11, $0x3  }
0xcb: {  	v11 =	vand.u32 $0x78, v11;
	v12 =	vand.u32 $0xC00, v12  }
0xcc: {  	v11 =	vor.u32 v12, v11;
	v12 =	vor.u32 s7, v10  }
0xcd: {  	v11 =	vor.u32 v8, v11;
	_ =	sdelay $0x1  }
0xce: {  	s31 =	simm.s32 $0xF;
	s1 =	simm.s32 $0x17;
	v13 =	vmul.f32 v13, v9  }
.LBB2_8:
0xcf: {  	p0 =	sne.s32 s1, $0x1FF  }
0xd0: {  	s7 =	sadd.s32 $0xFFFFFFFA, s31;
	s0 =	smov.u32 s1;
	s1 =	sadd.s32 $0x8, s1;
	[tilespmem:v12+s24+$0x0] =	vst.idx.add.f32.msk $0xffff, v13  }
0xd1: {  	v12 =	vmov s7;
	v11 =	vld.idx.msk [tilespmem:v11+s19+$0x0], $0xffff  }
0xd2: {  	v13 =	vshll.u32 v12, $0x3  }
0xd3: {  	v12 =	vand.u32 $0x79, v12;
	v13 =	vand.u32 $0xC00, v13  }
0xd4: {  	v14 =	vor.u32 s2, v10;
	v12 =	vor.u32 v13, v12  }
0xd5: {  	v12 =	vor.u32 v8, v12;
	_ =	sdelay $0x1  }
0xd6: {  	v11 =	vmul.f32 v11, v9;
	_ =	sdelay $0x1  }
0xd7: {  	s2 =	sadd.s32 $0xFFFFFFFB, s31;
	[tilespmem:v14+s24+$0x0] =	vst.idx.add.f32.msk $0xffff, v11  }
0xd8: {  	v11 =	vld.idx.msk [tilespmem:v12+s19+$0x0], $0xffff;
	v12 =	vmov s2  }
0xd9: {  	v13 =	vshll.u32 v12, $0x3  }
0xda: {  	v12 =	vand.u32 $0x7A, v12;
	v13 =	vand.u32 $0xC00, v13  }
0xdb: {  	v14 =	vor.u32 s7, v10;
	v12 =	vor.u32 v13, v12  }
0xdc: {  	v12 =	vor.u32 v8, v12;
	_ =	sdelay $0x1  }
0xdd: {  	v11 =	vmul.f32 v11, v9;
	_ =	sdelay $0x1  }
0xde: {  	s7 =	sadd.s32 $0xFFFFFFFC, s31;
	[tilespmem:v14+s24+$0x0] =	vst.idx.add.f32.msk $0xffff, v11  }
0xdf: {  	v11 =	vld.idx.msk [tilespmem:v12+s19+$0x0], $0xffff;
	v12 =	vmov s7  }
0xe0: {  	v13 =	vshll.u32 v12, $0x3  }
0xe1: {  	v12 =	vand.u32 $0x7B, v12;
	v13 =	vand.u32 $0xC00, v13  }
0xe2: {  	v14 =	vor.u32 s2, v10;
	v12 =	vor.u32 v13, v12  }
0xe3: {  	v12 =	vor.u32 v8, v12;
	_ =	sdelay $0x1  }
0xe4: {  	v11 =	vmul.f32 v11, v9;
	_ =	sdelay $0x1  }
0xe5: {  	s2 =	sadd.s32 $0xFFFFFFFD, s31;
	[tilespmem:v14+s24+$0x0] =	vst.idx.add.f32.msk $0xffff, v11  }
0xe6: {  	v11 =	vld.idx.msk [tilespmem:v12+s19+$0x0], $0xffff;
	v12 =	vmov s2  }
0xe7: {  	v13 =	vshll.u32 v12, $0x3  }
0xe8: {  	v12 =	vand.u32 $0x7C, v12;
	v13 =	vand.u32 $0xC00, v13  }
0xe9: {  	v14 =	vor.u32 s7, v10;
	v12 =	vor.u32 v13, v12  }
0xea: {  	v12 =	vor.u32 v8, v12;
	_ =	sdelay $0x1  }
0xeb: {  	v11 =	vmul.f32 v11, v9;
	_ =	sdelay $0x1  }
0xec: {  	s7 =	sadd.s32 $0xFFFFFFFE, s31;
	[tilespmem:v14+s24+$0x0] =	vst.idx.add.f32.msk $0xffff, v11  }
0xed: {  	v11 =	vld.idx.msk [tilespmem:v12+s19+$0x0], $0xffff;
	v12 =	vmov s7  }
0xee: {  	v13 =	vand.u32 $0x7D, v12;
	v12 =	vshll.u32 v12, $0x3  }
0xef: {  	v12 =	vand.u32 $0xC00, v12  }
0xf0: {  	v14 =	vor.u32 s2, v10;
	v12 =	vor.u32 v12, v13  }
0xf1: {  	v12 =	vor.u32 v8, v12;
	_ =	sdelay $0x1  }
0xf2: {  	v11 =	vmul.f32 v11, v9;
	_ =	sdelay $0x1  }
0xf3: {  	s2 =	sadd.s32 $0xFFFFFFFF, s31;
	[tilespmem:v14+s24+$0x0] =	vst.idx.add.f32.msk $0xffff, v11  }
0xf4: {  	v11 =	vld.idx.msk [tilespmem:v12+s19+$0x0], $0xffff;
	v12 =	vmov s2  }
0xf5: {  	v13 =	vshll.u32 v12, $0x3  }
0xf6: {  	v12 =	vand.u32 $0x7E, v12;
	v13 =	vand.u32 $0xC00, v13  }
0xf7: {  	v14 =	vor.u32 s7, v10;
	v12 =	vor.u32 v13, v12  }
0xf8: {  	v12 =	vor.u32 v8, v12;
	_ =	sdelay $0x1  }
0xf9: {  	v11 =	vmul.f32 v11, v9;
	_ =	sdelay $0x1  }
0xfa: {  	[tilespmem:v14+s24+$0x0] =	vst.idx.add.f32.msk $0xffff, v11  }
0xfb: {  	v11 =	vld.idx.msk [tilespmem:v12+s19+$0x0], $0xffff;
	v12 =	vmov s31  }
0xfc: {  	v13 =	vshll.u32 v12, $0x3  }
0xfd: {  	v12 =	vand.u32 $0x7F, v12;
	v13 =	vand.u32 $0xC00, v13  }
0xfe: {  	v14 =	vor.u32 s2, v10;
	v12 =	vor.u32 v13, v12  }
0xff: {  	v12 =	vor.u32 v8, v12;
	_ =	sdelay $0x1  }
0x100: {  	v11 =	vmul.f32 v11, v9;
	_ =	sdelay $0x1  }
0x101: {  	s2 =	sadd.s32 $0xFFFFFFF9, s0;
	[tilespmem:v14+s24+$0x0] =	vst.idx.add.f32.msk $0xffff, v11  }
0x102: {  	v11 =	vmov s2;
	v13 =	vld.idx.msk [tilespmem:v12+s19+$0x0], $0xffff  }
0x103: {  	v12 =	vshll.u32 v11, $0x3  }
.Ltmp7:
0x104: {  	v11 =	vand.u32 $0x78, v11;
	v12 =	vand.u32 $0xC00, v12;
	(pc) =	sbr.rel @p0 .LBB2_8-.Ltmp7, $3  }
0x105: {  	v11 =	vor.u32 v12, v11;
	v12 =	vor.u32 s31, v10;
	s31 =	smov.u32 s0  }
0x106: {  	v11 =	vor.u32 v8, v11;
	_ =	sdelay $0x1  }
0x107: {  	v13 =	vmul.f32 v13, v9  }
0x108: {  	_ =	sdelay $0x2  }
0x109: {  	s0 =	sadd.s32 $0xFFFFFFFA, s31  }
0x10a: {  	[tilespmem:v12+s24+$0x0] =	vst.idx.add.f32.msk $0xffff, v13;
	v47 =	vmov s0  }
0x10b: {  	v11 =	vld.idx.msk [tilespmem:v11+s19+$0x0], $0xffff;
	v48 =	vshll.u32 v47, $0x3  }
0x10c: {  	v12 =	vand.u32 $0x79, v47;
	v13 =	vand.u32 $0xC00, v48  }
0x10d: {  	v14 =	vor.u32 s2, v10;
	v12 =	vor.u32 v13, v12  }
0x10e: {  	v12 =	vor.u32 v8, v12;
	_ =	sdelay $0x1  }
0x10f: {  	v11 =	vmul.f32 v11, v9  }
0x110: {  	s1 =	sadd.s32 $0xFFFFFFFB, s31  }
0x111: {  	[tilespmem:v14+s24+$0x0] =	vst.idx.add.f32.msk $0xffff, v11;
	v11 =	vmov s1  }
0x112: {  	v12 =	vld.idx.msk [tilespmem:v12+s19+$0x0], $0xffff;
	v49 =	vshll.u32 v11, $0x3  }
0x113: {  	v11 =	vand.u32 $0x7A, v11;
	v13 =	vand.u32 $0xC00, v49  }
0x114: {  	v50 =	vor.u32 s0, v10;
	v11 =	vor.u32 v13, v11  }
0x115: {  	v11 =	vor.u32 v8, v11;
	_ =	sdelay $0x1  }
0x116: {  	v12 =	vmul.f32 v12, v9  }
0x117: {  	s2 =	sadd.s32 $0xFFFFFFFC, s31  }
0x118: {  	v51 =	vmov s2;
	[tilespmem:v50+s24+$0x0] =	vst.idx.add.f32.msk $0xffff, v12  }
0x119: {  	v52 =	vshll.u32 v51, $0x3;
	v11 =	vld.idx.msk [tilespmem:v11+s19+$0x0], $0xffff  }
0x11a: {  	v13 =	vand.u32 $0xC00, v52;
	v12 =	vand.u32 $0x7B, v51  }
0x11b: {  	v53 =	vor.u32 s1, v10;
	v12 =	vor.u32 v13, v12  }
0x11c: {  	v12 =	vor.u32 v8, v12;
	_ =	sdelay $0x1  }
0x11d: {  	v11 =	vmul.f32 v11, v9  }
0x11e: {  	s7 =	sadd.s32 $0xFFFFFFFD, s31  }
0x11f: {  	[tilespmem:v53+s24+$0x0] =	vst.idx.add.f32.msk $0xffff, v11;
	v11 =	vmov s7  }
0x120: {  	v12 =	vld.idx.msk [tilespmem:v12+s19+$0x0], $0xffff;
	v54 =	vshll.u32 v11, $0x3  }
0x121: {  	v11 =	vand.u32 $0x7C, v11;
	v13 =	vand.u32 $0xC00, v54  }
0x122: {  	v55 =	vor.u32 s2, v10;
	v11 =	vor.u32 v13, v11  }
0x123: {  	v11 =	vor.u32 v8, v11;
	_ =	sdelay $0x1  }
0x124: {  	v12 =	vmul.f32 v12, v9  }
0x125: {  	s2 =	sadd.s32 $0xFFFFFFFE, s31  }
0x126: {  	v56 =	vmov s2;
	[tilespmem:v55+s24+$0x0] =	vst.idx.add.f32.msk $0xffff, v12  }
0x127: {  	v57 =	vshll.u32 v56, $0x3;
	v11 =	vld.idx.msk [tilespmem:v11+s19+$0x0], $0xffff  }
0x128: {  	v13 =	vand.u32 $0xC00, v57;
	v12 =	vand.u32 $0x7D, v56  }
0x129: {  	v58 =	vor.u32 s7, v10;
	v12 =	vor.u32 v13, v12  }
0x12a: {  	v12 =	vor.u32 v8, v12;
	_ =	sdelay $0x1  }
0x12b: {  	v11 =	vmul.f32 v11, v9  }
0x12c: {  	s7 =	sadd.s32 $0xFFFFFFFF, s31  }
0x12d: {  	[tilespmem:v58+s24+$0x0] =	vst.idx.add.f32.msk $0xffff, v11;
	v11 =	vmov s7  }
0x12e: {  	v12 =	vld.idx.msk [tilespmem:v12+s19+$0x0], $0xffff;
	v59 =	vshll.u32 v11, $0x3  }
0x12f: {  	v11 =	vand.u32 $0x7E, v11;
	v13 =	vand.u32 $0xC00, v59  }
0x130: {  	v60 =	vor.u32 s2, v10;
	v11 =	vor.u32 v13, v11  }
0x131: {  	v11 =	vor.u32 v8, v11;
	_ =	sdelay $0x1  }
0x132: {  	v12 =	vmul.f32 v12, v9;
	_ =	sdelay $0x1  }
0x133: {  	v61 =	vmov s31;
	[tilespmem:v60+s24+$0x0] =	vst.idx.add.f32.msk $0xffff, v12  }
0x134: {  	v62 =	vshll.u32 v61, $0x3;
	v11 =	vld.idx.msk [tilespmem:v11+s19+$0x0], $0xffff  }
0x135: {  	v13 =	vand.u32 $0xC00, v62;
	v12 =	vand.u32 $0x7F, v61  }
0x136: {  	v63 =	vor.u32 s7, v10;
	v12 =	vor.u32 v13, v12  }
0x137: {  	v12 =	vor.u32 v8, v12;
	_ =	sdelay $0x1  }
0x138: {  	v11 =	vmul.f32 v11, v9;
	_ =	sdelay $0x1  }
0x139: {  	[tilespmem:v63+s24+$0x0] =	vst.idx.add.f32.msk $0xffff, v11  }
0x13a: {  	v11 =	vld.idx.msk [tilespmem:v12+s19+$0x0], $0xffff  }
0x13b: {  	s30 =	sadd.s32 $0x1, s30  }
0x13c: {  	p0 =	sne.s32 s30, s29;
	v10 =	vor.u32 s31, v10  }
.Ltmp8:
0x13d: {  	_ = 	snop;
	(pc) =	sbr.rel @p0 .LBB2_7-.Ltmp8, $4  }
.Ltmp9:
0x13e: {  	_ = 	snop;
	(pc) =	sbr.rel @!p0 .LBB2_10-.Ltmp9, $4  }
0x13f: {  	v9 =	vmul.f32 v11, v9  }
0x140: {  	_ = 	snop  }
0x141: {  	[tilespmem:v10+s24+$0x0] =	vst.idx.add.f32.msk $0xffff, v9  }
0x142: {  	_ = 	snop  }
.LBB2_11:
0x143: {  	s0 =	simm.s32 $0x0  }
0x144: {  	[hbm4b:s9+s0] =	stream.linear.scatter [tilespmem:s24], [sflag:$0x2], $0x14000, $0x38;
	[tilespmem:$0x1D800] =	vst v63  }
0x145: {  	_ =	swait.ge [sflag:s15], $0x14000  }
0x146: {  	[sflag:s15] =	ssyncset.done $0x0  }
0x147: {  	[sflag:s15] =	ssyncadd.s32 $0xFFFEC000  }
0x148: {  	[hbm4b:s10+s0] =	stream.linear.scatter [tilespmem:s23], [sflag:$0x2], $0xA0, $0x38;
	[tilespmem:$0x1D800] =	vst v63  }
0x149: {  	_ =	swait.ge [sflag:s15], $0xA0  }
0x14a: {  	[sflag:s15] =	ssyncset.done $0x0  }
0x14b: {  	s1 =	simm.s32 $0x200;
	s0 =	simm.s32 $0x0;
	[sflag:s15] =	ssyncadd.s32 $0xFFFFFF60  }
.LBB2_12:
0x14c: {  	p0 =	sne.s32 s1, $0x4FE00;
	[tilespmem:s0+$0x9770] =	vst v2  }
0x14d: {  	[tilespmem:s0+$0x9700] =	vst v2  }
0x14e: {  	[tilespmem:s0+$0x9710] =	vst v2  }
.Ltmp10:
0x14f: {  	[tilespmem:s0+$0x9720] =	vst v2;
	(pc) =	sbr.rel @p0 .LBB2_12-.Ltmp10, $4  }
0x150: {  	[tilespmem:s0+$0x9730] =	vst v2  }
0x151: {  	[tilespmem:s0+$0x9740] =	vst v2  }
0x152: {  	[tilespmem:s0+$0x9750] =	vst v2  }
0x153: {  	[tilespmem:s0+$0x9760] =	vst v2;
	s0 =	sshra.s32 s1, $0x2;
	s1 =	sadd.s32 $0x200, s1  }
0x154: {  	[tilespmem:s0+$0x9770] =	vst v2  }
0x155: {  	[tilespmem:s0+$0x9700] =	vst v2  }
0x156: {  	[tilespmem:s0+$0x9710] =	vst v2  }
0x157: {  	[tilespmem:s0+$0x9720] =	vst v2  }
0x158: {  	[tilespmem:s0+$0x9730] =	vst v2  }
0x159: {  	[tilespmem:s0+$0x9740] =	vst v2  }
0x15a: {  	[tilespmem:s0+$0x9750] =	vst v2  }
0x15b: {  	[tilespmem:s0+$0x9760] =	vst v2  }
0x15c: {  	[tilespmem:$0x1D700] =	vst v2  }
0x15d: {  	[tilespmem:$0x1D710] =	vst v2  }
0x15e: {  	[tilespmem:$0x1D720] =	vst v2  }
0x15f: {  	[tilespmem:$0x1D730] =	vst v2  }
0x160: {  	[tilespmem:$0x1D740] =	vst v2  }
.Ltmp11:
0x161: {  	[tilespmem:$0x1D750] =	vst v2;
	(pc) =	sbr.rel .LBB2_14-.Ltmp11, $4  }
0x162: {  	[tilespmem:$0x1D760] =	vst v2  }
0x163: {  	[tilespmem:$0x1D770] =	vst v2  }
0x164: {  	[tilespmem:$0x1D780] =	vst v2  }
0x165: {  	s26 =	simm.s32 $0x0;
	s28 =	simm.s32 $0x0;
	[tilespmem:$0x1D790] =	vst v2  }
.LBB2_20:
0x166: {  	s28 =	sadd.s32 $0x1, s28  }
0x167: {  	p0 =	sne.s32 s28, $0x50  }
.Ltmp12:
0x168: {  	_ = 	snop;
	(pc) =	sbr.rel @!p0 .LBB2_21-.Ltmp12, $1  }
0x169: {  	_ =	sdelay $0x3  }
.LBB2_14:
0x16a: {  	s0 =	smul.u32 $0xFA, s28;
	_ =	sdelay $0x1  }
0x16b: {  	s1 =	sadd.s32 s5, s0  }
0x16c: {  	[tilespmem:s26], [sflag:$0x2] =	stream.linear.gather [hbm4b:s1+s26], $0x7D0, $0x38;
	[tilespmem:$0x1D800] =	vst v63  }
0x16d: {  	_ =	swait.ge [sflag:s15], $0x7D0  }
0x16e: {  	[sflag:s15] =	ssyncset.done $0x0  }
0x16f: {  	s0 =	sadd.s32 s6, s0;
	[sflag:s15] =	ssyncadd.s32 $0xFFFFF830  }
0x170: {  	[tilespmem:s17], [sflag:$0x2] =	stream.linear.gather [hbm4b:s0+s26], $0x7D0, $0x38;
	[tilespmem:$0x1D800] =	vst v63  }
0x171: {  	_ =	swait.ge [sflag:s15], $0x7D0  }
0x172: {  	[sflag:s15] =	ssyncset.done $0x0  }
0x173: {  	s30 =	simm.s32 $0x0;
	[sflag:s15] =	ssyncadd.s32 $0xFFFFF830  }
0x174: {  	v9 =	vld [tilespmem:s30+$0x800];
	_ =	sdelay $0x4  }
0x175: {  	v10 =	vadd.s32 v1, v9  }
0x176: {  	vm1 =	vlt.u32 v10, $0x9D  }
0x177: {  	v11 =	vsel vm1, $0x1, v3  }
0x178: {  	(xrf0) =	vadd.scan.msk.s32 $0xffff, v11;
	v11 =	vld [tilespmem:s30+$0x0];
	_ =	sdelay $0x4  }
0x179: {  	[tilespmem:s26+$0x1000] =	vst.msk vm1, v11  }
0x17a: {  	[tilespmem:s26+$0x1800] =	vst.msk vm1, v10  }
0x17b: {  	v9 =	vld.idx.msk [tilespmem:v9+s16+$0x0], $0xffff  }
0x17c: {  	v10 =	vld.idx.msk [tilespmem:v11+s14+$0x0], $0xffff;
	_ =	sdelay $0x2  }
0x17d: {  	v12, _, _ =	vpop (xrf0)  }
0x17e: {  	(v2sf) =	vpush v12, $0xF  }
0x17f: {  	v9 =	vadd.f32 v9, v10;
	_ =	sdelay $0x1  }
0x180: {  	v10 =	vmul.f32 $2.000000030e-01, v9  }
0x181: {  	vm2 =	vgt.f32 v9, $0.0e+00  }
0x182: {  	v9 =	vsel vm2, v9, v10  }
0x183: {  	v9 =	vmul.f32 $1.442695020e+00, v9;
	_ =	sdelay $0x1  }
0x184: {  	(erf) = vpow2.f32 v9;
	_ =	sdelay $0x6  }
0x185: {  	s31 =	spop (v2sf)  }
0x186: {  	s29 =	simm.s32 $0x40;
	s1 =	simm.s32 $0x0;
	s0 =	sadd.s32 $0x0, s31  }
.LBB2_15:
0x187: {  	p0 =	sne.s32 s29, $0x1F00;
	v9 =	vpop (erf);
	s2 =	smov.u32 s29;
	s29 =	sadd.s32 $0x40, s29  }
0x188: {  	s2 =	sshra.s32 s2, $0x2;
	[tilespmem:s1+$0x2000] =	vst.msk vm1, v9;
	s1 =	smov.u32 s0  }
0x189: {  	v9 =	vld [tilespmem:s2+$0x800]  }
0x18a: {  	v10 =	vld [tilespmem:s2+$0x0];
	_ =	sdelay $0x3  }
0x18b: {  	v11 =	vadd.s32 v1, v9  }
0x18c: {  	vm1 =	vlt.u32 v11, $0x9D  }
0x18d: {  	[tilespmem:s0+$0x1000] =	vst.msk vm1, v10;
	v12 =	vsel vm1, $0x1, v3  }
0x18e: {  	[tilespmem:s0+$0x1800] =	vst.msk vm1, v11;
	(xrf0) =	vadd.scan.msk.s32 $0xffff, v12  }
0x18f: {  	v10 =	vld.idx.msk [tilespmem:v10+s14+$0x0], $0xffff  }
0x190: {  	v9 =	vld.idx.msk [tilespmem:v9+s16+$0x0], $0xffff;
	_ =	sdelay $0x3  }
0x191: {  	v11, _, _ =	vpop (xrf0)  }
0x192: {  	(v2sf) =	vpush v11, $0xF  }
0x193: {  	v9 =	vadd.f32 v9, v10;
	_ =	sdelay $0x1  }
0x194: {  	vm2 =	vgt.f32 v9, $0.0e+00;
	v10 =	vmul.f32 $2.000000030e-01, v9;
	_ =	sdelay $0x1  }
0x195: {  	v9 =	vsel vm2, v9, v10  }
0x196: {  	v9 =	vmul.f32 $1.442695020e+00, v9;
	_ =	sdelay $0x1  }
0x197: {  	(erf) = vpow2.f32 v9;
	_ =	sdelay $0x3  }
.Ltmp13:
0x198: {  	(pc) =	sbr.rel @p0 .LBB2_15-.Ltmp13, $3  }
0x199: {  	_ =	sdelay $0x1  }
0x19a: {  	s2 =	spop (v2sf)  }
0x19b: {  	s0 =	sadd.s32 s0, s2  }
0x19c: {  	s2 =	sadd.s32 $0xF, s0  }
0x19d: {  	s7 =	sand.u32 $0xF, s2  }
0x19e: {  	s31 =	sshra.s32 s2, $0x1F;
	p1 =	slt.s32 s2, $0x1;
	p0 =	sne.s32 s7, $0x0  }
0x19f: {  	s7 =	sshrl.u32 s31, $0x1C;
	p0 =	por !p1, !p0  }
0x1a0: {  	s2 =	sadd.s32 s7, s2;
	s7 =	simm.s32 $0x1;
	p0 =	por !p0, !p0  }
0x1a1: {  	s31 =	sshra.s32 s2, $0x4;
	s7 =	simm.s32 @!p0 $0x0  }
0x1a2: {  	s29 =	ssub.s32 s31, s7  }
0x1a3: {  	p0 =	slt.s32 s29, $0x1  }
.Ltmp14:
0x1a4: {  	v9 =	vpop (erf);
	(pc) =	sbr.rel @p0 .LBB2_20-.Ltmp14, $4  }
0x1a5: {  	[tilespmem:s1+$0x2000] =	vst.msk vm1, v9  }
0x1a6: {  	[tilespmem:s0+$0x1000] =	vst v3  }
0x1a7: {  	[tilespmem:s0+$0x1800] =	vst v4  }
0x1a8: {  	s30 =	simm.s32 $0x0;
	[tilespmem:s0+$0x2000] =	vst v2  }
.LBB2_17:
0x1a9: {  	s0 =	sshll.u32 s30, $0x4  }
0x1aa: {  	v9 =	vld [tilespmem:s0+$0x1000];
	_ =	sdelay $0x4  }
0x1ab: {  	v10 =	vshll.u32 v9, $0x2  }
0x1ac: {  	v9 =	vand.u32 $0x7, v9;
	v10 =	vand.u32 $0xFFFFFFE0, v10  }
0x1ad: {  	v9 =	vor.u32 v9, v10  }
0x1ae: {  	v10 =	vperm.xlane v9, v5;
	_ =	sdelay $0x1  }
0x1af: {  	v10 =	vadd.s32 v6, v10;
	_ =	sdelay $0x1  }
0x1b0: {  	v9 =	vperm.xlane v9, v7;
	_ =	sdelay $0x1  }
0x1b1: {  	v9 =	vadd.s32 v6, v9  }
0x1b2: {  	[tilespmem:s19], [sflag:$0x1] =	stream.indirect_vreg.gather [hbm4b:s4+s3], $0x80, v10, vm0, $0xb8;
	[tilespmem:$0x1D800] =	vst v63  }
0x1b3: {  	_ = 	snop  }
0x1b4: {  	[tilespmem:s20], [sflag:$0x1] =	stream.indirect_vreg.gather [hbm4b:s8+s3], $0x80, v10, vm0, $0xb8;
	[tilespmem:$0x1D800] =	vst v63  }
0x1b5: {  	_ = 	snop  }
0x1b6: {  	[tilespmem:s21], [sflag:$0x1] =	stream.indirect_vreg.gather [hbm4b:s4+s3], $0x80, v9, vm0, $0xb8;
	[tilespmem:$0x1D800] =	vst v63  }
0x1b7: {  	_ = 	snop  }
0x1b8: {  	[tilespmem:s22], [sflag:$0x1] =	stream.indirect_vreg.gather [hbm4b:s8+s3], $0x80, v9, vm0, $0xb8;
	[tilespmem:$0x1D800] =	vst v63  }
0x1b9: {  	_ =	swait.ge [sflag:s18], $0x2000  }
0x1ba: {  	[sflag:s18] =	ssyncset.done $0x0  }
0x1bb: {  	s1 =	simm.s32 $0x0;
	[sflag:s18] =	ssyncadd.s32 $0xFFFFE000  }
0x1bc: {  	v9 =	vmov s1;
	v10 =	vld [tilespmem:s0+$0x1800]  }
0x1bd: {  	v11 =	vshll.u32 v9, $0x3  }
0x1be: {  	v12 =	vand.u32 $0x78, v9;
	v11 =	vand.u32 $0xC00, v11  }
0x1bf: {  	v11 =	vor.u32 v11, v12;
	v9 =	vld [tilespmem:s0+$0x2000]  }
0x1c0: {  	v11 =	vor.u32 v8, v11;
	_ =	sdelay $0x2  }
0x1c1: {  	s7 =	simm.s32 $0x1  }
0x1c2: {  	v12 =	vmov s7;
	[tilespmem:v10+s23+$0x0] =	vst.idx.add.f32.msk $0xffff, v9  }
0x1c3: {  	v13 =	vshll.u32 v12, $0x3;
	v11 =	vld.idx.msk [tilespmem:v11+s19+$0x0], $0xffff  }
0x1c4: {  	v12 =	vand.u32 $0x79, v12;
	v13 =	vand.u32 $0xC00, v13;
	v10 =	vshll.u32 v10, $0x9  }
0x1c5: {  	v12 =	vor.u32 v13, v12;
	v14 =	vor.u32 s1, v10  }
0x1c6: {  	v12 =	vor.u32 v8, v12;
	_ =	sdelay $0x1  }
0x1c7: {  	v11 =	vmul.f32 v11, v9  }
0x1c8: {  	s2 =	simm.s32 $0x2  }
0x1c9: {  	[tilespmem:v14+s24+$0x0] =	vst.idx.add.f32.msk $0xffff, v11;
	v11 =	vmov s2  }
0x1ca: {  	v12 =	vld.idx.msk [tilespmem:v12+s19+$0x0], $0xffff;
	v13 =	vshll.u32 v11, $0x3  }
0x1cb: {  	v11 =	vand.u32 $0x7A, v11;
	v13 =	vand.u32 $0xC00, v13  }
0x1cc: {  	v14 =	vor.u32 s7, v10;
	v11 =	vor.u32 v13, v11  }
0x1cd: {  	v11 =	vor.u32 v8, v11;
	_ =	sdelay $0x1  }
0x1ce: {  	v12 =	vmul.f32 v12, v9  }
0x1cf: {  	s7 =	simm.s32 $0x3  }
0x1d0: {  	[tilespmem:v14+s24+$0x0] =	vst.idx.add.f32.msk $0xffff, v12;
	v12 =	vmov s7  }
0x1d1: {  	v11 =	vld.idx.msk [tilespmem:v11+s19+$0x0], $0xffff;
	v13 =	vshll.u32 v12, $0x3  }
0x1d2: {  	v12 =	vand.u32 $0x7B, v12;
	v13 =	vand.u32 $0xC00, v13  }
0x1d3: {  	v14 =	vor.u32 s2, v10;
	v12 =	vor.u32 v13, v12  }
0x1d4: {  	v12 =	vor.u32 v8, v12;
	_ =	sdelay $0x1  }
0x1d5: {  	v11 =	vmul.f32 v11, v9  }
0x1d6: {  	s2 =	simm.s32 $0x4  }
0x1d7: {  	[tilespmem:v14+s24+$0x0] =	vst.idx.add.f32.msk $0xffff, v11;
	v11 =	vmov s2  }
0x1d8: {  	v12 =	vld.idx.msk [tilespmem:v12+s19+$0x0], $0xffff;
	v13 =	vshll.u32 v11, $0x3  }
0x1d9: {  	v11 =	vand.u32 $0x7C, v11;
	v13 =	vand.u32 $0xC00, v13  }
0x1da: {  	v14 =	vor.u32 s7, v10;
	v11 =	vor.u32 v13, v11  }
0x1db: {  	v11 =	vor.u32 v8, v11;
	_ =	sdelay $0x1  }
0x1dc: {  	v12 =	vmul.f32 v12, v9  }
0x1dd: {  	s7 =	simm.s32 $0x5  }
0x1de: {  	[tilespmem:v14+s24+$0x0] =	vst.idx.add.f32.msk $0xffff, v12;
	v12 =	vmov s7  }
0x1df: {  	v11 =	vld.idx.msk [tilespmem:v11+s19+$0x0], $0xffff;
	v13 =	vshll.u32 v12, $0x3  }
0x1e0: {  	v12 =	vand.u32 $0x7D, v12;
	v13 =	vand.u32 $0xC00, v13  }
0x1e1: {  	v14 =	vor.u32 s2, v10;
	v12 =	vor.u32 v13, v12  }
0x1e2: {  	v12 =	vor.u32 v8, v12;
	_ =	sdelay $0x1  }
0x1e3: {  	v11 =	vmul.f32 v11, v9  }
0x1e4: {  	s2 =	simm.s32 $0x6  }
0x1e5: {  	[tilespmem:v14+s24+$0x0] =	vst.idx.add.f32.msk $0xffff, v11;
	v11 =	vmov s2  }
0x1e6: {  	v12 =	vld.idx.msk [tilespmem:v12+s19+$0x0], $0xffff;
	v13 =	vshll.u32 v11, $0x3  }
0x1e7: {  	v11 =	vand.u32 $0x7E, v11;
	v13 =	vand.u32 $0xC00, v13  }
0x1e8: {  	v14 =	vor.u32 s7, v10;
	v11 =	vor.u32 v13, v11  }
0x1e9: {  	v11 =	vor.u32 v8, v11;
	_ =	sdelay $0x1  }
0x1ea: {  	v12 =	vmul.f32 v12, v9  }
0x1eb: {  	s7 =	simm.s32 $0x7  }
0x1ec: {  	[tilespmem:v14+s24+$0x0] =	vst.idx.add.f32.msk $0xffff, v12;
	v12 =	vmov s7  }
0x1ed: {  	v11 =	vld.idx.msk [tilespmem:v11+s19+$0x0], $0xffff;
	v13 =	vshll.u32 v12, $0x3  }
0x1ee: {  	v12 =	vand.u32 $0x7F, v12;
	v13 =	vand.u32 $0xC00, v13  }
0x1ef: {  	v14 =	vor.u32 s2, v10;
	v12 =	vor.u32 v13, v12  }
0x1f0: {  	v12 =	vor.u32 v8, v12;
	_ =	sdelay $0x1  }
0x1f1: {  	v11 =	vmul.f32 v11, v9  }
0x1f2: {  	s2 =	simm.s32 $0x8  }
0x1f3: {  	[tilespmem:v14+s24+$0x0] =	vst.idx.add.f32.msk $0xffff, v11;
	v11 =	vmov s2  }
0x1f4: {  	v13 =	vld.idx.msk [tilespmem:v12+s19+$0x0], $0xffff;
	v12 =	vshll.u32 v11, $0x3  }
0x1f5: {  	v11 =	vand.u32 $0x78, v11;
	v12 =	vand.u32 $0xC00, v12  }
0x1f6: {  	v11 =	vor.u32 v12, v11;
	v12 =	vor.u32 s7, v10  }
0x1f7: {  	v11 =	vor.u32 v8, v11;
	_ =	sdelay $0x1  }
0x1f8: {  	s31 =	simm.s32 $0xF;
	s1 =	simm.s32 $0x17;
	v13 =	vmul.f32 v13, v9  }
.LBB2_18:
0x1f9: {  	p0 =	sne.s32 s1, $0x1FF  }
0x1fa: {  	s7 =	sadd.s32 $0xFFFFFFFA, s31;
	s0 =	smov.u32 s1;
	s1 =	sadd.s32 $0x8, s1;
	[tilespmem:v12+s24+$0x0] =	vst.idx.add.f32.msk $0xffff, v13  }
0x1fb: {  	v12 =	vmov s7;
	v11 =	vld.idx.msk [tilespmem:v11+s19+$0x0], $0xffff  }
0x1fc: {  	v13 =	vshll.u32 v12, $0x3  }
0x1fd: {  	v12 =	vand.u32 $0x79, v12;
	v13 =	vand.u32 $0xC00, v13  }
0x1fe: {  	v14 =	vor.u32 s2, v10;
	v12 =	vor.u32 v13, v12  }
0x1ff: {  	v12 =	vor.u32 v8, v12;
	_ =	sdelay $0x1  }
0x200: {  	v11 =	vmul.f32 v11, v9;
	_ =	sdelay $0x1  }
0x201: {  	s2 =	sadd.s32 $0xFFFFFFFB, s31;
	[tilespmem:v14+s24+$0x0] =	vst.idx.add.f32.msk $0xffff, v11  }
0x202: {  	v11 =	vld.idx.msk [tilespmem:v12+s19+$0x0], $0xffff;
	v12 =	vmov s2  }
0x203: {  	v13 =	vshll.u32 v12, $0x3  }
0x204: {  	v12 =	vand.u32 $0x7A, v12;
	v13 =	vand.u32 $0xC00, v13  }
0x205: {  	v14 =	vor.u32 s7, v10;
	v12 =	vor.u32 v13, v12  }
0x206: {  	v12 =	vor.u32 v8, v12;
	_ =	sdelay $0x1  }
0x207: {  	v11 =	vmul.f32 v11, v9;
	_ =	sdelay $0x1  }
0x208: {  	s7 =	sadd.s32 $0xFFFFFFFC, s31;
	[tilespmem:v14+s24+$0x0] =	vst.idx.add.f32.msk $0xffff, v11  }
0x209: {  	v11 =	vld.idx.msk [tilespmem:v12+s19+$0x0], $0xffff;
	v12 =	vmov s7  }
0x20a: {  	v13 =	vshll.u32 v12, $0x3  }
0x20b: {  	v12 =	vand.u32 $0x7B, v12;
	v13 =	vand.u32 $0xC00, v13  }
0x20c: {  	v14 =	vor.u32 s2, v10;
	v12 =	vor.u32 v13, v12  }
0x20d: {  	v12 =	vor.u32 v8, v12;
	_ =	sdelay $0x1  }
0x20e: {  	v11 =	vmul.f32 v11, v9;
	_ =	sdelay $0x1  }
0x20f: {  	s2 =	sadd.s32 $0xFFFFFFFD, s31;
	[tilespmem:v14+s24+$0x0] =	vst.idx.add.f32.msk $0xffff, v11  }
0x210: {  	v11 =	vld.idx.msk [tilespmem:v12+s19+$0x0], $0xffff;
	v12 =	vmov s2  }
0x211: {  	v13 =	vshll.u32 v12, $0x3  }
0x212: {  	v12 =	vand.u32 $0x7C, v12;
	v13 =	vand.u32 $0xC00, v13  }
0x213: {  	v14 =	vor.u32 s7, v10;
	v12 =	vor.u32 v13, v12  }
0x214: {  	v12 =	vor.u32 v8, v12;
	_ =	sdelay $0x1  }
0x215: {  	v11 =	vmul.f32 v11, v9;
	_ =	sdelay $0x1  }
0x216: {  	s7 =	sadd.s32 $0xFFFFFFFE, s31;
	[tilespmem:v14+s24+$0x0] =	vst.idx.add.f32.msk $0xffff, v11  }
0x217: {  	v11 =	vld.idx.msk [tilespmem:v12+s19+$0x0], $0xffff;
	v12 =	vmov s7  }
0x218: {  	v13 =	vand.u32 $0x7D, v12;
	v12 =	vshll.u32 v12, $0x3  }
0x219: {  	v12 =	vand.u32 $0xC00, v12  }
0x21a: {  	v14 =	vor.u32 s2, v10;
	v12 =	vor.u32 v12, v13  }
0x21b: {  	v12 =	vor.u32 v8, v12;
	_ =	sdelay $0x1  }
0x21c: {  	v11 =	vmul.f32 v11, v9;
	_ =	sdelay $0x1  }
0x21d: {  	s2 =	sadd.s32 $0xFFFFFFFF, s31;
	[tilespmem:v14+s24+$0x0] =	vst.idx.add.f32.msk $0xffff, v11  }
0x21e: {  	v11 =	vld.idx.msk [tilespmem:v12+s19+$0x0], $0xffff;
	v12 =	vmov s2  }
0x21f: {  	v13 =	vshll.u32 v12, $0x3  }
0x220: {  	v12 =	vand.u32 $0x7E, v12;
	v13 =	vand.u32 $0xC00, v13  }
0x221: {  	v14 =	vor.u32 s7, v10;
	v12 =	vor.u32 v13, v12  }
0x222: {  	v12 =	vor.u32 v8, v12;
	_ =	sdelay $0x1  }
0x223: {  	v11 =	vmul.f32 v11, v9;
	_ =	sdelay $0x1  }
0x224: {  	[tilespmem:v14+s24+$0x0] =	vst.idx.add.f32.msk $0xffff, v11  }
0x225: {  	v11 =	vld.idx.msk [tilespmem:v12+s19+$0x0], $0xffff;
	v12 =	vmov s31  }
0x226: {  	v13 =	vshll.u32 v12, $0x3  }
0x227: {  	v12 =	vand.u32 $0x7F, v12;
	v13 =	vand.u32 $0xC00, v13  }
0x228: {  	v14 =	vor.u32 s2, v10;
	v12 =	vor.u32 v13, v12  }
0x229: {  	v12 =	vor.u32 v8, v12;
	_ =	sdelay $0x1  }
0x22a: {  	v11 =	vmul.f32 v11, v9;
	_ =	sdelay $0x1  }
0x22b: {  	s2 =	sadd.s32 $0xFFFFFFF9, s0;
	[tilespmem:v14+s24+$0x0] =	vst.idx.add.f32.msk $0xffff, v11  }
0x22c: {  	v11 =	vmov s2;
	v13 =	vld.idx.msk [tilespmem:v12+s19+$0x0], $0xffff  }
0x22d: {  	v12 =	vshll.u32 v11, $0x3  }
.Ltmp15:
0x22e: {  	v11 =	vand.u32 $0x78, v11;
	v12 =	vand.u32 $0xC00, v12;
	(pc) =	sbr.rel @p0 .LBB2_18-.Ltmp15, $3  }
0x22f: {  	v11 =	vor.u32 v12, v11;
	v12 =	vor.u32 s31, v10;
	s31 =	smov.u32 s0  }
0x230: {  	v11 =	vor.u32 v8, v11;
	_ =	sdelay $0x1  }
0x231: {  	v13 =	vmul.f32 v13, v9  }
0x232: {  	_ =	sdelay $0x2  }
0x233: {  	s0 =	sadd.s32 $0xFFFFFFFA, s31  }
0x234: {  	[tilespmem:v12+s24+$0x0] =	vst.idx.add.f32.msk $0xffff, v13;
	v47 =	vmov s0  }
0x235: {  	v11 =	vld.idx.msk [tilespmem:v11+s19+$0x0], $0xffff;
	v48 =	vshll.u32 v47, $0x3  }
0x236: {  	v12 =	vand.u32 $0x79, v47;
	v13 =	vand.u32 $0xC00, v48  }
0x237: {  	v14 =	vor.u32 s2, v10;
	v12 =	vor.u32 v13, v12  }
0x238: {  	v12 =	vor.u32 v8, v12;
	_ =	sdelay $0x1  }
0x239: {  	v11 =	vmul.f32 v11, v9  }
0x23a: {  	s1 =	sadd.s32 $0xFFFFFFFB, s31  }
0x23b: {  	[tilespmem:v14+s24+$0x0] =	vst.idx.add.f32.msk $0xffff, v11;
	v11 =	vmov s1  }
0x23c: {  	v12 =	vld.idx.msk [tilespmem:v12+s19+$0x0], $0xffff;
	v49 =	vshll.u32 v11, $0x3  }
0x23d: {  	v11 =	vand.u32 $0x7A, v11;
	v13 =	vand.u32 $0xC00, v49  }
0x23e: {  	v50 =	vor.u32 s0, v10;
	v11 =	vor.u32 v13, v11  }
0x23f: {  	v11 =	vor.u32 v8, v11;
	_ =	sdelay $0x1  }
0x240: {  	v12 =	vmul.f32 v12, v9  }
0x241: {  	s2 =	sadd.s32 $0xFFFFFFFC, s31  }
0x242: {  	v51 =	vmov s2;
	[tilespmem:v50+s24+$0x0] =	vst.idx.add.f32.msk $0xffff, v12  }
0x243: {  	v52 =	vshll.u32 v51, $0x3;
	v11 =	vld.idx.msk [tilespmem:v11+s19+$0x0], $0xffff  }
0x244: {  	v13 =	vand.u32 $0xC00, v52;
	v12 =	vand.u32 $0x7B, v51  }
0x245: {  	v53 =	vor.u32 s1, v10;
	v12 =	vor.u32 v13, v12  }
0x246: {  	v12 =	vor.u32 v8, v12;
	_ =	sdelay $0x1  }
0x247: {  	v11 =	vmul.f32 v11, v9  }
0x248: {  	s7 =	sadd.s32 $0xFFFFFFFD, s31  }
0x249: {  	[tilespmem:v53+s24+$0x0] =	vst.idx.add.f32.msk $0xffff, v11;
	v11 =	vmov s7  }
0x24a: {  	v12 =	vld.idx.msk [tilespmem:v12+s19+$0x0], $0xffff;
	v54 =	vshll.u32 v11, $0x3  }
0x24b: {  	v11 =	vand.u32 $0x7C, v11;
	v13 =	vand.u32 $0xC00, v54  }
0x24c: {  	v55 =	vor.u32 s2, v10;
	v11 =	vor.u32 v13, v11  }
0x24d: {  	v11 =	vor.u32 v8, v11;
	_ =	sdelay $0x1  }
0x24e: {  	v12 =	vmul.f32 v12, v9  }
0x24f: {  	s2 =	sadd.s32 $0xFFFFFFFE, s31  }
0x250: {  	v56 =	vmov s2;
	[tilespmem:v55+s24+$0x0] =	vst.idx.add.f32.msk $0xffff, v12  }
0x251: {  	v57 =	vshll.u32 v56, $0x3;
	v11 =	vld.idx.msk [tilespmem:v11+s19+$0x0], $0xffff  }
0x252: {  	v13 =	vand.u32 $0xC00, v57;
	v12 =	vand.u32 $0x7D, v56  }
0x253: {  	v58 =	vor.u32 s7, v10;
	v12 =	vor.u32 v13, v12  }
0x254: {  	v12 =	vor.u32 v8, v12;
	_ =	sdelay $0x1  }
0x255: {  	v11 =	vmul.f32 v11, v9  }
0x256: {  	s7 =	sadd.s32 $0xFFFFFFFF, s31  }
0x257: {  	[tilespmem:v58+s24+$0x0] =	vst.idx.add.f32.msk $0xffff, v11;
	v11 =	vmov s7  }
0x258: {  	v12 =	vld.idx.msk [tilespmem:v12+s19+$0x0], $0xffff;
	v59 =	vshll.u32 v11, $0x3  }
0x259: {  	v11 =	vand.u32 $0x7E, v11;
	v13 =	vand.u32 $0xC00, v59  }
0x25a: {  	v60 =	vor.u32 s2, v10;
	v11 =	vor.u32 v13, v11  }
0x25b: {  	v11 =	vor.u32 v8, v11;
	_ =	sdelay $0x1  }
0x25c: {  	v12 =	vmul.f32 v12, v9;
	_ =	sdelay $0x1  }
0x25d: {  	v61 =	vmov s31;
	[tilespmem:v60+s24+$0x0] =	vst.idx.add.f32.msk $0xffff, v12  }
0x25e: {  	v62 =	vshll.u32 v61, $0x3;
	v11 =	vld.idx.msk [tilespmem:v11+s19+$0x0], $0xffff  }
0x25f: {  	v13 =	vand.u32 $0xC00, v62;
	v12 =	vand.u32 $0x7F, v61  }
0x260: {  	v63 =	vor.u32 s7, v10;
	v12 =	vor.u32 v13, v12  }
0x261: {  	v12 =	vor.u32 v8, v12;
	_ =	sdelay $0x1  }
0x262: {  	v11 =	vmul.f32 v11, v9;
	_ =	sdelay $0x1  }
0x263: {  	[tilespmem:v63+s24+$0x0] =	vst.idx.add.f32.msk $0xffff, v11  }
0x264: {  	v11 =	vld.idx.msk [tilespmem:v12+s19+$0x0], $0xffff  }
0x265: {  	s30 =	sadd.s32 $0x1, s30  }
0x266: {  	p0 =	sne.s32 s30, s29;
	v10 =	vor.u32 s31, v10  }
.Ltmp16:
0x267: {  	_ = 	snop;
	(pc) =	sbr.rel @p0 .LBB2_17-.Ltmp16, $4  }
.Ltmp17:
0x268: {  	_ = 	snop;
	(pc) =	sbr.rel @!p0 .LBB2_20-.Ltmp17, $4  }
0x269: {  	v9 =	vmul.f32 v11, v9  }
0x26a: {  	_ = 	snop  }
0x26b: {  	[tilespmem:v10+s24+$0x0] =	vst.idx.add.f32.msk $0xffff, v9  }
0x26c: {  	_ = 	snop  }
.LBB2_22:
0x26d: {  	_ =	sfence.sel $0x180000  }
0x26e: {  	[bflag:$0x0] =	sbarrier.arrive $0xFFFF  }
0x26f: {  	_ =	strace $0x9000004D  }
0x270: {  	s0 =	stileid.u32;
	[bflag:$0x2] =	sbarrier.arrive $0xFFFF  }
0x271: {  	p0 =	sne.s32 s0, $0x0;
	s0 =	rddreg [dreg:$0x2]  }
0x272: {  	s0 =	sadd.s32 @!p0 $0x100000, s0  }
0x273: {  	[sflag:s0] =	ssyncadd.tile.s32 @!p0 $0x1;
	_ =	shalt  }
.Lfunc_end2:
_tile_overlayer_lowered:
.L_overlay_start_2:
0x274: {  	(tag) =	ssettag $0x2  }
0x275: {  	s0 =	rddreg [dreg:$0x0];
	s2 =	stileid.u32  }
0x276: {  	s1 =	rddreg [dreg:$0x1];
	p0 =	sne.s32 s2, $0x0  }
0x277: {  	s3 =	rddreg [dreg:$0x2];
	[bflag:$0x3] =	sbarrier.arrive $0xFFFF;
	s2 =	simm.s32 @!p0 $0x1C02  }
0x278: {  	[timem:s3], [sflag:s2] =	dma.local @!p0 [hbm:s0], s1  }
0x279: {  	s0 =	simm.s32 @!p0 $0x2  }
0x27a: {  	_ =	swait.ge @!p0 [sflag:s0], s1  }
0x27b: {  	s1 =	ssub.s32 @!p0 $0x0, s1;
	[sflag:s0] =	ssyncset.done @!p0 $0x0  }
0x27c: {  	[sflag:s0] =	ssyncadd.s32 @!p0 s1  }
0x27d: {  	[bflag:$0x3] =	sbarrier.arrive $0xFFFF  }
0x27e: {  	_ =	shalt  }

// kernel: kernel.8.cloned.1.call-start
scs
__scs_entry_jumppad:
0x0: {  	(pc) =	sbr.rel $0x88, $3  }
0x1: {  	(tag) =	ssettag $0x0;
	lr =	simm.s32 $0x1  }
0x2: {  	[smem:$0x3F97] =	sst lr;
	_ =	strace $0xD0000000  }
0x3: {  	_ = 	snop  }
0x4: {  	_ = 	snop  }
0x5: {  	_ = 	snop  }
0x6: {  	_ = 	snop  }
0x7: {  	_ = 	snop  }
__scs_overlays_trampoline_lowered:
0x8: {  	[smem:$0x3FA6] =	sst s0  }
0x9: {  	[smem:$0x3FA7] =	sst s1  }
0xa: {  	[smem:$0x3FA8] =	sst s2  }
0xb: {  	[smem:$0x3FA9] =	sst s3  }
0xc: {  	[smem:$0x3FAA] =	sst s4  }
0xd: {  	[smem:$0x3FAB] =	sst s5  }
0xe: {  	[smem:$0x3FAC] =	sst s6  }
0xf: {  	[smem:$0x3FAD] =	sst s7  }
0x10: {  	[smem:$0x3FAE] =	sst s8  }
0x11: {  	[smem:$0x3FAF] =	sst s9;
	s0 =	simm.s32 @!p0 $0x0  }
0x12: {  	s1 =	sld [smem:$0x3F95];
	s0 =	simm.s32 @p0 $0x1  }
0x13: {  	[smem:$0x3FB0] =	sst s0;
	s0 =	simm.s32 @!p1 $0x0  }
0x14: {  	s2 =	sld [smem:$0x3F94];
	s0 =	simm.s32 @p1 $0x1  }
0x15: {  	[smem:$0x3FB1] =	sst s0;
	s0 =	simm.s32 @!p2 $0x0  }
0x16: {  	s3 =	sld [smem:$0x3FDB];
	s0 =	simm.s32 @p2 $0x1  }
0x17: {  	s4 =	simm.s32 $0x1BF5;
	[smem:$0x3FB3] =	sst s0  }
0x18: {  	s0 =	sld [smem:$0x3F96];
	_ =	swait.ge [sflag:s4], $0x0  }
0x19: {  	s7 =	sld [smem:$0x3F97]  }
0x1a: {  	s8 =	sadd.s32 $0xFFFFE003, lr  }
0x1b: {  	s9 =	sadd.s32 $0xFFFFFEF7, lr;
	s5 =	simm.s32 $0xFFFFFFFF;
	p2 =	slt.u32 s8, $0xFFFFF086  }
0x1c: {  	p1 =	slt.u32 s9, $0xF7A;
	s5 =	simm.s32 @!p2 $0x0  }
0x1d: {  	s5 =	simm.s32 @p1 $0x1;
	p0 =	seq.s32 s7, s2  }
0x1e: {  	s7 =	smul.u32 @!p0 $0xF7A, s2;
	p2 =	seq.s32 @!p0 s5, $0x0  }
0x1f: {  	s9 =	smul.u32 $0xF7A, s1;
	s8 =	simm.s32 @!p0 $0x1BF5;
	p2 =	por !p2, p0  }
0x20: {  	[sflag:s8] =	ssyncset.s32 @!p0 $0xFFFFF086;
	s6 =	sadd.s32 @!p0 s3, s7;
	s7 =	simm.s32 @!p0 $0x108  }
0x21: {  	s3 =	sadd.s32 s3, s9;
	s6 =	sadd.s32 @!p0 $0x88, s6;
	s7 =	simm.s32 @p2 $0x1082  }
0x22: {  	[simem:s7], [sflag:s8] =	dma.local @!p0 [hbm:s6], $0xF7A  }
0x23: {  	s9 =	sor.u32 $0xD0000000, s2;
	s6 =	simm.s32 $0x108;
	_ =	swait.ge @!p0 [sflag:s8], $0x0  }
0x24: {  	s3 =	sadd.s32 $0x88, s3;
	s6 =	simm.s32 @!p1 $0x1082;
	[sflag:s4] =	ssyncset.s32 $0xFFFFF086  }
0x25: {  	[simem:s6], [sflag:s4] =	dma.local [hbm:s3], $0xF7A  }
0x26: {  	[smem:$0x3F97] =	sst s1;
	(tag) =	ssettag s2;
	_ =	strace s9  }
0x27: {  	s1 =	sld [smem:$0x3FA7]  }
0x28: {  	s2 =	sld [smem:$0x3FA8]  }
0x29: {  	s4 =	sld [smem:$0x3FAA]  }
0x2a: {  	p0 =	seq.s32 s5, $0x0;
	s5 =	sld [smem:$0x3FAB]  }
0x2b: {  	s6 =	sld [smem:$0x3FAC]  }
0x2c: {  	s7 =	sld [smem:$0x3FAD]  }
0x2d: {  	s3 =	simm.s32 $0x108;
	s8 =	sld [smem:$0x3FAE]  }
0x2e: {  	s3 =	simm.s32 @!p0 $0x1082;
	s9 =	sld [smem:$0x3FAF]  }
0x2f: {  	lr =	sadd.s32 s0, s3;
	s0 =	sld [smem:$0x3FA6]  }
0x30: {  	s3 =	sld [smem:$0x3FA9]  }
0x31: {  	[smem:$0x3FB2] =	sst s10  }
0x32: {  	s10 =	sld [smem:$0x3FB0];
	_ =	sdelay $0x3  }
0x33: {  	p0 =	seq.s32 s10, $0x1;
	s10 =	sld [smem:$0x3FB2];
	_ =	sdelay $0x3  }
0x34: {  	[smem:$0x3FB2] =	sst s10  }
0x35: {  	s10 =	sld [smem:$0x3FB1];
	_ =	sdelay $0x3  }
0x36: {  	p1 =	seq.s32 s10, $0x1;
	s10 =	sld [smem:$0x3FB2];
	_ =	sdelay $0x3  }
0x37: {  	[smem:$0x3FB2] =	sst s10  }
0x38: {  	s10 =	sld [smem:$0x3FB3]  }
0x39: {  	_ = 	snop;
	(pc) =	sbr.ind lr, $3  }
0x3a: {  	_ = 	snop  }
0x3b: {  	_ = 	snop  }
0x3c: {  	p2 =	seq.s32 s10, $0x1;
	s10 =	sld [smem:$0x3FB2]  }
0x3d: {  	_ =	shalt  }
0x3e: {  	_ =	shalt  }
0x3f: {  	_ =	shalt  }
0x40: {  	_ =	shalt  }
0x41: {  	_ =	shalt  }
0x42: {  	_ =	shalt  }
0x43: {  	_ =	shalt  }
0x44: {  	_ =	shalt  }
0x45: {  	_ =	shalt  }
0x46: {  	_ =	shalt  }
0x47: {  	_ =	shalt  }
0x48: {  	_ =	shalt  }
0x49: {  	_ =	shalt  }
0x4a: {  	_ =	shalt  }
0x4b: {  	_ =	shalt  }
0x4c: {  	_ =	shalt  }
0x4d: {  	_ =	shalt  }
0x4e: {  	_ =	shalt  }
0x4f: {  	_ =	shalt  }
0x50: {  	_ =	shalt  }
0x51: {  	_ =	shalt  }
0x52: {  	_ =	shalt  }
0x53: {  	_ =	shalt  }
0x54: {  	_ =	shalt  }
0x55: {  	_ =	shalt  }
0x56: {  	_ =	shalt  }
0x57: {  	_ =	shalt  }
0x58: {  	_ =	shalt  }
0x59: {  	_ =	shalt  }
0x5a: {  	_ =	shalt  }
0x5b: {  	_ =	shalt  }
0x5c: {  	_ =	shalt  }
0x5d: {  	_ =	shalt  }
0x5e: {  	_ =	shalt  }
0x5f: {  	_ =	shalt  }
0x60: {  	_ =	shalt  }
0x61: {  	_ =	shalt  }
0x62: {  	_ =	shalt  }
0x63: {  	_ =	shalt  }
0x64: {  	_ =	shalt  }
0x65: {  	_ =	shalt  }
0x66: {  	_ =	shalt  }
0x67: {  	_ =	shalt  }
0x68: {  	_ =	shalt  }
0x69: {  	_ =	shalt  }
0x6a: {  	_ =	shalt  }
0x6b: {  	_ =	shalt  }
0x6c: {  	_ =	shalt  }
0x6d: {  	_ =	shalt  }
0x6e: {  	_ =	shalt  }
0x6f: {  	_ =	shalt  }
0x70: {  	_ =	shalt  }
0x71: {  	_ =	shalt  }
0x72: {  	_ =	shalt  }
0x73: {  	_ =	shalt  }
0x74: {  	_ =	shalt  }
0x75: {  	_ =	shalt  }
0x76: {  	_ =	shalt  }
0x77: {  	_ =	shalt  }
0x78: {  	_ =	shalt  }
0x79: {  	_ =	shalt  }
0x7a: {  	_ =	shalt  }
0x7b: {  	_ =	shalt  }
0x7c: {  	_ =	shalt  }
0x7d: {  	_ =	shalt  }
0x7e: {  	_ =	shalt  }
0x7f: {  	_ =	shalt  }
0x80: {  	_ =	shalt  }
0x81: {  	_ =	shalt  }
0x82: {  	_ =	shalt  }
0x83: {  	_ =	shalt  }
0x84: {  	_ =	shalt  }
0x85: {  	_ =	shalt  }
0x86: {  	_ =	shalt  }
0x87: {  	_ =	shalt  }
.Lfunc_end0:
.L_simem_size_0:
called_computation_lowered:
.L_overlay_start_0:
0x88: {  	s2 =	sld [smem:$0x3FD9]  }
0x89: {  	s3 =	sld [smem:$0x3FFE];
	_ =	sdelay $0x1  }
0x8a: {  	s1 =	srdreg.scid  }
0x8b: {  	s0 =	sand.u32 $0x1, s1  }
0x8c: {  	s17 =	sshll.u32 s0, $0xA;
	s2 =	sadd.s32 s3, s2  }
0x8d: {  	s2 =	sadd.s32 s2, s17  }
0x8e: {  	[smem:$0x3FBE] =	sst s2  }
0x8f: {  	_ = 	snop  }
0x90: {  	s2 =	sld [smem:$0x3FD0];
	(tm) =	ssettm $0x1  }
0x91: {  	s18 =	sld [smem:$0x3FFB];
	_ =	sdelay $0x3  }
0x92: {  	_ =	strace s18  }
0x93: {  	s3 =	sld [smem:$0x3FFC];
	_ =	sdelay $0x3  }
0x94: {  	_ =	strace s3  }
0x95: {  	s3 =	sld [smem:$0x3FFD];
	_ =	sdelay $0x3  }
0x96: {  	_ =	strace s3  }
0x97: {  	_ =	strace $0x8FFFFFFF  }
0x98: {  	s19 =	sld [smem:$0x3FDB];
	_ =	sdelay $0x1  }
0x99: {  	s4 =	simm.s32 $_scs_section_size  }
0x9a: {  	s5 =	simm.s32 $_size__tile_overlayer_lowered;
	s6 =	simm.s32 $_tile_overlayer_lowered  }
0x9b: {  	s22 =	simm.s32 $0x1BFF;
	s21 =	sshll.u32 s6, $0x1;
	s3 =	sadd.s32 s4, s19  }
0x9c: {  	s7 =	simm.s32 $0x0;
	s20 =	sshll.u32 s5, $0x1;
	s5 =	sadd.s32 s21, s3  }
0x9d: {  	[timem:s7], [sflag:s22] =	dma.local [hbm:s5], s20  }
0x9e: {  	_ =	swait.ge [sflag:s22], s20  }
0x9f: {  	s4 =	ssub.s32 $0x0, s20;
	[sflag:s22] =	ssyncset.done $0x0  }
0xa0: {  	[sflag:s22] =	ssyncadd.s32 s4;
	_ =	sdelay $0x1  }
0xa1: {  	s23 =	simm.s32 $0x1B8B  }
0xa2: {  	_ =	swait.ge [sflag:s23], $0x1  }
0xa3: {  	[sflag:s23] =	ssyncset.done $0x0  }
0xa4: {  	s25 =	simm.s32 $0x1B8E;
	s24 =	sld [smem:$0x3FFE];
	[sflag:s23] =	ssyncadd.s32 $0xFFFFFFFF  }
0xa5: {  	s26 =	simm.s32 $execute0_lowered;
	[smem:$0x3FD2] =	sst s25  }
0xa6: {  	s5 =	sshll.u32 s26, $0x1;
	_ =	strace $0x80000046;
	[dreg:$0x1] =	wrdreg $0xFFFFFFFF  }
0xa7: {  	s28 =	simm.s32 $_size_execute0_lowered;
	s3 =	sadd.s32 s3, s5;
	[dreg:$0x0] =	wrdreg $0x0  }
0xa8: {  	s5 =	sshll.u32 s28, $0x1;
	[dreg:$0x2] =	wrdreg s3  }
0xa9: {  	[dreg:$0x3] =	wrdreg s5  }
0xaa: {  	[dreg:$0x4] =	wrdreg $0xC0  }
0xab: {  	_ =	task [dreg:s7], $0x5FFFF  }
0xac: {  	[dreg:$0x1] =	wrdreg $0xFFFFFFFF  }
0xad: {  	[dreg:$0x0] =	wrdreg $0x60  }
0xae: {  	[dreg:$0x2] =	wrdreg s24  }
0xaf: {  	[dreg:$0x3] =	wrdreg s2  }
0xb0: {  	[dreg:$0x4] =	wrdreg $0x9  }
0xb1: {  	_ =	task.clear_ibuf [dreg:s7], $0x5FFFF;
	_ =	strace $0x90000046  }
0xb2: {  	s29 =	simm.s32 $0x9;
	_ =	strace $0x80000048  }
0xb3: {  	_ =	swait.ge [sflag:s29], $0x1  }
0xb4: {  	[sflag:s29] =	ssyncadd.s32 $0xFFFFFFFF  }
0xb5: {  	_ =	strace $0x90000048  }
0xb6: {  	_ =	sfence  }
0xb7: {  	s30 =	sld [smem:$0x0];
	_ =	sdelay $0x2  }
0xb8: {  	s31 =	sshll.u32 s1, $0xD;
	s1 =	sshrl.u32 s1, $0x2  }
0xb9: {  	s3 =	sand.u32 $0x4000, s31;
	s1 =	sadd.s32 s1, s30  }
0xba: {  	s0 =	sor.u32 s3, s0;
	s1 =	sshll.u32 s1, $0x11  }
0xbb: {  	s0 =	sor.u32 s1, s0  }
0xbc: {  	s0 =	sadd.s32 $0x8F2B, s0  }
0xbd: {  	[sflag:s0] =	ssyncadd.remote.s32 $0x1  }
0xbe: {  	_ =	sfence.sel $0xFFFF  }
0xbf: {  	[dreg:$0x0] =	wrdreg $0xFFFFFFFF;
	(pc) =	sbr.abs _section_cstart, $3  }
0xc0: {  	[dreg:$0x1] =	wrdreg $0xFFFFFFFF  }
0xc1: {  	_ =	task.clear_ibuf [dreg:s7], $0x2FFFF;
	_ =	strace $0x9FFFFFFF  }
0xc2: {  	(tm) =	ssettm $0x7FFFFFFF  }
0xc3: {  	_ =	shalt  }
tec
execute0_lowered:
.L_overlay_start_1:
0x0: {  	(tag) =	ssettag $0x1  }
0x1: {  	s0 =	srdreg.scid;
	s3 =	rddreg [dreg:$0x0]  }
0x2: {  	s5 =	rddreg [dreg:$0x1];
	s1 =	stileid.u32;
	s4 =	sand.u32 $0x1, s0  }
0x3: {  	s9 =	simm.s32 $0x400;
	s0 =	rddreg [dreg:$0x2];
	s2 =	sshll.u32 s4, $0x4  }
0x4: {  	s8 =	sshll.u32 s1, $0x7;
	s4 =	ssub.s32 $0x2, s4;
	s6 =	sor.u32 s1, s2  }
0x5: {  	s2 =	simm.s32 $0x0;
	s7 =	smul.u32 $0x271, s6;
	s6 =	sshrl.u32 s6, $0x3  }
0x6: {  	s8 =	sand.u32 $0x380, s8;
	[smem:$0x7FF] =	sst s2;
	s6 =	smul.u32 $0x13C00, s6  }
0x7: {  	s30 =	sshrl.u32 s4, $0x1;
	_ =	strace $0x80000047;
	s3 =	sadd.s32 s7, s3  }
0x8: {  	s7 =	ssub.s32 s4, s30;
	s6 =	sor.u32 s8, s6;
	s3 =	sadd.s32 $0x6400, s3  }
0x9: {  	s8 =	simm.s32 $0x80;
	s31 =	sshrl.u32 s6, $0x3;
	s6 =	simm.s32 $0x1  }
0xa: {  	v0 =	vimm.s32 $0x0;
	v1 =	vimm.s32 $0x1;
	s4 =	sadd.s32 s5, s31;
	s5 =	smax.u32 s7, $0x1;
	s7 =	simm.s32 $0x1400  }
.LBB2_1:
0xb: {  	s10 =	simm.s32 $0x40;
	s11 =	simm.s32 $0x0  }
.LBB2_2:
0xc: {  	p0 =	sne.s32 s10, $0x9C00;
	[tilespmem:s11+$0x1400] =	vst v0;
	s11 =	smov.u32 s10;
	s10 =	sadd.s32 $0x40, s10  }
.Ltmp0:
0xd: {  	(pc) =	sbr.rel @p0 .LBB2_2-.Ltmp0, $2  }
0xe: {  	_ =	sdelay $0x2  }
0xf: {  	s11 =	sshra.s32 s11, $0x2  }
0x10: {  	[tilespmem:s11+$0x1400] =	vst v0;
	s10 =	simm.s32 $0x0  }
0x11: {  	[tilespmem:s10], [sflag:$0x1] =	stream.linear.gather [hbm4b:s3+s10], $0x1388, $0x38;
	[tilespmem:$0x3B80] =	vst v63  }
0x12: {  	_ =	swait.ge [sflag:s6], $0x1388  }
0x13: {  	[sflag:s6] =	ssyncset.done $0x0  }
0x14: {  	s11 =	simm.s32 $0x0;
	s10 =	simm.s32 $0x40;
	[sflag:s6] =	ssyncadd.s32 $0xFFFFEC78  }
.LBB2_4:
0x15: {  	p0 =	sne.s32 s10, $0x4DC0;
	v2 =	vld [tilespmem:s11+$0x0];
	_ =	sdelay $0x3  }
.Ltmp1:
0x16: {  	(pc) =	sbr.rel @p0 .LBB2_4-.Ltmp1, $2  }
0x17: {  	_ =	sdelay $0x2  }
0x18: {  	s11 =	sshra.s32 s10, $0x2;
	s10 =	sadd.s32 $0x40, s10;
	[tilespmem:v2+s7+$0x0] =	vst.idx.add.s32.msk $0xffff, v1  }
0x19: {  	v2 =	vld [tilespmem:s11+$0x0];
	_ =	sdelay $0x5  }
0x1a: {  	s2 =	sadd.s32 $0x1, s2  }
0x1b: {  	p0 =	sne.s32 s2, s5  }
.Ltmp2:
0x1c: {  	[tilespmem:v2+s7+$0x0] =	vst.idx.add.s32.msk $0xffff, v1;
	(pc) =	sbr.rel @p0 .LBB2_1-.Ltmp2, $4  }
0x1d: {  	[hbm4b:s4+s8] =	stream.strided.scatter [tilespmem:s7], [sflag:$0x1], $0x2780, s9, s8, $0x38;
	[tilespmem:$0x3B80] =	vst v63  }
0x1e: {  	_ =	swait.ge [sflag:s6], $0x2780  }
0x1f: {  	[sflag:s6] =	ssyncset.done $0x0  }
0x20: {  	[sflag:s6] =	ssyncadd.s32 $0xFFFFD880  }
0x21: {  	_ =	sfence.sel $0x180000  }
0x22: {  	[bflag:$0x0] =	sbarrier.arrive $0xFFFF  }
0x23: {  	p0 =	sne.s32 s1, $0x0;
	_ =	strace $0x90000047  }
0x24: {  	s0 =	sadd.s32 @!p0 $0x100000, s0;
	[bflag:$0x2] =	sbarrier.arrive $0xFFFF  }
0x25: {  	[sflag:s0] =	ssyncadd.tile.s32 @!p0 $0x1;
	_ =	shalt  }
.Lfunc_end2:
_tile_overlayer_lowered:
.L_overlay_start_2:
0x26: {  	(tag) =	ssettag $0x2  }
0x27: {  	s0 =	rddreg [dreg:$0x0];
	s2 =	stileid.u32  }
0x28: {  	s1 =	rddreg [dreg:$0x1];
	p0 =	sne.s32 s2, $0x0  }
0x29: {  	s3 =	rddreg [dreg:$0x2];
	[bflag:$0x3] =	sbarrier.arrive $0xFFFF;
	s2 =	simm.s32 @!p0 $0x1C01  }
0x2a: {  	[timem:s3], [sflag:s2] =	dma.local @!p0 [hbm:s0], s1  }
0x2b: {  	s0 =	simm.s32 @!p0 $0x1  }
0x2c: {  	_ =	swait.ge @!p0 [sflag:s0], s1  }
0x2d: {  	s1 =	ssub.s32 @!p0 $0x0, s1;
	[sflag:s0] =	ssyncset.done @!p0 $0x0  }
0x2e: {  	[sflag:s0] =	ssyncadd.s32 @!p0 s1  }
0x2f: {  	[bflag:$0x3] =	sbarrier.arrive $0xFFFF  }
0x30: {  	_ =	shalt  }

</sc_bundles>
